<compile_context>
chip_gen: v7x
topology: tpu7x:2x2x1
jax: 0.10.2.dev20260603
libtpu: 0.0.44.dev20260713+nightly
codegen_flags: <defaults>
</compile_context>

<pallas_src>
import dataclasses
import functools

import jax
import jax.numpy as jnp
from jax import lax
from jax.experimental import pallas as pl
from jax.experimental.pallas import tpu as pltpu
from jax.experimental.pallas import tpu_sc as plsc

N = 10000
E = 320000
D = 128
R = 8
RB = 4
NC = 2
NS = 16
L = 16
NW = NC * NS

CH = 5120
CHB = 1024
RNP = NS * CH
K = 80
EPW = E // NW
NB_AGG = EPW // K
EPT_H = E // NS
NB_H = EPT_H // K
ROWS_PT = N // NS
PKB = 16384
GSPLIT = 2

BN = 2000
NBK = N // BN

f32 = jnp.float32
i32 = jnp.int32
bf16 = jnp.bfloat16

_mesh = plsc.VectorSubcoreMesh(core_axis_name="c", subcore_axis_name="s")

_sc_params = pltpu.CompilerParams()
if "needs_layout_passes" in pltpu.CompilerParams.__dataclass_fields__:
    _sc_params = dataclasses.replace(_sc_params, needs_layout_passes=False)
if "use_tc_tiling_on_sc" in pltpu.CompilerParams.__dataclass_fields__:
    _sc_params = dataclasses.replace(_sc_params, use_tc_tiling_on_sc=False)


@functools.partial(
    pl.kernel,
    out_type=jax.ShapeDtypeStruct((RNP, L), f32),
    mesh=_mesh,
    compiler_params=_sc_params,
    scratch_types=[
        pltpu.VMEM_SHARED((RNP,), f32),
        pltpu.VMEM((NB_H, K), i32),
        pltpu.VMEM((K,), f32),
        pltpu.VMEM((CH,), f32),
        pltpu.VMEM((CHB, L), f32),
        pltpu.SemaphoreType.DMA,
    ],
)
def _hist_weights(gdst3_hbm, inv16_hbm, cnt_sp, gidx2_v, ones_v, inv_v,
                  inv16_v, sem):
    cid = lax.axis_index("c")
    sid = lax.axis_index("s")

    @pl.when(cid == 0)
    def _():
        pltpu.sync_copy(gdst3_hbm.at[sid], gidx2_v)

        @pl.loop(0, CH // L)
        def _(i):
            inv_v[pl.ds(i * L, L)] = jnp.zeros((L,), f32)

        pltpu.sync_copy(inv_v, cnt_sp.at[pl.ds(sid * CH, CH)])

        @pl.loop(0, K // L)
        def _(i):
            ones_v[pl.ds(i * L, L)] = jnp.ones((L,), f32)

        plsc.subcore_barrier()

        @pl.loop(0, NB_H // 10)
        def _(i):
            for j in range(10):
                pltpu.make_async_copy(
                    ones_v, cnt_sp.at[gidx2_v.at[i * 10 + j]], sem,
                ).start(add=True)
            for j in range(10):
                pltpu.make_async_copy(
                    ones_v, cnt_sp.at[gidx2_v.at[i * 10 + j]], sem,
                ).wait()

        plsc.subcore_barrier()

        pltpu.sync_copy(cnt_sp.at[pl.ds(sid * CH, CH)], inv_v)

        @pl.loop(0, CH // L)
        def _(i):
            v = inv_v[pl.ds(i * L, L)]
            inv_v[pl.ds(i * L, L)] = 1.0 / jnp.maximum(v, 1.0)

        for c in range(CH // CHB):
            @plsc.parallel_loop(0, CHB, unroll=4)
            def _(j):
                inv16_v[j, :] = plsc.load_gather(
                    inv_v, [jnp.full((L,), c * CHB + j, i32)])

            pltpu.sync_copy(inv16_v,
                            inv16_hbm.at[pl.ds(sid * CH + c * CHB, CHB)])


@functools.partial(
    pl.kernel,
    out_type=[jax.ShapeDtypeStruct((N, D), f32),
              jax.ShapeDtypeStruct((N, D), f32)],
    mesh=_mesh,
    compiler_params=_sc_params,
    scratch_types=[
        pltpu.VMEM_SHARED((N, D), f32),
        pltpu.VMEM((NB_AGG, K), i32),
        pltpu.VMEM((K,), i32),
        pltpu.VMEM((K,), i32),
        pltpu.VMEM((K,), i32),
        pltpu.VMEM((K,), i32),
        pltpu.VMEM((K,), i32),
        pltpu.VMEM((K,), i32),
        pltpu.VMEM((K, D), bf16),
        pltpu.VMEM((K, D), bf16),
        pltpu.VMEM((K, D), f32),
        pltpu.VMEM((K, D), f32),
        pltpu.VMEM((K, L), f32),
        pltpu.VMEM((K, L), f32),
        pltpu.SemaphoreType.DMA,
        pltpu.SemaphoreType.DMA,
        pltpu.SemaphoreType.DMA,
        pltpu.SemaphoreType.DMA,
    ],
)
def _agg(h_hbm, epk3_hbm, inv16_hbm, p0_hbm, p1_hbm,
         acc_sp, epk2_v, gidx_a, gidx_b, widx_a, widx_b, didx_a, didx_b,
         rbf_a, rbf_b, rows_a, rows_b, w16_a, w16_b, sg_a, sg_b, ss_a, ss_b):
    cid = lax.axis_index("c")
    sid = lax.axis_index("s")
    wid = cid * NS + sid

    pltpu.sync_copy(epk3_hbm.at[wid], epk2_v)

    @pl.loop(0, K)
    def _(i):
        for j in range(D // L):
            rows_a[i, pl.ds(j * L, L)] = jnp.zeros((L,), f32)

    for j in range(7):
        pltpu.sync_copy(rows_a, acc_sp.at[pl.ds(sid * ROWS_PT + j * K, K)])
    pltpu.sync_copy(rows_a, acc_sp.at[pl.ds(sid * ROWS_PT + ROWS_PT - K, K)])

    plsc.subcore_barrier()

    def mk_idx(b, gidx, widx, didx):
        @pl.loop(0, K // L)
        def _(j):
            p = epk2_v[b, pl.ds(j * L, L)]
            d = jnp.bitwise_and(p, PKB - 1)
            g = jnp.right_shift(p, 14)
            t = ((g.astype(f32) + 0.5) * (1.0 / N)).astype(i32)
            gidx[pl.ds(j * L, L)] = g
            didx[pl.ds(j * L, L)] = d
            widx[pl.ds(j * L, L)] = t * N + d

    def g_start(gidx, widx, rbf, w16, sem):
        pltpu.make_async_copy(h_hbm.at[gidx], rbf, sem).start()
        pltpu.make_async_copy(inv16_hbm.at[widx], w16, sem).start()

    def g_wait(gidx, widx, rbf, w16, sem):
        pltpu.make_async_copy(h_hbm.at[gidx], rbf, sem).wait()
        pltpu.make_async_copy(inv16_hbm.at[widx], w16, sem).wait()

    def s_start(rows, didx, sem):
        pltpu.make_async_copy(rows, acc_sp.at[didx], sem).start(add=True)

    def s_wait(rows, didx, sem):
        pltpu.make_async_copy(rows, acc_sp.at[didx], sem).wait()

    def scale(rbf, rows, w16):
        @plsc.parallel_loop(0, K, unroll=4)
        def _(k):
            wv = w16[k, :]
            for c in range(D // 32):
                xb = rbf[k, pl.ds(32 * c, 32)]
                ev, od = plsc.unpack(xb, format=plsc.PackFormat.INTERLEAVED)
                rows[k, pl.ds(32 * c, L)] = ev * wv
                rows[k, pl.ds(32 * c + L, L)] = od * wv

    mk_idx(0, gidx_a, widx_a, didx_a)
    g_start(gidx_a, widx_a, rbf_a, w16_a, sg_a)
    mk_idx(1, gidx_b, widx_b, didx_b)
    g_start(gidx_b, widx_b, rbf_b, w16_b, sg_b)

    @pl.loop(0, NB_AGG // 2)
    def _(i):
        b0 = 2 * i
        g_wait(gidx_a, widx_a, rbf_a, w16_a, sg_a)
        scale(rbf_a, rows_a, w16_a)
        s_start(rows_a, didx_a, ss_a)

        g_wait(gidx_b, widx_b, rbf_b, w16_b, sg_b)
        scale(rbf_b, rows_b, w16_b)
        s_start(rows_b, didx_b, ss_b)

        s_wait(rows_a, didx_a, ss_a)
        mk_idx(b0 + 2, gidx_a, widx_a, didx_a)
        g_start(gidx_a, widx_a, rbf_a, w16_a, sg_a)

        s_wait(rows_b, didx_b, ss_b)

        @pl.when(b0 + 3 < NB_AGG)
        def _():
            mk_idx(b0 + 3, gidx_b, widx_b, didx_b)
            g_start(gidx_b, widx_b, rbf_b, w16_b, sg_b)

    g_wait(gidx_a, widx_a, rbf_a, w16_a, sg_a)
    scale(rbf_a, rows_a, w16_a)
    pltpu.sync_copy(rows_a, acc_sp.at[didx_a], add=True)

    plsc.subcore_barrier()

    @pl.when(cid == 0)
    def _():
        pltpu.sync_copy(acc_sp.at[pl.ds(sid * ROWS_PT, ROWS_PT)],
                        p0_hbm.at[pl.ds(sid * ROWS_PT, ROWS_PT)])

    @pl.when(cid == 1)
    def _():
        pltpu.sync_copy(acc_sp.at[pl.ds(sid * ROWS_PT, ROWS_PT)],
                        p1_hbm.at[pl.ds(sid * ROWS_PT, ROWS_PT)])


def _mk_w(comp_blk, basis):
    c = comp_blk[0]
    w = c[0:1, 0:1] * basis[0]
    for b in range(1, RB):
        w = w + c[0:1, b:b + 1] * basis[b]
    return w


def _prep1_body(x_ref, comp_ref, basis_ref, root_ref, bias_ref,
                h8_ref, rt_ref, w_sc, xb_sc):
    i = pl.program_id(0)
    r = pl.program_id(1)

    @pl.when(r == 0)
    def _():
        xb_sc[...] = x_ref[...].astype(bf16)

    @pl.when((i == 0) & (r < R))
    def _():
        w_sc[r] = _mk_w(comp_ref[...], basis_ref[...]).astype(bf16)

    @pl.when(r < R)
    def _():
        h8_ref[0] = jnp.dot(xb_sc[...], w_sc[r],
                            preferred_element_type=f32).astype(bf16)

    @pl.when(r == R)
    def _():
        rt_ref[...] = (jnp.dot(x_ref[...], root_ref[...],
                               preferred_element_type=f32) + bias_ref[...])


def _h8_spec():
    return pl.BlockSpec((1, BN, D),
                        lambda i, r: (jnp.minimum(r, R - 1), i, 0))


_prep1 = pl.pallas_call(
    _prep1_body,
    grid=(NBK, R + 1),
    in_specs=[
        pl.BlockSpec((BN, D), lambda i, r: (i, 0)),
        pl.BlockSpec((1, 1, RB), lambda i, r: (r, 0, 0)),
        pl.BlockSpec((RB, D, D), lambda i, r: (0, 0, 0)),
        pl.BlockSpec((D, D), lambda i, r: (0, 0)),
        pl.BlockSpec((1, D), lambda i, r: (0, 0)),
    ],
    out_specs=[_h8_spec(), pl.BlockSpec((BN, D), lambda i, r: (i, 0))],
    out_shape=[jax.ShapeDtypeStruct((R, N, D), bf16),
               jax.ShapeDtypeStruct((N, D), f32)],
    scratch_shapes=[pltpu.VMEM((R, D, D), bf16),
                    pltpu.VMEM((BN, D), bf16)],
)


def _prep2_body(p0_ref, p1_ref, rt_ref, comp_ref, basis_ref, root_ref,
                bias_ref, h8_ref, rt2_ref, w_sc, h_v, hb_sc):
    i = pl.program_id(0)
    r = pl.program_id(1)

    @pl.when(r == 0)
    def _():
        h = jax.nn.sigmoid(p0_ref[...] + p1_ref[...] + rt_ref[...])
        h_v[...] = h
        hb_sc[...] = h.astype(bf16)

    @pl.when((i == 0) & (r < R))
    def _():
        w_sc[r] = _mk_w(comp_ref[...], basis_ref[...]).astype(bf16)

    @pl.when(r < R)
    def _():
        h8_ref[0] = jnp.dot(hb_sc[...], w_sc[r],
                            preferred_element_type=f32).astype(bf16)

    @pl.when(r == R)
    def _():
        rt2_ref[...] = (jnp.dot(h_v[...], root_ref[...],
                                preferred_element_type=f32) + bias_ref[...])


_prep2 = pl.pallas_call(
    _prep2_body,
    grid=(NBK, R + 1),
    in_specs=[
        pl.BlockSpec((BN, D), lambda i, r: (i, 0)),
        pl.BlockSpec((BN, D), lambda i, r: (i, 0)),
        pl.BlockSpec((BN, D), lambda i, r: (i, 0)),
        pl.BlockSpec((1, 1, RB), lambda i, r: (r, 0, 0)),
        pl.BlockSpec((RB, D, D), lambda i, r: (0, 0, 0)),
        pl.BlockSpec((D, D), lambda i, r: (0, 0)),
        pl.BlockSpec((1, D), lambda i, r: (0, 0)),
    ],
    out_specs=[_h8_spec(), pl.BlockSpec((BN, D), lambda i, r: (i, 0))],
    out_shape=[jax.ShapeDtypeStruct((R, N, D), bf16),
               jax.ShapeDtypeStruct((N, D), f32)],
    scratch_shapes=[pltpu.VMEM((R, D, D), bf16),
                    pltpu.VMEM((BN, D), f32),
                    pltpu.VMEM((BN, D), bf16)],
)


def _combine_body(p0_ref, p1_ref, rt_ref, out_ref):
    out_ref[...] = jax.nn.sigmoid(p0_ref[...] + p1_ref[...] + rt_ref[...])


_combine = pl.pallas_call(
    _combine_body,
    grid=(NBK,),
    in_specs=[
        pl.BlockSpec((BN, D), lambda i: (i, 0)),
        pl.BlockSpec((BN, D), lambda i: (i, 0)),
        pl.BlockSpec((BN, D), lambda i: (i, 0)),
    ],
    out_specs=pl.BlockSpec((BN, D), lambda i: (i, 0)),
    out_shape=jax.ShapeDtypeStruct((N, D), f32),
)


def kernel(x, edge_index, edge_type, basis1, comp1, root1, bias1,
           basis2, comp2, root2, bias2):
    src = edge_index[0]
    dst = edge_index[1]
    gsrc = edge_type * N + src
    gdst = edge_type * N + dst
    epk3 = (gsrc * PKB + dst).reshape(NW, NB_AGG, K)
    gdst3h = gdst.reshape(NS, NB_H, K)

    inv16 = _hist_weights(gdst3h)

    pad = jnp.zeros((1, 1, RB), f32)
    comp1p = jnp.concatenate([comp1.reshape(R, 1, RB), pad], axis=0)
    comp2p = jnp.concatenate([comp2.reshape(R, 1, RB), pad], axis=0)

    tp = jnp.asarray(
        [32 * c + (j // 2) + L * (j % 2) for c in range(D // 32)
         for j in range(32)], dtype=i32)
    basis1p = basis1[:, :, tp]
    basis2p = basis2[:, :, tp]

    h8_1, rt1 = _prep1(x, comp1p, basis1p, root1, bias1.reshape(1, D))
    p0_1, p1_1 = _agg(h8_1.reshape(R * N, D), epk3, inv16)

    h8_2, rt2 = _prep2(p0_1, p1_1, rt1, comp2p, basis2p, root2,
                       bias2.reshape(1, D))
    p0_2, p1_2 = _agg(h8_2.reshape(R * N, D), epk3, inv16)

    return _combine(p0_2, p1_2, rt2)

# --- scband reference (transcript-rebuilt; emitter-appended) ---
"""Pipeline reference for scband-rgcn-81312320848272 (READ-ONLY COPY).

The authoritative reference and input builder live on the scoring server;
editing this copy changes nothing except your own understanding.
"""

import jax, jax.numpy as jnp
import numpy as np

N = 10000
E = 320000
NFEAT = 128
NHID = 128
NREL = 8
NBASES = 4


def setup_inputs(seed: int = 0) -> dict:
    key = jax.random.key(seed)
    ks = jax.random.split(key, 12)
    x = jax.random.normal(ks[0], (N, NFEAT), dtype=jnp.float32)
    edge_index = jax.random.randint(ks[1], (2, E), 0, N, dtype=jnp.int32)
    edge_type = jax.random.randint(ks[2], (E,), 0, NREL, dtype=jnp.int32)
    s1 = 1.0 / np.sqrt(NFEAT)
    s2 = 1.0 / np.sqrt(NHID)
    basis1 = jax.random.normal(ks[3], (NBASES, NFEAT, NHID), dtype=jnp.float32) * s1
    comp1 = jax.random.normal(ks[4], (NREL, NBASES), dtype=jnp.float32) * (1.0 / np.sqrt(NBASES))
    root1 = jax.random.normal(ks[5], (NFEAT, NHID), dtype=jnp.float32) * s1
    bias1 = jnp.zeros((NHID,), dtype=jnp.float32)
    basis2 = jax.random.normal(ks[6], (NBASES, NHID, NHID), dtype=jnp.float32) * s2
    comp2 = jax.random.normal(ks[7], (NREL, NBASES), dtype=jnp.float32) * (1.0 / np.sqrt(NBASES))
    root2 = jax.random.normal(ks[8], (NHID, NHID), dtype=jnp.float32) * s2
    bias2 = jnp.zeros((NHID,), dtype=jnp.float32)
    return {"x": x, "edge_index": edge_index, "edge_type": edge_type,
            "basis1": basis1, "comp1": comp1, "root1": root1, "bias1": bias1,
            "basis2": basis2, "comp2": comp2, "root2": root2, "bias2": bias2}


def _rgcn_conv(x, edge_index, edge_type, basis, comp, root, bias):
    # basis decomposition: W_r = sum_b comp[r, b] * basis[b]
    W = jnp.einsum('rb,bio->rio', comp, basis)  # [R, d_in, d_out]
    src = edge_index[0]
    dst = edge_index[1]
    n = x.shape[0]
    d_out = root.shape[1]
    out = jnp.zeros((n, d_out), dtype=x.dtype)
    for r in range(NREL):
        h = x @ W[r]                      # [N, d_out] transform all nodes for relation r
        m = (edge_type == r).astype(x.dtype)
        msg = h[src] * m[:, None]         # gather source messages, mask to relation r
        summed = jnp.zeros((n, d_out), dtype=x.dtype).at[dst].add(msg)
        cnt = jnp.zeros((n,), dtype=x.dtype).at[dst].add(m)
        out = out + summed / jnp.maximum(cnt, 1.0)[:, None]  # mean aggregation per relation
    return out + x @ root + bias


def reference(x, edge_index, edge_type, basis1, comp1, root1, bias1, basis2, comp2, root2, bias2):
    h = _rgcn_conv(x, edge_index, edge_type, basis1, comp1, root1, bias1)
    h = jax.nn.sigmoid(h)
    # dropout is identity in eval mode
    h = _rgcn_conv(h, edge_index, edge_type, basis2, comp2, root2, bias2)
    h = jax.nn.sigmoid(h)
    return h

if __name__ == "__main__":
    import jax
    _d = setup_inputs()
    print(jax.jit(kernel)(*tuple(_d.values())))

</pallas_src>

<mosaic_0001>
#map = affine_map<(d0, d1) -> (0, 0)>
#map1 = affine_map<(d0, d1) -> (0, 0, 0)>
module attributes {stable_mosaic.version = 14 : i64} {
  func.func @_agg(%arg0: i32, %arg1: i32, %arg2: memref<80000x128xbf16, #tpu.memory_space<hbm>>, %arg3: memref<32x125x80xi32, #tpu.memory_space<hbm>>, %arg4: memref<81920x16xf32, #tpu.memory_space<hbm>>, %arg5: memref<10000x128xf32, #tpu.memory_space<hbm>>, %arg6: memref<10000x128xf32, #tpu.memory_space<hbm>>, %arg7: memref<10000x128xf32, #tpu.memory_space<vmem_shared>>, %arg8: memref<125x80xi32, #tpu.memory_space<vmem>>, %arg9: memref<80xi32, #tpu.memory_space<vmem>>, %arg10: memref<80xi32, #tpu.memory_space<vmem>>, %arg11: memref<80xi32, #tpu.memory_space<vmem>>, %arg12: memref<80xi32, #tpu.memory_space<vmem>>, %arg13: memref<80xi32, #tpu.memory_space<vmem>>, %arg14: memref<80xi32, #tpu.memory_space<vmem>>, %arg15: memref<80x128xbf16, #tpu.memory_space<vmem>>, %arg16: memref<80x128xbf16, #tpu.memory_space<vmem>>, %arg17: memref<80x128xf32, #tpu.memory_space<vmem>>, %arg18: memref<80x128xf32, #tpu.memory_space<vmem>>, %arg19: memref<80x16xf32, #tpu.memory_space<vmem>>, %arg20: memref<80x16xf32, #tpu.memory_space<vmem>>, %arg21: memref<!tpu.dma_semaphore, #tpu.memory_space<semaphore_mem>>, %arg22: memref<!tpu.dma_semaphore, #tpu.memory_space<semaphore_mem>>, %arg23: memref<!tpu.dma_semaphore, #tpu.memory_space<semaphore_mem>>, %arg24: memref<!tpu.dma_semaphore, #tpu.memory_space<semaphore_mem>>) attributes {dimension_semantics = [#tpu.dimension_semantics<core_parallel>, #tpu.dimension_semantics<subcore_parallel>], iteration_bounds = array<i64: 2, 16>, scalar_prefetch = 0 : i64, scratch_operands = 18 : i64, tpu.core_type = #tpu.core_type<sc_vector_subcore>, window_params = [{transform_indices = #map}, {transform_indices = #map1}, {transform_indices = #map}, {transform_indices = #map}, {transform_indices = #map}]} {
    %mul3A = arith.constant 16 : i32
    %mul3A_0 = arith.muli %arg0, %mul3A : i32
    %add3A = arith.addi %mul3A_0, %arg1 : i32
    "tpu.region"() ({
      %run_scoped3A = tpu.sem_alloc : memref<!tpu.dma_semaphore, #tpu.memory_space<semaphore_mem>>
      %dma_start3A_79 = arith.constant 0 : i32
      %dma_start3A_80 = arith.constant 0 : i32
      %dma_start3A_81 = tpu.memref_slice %arg3[%add3A, %dma_start3A_79, %dma_start3A_80] : memref<32x125x80xi32, #tpu.memory_space<hbm>> -> memref<1x125x80xi32, #tpu.memory_space<hbm>>
      %dma_start3A_82 = tpu.memref_squeeze %dma_start3A_81 : memref<1x125x80xi32, #tpu.memory_space<hbm>> -> memref<125x80xi32, #tpu.memory_space<hbm>>
      %dma_start3A_83 = arith.constant 0 : i32
      %dma_start3A_84 = arith.constant 0 : i32
      %dma_start3A_85 = tpu.memref_slice %arg3[%add3A, %dma_start3A_83, %dma_start3A_84] : memref<32x125x80xi32, #tpu.memory_space<hbm>> -> memref<1x125x80xi32, #tpu.memory_space<hbm>>
      %dma_start3A_86 = tpu.memref_squeeze %dma_start3A_85 : memref<1x125x80xi32, #tpu.memory_space<hbm>> -> memref<125x80xi32, #tpu.memory_space<hbm>>
      tpu.enqueue_dma source(%dma_start3A_86 : memref<125x80xi32, #tpu.memory_space<hbm>>) target(%arg8 : memref<125x80xi32, #tpu.memory_space<vmem>>) target_semaphore(%run_scoped3A : memref<!tpu.dma_semaphore, #tpu.memory_space<semaphore_mem>>)
      %dma_wait3A_87 = arith.constant 0 : i32
      %dma_wait3A_88 = arith.constant 0 : i32
      %dma_wait3A_89 = tpu.memref_slice %arg3[%add3A, %dma_wait3A_87, %dma_wait3A_88] : memref<32x125x80xi32, #tpu.memory_space<hbm>> -> memref<1x125x80xi32, #tpu.memory_space<hbm>>
      %dma_wait3A_90 = tpu.memref_squeeze %dma_wait3A_89 : memref<1x125x80xi32, #tpu.memory_space<hbm>> -> memref<125x80xi32, #tpu.memory_space<hbm>>
      %dma_wait3A_91 = arith.constant 0 : i32
      %dma_wait3A_92 = arith.constant 0 : i32
      %dma_wait3A_93 = tpu.memref_slice %arg3[%add3A, %dma_wait3A_91, %dma_wait3A_92] : memref<32x125x80xi32, #tpu.memory_space<hbm>> -> memref<1x125x80xi32, #tpu.memory_space<hbm>>
      %dma_wait3A_94 = tpu.memref_squeeze %dma_wait3A_93 : memref<1x125x80xi32, #tpu.memory_space<hbm>> -> memref<125x80xi32, #tpu.memory_space<hbm>>
      tpu.wait_dma2 semaphore(%run_scoped3A : memref<!tpu.dma_semaphore, #tpu.memory_space<semaphore_mem>>) src(%dma_wait3A_94 : memref<125x80xi32, #tpu.memory_space<hbm>>) dst(%arg8 : memref<125x80xi32, #tpu.memory_space<vmem>>)
      tpu.yield
    }) : () -> ()
    %scan3A = arith.constant 0 : i32
    %scan3A_1 = arith.constant 80 : i32
    %scan3A_2 = arith.addi %scan3A, %scan3A_1 : i32
    %scan3A_3 = arith.constant 1 : i32
    scf.for %scan3A_79 = %scan3A to %scan3A_2 step %scan3A_3  : i32 {
      %mul3A_80 = arith.constant 1 : i32
      %mul3A_81 = arith.muli %scan3A_79, %mul3A_80 : i32
      %add3A_82 = arith.constant 0 : i32
      %add3A_83 = arith.addi %add3A_82, %mul3A_81 : i32
      %broadcast_in_dim3A = arith.constant 0.000000e+00 : f32
      %broadcast_in_dim3A_84 = vector.broadcast %broadcast_in_dim3A : f32 to vector<16xf32>
      %swap3A = arith.index_cast %add3A_83 : i32 to index
      %swap3A_85 = arith.constant 0 : index
      %swap3A_86 = tpu.vector_load %arg17[%swap3A, %swap3A_85] {strides = array<i32>} : memref<80x128xf32, #tpu.memory_space<vmem>>, vector<16xf32>,
      tpu.vector_store %arg17[%swap3A, %swap3A_85], %broadcast_in_dim3A_84 {strides = array<i32>} : memref<80x128xf32, #tpu.memory_space<vmem>>, vector<16xf32>,
      %broadcast_in_dim3A_87 = arith.constant 0.000000e+00 : f32
      %broadcast_in_dim3A_88 = vector.broadcast %broadcast_in_dim3A_87 : f32 to vector<16xf32>
      %swap3A_89 = arith.index_cast %add3A_83 : i32 to index
      %swap3A_90 = arith.constant 16 : index
      %swap3A_91 = tpu.vector_load %arg17[%swap3A_89, %swap3A_90] {strides = array<i32>} : memref<80x128xf32, #tpu.memory_space<vmem>>, vector<16xf32>,
      tpu.vector_store %arg17[%swap3A_89, %swap3A_90], %broadcast_in_dim3A_88 {strides = array<i32>} : memref<80x128xf32, #tpu.memory_space<vmem>>, vector<16xf32>,
      %broadcast_in_dim3A_92 = arith.constant 0.000000e+00 : f32
      %broadcast_in_dim3A_93 = vector.broadcast %broadcast_in_dim3A_92 : f32 to vector<16xf32>
      %swap3A_94 = arith.index_cast %add3A_83 : i32 to index
      %swap3A_95 = arith.constant 32 : index
      %swap3A_96 = tpu.vector_load %arg17[%swap3A_94, %swap3A_95] {strides = array<i32>} : memref<80x128xf32, #tpu.memory_space<vmem>>, vector<16xf32>,
      tpu.vector_store %arg17[%swap3A_94, %swap3A_95], %broadcast_in_dim3A_93 {strides = array<i32>} : memref<80x128xf32, #tpu.memory_space<vmem>>, vector<16xf32>,
      %broadcast_in_dim3A_97 = arith.constant 0.000000e+00 : f32
      %broadcast_in_dim3A_98 = vector.broadcast %broadcast_in_dim3A_97 : f32 to vector<16xf32>
      %swap3A_99 = arith.index_cast %add3A_83 : i32 to index
      %swap3A_100 = arith.constant 48 : index
      %swap3A_101 = tpu.vector_load %arg17[%swap3A_99, %swap3A_100] {strides = array<i32>} : memref<80x128xf32, #tpu.memory_space<vmem>>, vector<16xf32>,
      tpu.vector_store %arg17[%swap3A_99, %swap3A_100], %broadcast_in_dim3A_98 {strides = array<i32>} : memref<80x128xf32, #tpu.memory_space<vmem>>, vector<16xf32>,
      %broadcast_in_dim3A_102 = arith.constant 0.000000e+00 : f32
      %broadcast_in_dim3A_103 = vector.broadcast %broadcast_in_dim3A_102 : f32 to vector<16xf32>
      %swap3A_104 = arith.index_cast %add3A_83 : i32 to index
      %swap3A_105 = arith.constant 64 : index
      %swap3A_106 = tpu.vector_load %arg17[%swap3A_104, %swap3A_105] {strides = array<i32>} : memref<80x128xf32, #tpu.memory_space<vmem>>, vector<16xf32>,
      tpu.vector_store %arg17[%swap3A_104, %swap3A_105], %broadcast_in_dim3A_103 {strides = array<i32>} : memref<80x128xf32, #tpu.memory_space<vmem>>, vector<16xf32>,
      %broadcast_in_dim3A_107 = arith.constant 0.000000e+00 : f32
      %broadcast_in_dim3A_108 = vector.broadcast %broadcast_in_dim3A_107 : f32 to vector<16xf32>
      %swap3A_109 = arith.index_cast %add3A_83 : i32 to index
      %swap3A_110 = arith.constant 80 : index
      %swap3A_111 = tpu.vector_load %arg17[%swap3A_109, %swap3A_110] {strides = array<i32>} : memref<80x128xf32, #tpu.memory_space<vmem>>, vector<16xf32>,
      tpu.vector_store %arg17[%swap3A_109, %swap3A_110], %broadcast_in_dim3A_108 {strides = array<i32>} : memref<80x128xf32, #tpu.memory_space<vmem>>, vector<16xf32>,
      %broadcast_in_dim3A_112 = arith.constant 0.000000e+00 : f32
      %broadcast_in_dim3A_113 = vector.broadcast %broadcast_in_dim3A_112 : f32 to vector<16xf32>
      %swap3A_114 = arith.index_cast %add3A_83 : i32 to index
      %swap3A_115 = arith.constant 96 : index
      %swap3A_116 = tpu.vector_load %arg17[%swap3A_114, %swap3A_115] {strides = array<i32>} : memref<80x128xf32, #tpu.memory_space<vmem>>, vector<16xf32>,
      tpu.vector_store %arg17[%swap3A_114, %swap3A_115], %broadcast_in_dim3A_113 {strides = array<i32>} : memref<80x128xf32, #tpu.memory_space<vmem>>, vector<16xf32>,
      %broadcast_in_dim3A_117 = arith.constant 0.000000e+00 : f32
      %broadcast_in_dim3A_118 = vector.broadcast %broadcast_in_dim3A_117 : f32 to vector<16xf32>
      %swap3A_119 = arith.index_cast %add3A_83 : i32 to index
      %swap3A_120 = arith.constant 112 : index
      %swap3A_121 = tpu.vector_load %arg17[%swap3A_119, %swap3A_120] {strides = array<i32>} : memref<80x128xf32, #tpu.memory_space<vmem>>, vector<16xf32>,
      tpu.vector_store %arg17[%swap3A_119, %swap3A_120], %broadcast_in_dim3A_118 {strides = array<i32>} : memref<80x128xf32, #tpu.memory_space<vmem>>, vector<16xf32>,
    }
    %scan3A_4 = arith.constant 80 : i32
    %mul3A_5 = arith.constant 625 : i32
    %mul3A_6 = arith.muli %arg1, %mul3A_5 : i32
    %add3A_7 = arith.constant 0 : i32
    %add3A_8 = arith.addi %mul3A_6, %add3A_7 : i32
    "tpu.region"() ({
      %run_scoped3A = tpu.sem_alloc : memref<!tpu.dma_semaphore, #tpu.memory_space<semaphore_mem>>
      %dma_start3A_79 = arith.constant 0 : i32
      %dma_start3A_80 = tpu.memref_slice %arg7[%add3A_8, %dma_start3A_79] : memref<10000x128xf32, #tpu.memory_space<vmem_shared>> -> memref<80x128xf32, #tpu.memory_space<vmem_shared>>
      %dma_start3A_81 = arith.constant 0 : i32
      %dma_start3A_82 = tpu.memref_slice %arg7[%add3A_8, %dma_start3A_81] : memref<10000x128xf32, #tpu.memory_space<vmem_shared>> -> memref<80x128xf32, #tpu.memory_space<vmem_shared>>
      tpu.enqueue_dma source(%arg17 : memref<80x128xf32, #tpu.memory_space<vmem>>) target(%dma_start3A_82 : memref<80x128xf32, #tpu.memory_space<vmem_shared>>) target_semaphore(%run_scoped3A : memref<!tpu.dma_semaphore, #tpu.memory_space<semaphore_mem>>)
      %dma_wait3A_83 = arith.constant 0 : i32
      %dma_wait3A_84 = tpu.memref_slice %arg7[%add3A_8, %dma_wait3A_83] : memref<10000x128xf32, #tpu.memory_space<vmem_shared>> -> memref<80x128xf32, #tpu.memory_space<vmem_shared>>
      %dma_wait3A_85 = arith.constant 0 : i32
      %dma_wait3A_86 = tpu.memref_slice %arg7[%add3A_8, %dma_wait3A_85] : memref<10000x128xf32, #tpu.memory_space<vmem_shared>> -> memref<80x128xf32, #tpu.memory_space<vmem_shared>>
      tpu.wait_dma2 semaphore(%run_scoped3A : memref<!tpu.dma_semaphore, #tpu.memory_space<semaphore_mem>>) src(%arg17 : memref<80x128xf32, #tpu.memory_space<vmem>>) dst(%dma_wait3A_86 : memref<80x128xf32, #tpu.memory_space<vmem_shared>>)
      tpu.yield
    }) : () -> ()
    %mul3A_9 = arith.constant 625 : i32
    %mul3A_10 = arith.muli %arg1, %mul3A_9 : i32
    %add3A_11 = arith.constant 80 : i32
    %add3A_12 = arith.addi %mul3A_10, %add3A_11 : i32
    "tpu.region"() ({
      %run_scoped3A = tpu.sem_alloc : memref<!tpu.dma_semaphore, #tpu.memory_space<semaphore_mem>>
      %dma_start3A_79 = arith.constant 0 : i32
      %dma_start3A_80 = tpu.memref_slice %arg7[%add3A_12, %dma_start3A_79] : memref<10000x128xf32, #tpu.memory_space<vmem_shared>> -> memref<80x128xf32, #tpu.memory_space<vmem_shared>>
      %dma_start3A_81 = arith.constant 0 : i32
      %dma_start3A_82 = tpu.memref_slice %arg7[%add3A_12, %dma_start3A_81] : memref<10000x128xf32, #tpu.memory_space<vmem_shared>> -> memref<80x128xf32, #tpu.memory_space<vmem_shared>>
      tpu.enqueue_dma source(%arg17 : memref<80x128xf32, #tpu.memory_space<vmem>>) target(%dma_start3A_82 : memref<80x128xf32, #tpu.memory_space<vmem_shared>>) target_semaphore(%run_scoped3A : memref<!tpu.dma_semaphore, #tpu.memory_space<semaphore_mem>>)
      %dma_wait3A_83 = arith.constant 0 : i32
      %dma_wait3A_84 = tpu.memref_slice %arg7[%add3A_12, %dma_wait3A_83] : memref<10000x128xf32, #tpu.memory_space<vmem_shared>> -> memref<80x128xf32, #tpu.memory_space<vmem_shared>>
      %dma_wait3A_85 = arith.constant 0 : i32
      %dma_wait3A_86 = tpu.memref_slice %arg7[%add3A_12, %dma_wait3A_85] : memref<10000x128xf32, #tpu.memory_space<vmem_shared>> -> memref<80x128xf32, #tpu.memory_space<vmem_shared>>
      tpu.wait_dma2 semaphore(%run_scoped3A : memref<!tpu.dma_semaphore, #tpu.memory_space<semaphore_mem>>) src(%arg17 : memref<80x128xf32, #tpu.memory_space<vmem>>) dst(%dma_wait3A_86 : memref<80x128xf32, #tpu.memory_space<vmem_shared>>)
      tpu.yield
    }) : () -> ()
    %mul3A_13 = arith.constant 625 : i32
    %mul3A_14 = arith.muli %arg1, %mul3A_13 : i32
    %add3A_15 = arith.constant 160 : i32
    %add3A_16 = arith.addi %mul3A_14, %add3A_15 : i32
    "tpu.region"() ({
      %run_scoped3A = tpu.sem_alloc : memref<!tpu.dma_semaphore, #tpu.memory_space<semaphore_mem>>
      %dma_start3A_79 = arith.constant 0 : i32
      %dma_start3A_80 = tpu.memref_slice %arg7[%add3A_16, %dma_start3A_79] : memref<10000x128xf32, #tpu.memory_space<vmem_shared>> -> memref<80x128xf32, #tpu.memory_space<vmem_shared>>
      %dma_start3A_81 = arith.constant 0 : i32
      %dma_start3A_82 = tpu.memref_slice %arg7[%add3A_16, %dma_start3A_81] : memref<10000x128xf32, #tpu.memory_space<vmem_shared>> -> memref<80x128xf32, #tpu.memory_space<vmem_shared>>
      tpu.enqueue_dma source(%arg17 : memref<80x128xf32, #tpu.memory_space<vmem>>) target(%dma_start3A_82 : memref<80x128xf32, #tpu.memory_space<vmem_shared>>) target_semaphore(%run_scoped3A : memref<!tpu.dma_semaphore, #tpu.memory_space<semaphore_mem>>)
      %dma_wait3A_83 = arith.constant 0 : i32
      %dma_wait3A_84 = tpu.memref_slice %arg7[%add3A_16, %dma_wait3A_83] : memref<10000x128xf32, #tpu.memory_space<vmem_shared>> -> memref<80x128xf32, #tpu.memory_space<vmem_shared>>
      %dma_wait3A_85 = arith.constant 0 : i32
      %dma_wait3A_86 = tpu.memref_slice %arg7[%add3A_16, %dma_wait3A_85] : memref<10000x128xf32, #tpu.memory_space<vmem_shared>> -> memref<80x128xf32, #tpu.memory_space<vmem_shared>>
      tpu.wait_dma2 semaphore(%run_scoped3A : memref<!tpu.dma_semaphore, #tpu.memory_space<semaphore_mem>>) src(%arg17 : memref<80x128xf32, #tpu.memory_space<vmem>>) dst(%dma_wait3A_86 : memref<80x128xf32, #tpu.memory_space<vmem_shared>>)
      tpu.yield
    }) : () -> ()
    %mul3A_17 = arith.constant 625 : i32
    %mul3A_18 = arith.muli %arg1, %mul3A_17 : i32
    %add3A_19 = arith.constant 240 : i32
    %add3A_20 = arith.addi %mul3A_18, %add3A_19 : i32
    "tpu.region"() ({
      %run_scoped3A = tpu.sem_alloc : memref<!tpu.dma_semaphore, #tpu.memory_space<semaphore_mem>>
      %dma_start3A_79 = arith.constant 0 : i32
      %dma_start3A_80 = tpu.memref_slice %arg7[%add3A_20, %dma_start3A_79] : memref<10000x128xf32, #tpu.memory_space<vmem_shared>> -> memref<80x128xf32, #tpu.memory_space<vmem_shared>>
      %dma_start3A_81 = arith.constant 0 : i32
      %dma_start3A_82 = tpu.memref_slice %arg7[%add3A_20, %dma_start3A_81] : memref<10000x128xf32, #tpu.memory_space<vmem_shared>> -> memref<80x128xf32, #tpu.memory_space<vmem_shared>>
      tpu.enqueue_dma source(%arg17 : memref<80x128xf32, #tpu.memory_space<vmem>>) target(%dma_start3A_82 : memref<80x128xf32, #tpu.memory_space<vmem_shared>>) target_semaphore(%run_scoped3A : memref<!tpu.dma_semaphore, #tpu.memory_space<semaphore_mem>>)
      %dma_wait3A_83 = arith.constant 0 : i32
      %dma_wait3A_84 = tpu.memref_slice %arg7[%add3A_20, %dma_wait3A_83] : memref<10000x128xf32, #tpu.memory_space<vmem_shared>> -> memref<80x128xf32, #tpu.memory_space<vmem_shared>>
      %dma_wait3A_85 = arith.constant 0 : i32
      %dma_wait3A_86 = tpu.memref_slice %arg7[%add3A_20, %dma_wait3A_85] : memref<10000x128xf32, #tpu.memory_space<vmem_shared>> -> memref<80x128xf32, #tpu.memory_space<vmem_shared>>
      tpu.wait_dma2 semaphore(%run_scoped3A : memref<!tpu.dma_semaphore, #tpu.memory_space<semaphore_mem>>) src(%arg17 : memref<80x128xf32, #tpu.memory_space<vmem>>) dst(%dma_wait3A_86 : memref<80x128xf32, #tpu.memory_space<vmem_shared>>)
      tpu.yield
    }) : () -> ()
    %mul3A_21 = arith.constant 625 : i32
    %mul3A_22 = arith.muli %arg1, %mul3A_21 : i32
    %add3A_23 = arith.constant 320 : i32
    %add3A_24 = arith.addi %mul3A_22, %add3A_23 : i32
    "tpu.region"() ({
      %run_scoped3A = tpu.sem_alloc : memref<!tpu.dma_semaphore, #tpu.memory_space<semaphore_mem>>
      %dma_start3A_79 = arith.constant 0 : i32
      %dma_start3A_80 = tpu.memref_slice %arg7[%add3A_24, %dma_start3A_79] : memref<10000x128xf32, #tpu.memory_space<vmem_shared>> -> memref<80x128xf32, #tpu.memory_space<vmem_shared>>
      %dma_start3A_81 = arith.constant 0 : i32
      %dma_start3A_82 = tpu.memref_slice %arg7[%add3A_24, %dma_start3A_81] : memref<10000x128xf32, #tpu.memory_space<vmem_shared>> -> memref<80x128xf32, #tpu.memory_space<vmem_shared>>
      tpu.enqueue_dma source(%arg17 : memref<80x128xf32, #tpu.memory_space<vmem>>) target(%dma_start3A_82 : memref<80x128xf32, #tpu.memory_space<vmem_shared>>) target_semaphore(%run_scoped3A : memref<!tpu.dma_semaphore, #tpu.memory_space<semaphore_mem>>)
      %dma_wait3A_83 = arith.constant 0 : i32
      %dma_wait3A_84 = tpu.memref_slice %arg7[%add3A_24, %dma_wait3A_83] : memref<10000x128xf32, #tpu.memory_space<vmem_shared>> -> memref<80x128xf32, #tpu.memory_space<vmem_shared>>
      %dma_wait3A_85 = arith.constant 0 : i32
      %dma_wait3A_86 = tpu.memref_slice %arg7[%add3A_24, %dma_wait3A_85] : memref<10000x128xf32, #tpu.memory_space<vmem_shared>> -> memref<80x128xf32, #tpu.memory_space<vmem_shared>>
      tpu.wait_dma2 semaphore(%run_scoped3A : memref<!tpu.dma_semaphore, #tpu.memory_space<semaphore_mem>>) src(%arg17 : memref<80x128xf32, #tpu.memory_space<vmem>>) dst(%dma_wait3A_86 : memref<80x128xf32, #tpu.memory_space<vmem_shared>>)
      tpu.yield
    }) : () -> ()
    %mul3A_25 = arith.constant 625 : i32
    %mul3A_26 = arith.muli %arg1, %mul3A_25 : i32
    %add3A_27 = arith.constant 400 : i32
    %add3A_28 = arith.addi %mul3A_26, %add3A_27 : i32
    "tpu.region"() ({
      %run_scoped3A = tpu.sem_alloc : memref<!tpu.dma_semaphore, #tpu.memory_space<semaphore_mem>>
      %dma_start3A_79 = arith.constant 0 : i32
      %dma_start3A_80 = tpu.memref_slice %arg7[%add3A_28, %dma_start3A_79] : memref<10000x128xf32, #tpu.memory_space<vmem_shared>> -> memref<80x128xf32, #tpu.memory_space<vmem_shared>>
      %dma_start3A_81 = arith.constant 0 : i32
      %dma_start3A_82 = tpu.memref_slice %arg7[%add3A_28, %dma_start3A_81] : memref<10000x128xf32, #tpu.memory_space<vmem_shared>> -> memref<80x128xf32, #tpu.memory_space<vmem_shared>>
      tpu.enqueue_dma source(%arg17 : memref<80x128xf32, #tpu.memory_space<vmem>>) target(%dma_start3A_82 : memref<80x128xf32, #tpu.memory_space<vmem_shared>>) target_semaphore(%run_scoped3A : memref<!tpu.dma_semaphore, #tpu.memory_space<semaphore_mem>>)
      %dma_wait3A_83 = arith.constant 0 : i32
      %dma_wait3A_84 = tpu.memref_slice %arg7[%add3A_28, %dma_wait3A_83] : memref<10000x128xf32, #tpu.memory_space<vmem_shared>> -> memref<80x128xf32, #tpu.memory_space<vmem_shared>>
      %dma_wait3A_85 = arith.constant 0 : i32
      %dma_wait3A_86 = tpu.memref_slice %arg7[%add3A_28, %dma_wait3A_85] : memref<10000x128xf32, #tpu.memory_space<vmem_shared>> -> memref<80x128xf32, #tpu.memory_space<vmem_shared>>
      tpu.wait_dma2 semaphore(%run_scoped3A : memref<!tpu.dma_semaphore, #tpu.memory_space<semaphore_mem>>) src(%arg17 : memref<80x128xf32, #tpu.memory_space<vmem>>) dst(%dma_wait3A_86 : memref<80x128xf32, #tpu.memory_space<vmem_shared>>)
      tpu.yield
    }) : () -> ()
    %mul3A_29 = arith.constant 625 : i32
    %mul3A_30 = arith.muli %arg1, %mul3A_29 : i32
    %add3A_31 = arith.constant 480 : i32
    %add3A_32 = arith.addi %mul3A_30, %add3A_31 : i32
    "tpu.region"() ({
      %run_scoped3A = tpu.sem_alloc : memref<!tpu.dma_semaphore, #tpu.memory_space<semaphore_mem>>
      %dma_start3A_79 = arith.constant 0 : i32
      %dma_start3A_80 = tpu.memref_slice %arg7[%add3A_32, %dma_start3A_79] : memref<10000x128xf32, #tpu.memory_space<vmem_shared>> -> memref<80x128xf32, #tpu.memory_space<vmem_shared>>
      %dma_start3A_81 = arith.constant 0 : i32
      %dma_start3A_82 = tpu.memref_slice %arg7[%add3A_32, %dma_start3A_81] : memref<10000x128xf32, #tpu.memory_space<vmem_shared>> -> memref<80x128xf32, #tpu.memory_space<vmem_shared>>
      tpu.enqueue_dma source(%arg17 : memref<80x128xf32, #tpu.memory_space<vmem>>) target(%dma_start3A_82 : memref<80x128xf32, #tpu.memory_space<vmem_shared>>) target_semaphore(%run_scoped3A : memref<!tpu.dma_semaphore, #tpu.memory_space<semaphore_mem>>)
      %dma_wait3A_83 = arith.constant 0 : i32
      %dma_wait3A_84 = tpu.memref_slice %arg7[%add3A_32, %dma_wait3A_83] : memref<10000x128xf32, #tpu.memory_space<vmem_shared>> -> memref<80x128xf32, #tpu.memory_space<vmem_shared>>
      %dma_wait3A_85 = arith.constant 0 : i32
      %dma_wait3A_86 = tpu.memref_slice %arg7[%add3A_32, %dma_wait3A_85] : memref<10000x128xf32, #tpu.memory_space<vmem_shared>> -> memref<80x128xf32, #tpu.memory_space<vmem_shared>>
      tpu.wait_dma2 semaphore(%run_scoped3A : memref<!tpu.dma_semaphore, #tpu.memory_space<semaphore_mem>>) src(%arg17 : memref<80x128xf32, #tpu.memory_space<vmem>>) dst(%dma_wait3A_86 : memref<80x128xf32, #tpu.memory_space<vmem_shared>>)
      tpu.yield
    }) : () -> ()
    %mul3A_33 = arith.constant 625 : i32
    %mul3A_34 = arith.muli %arg1, %mul3A_33 : i32
    %add3A_35 = arith.constant 625 : i32
    %add3A_36 = arith.addi %mul3A_34, %add3A_35 : i32
    %sub3A = arith.constant 80 : i32
    %sub3A_37 = arith.subi %add3A_36, %sub3A : i32
    "tpu.region"() ({
      %run_scoped3A = tpu.sem_alloc : memref<!tpu.dma_semaphore, #tpu.memory_space<semaphore_mem>>
      %dma_start3A_79 = arith.constant 0 : i32
      %dma_start3A_80 = tpu.memref_slice %arg7[%sub3A_37, %dma_start3A_79] : memref<10000x128xf32, #tpu.memory_space<vmem_shared>> -> memref<80x128xf32, #tpu.memory_space<vmem_shared>>
      %dma_start3A_81 = arith.constant 0 : i32
      %dma_start3A_82 = tpu.memref_slice %arg7[%sub3A_37, %dma_start3A_81] : memref<10000x128xf32, #tpu.memory_space<vmem_shared>> -> memref<80x128xf32, #tpu.memory_space<vmem_shared>>
      tpu.enqueue_dma source(%arg17 : memref<80x128xf32, #tpu.memory_space<vmem>>) target(%dma_start3A_82 : memref<80x128xf32, #tpu.memory_space<vmem_shared>>) target_semaphore(%run_scoped3A : memref<!tpu.dma_semaphore, #tpu.memory_space<semaphore_mem>>)
      %dma_wait3A_83 = arith.constant 0 : i32
      %dma_wait3A_84 = tpu.memref_slice %arg7[%sub3A_37, %dma_wait3A_83] : memref<10000x128xf32, #tpu.memory_space<vmem_shared>> -> memref<80x128xf32, #tpu.memory_space<vmem_shared>>
      %dma_wait3A_85 = arith.constant 0 : i32
      %dma_wait3A_86 = tpu.memref_slice %arg7[%sub3A_37, %dma_wait3A_85] : memref<10000x128xf32, #tpu.memory_space<vmem_shared>> -> memref<80x128xf32, #tpu.memory_space<vmem_shared>>
      tpu.wait_dma2 semaphore(%run_scoped3A : memref<!tpu.dma_semaphore, #tpu.memory_space<semaphore_mem>>) src(%arg17 : memref<80x128xf32, #tpu.memory_space<vmem>>) dst(%dma_wait3A_86 : memref<80x128xf32, #tpu.memory_space<vmem_shared>>)
      tpu.yield
    }) : () -> ()
    %barrier3A = arith.constant 0 : index
    tpu.barrier barrier_id(%barrier3A)
    %scan3A_38 = arith.constant 0 : i32
    %scan3A_39 = arith.constant 5 : i32
    %scan3A_40 = arith.addi %scan3A_38, %scan3A_39 : i32
    %scan3A_41 = arith.constant 1 : i32
    scf.for %scan3A_79 = %scan3A_38 to %scan3A_40 step %scan3A_41  : i32 {
      %mul3A_80 = arith.constant 1 : i32
      %mul3A_81 = arith.muli %scan3A_79, %mul3A_80 : i32
      %add3A_82 = arith.constant 0 : i32
      %add3A_83 = arith.addi %add3A_82, %mul3A_81 : i32
      %mul3A_84 = arith.constant 16 : i32
      %mul3A_85 = arith.muli %add3A_83, %mul3A_84 : i32
      %get3A = arith.constant 0 : i32
      %get3A_86 = arith.index_cast %get3A : i32 to index
      %get3A_87 = arith.index_cast %mul3A_85 : i32 to index
      %get3A_88 = tpu.vector_load %arg8[%get3A_86, %get3A_87] {strides = array<i32>} : memref<125x80xi32, #tpu.memory_space<vmem>>, vector<16xi32>,
      %and3A = arith.constant 16383 : i32
      %and3A_89 = vector.broadcast %and3A : i32 to vector<16xi32>
      %and3A_90 = arith.andi %get3A_88, %and3A_89 : vector<16xi32>
      %shift_right_arithmetic3A = arith.constant 14 : i32
      %shift_right_arithmetic3A_91 = vector.broadcast %shift_right_arithmetic3A : i32 to vector<16xi32>
      %shift_right_arithmetic3A_92 = arith.shrsi %get3A_88, %shift_right_arithmetic3A_91 : vector<16xi32>
      %convert_element_type3A_93 = arith.sitofp %shift_right_arithmetic3A_92 : vector<16xi32> to vector<16xf32>
      %add3A_94 = arith.constant 5.000000e-01 : f32
      %add3A_95 = vector.broadcast %add3A_94 : f32 to vector<16xf32>
      %add3A_96 = arith.addf %convert_element_type3A_93, %add3A_95 : vector<16xf32>
      %mul3A_97 = arith.constant 9.99999974E-5 : f32
      %mul3A_98 = vector.broadcast %mul3A_97 : f32 to vector<16xf32>
      %mul3A_99 = arith.mulf %add3A_96, %mul3A_98 : vector<16xf32>
      %convert_element_type3A_100 = arith.fptosi %mul3A_99 : vector<16xf32> to vector<16xi32>
      %mul3A_101 = arith.constant 16 : i32
      %mul3A_102 = arith.muli %add3A_83, %mul3A_101 : i32
      %swap3A = arith.index_cast %mul3A_102 : i32 to index
      %swap3A_103 = tpu.vector_load %arg9[%swap3A] {strides = array<i32>} : memref<80xi32, #tpu.memory_space<vmem>>, vector<16xi32>,
      tpu.vector_store %arg9[%swap3A], %shift_right_arithmetic3A_92 {strides = array<i32>} : memref<80xi32, #tpu.memory_space<vmem>>, vector<16xi32>,
      %mul3A_104 = arith.constant 16 : i32
      %mul3A_105 = arith.muli %add3A_83, %mul3A_104 : i32
      %swap3A_106 = arith.index_cast %mul3A_105 : i32 to index
      %swap3A_107 = tpu.vector_load %arg13[%swap3A_106] {strides = array<i32>} : memref<80xi32, #tpu.memory_space<vmem>>, vector<16xi32>,
      tpu.vector_store %arg13[%swap3A_106], %and3A_90 {strides = array<i32>} : memref<80xi32, #tpu.memory_space<vmem>>, vector<16xi32>,
      %mul3A_108 = arith.constant 10000 : i32
      %mul3A_109 = vector.broadcast %mul3A_108 : i32 to vector<16xi32>
      %mul3A_110 = arith.muli %convert_element_type3A_100, %mul3A_109 : vector<16xi32>
      %add3A_111 = arith.addi %mul3A_110, %and3A_90 : vector<16xi32>
      %mul3A_112 = arith.constant 16 : i32
      %mul3A_113 = arith.muli %add3A_83, %mul3A_112 : i32
      %swap3A_114 = arith.index_cast %mul3A_113 : i32 to index
      %swap3A_115 = tpu.vector_load %arg11[%swap3A_114] {strides = array<i32>} : memref<80xi32, #tpu.memory_space<vmem>>, vector<16xi32>,
      tpu.vector_store %arg11[%swap3A_114], %add3A_111 {strides = array<i32>} : memref<80xi32, #tpu.memory_space<vmem>>, vector<16xi32>,
    }
    %scan3A_42 = arith.constant 5 : i32
    %dma_start3A = arith.constant 0 : i32
    %dma_start3A_43 = arith.constant 0 : i32
    %dma_start3A_44 = tpu.memref_slice %arg2[%dma_start3A, %dma_start3A_43] : memref<80000x128xbf16, #tpu.memory_space<hbm>> -> memref<80000x128xbf16, #tpu.memory_space<hbm>>
    tpu.enqueue_indirect_dma source(%dma_start3A_44 : memref<80000x128xbf16, #tpu.memory_space<hbm>>) target(%arg15 : memref<80x128xbf16, #tpu.memory_space<vmem>>) offsets(%arg9 : memref<80xi32, #tpu.memory_space<vmem>>) semaphore(%arg21 : memref<!tpu.dma_semaphore, #tpu.memory_space<semaphore_mem>>)
    %dma_start3A_45 = arith.constant 0 : i32
    %dma_start3A_46 = arith.constant 0 : i32
    %dma_start3A_47 = tpu.memref_slice %arg4[%dma_start3A_45, %dma_start3A_46] : memref<81920x16xf32, #tpu.memory_space<hbm>> -> memref<81920x16xf32, #tpu.memory_space<hbm>>
    tpu.enqueue_indirect_dma source(%dma_start3A_47 : memref<81920x16xf32, #tpu.memory_space<hbm>>) target(%arg19 : memref<80x16xf32, #tpu.memory_space<vmem>>) offsets(%arg11 : memref<80xi32, #tpu.memory_space<vmem>>) semaphore(%arg21 : memref<!tpu.dma_semaphore, #tpu.memory_space<semaphore_mem>>)
    %scan3A_48 = arith.constant 0 : i32
    %scan3A_49 = arith.constant 5 : i32
    %scan3A_50 = arith.addi %scan3A_48, %scan3A_49 : i32
    %scan3A_51 = arith.constant 1 : i32
    scf.for %scan3A_79 = %scan3A_48 to %scan3A_50 step %scan3A_51  : i32 {
      %mul3A_80 = arith.constant 1 : i32
      %mul3A_81 = arith.muli %scan3A_79, %mul3A_80 : i32
      %add3A_82 = arith.constant 0 : i32
      %add3A_83 = arith.addi %add3A_82, %mul3A_81 : i32
      %mul3A_84 = arith.constant 16 : i32
      %mul3A_85 = arith.muli %add3A_83, %mul3A_84 : i32
      %get3A = arith.constant 1 : i32
      %get3A_86 = arith.index_cast %get3A : i32 to index
      %get3A_87 = arith.index_cast %mul3A_85 : i32 to index
      %get3A_88 = tpu.vector_load %arg8[%get3A_86, %get3A_87] {strides = array<i32>} : memref<125x80xi32, #tpu.memory_space<vmem>>, vector<16xi32>,
      %and3A = arith.constant 16383 : i32
      %and3A_89 = vector.broadcast %and3A : i32 to vector<16xi32>
      %and3A_90 = arith.andi %get3A_88, %and3A_89 : vector<16xi32>
      %shift_right_arithmetic3A = arith.constant 14 : i32
      %shift_right_arithmetic3A_91 = vector.broadcast %shift_right_arithmetic3A : i32 to vector<16xi32>
      %shift_right_arithmetic3A_92 = arith.shrsi %get3A_88, %shift_right_arithmetic3A_91 : vector<16xi32>
      %convert_element_type3A_93 = arith.sitofp %shift_right_arithmetic3A_92 : vector<16xi32> to vector<16xf32>
      %add3A_94 = arith.constant 5.000000e-01 : f32
      %add3A_95 = vector.broadcast %add3A_94 : f32 to vector<16xf32>
      %add3A_96 = arith.addf %convert_element_type3A_93, %add3A_95 : vector<16xf32>
      %mul3A_97 = arith.constant 9.99999974E-5 : f32
      %mul3A_98 = vector.broadcast %mul3A_97 : f32 to vector<16xf32>
      %mul3A_99 = arith.mulf %add3A_96, %mul3A_98 : vector<16xf32>
      %convert_element_type3A_100 = arith.fptosi %mul3A_99 : vector<16xf32> to vector<16xi32>
      %mul3A_101 = arith.constant 16 : i32
      %mul3A_102 = arith.muli %add3A_83, %mul3A_101 : i32
      %swap3A = arith.index_cast %mul3A_102 : i32 to index
      %swap3A_103 = tpu.vector_load %arg10[%swap3A] {strides = array<i32>} : memref<80xi32, #tpu.memory_space<vmem>>, vector<16xi32>,
      tpu.vector_store %arg10[%swap3A], %shift_right_arithmetic3A_92 {strides = array<i32>} : memref<80xi32, #tpu.memory_space<vmem>>, vector<16xi32>,
      %mul3A_104 = arith.constant 16 : i32
      %mul3A_105 = arith.muli %add3A_83, %mul3A_104 : i32
      %swap3A_106 = arith.index_cast %mul3A_105 : i32 to index
      %swap3A_107 = tpu.vector_load %arg14[%swap3A_106] {strides = array<i32>} : memref<80xi32, #tpu.memory_space<vmem>>, vector<16xi32>,
      tpu.vector_store %arg14[%swap3A_106], %and3A_90 {strides = array<i32>} : memref<80xi32, #tpu.memory_space<vmem>>, vector<16xi32>,
      %mul3A_108 = arith.constant 10000 : i32
      %mul3A_109 = vector.broadcast %mul3A_108 : i32 to vector<16xi32>
      %mul3A_110 = arith.muli %convert_element_type3A_100, %mul3A_109 : vector<16xi32>
      %add3A_111 = arith.addi %mul3A_110, %and3A_90 : vector<16xi32>
      %mul3A_112 = arith.constant 16 : i32
      %mul3A_113 = arith.muli %add3A_83, %mul3A_112 : i32
      %swap3A_114 = arith.index_cast %mul3A_113 : i32 to index
      %swap3A_115 = tpu.vector_load %arg12[%swap3A_114] {strides = array<i32>} : memref<80xi32, #tpu.memory_space<vmem>>, vector<16xi32>,
      tpu.vector_store %arg12[%swap3A_114], %add3A_111 {strides = array<i32>} : memref<80xi32, #tpu.memory_space<vmem>>, vector<16xi32>,
    }
    %scan3A_52 = arith.constant 5 : i32
    %dma_start3A_53 = arith.constant 0 : i32
    %dma_start3A_54 = arith.constant 0 : i32
    %dma_start3A_55 = tpu.memref_slice %arg2[%dma_start3A_53, %dma_start3A_54] : memref<80000x128xbf16, #tpu.memory_space<hbm>> -> memref<80000x128xbf16, #tpu.memory_space<hbm>>
    tpu.enqueue_indirect_dma source(%dma_start3A_55 : memref<80000x128xbf16, #tpu.memory_space<hbm>>) target(%arg16 : memref<80x128xbf16, #tpu.memory_space<vmem>>) offsets(%arg10 : memref<80xi32, #tpu.memory_space<vmem>>) semaphore(%arg22 : memref<!tpu.dma_semaphore, #tpu.memory_space<semaphore_mem>>)
    %dma_start3A_56 = arith.constant 0 : i32
    %dma_start3A_57 = arith.constant 0 : i32
    %dma_start3A_58 = tpu.memref_slice %arg4[%dma_start3A_56, %dma_start3A_57] : memref<81920x16xf32, #tpu.memory_space<hbm>> -> memref<81920x16xf32, #tpu.memory_space<hbm>>
    tpu.enqueue_indirect_dma source(%dma_start3A_58 : memref<81920x16xf32, #tpu.memory_space<hbm>>) target(%arg20 : memref<80x16xf32, #tpu.memory_space<vmem>>) offsets(%arg12 : memref<80xi32, #tpu.memory_space<vmem>>) semaphore(%arg22 : memref<!tpu.dma_semaphore, #tpu.memory_space<semaphore_mem>>)
    %scan3A_59 = arith.constant 0 : i32
    %scan3A_60 = arith.constant 62 : i32
    %scan3A_61 = arith.addi %scan3A_59, %scan3A_60 : i32
    %scan3A_62 = arith.constant 1 : i32
    scf.for %scan3A_79 = %scan3A_59 to %scan3A_61 step %scan3A_62  : i32 {
      %mul3A_80 = arith.constant 1 : i32
      %mul3A_81 = arith.muli %scan3A_79, %mul3A_80 : i32
      %add3A_82 = arith.constant 0 : i32
      %add3A_83 = arith.addi %add3A_82, %mul3A_81 : i32
      %mul3A_84 = arith.constant 2 : i32
      %mul3A_85 = arith.muli %mul3A_84, %add3A_83 : i32
      %dma_wait3A_86 = arith.constant 0 : i32
      %dma_wait3A_87 = arith.constant 0 : i32
      %dma_wait3A_88 = tpu.memref_slice %arg2[%dma_wait3A_86, %dma_wait3A_87] : memref<80000x128xbf16, #tpu.memory_space<hbm>> -> memref<80000x128xbf16, #tpu.memory_space<hbm>>
      tpu.wait_indirect_dma semaphore(%arg21 : memref<!tpu.dma_semaphore, #tpu.memory_space<semaphore_mem>>) src(%dma_wait3A_88 : memref<80000x128xbf16, #tpu.memory_space<hbm>>) dst(%arg15 : memref<80x128xbf16, #tpu.memory_space<vmem>>)
      %dma_wait3A_89 = arith.constant 0 : i32
      %dma_wait3A_90 = arith.constant 0 : i32
      %dma_wait3A_91 = tpu.memref_slice %arg4[%dma_wait3A_89, %dma_wait3A_90] : memref<81920x16xf32, #tpu.memory_space<hbm>> -> memref<81920x16xf32, #tpu.memory_space<hbm>>
      tpu.wait_indirect_dma semaphore(%arg21 : memref<!tpu.dma_semaphore, #tpu.memory_space<semaphore_mem>>) src(%dma_wait3A_91 : memref<81920x16xf32, #tpu.memory_space<hbm>>) dst(%arg19 : memref<80x16xf32, #tpu.memory_space<vmem>>)
      %parallel_loop3A_92 = arith.constant 0 : i32
      %parallel_loop3A_93 = arith.constant 80 : i32
      %parallel_loop3A_94 = arith.constant 1 : i32
      scf.for %parallel_loop3A_135 = %parallel_loop3A_92 to %parallel_loop3A_93 step %parallel_loop3A_94  : i32 {
        %parallel_loop3A_136 = arith.index_cast %parallel_loop3A_135 : i32 to index
        %parallel_loop3A_137 = arith.constant 0 : index
        %parallel_loop3A_138 = tpu.vector_load %arg19[%parallel_loop3A_136, %parallel_loop3A_137] {strides = array<i32>} : memref<80x16xf32, #tpu.memory_space<vmem>>, vector<16xf32>,
        %parallel_loop3A_139 = arith.index_cast %parallel_loop3A_135 : i32 to index
        %parallel_loop3A_140 = arith.constant 0 : index
        %parallel_loop3A_141 = tpu.vector_load %arg15[%parallel_loop3A_139, %parallel_loop3A_140] {strides = array<i32>} : memref<80x128xbf16, #tpu.memory_space<vmem>>, vector<32xbf16>,
        %parallel_loop3A_142 = tpu.unpack_subelements %parallel_loop3A_141, 0 {pack_format = #tpu.pack_format<interleaved>} : vector<32xbf16> -> vector<16xf32>
        %parallel_loop3A_143 = tpu.unpack_subelements %parallel_loop3A_141, 1 {pack_format = #tpu.pack_format<interleaved>} : vector<32xbf16> -> vector<16xf32>
        %parallel_loop3A_144 = arith.mulf %parallel_loop3A_142, %parallel_loop3A_138 : vector<16xf32>
        %parallel_loop3A_145 = arith.index_cast %parallel_loop3A_135 : i32 to index
        %parallel_loop3A_146 = arith.constant 0 : index
        %parallel_loop3A_147 = tpu.vector_load %arg17[%parallel_loop3A_145, %parallel_loop3A_146] {strides = array<i32>} : memref<80x128xf32, #tpu.memory_space<vmem>>, vector<16xf32>,
        tpu.vector_store %arg17[%parallel_loop3A_145, %parallel_loop3A_146], %parallel_loop3A_144 {strides = array<i32>} : memref<80x128xf32, #tpu.memory_space<vmem>>, vector<16xf32>,
        %parallel_loop3A_148 = arith.mulf %parallel_loop3A_143, %parallel_loop3A_138 : vector<16xf32>
        %parallel_loop3A_149 = arith.index_cast %parallel_loop3A_135 : i32 to index
        %parallel_loop3A_150 = arith.constant 16 : index
        %parallel_loop3A_151 = tpu.vector_load %arg17[%parallel_loop3A_149, %parallel_loop3A_150] {strides = array<i32>} : memref<80x128xf32, #tpu.memory_space<vmem>>, vector<16xf32>,
        tpu.vector_store %arg17[%parallel_loop3A_149, %parallel_loop3A_150], %parallel_loop3A_148 {strides = array<i32>} : memref<80x128xf32, #tpu.memory_space<vmem>>, vector<16xf32>,
        %parallel_loop3A_152 = arith.index_cast %parallel_loop3A_135 : i32 to index
        %parallel_loop3A_153 = arith.constant 32 : index
        %parallel_loop3A_154 = tpu.vector_load %arg15[%parallel_loop3A_152, %parallel_loop3A_153] {strides = array<i32>} : memref<80x128xbf16, #tpu.memory_space<vmem>>, vector<32xbf16>,
        %parallel_loop3A_155 = tpu.unpack_subelements %parallel_loop3A_154, 0 {pack_format = #tpu.pack_format<interleaved>} : vector<32xbf16> -> vector<16xf32>
        %parallel_loop3A_156 = tpu.unpack_subelements %parallel_loop3A_154, 1 {pack_format = #tpu.pack_format<interleaved>} : vector<32xbf16> -> vector<16xf32>
        %parallel_loop3A_157 = arith.mulf %parallel_loop3A_155, %parallel_loop3A_138 : vector<16xf32>
        %parallel_loop3A_158 = arith.index_cast %parallel_loop3A_135 : i32 to index
        %parallel_loop3A_159 = arith.constant 32 : index
        %parallel_loop3A_160 = tpu.vector_load %arg17[%parallel_loop3A_158, %parallel_loop3A_159] {strides = array<i32>} : memref<80x128xf32, #tpu.memory_space<vmem>>, vector<16xf32>,
        tpu.vector_store %arg17[%parallel_loop3A_158, %parallel_loop3A_159], %parallel_loop3A_157 {strides = array<i32>} : memref<80x128xf32, #tpu.memory_space<vmem>>, vector<16xf32>,
        %parallel_loop3A_161 = arith.mulf %parallel_loop3A_156, %parallel_loop3A_138 : vector<16xf32>
        %parallel_loop3A_162 = arith.index_cast %parallel_loop3A_135 : i32 to index
        %parallel_loop3A_163 = arith.constant 48 : index
        %parallel_loop3A_164 = tpu.vector_load %arg17[%parallel_loop3A_162, %parallel_loop3A_163] {strides = array<i32>} : memref<80x128xf32, #tpu.memory_space<vmem>>, vector<16xf32>,
        tpu.vector_store %arg17[%parallel_loop3A_162, %parallel_loop3A_163], %parallel_loop3A_161 {strides = array<i32>} : memref<80x128xf32, #tpu.memory_space<vmem>>, vector<16xf32>,
        %parallel_loop3A_165 = arith.index_cast %parallel_loop3A_135 : i32 to index
        %parallel_loop3A_166 = arith.constant 64 : index
        %parallel_loop3A_167 = tpu.vector_load %arg15[%parallel_loop3A_165, %parallel_loop3A_166] {strides = array<i32>} : memref<80x128xbf16, #tpu.memory_space<vmem>>, vector<32xbf16>,
        %parallel_loop3A_168 = tpu.unpack_subelements %parallel_loop3A_167, 0 {pack_format = #tpu.pack_format<interleaved>} : vector<32xbf16> -> vector<16xf32>
        %parallel_loop3A_169 = tpu.unpack_subelements %parallel_loop3A_167, 1 {pack_format = #tpu.pack_format<interleaved>} : vector<32xbf16> -> vector<16xf32>
        %parallel_loop3A_170 = arith.mulf %parallel_loop3A_168, %parallel_loop3A_138 : vector<16xf32>
        %parallel_loop3A_171 = arith.index_cast %parallel_loop3A_135 : i32 to index
        %parallel_loop3A_172 = arith.constant 64 : index
        %parallel_loop3A_173 = tpu.vector_load %arg17[%parallel_loop3A_171, %parallel_loop3A_172] {strides = array<i32>} : memref<80x128xf32, #tpu.memory_space<vmem>>, vector<16xf32>,
        tpu.vector_store %arg17[%parallel_loop3A_171, %parallel_loop3A_172], %parallel_loop3A_170 {strides = array<i32>} : memref<80x128xf32, #tpu.memory_space<vmem>>, vector<16xf32>,
        %parallel_loop3A_174 = arith.mulf %parallel_loop3A_169, %parallel_loop3A_138 : vector<16xf32>
        %parallel_loop3A_175 = arith.index_cast %parallel_loop3A_135 : i32 to index
        %parallel_loop3A_176 = arith.constant 80 : index
        %parallel_loop3A_177 = tpu.vector_load %arg17[%parallel_loop3A_175, %parallel_loop3A_176] {strides = array<i32>} : memref<80x128xf32, #tpu.memory_space<vmem>>, vector<16xf32>,
        tpu.vector_store %arg17[%parallel_loop3A_175, %parallel_loop3A_176], %parallel_loop3A_174 {strides = array<i32>} : memref<80x128xf32, #tpu.memory_space<vmem>>, vector<16xf32>,
        %parallel_loop3A_178 = arith.index_cast %parallel_loop3A_135 : i32 to index
        %parallel_loop3A_179 = arith.constant 96 : index
        %parallel_loop3A_180 = tpu.vector_load %arg15[%parallel_loop3A_178, %parallel_loop3A_179] {strides = array<i32>} : memref<80x128xbf16, #tpu.memory_space<vmem>>, vector<32xbf16>,
        %parallel_loop3A_181 = tpu.unpack_subelements %parallel_loop3A_180, 0 {pack_format = #tpu.pack_format<interleaved>} : vector<32xbf16> -> vector<16xf32>
        %parallel_loop3A_182 = tpu.unpack_subelements %parallel_loop3A_180, 1 {pack_format = #tpu.pack_format<interleaved>} : vector<32xbf16> -> vector<16xf32>
        %parallel_loop3A_183 = arith.mulf %parallel_loop3A_181, %parallel_loop3A_138 : vector<16xf32>
        %parallel_loop3A_184 = arith.index_cast %parallel_loop3A_135 : i32 to index
        %parallel_loop3A_185 = arith.constant 96 : index
        %parallel_loop3A_186 = tpu.vector_load %arg17[%parallel_loop3A_184, %parallel_loop3A_185] {strides = array<i32>} : memref<80x128xf32, #tpu.memory_space<vmem>>, vector<16xf32>,
        tpu.vector_store %arg17[%parallel_loop3A_184, %parallel_loop3A_185], %parallel_loop3A_183 {strides = array<i32>} : memref<80x128xf32, #tpu.memory_space<vmem>>, vector<16xf32>,
        %parallel_loop3A_187 = arith.mulf %parallel_loop3A_182, %parallel_loop3A_138 : vector<16xf32>
        %parallel_loop3A_188 = arith.index_cast %parallel_loop3A_135 : i32 to index
        %parallel_loop3A_189 = arith.constant 112 : index
        %parallel_loop3A_190 = tpu.vector_load %arg17[%parallel_loop3A_188, %parallel_loop3A_189] {strides = array<i32>} : memref<80x128xf32, #tpu.memory_space<vmem>>, vector<16xf32>,
        tpu.vector_store %arg17[%parallel_loop3A_188, %parallel_loop3A_189], %parallel_loop3A_187 {strides = array<i32>} : memref<80x128xf32, #tpu.memory_space<vmem>>, vector<16xf32>,
      } {sc.loop_unroll_factor = 4 : i64, sc.parallel_access}
      %dma_start3A_95 = arith.constant 0 : i32
      %dma_start3A_96 = arith.constant 0 : i32
      %dma_start3A_97 = tpu.memref_slice %arg7[%dma_start3A_95, %dma_start3A_96] : memref<10000x128xf32, #tpu.memory_space<vmem_shared>> -> memref<10000x128xf32, #tpu.memory_space<vmem_shared>>
      tpu.enqueue_indirect_dma source(%arg17 : memref<80x128xf32, #tpu.memory_space<vmem>>) target(%dma_start3A_97 : memref<10000x128xf32, #tpu.memory_space<vmem_shared>>) offsets(%arg13 : memref<80xi32, #tpu.memory_space<vmem>>) semaphore(%arg23 : memref<!tpu.dma_semaphore, #tpu.memory_space<semaphore_mem>>) {add = true}
      %dma_wait3A_98 = arith.constant 0 : i32
      %dma_wait3A_99 = arith.constant 0 : i32
      %dma_wait3A_100 = tpu.memref_slice %arg2[%dma_wait3A_98, %dma_wait3A_99] : memref<80000x128xbf16, #tpu.memory_space<hbm>> -> memref<80000x128xbf16, #tpu.memory_space<hbm>>
      tpu.wait_indirect_dma semaphore(%arg22 : memref<!tpu.dma_semaphore, #tpu.memory_space<semaphore_mem>>) src(%dma_wait3A_100 : memref<80000x128xbf16, #tpu.memory_space<hbm>>) dst(%arg16 : memref<80x128xbf16, #tpu.memory_space<vmem>>)
      %dma_wait3A_101 = arith.constant 0 : i32
      %dma_wait3A_102 = arith.constant 0 : i32
      %dma_wait3A_103 = tpu.memref_slice %arg4[%dma_wait3A_101, %dma_wait3A_102] : memref<81920x16xf32, #tpu.memory_space<hbm>> -> memref<81920x16xf32, #tpu.memory_space<hbm>>
      tpu.wait_indirect_dma semaphore(%arg22 : memref<!tpu.dma_semaphore, #tpu.memory_space<semaphore_mem>>) src(%dma_wait3A_103 : memref<81920x16xf32, #tpu.memory_space<hbm>>) dst(%arg20 : memref<80x16xf32, #tpu.memory_space<vmem>>)
      %parallel_loop3A_104 = arith.constant 0 : i32
      %parallel_loop3A_105 = arith.constant 80 : i32
      %parallel_loop3A_106 = arith.constant 1 : i32
      scf.for %parallel_loop3A_135 = %parallel_loop3A_104 to %parallel_loop3A_105 step %parallel_loop3A_106  : i32 {
        %parallel_loop3A_136 = arith.index_cast %parallel_loop3A_135 : i32 to index
        %parallel_loop3A_137 = arith.constant 0 : index
        %parallel_loop3A_138 = tpu.vector_load %arg20[%parallel_loop3A_136, %parallel_loop3A_137] {strides = array<i32>} : memref<80x16xf32, #tpu.memory_space<vmem>>, vector<16xf32>,
        %parallel_loop3A_139 = arith.index_cast %parallel_loop3A_135 : i32 to index
        %parallel_loop3A_140 = arith.constant 0 : index
        %parallel_loop3A_141 = tpu.vector_load %arg16[%parallel_loop3A_139, %parallel_loop3A_140] {strides = array<i32>} : memref<80x128xbf16, #tpu.memory_space<vmem>>, vector<32xbf16>,
        %parallel_loop3A_142 = tpu.unpack_subelements %parallel_loop3A_141, 0 {pack_format = #tpu.pack_format<interleaved>} : vector<32xbf16> -> vector<16xf32>
        %parallel_loop3A_143 = tpu.unpack_subelements %parallel_loop3A_141, 1 {pack_format = #tpu.pack_format<interleaved>} : vector<32xbf16> -> vector<16xf32>
        %parallel_loop3A_144 = arith.mulf %parallel_loop3A_142, %parallel_loop3A_138 : vector<16xf32>
        %parallel_loop3A_145 = arith.index_cast %parallel_loop3A_135 : i32 to index
        %parallel_loop3A_146 = arith.constant 0 : index
        %parallel_loop3A_147 = tpu.vector_load %arg18[%parallel_loop3A_145, %parallel_loop3A_146] {strides = array<i32>} : memref<80x128xf32, #tpu.memory_space<vmem>>, vector<16xf32>,
        tpu.vector_store %arg18[%parallel_loop3A_145, %parallel_loop3A_146], %parallel_loop3A_144 {strides = array<i32>} : memref<80x128xf32, #tpu.memory_space<vmem>>, vector<16xf32>,
        %parallel_loop3A_148 = arith.mulf %parallel_loop3A_143, %parallel_loop3A_138 : vector<16xf32>
        %parallel_loop3A_149 = arith.index_cast %parallel_loop3A_135 : i32 to index
        %parallel_loop3A_150 = arith.constant 16 : index
        %parallel_loop3A_151 = tpu.vector_load %arg18[%parallel_loop3A_149, %parallel_loop3A_150] {strides = array<i32>} : memref<80x128xf32, #tpu.memory_space<vmem>>, vector<16xf32>,
        tpu.vector_store %arg18[%parallel_loop3A_149, %parallel_loop3A_150], %parallel_loop3A_148 {strides = array<i32>} : memref<80x128xf32, #tpu.memory_space<vmem>>, vector<16xf32>,
        %parallel_loop3A_152 = arith.index_cast %parallel_loop3A_135 : i32 to index
        %parallel_loop3A_153 = arith.constant 32 : index
        %parallel_loop3A_154 = tpu.vector_load %arg16[%parallel_loop3A_152, %parallel_loop3A_153] {strides = array<i32>} : memref<80x128xbf16, #tpu.memory_space<vmem>>, vector<32xbf16>,
        %parallel_loop3A_155 = tpu.unpack_subelements %parallel_loop3A_154, 0 {pack_format = #tpu.pack_format<interleaved>} : vector<32xbf16> -> vector<16xf32>
        %parallel_loop3A_156 = tpu.unpack_subelements %parallel_loop3A_154, 1 {pack_format = #tpu.pack_format<interleaved>} : vector<32xbf16> -> vector<16xf32>
        %parallel_loop3A_157 = arith.mulf %parallel_loop3A_155, %parallel_loop3A_138 : vector<16xf32>
        %parallel_loop3A_158 = arith.index_cast %parallel_loop3A_135 : i32 to index
        %parallel_loop3A_159 = arith.constant 32 : index
        %parallel_loop3A_160 = tpu.vector_load %arg18[%parallel_loop3A_158, %parallel_loop3A_159] {strides = array<i32>} : memref<80x128xf32, #tpu.memory_space<vmem>>, vector<16xf32>,
        tpu.vector_store %arg18[%parallel_loop3A_158, %parallel_loop3A_159], %parallel_loop3A_157 {strides = array<i32>} : memref<80x128xf32, #tpu.memory_space<vmem>>, vector<16xf32>,
        %parallel_loop3A_161 = arith.mulf %parallel_loop3A_156, %parallel_loop3A_138 : vector<16xf32>
        %parallel_loop3A_162 = arith.index_cast %parallel_loop3A_135 : i32 to index
        %parallel_loop3A_163 = arith.constant 48 : index
        %parallel_loop3A_164 = tpu.vector_load %arg18[%parallel_loop3A_162, %parallel_loop3A_163] {strides = array<i32>} : memref<80x128xf32, #tpu.memory_space<vmem>>, vector<16xf32>,
        tpu.vector_store %arg18[%parallel_loop3A_162, %parallel_loop3A_163], %parallel_loop3A_161 {strides = array<i32>} : memref<80x128xf32, #tpu.memory_space<vmem>>, vector<16xf32>,
        %parallel_loop3A_165 = arith.index_cast %parallel_loop3A_135 : i32 to index
        %parallel_loop3A_166 = arith.constant 64 : index
        %parallel_loop3A_167 = tpu.vector_load %arg16[%parallel_loop3A_165, %parallel_loop3A_166] {strides = array<i32>} : memref<80x128xbf16, #tpu.memory_space<vmem>>, vector<32xbf16>,
        %parallel_loop3A_168 = tpu.unpack_subelements %parallel_loop3A_167, 0 {pack_format = #tpu.pack_format<interleaved>} : vector<32xbf16> -> vector<16xf32>
        %parallel_loop3A_169 = tpu.unpack_subelements %parallel_loop3A_167, 1 {pack_format = #tpu.pack_format<interleaved>} : vector<32xbf16> -> vector<16xf32>
        %parallel_loop3A_170 = arith.mulf %parallel_loop3A_168, %parallel_loop3A_138 : vector<16xf32>
        %parallel_loop3A_171 = arith.index_cast %parallel_loop3A_135 : i32 to index
        %parallel_loop3A_172 = arith.constant 64 : index
        %parallel_loop3A_173 = tpu.vector_load %arg18[%parallel_loop3A_171, %parallel_loop3A_172] {strides = array<i32>} : memref<80x128xf32, #tpu.memory_space<vmem>>, vector<16xf32>,
        tpu.vector_store %arg18[%parallel_loop3A_171, %parallel_loop3A_172], %parallel_loop3A_170 {strides = array<i32>} : memref<80x128xf32, #tpu.memory_space<vmem>>, vector<16xf32>,
        %parallel_loop3A_174 = arith.mulf %parallel_loop3A_169, %parallel_loop3A_138 : vector<16xf32>
        %parallel_loop3A_175 = arith.index_cast %parallel_loop3A_135 : i32 to index
        %parallel_loop3A_176 = arith.constant 80 : index
        %parallel_loop3A_177 = tpu.vector_load %arg18[%parallel_loop3A_175, %parallel_loop3A_176] {strides = array<i32>} : memref<80x128xf32, #tpu.memory_space<vmem>>, vector<16xf32>,
        tpu.vector_store %arg18[%parallel_loop3A_175, %parallel_loop3A_176], %parallel_loop3A_174 {strides = array<i32>} : memref<80x128xf32, #tpu.memory_space<vmem>>, vector<16xf32>,
        %parallel_loop3A_178 = arith.index_cast %parallel_loop3A_135 : i32 to index
        %parallel_loop3A_179 = arith.constant 96 : index
        %parallel_loop3A_180 = tpu.vector_load %arg16[%parallel_loop3A_178, %parallel_loop3A_179] {strides = array<i32>} : memref<80x128xbf16, #tpu.memory_space<vmem>>, vector<32xbf16>,
        %parallel_loop3A_181 = tpu.unpack_subelements %parallel_loop3A_180, 0 {pack_format = #tpu.pack_format<interleaved>} : vector<32xbf16> -> vector<16xf32>
        %parallel_loop3A_182 = tpu.unpack_subelements %parallel_loop3A_180, 1 {pack_format = #tpu.pack_format<interleaved>} : vector<32xbf16> -> vector<16xf32>
        %parallel_loop3A_183 = arith.mulf %parallel_loop3A_181, %parallel_loop3A_138 : vector<16xf32>
        %parallel_loop3A_184 = arith.index_cast %parallel_loop3A_135 : i32 to index
        %parallel_loop3A_185 = arith.constant 96 : index
        %parallel_loop3A_186 = tpu.vector_load %arg18[%parallel_loop3A_184, %parallel_loop3A_185] {strides = array<i32>} : memref<80x128xf32, #tpu.memory_space<vmem>>, vector<16xf32>,
        tpu.vector_store %arg18[%parallel_loop3A_184, %parallel_loop3A_185], %parallel_loop3A_183 {strides = array<i32>} : memref<80x128xf32, #tpu.memory_space<vmem>>, vector<16xf32>,
        %parallel_loop3A_187 = arith.mulf %parallel_loop3A_182, %parallel_loop3A_138 : vector<16xf32>
        %parallel_loop3A_188 = arith.index_cast %parallel_loop3A_135 : i32 to index
        %parallel_loop3A_189 = arith.constant 112 : index
        %parallel_loop3A_190 = tpu.vector_load %arg18[%parallel_loop3A_188, %parallel_loop3A_189] {strides = array<i32>} : memref<80x128xf32, #tpu.memory_space<vmem>>, vector<16xf32>,
        tpu.vector_store %arg18[%parallel_loop3A_188, %parallel_loop3A_189], %parallel_loop3A_187 {strides = array<i32>} : memref<80x128xf32, #tpu.memory_space<vmem>>, vector<16xf32>,
      } {sc.loop_unroll_factor = 4 : i64, sc.parallel_access}
      %dma_start3A_107 = arith.constant 0 : i32
      %dma_start3A_108 = arith.constant 0 : i32
      %dma_start3A_109 = tpu.memref_slice %arg7[%dma_start3A_107, %dma_start3A_108] : memref<10000x128xf32, #tpu.memory_space<vmem_shared>> -> memref<10000x128xf32, #tpu.memory_space<vmem_shared>>
      tpu.enqueue_indirect_dma source(%arg18 : memref<80x128xf32, #tpu.memory_space<vmem>>) target(%dma_start3A_109 : memref<10000x128xf32, #tpu.memory_space<vmem_shared>>) offsets(%arg14 : memref<80xi32, #tpu.memory_space<vmem>>) semaphore(%arg24 : memref<!tpu.dma_semaphore, #tpu.memory_space<semaphore_mem>>) {add = true}
      %dma_wait3A_110 = arith.constant 0 : i32
      %dma_wait3A_111 = arith.constant 0 : i32
      %dma_wait3A_112 = tpu.memref_slice %arg7[%dma_wait3A_110, %dma_wait3A_111] : memref<10000x128xf32, #tpu.memory_space<vmem_shared>> -> memref<10000x128xf32, #tpu.memory_space<vmem_shared>>
      tpu.wait_indirect_dma semaphore(%arg23 : memref<!tpu.dma_semaphore, #tpu.memory_space<semaphore_mem>>) src(%arg17 : memref<80x128xf32, #tpu.memory_space<vmem>>) dst(%dma_wait3A_112 : memref<10000x128xf32, #tpu.memory_space<vmem_shared>>)
      %add3A_113 = arith.constant 2 : i32
      %add3A_114 = arith.addi %mul3A_85, %add3A_113 : i32
      %scan3A_115 = arith.constant 0 : i32
      %scan3A_116 = arith.constant 5 : i32
      %scan3A_117 = arith.addi %scan3A_115, %scan3A_116 : i32
      %scan3A_118 = arith.constant 1 : i32
      scf.for %scan3A_135 = %scan3A_115 to %scan3A_117 step %scan3A_118  : i32 {
        %mul3A_136 = arith.constant 1 : i32
        %mul3A_137 = arith.muli %scan3A_135, %mul3A_136 : i32
        %add3A_138 = arith.constant 0 : i32
        %add3A_139 = arith.addi %add3A_138, %mul3A_137 : i32
        %mul3A_140 = arith.constant 16 : i32
        %mul3A_141 = arith.muli %add3A_139, %mul3A_140 : i32
        %get3A = arith.index_cast %add3A_114 : i32 to index
        %get3A_142 = arith.index_cast %mul3A_141 : i32 to index
        %get3A_143 = tpu.vector_load %arg8[%get3A, %get3A_142] {strides = array<i32>} : memref<125x80xi32, #tpu.memory_space<vmem>>, vector<16xi32>,
        %and3A = arith.constant 16383 : i32
        %and3A_144 = vector.broadcast %and3A : i32 to vector<16xi32>
        %and3A_145 = arith.andi %get3A_143, %and3A_144 : vector<16xi32>
        %shift_right_arithmetic3A = arith.constant 14 : i32
        %shift_right_arithmetic3A_146 = vector.broadcast %shift_right_arithmetic3A : i32 to vector<16xi32>
        %shift_right_arithmetic3A_147 = arith.shrsi %get3A_143, %shift_right_arithmetic3A_146 : vector<16xi32>
        %convert_element_type3A_148 = arith.sitofp %shift_right_arithmetic3A_147 : vector<16xi32> to vector<16xf32>
        %add3A_149 = arith.constant 5.000000e-01 : f32
        %add3A_150 = vector.broadcast %add3A_149 : f32 to vector<16xf32>
        %add3A_151 = arith.addf %convert_element_type3A_148, %add3A_150 : vector<16xf32>
        %mul3A_152 = arith.constant 9.99999974E-5 : f32
        %mul3A_153 = vector.broadcast %mul3A_152 : f32 to vector<16xf32>
        %mul3A_154 = arith.mulf %add3A_151, %mul3A_153 : vector<16xf32>
        %convert_element_type3A_155 = arith.fptosi %mul3A_154 : vector<16xf32> to vector<16xi32>
        %mul3A_156 = arith.constant 16 : i32
        %mul3A_157 = arith.muli %add3A_139, %mul3A_156 : i32
        %swap3A = arith.index_cast %mul3A_157 : i32 to index
        %swap3A_158 = tpu.vector_load %arg9[%swap3A] {strides = array<i32>} : memref<80xi32, #tpu.memory_space<vmem>>, vector<16xi32>,
        tpu.vector_store %arg9[%swap3A], %shift_right_arithmetic3A_147 {strides = array<i32>} : memref<80xi32, #tpu.memory_space<vmem>>, vector<16xi32>,
        %mul3A_159 = arith.constant 16 : i32
        %mul3A_160 = arith.muli %add3A_139, %mul3A_159 : i32
        %swap3A_161 = arith.index_cast %mul3A_160 : i32 to index
        %swap3A_162 = tpu.vector_load %arg13[%swap3A_161] {strides = array<i32>} : memref<80xi32, #tpu.memory_space<vmem>>, vector<16xi32>,
        tpu.vector_store %arg13[%swap3A_161], %and3A_145 {strides = array<i32>} : memref<80xi32, #tpu.memory_space<vmem>>, vector<16xi32>,
        %mul3A_163 = arith.constant 10000 : i32
        %mul3A_164 = vector.broadcast %mul3A_163 : i32 to vector<16xi32>
        %mul3A_165 = arith.muli %convert_element_type3A_155, %mul3A_164 : vector<16xi32>
        %add3A_166 = arith.addi %mul3A_165, %and3A_145 : vector<16xi32>
        %mul3A_167 = arith.constant 16 : i32
        %mul3A_168 = arith.muli %add3A_139, %mul3A_167 : i32
        %swap3A_169 = arith.index_cast %mul3A_168 : i32 to index
        %swap3A_170 = tpu.vector_load %arg11[%swap3A_169] {strides = array<i32>} : memref<80xi32, #tpu.memory_space<vmem>>, vector<16xi32>,
        tpu.vector_store %arg11[%swap3A_169], %add3A_166 {strides = array<i32>} : memref<80xi32, #tpu.memory_space<vmem>>, vector<16xi32>,
      }
      %scan3A_119 = arith.constant 5 : i32
      %dma_start3A_120 = arith.constant 0 : i32
      %dma_start3A_121 = arith.constant 0 : i32
      %dma_start3A_122 = tpu.memref_slice %arg2[%dma_start3A_120, %dma_start3A_121] : memref<80000x128xbf16, #tpu.memory_space<hbm>> -> memref<80000x128xbf16, #tpu.memory_space<hbm>>
      tpu.enqueue_indirect_dma source(%dma_start3A_122 : memref<80000x128xbf16, #tpu.memory_space<hbm>>) target(%arg15 : memref<80x128xbf16, #tpu.memory_space<vmem>>) offsets(%arg9 : memref<80xi32, #tpu.memory_space<vmem>>) semaphore(%arg21 : memref<!tpu.dma_semaphore, #tpu.memory_space<semaphore_mem>>)
      %dma_start3A_123 = arith.constant 0 : i32
      %dma_start3A_124 = arith.constant 0 : i32
      %dma_start3A_125 = tpu.memref_slice %arg4[%dma_start3A_123, %dma_start3A_124] : memref<81920x16xf32, #tpu.memory_space<hbm>> -> memref<81920x16xf32, #tpu.memory_space<hbm>>
      tpu.enqueue_indirect_dma source(%dma_start3A_125 : memref<81920x16xf32, #tpu.memory_space<hbm>>) target(%arg19 : memref<80x16xf32, #tpu.memory_space<vmem>>) offsets(%arg11 : memref<80xi32, #tpu.memory_space<vmem>>) semaphore(%arg21 : memref<!tpu.dma_semaphore, #tpu.memory_space<semaphore_mem>>)
      %dma_wait3A_126 = arith.constant 0 : i32
      %dma_wait3A_127 = arith.constant 0 : i32
      %dma_wait3A_128 = tpu.memref_slice %arg7[%dma_wait3A_126, %dma_wait3A_127] : memref<10000x128xf32, #tpu.memory_space<vmem_shared>> -> memref<10000x128xf32, #tpu.memory_space<vmem_shared>>
      tpu.wait_indirect_dma semaphore(%arg24 : memref<!tpu.dma_semaphore, #tpu.memory_space<semaphore_mem>>) src(%arg18 : memref<80x128xf32, #tpu.memory_space<vmem>>) dst(%dma_wait3A_128 : memref<10000x128xf32, #tpu.memory_space<vmem_shared>>)
      %add3A_129 = arith.constant 3 : i32
      %add3A_130 = arith.addi %mul3A_85, %add3A_129 : i32
      %lt3A = arith.constant 125 : i32
      %lt3A_131 = arith.cmpi slt, %add3A_130, %lt3A : i32
      %convert_element_type3A_132 = arith.extui %lt3A_131 : i1 to i32
      %cond3A_133 = arith.constant 0 : i32
      %cond3A_134 = arith.cmpi ne, %convert_element_type3A_132, %cond3A_133 : i32
      scf.if %cond3A_134 {
        %add3A_135 = arith.constant 3 : i32
        %add3A_136 = arith.addi %mul3A_85, %add3A_135 : i32
        %scan3A_137 = arith.constant 0 : i32
        %scan3A_138 = arith.constant 5 : i32
        %scan3A_139 = arith.addi %scan3A_137, %scan3A_138 : i32
        %scan3A_140 = arith.constant 1 : i32
        scf.for %scan3A_148 = %scan3A_137 to %scan3A_139 step %scan3A_140  : i32 {
          %mul3A_149 = arith.constant 1 : i32
          %mul3A_150 = arith.muli %scan3A_148, %mul3A_149 : i32
          %add3A_151 = arith.constant 0 : i32
          %add3A_152 = arith.addi %add3A_151, %mul3A_150 : i32
          %mul3A_153 = arith.constant 16 : i32
          %mul3A_154 = arith.muli %add3A_152, %mul3A_153 : i32
          %get3A = arith.index_cast %add3A_136 : i32 to index
          %get3A_155 = arith.index_cast %mul3A_154 : i32 to index
          %get3A_156 = tpu.vector_load %arg8[%get3A, %get3A_155] {strides = array<i32>} : memref<125x80xi32, #tpu.memory_space<vmem>>, vector<16xi32>,
          %and3A = arith.constant 16383 : i32
          %and3A_157 = vector.broadcast %and3A : i32 to vector<16xi32>
          %and3A_158 = arith.andi %get3A_156, %and3A_157 : vector<16xi32>
          %shift_right_arithmetic3A = arith.constant 14 : i32
          %shift_right_arithmetic3A_159 = vector.broadcast %shift_right_arithmetic3A : i32 to vector<16xi32>
          %shift_right_arithmetic3A_160 = arith.shrsi %get3A_156, %shift_right_arithmetic3A_159 : vector<16xi32>
          %convert_element_type3A_161 = arith.sitofp %shift_right_arithmetic3A_160 : vector<16xi32> to vector<16xf32>
          %add3A_162 = arith.constant 5.000000e-01 : f32
          %add3A_163 = vector.broadcast %add3A_162 : f32 to vector<16xf32>
          %add3A_164 = arith.addf %convert_element_type3A_161, %add3A_163 : vector<16xf32>
          %mul3A_165 = arith.constant 9.99999974E-5 : f32
          %mul3A_166 = vector.broadcast %mul3A_165 : f32 to vector<16xf32>
          %mul3A_167 = arith.mulf %add3A_164, %mul3A_166 : vector<16xf32>
          %convert_element_type3A_168 = arith.fptosi %mul3A_167 : vector<16xf32> to vector<16xi32>
          %mul3A_169 = arith.constant 16 : i32
          %mul3A_170 = arith.muli %add3A_152, %mul3A_169 : i32
          %swap3A = arith.index_cast %mul3A_170 : i32 to index
          %swap3A_171 = tpu.vector_load %arg10[%swap3A] {strides = array<i32>} : memref<80xi32, #tpu.memory_space<vmem>>, vector<16xi32>,
          tpu.vector_store %arg10[%swap3A], %shift_right_arithmetic3A_160 {strides = array<i32>} : memref<80xi32, #tpu.memory_space<vmem>>, vector<16xi32>,
          %mul3A_172 = arith.constant 16 : i32
          %mul3A_173 = arith.muli %add3A_152, %mul3A_172 : i32
          %swap3A_174 = arith.index_cast %mul3A_173 : i32 to index
          %swap3A_175 = tpu.vector_load %arg14[%swap3A_174] {strides = array<i32>} : memref<80xi32, #tpu.memory_space<vmem>>, vector<16xi32>,
          tpu.vector_store %arg14[%swap3A_174], %and3A_158 {strides = array<i32>} : memref<80xi32, #tpu.memory_space<vmem>>, vector<16xi32>,
          %mul3A_176 = arith.constant 10000 : i32
          %mul3A_177 = vector.broadcast %mul3A_176 : i32 to vector<16xi32>
          %mul3A_178 = arith.muli %convert_element_type3A_168, %mul3A_177 : vector<16xi32>
          %add3A_179 = arith.addi %mul3A_178, %and3A_158 : vector<16xi32>
          %mul3A_180 = arith.constant 16 : i32
          %mul3A_181 = arith.muli %add3A_152, %mul3A_180 : i32
          %swap3A_182 = arith.index_cast %mul3A_181 : i32 to index
          %swap3A_183 = tpu.vector_load %arg12[%swap3A_182] {strides = array<i32>} : memref<80xi32, #tpu.memory_space<vmem>>, vector<16xi32>,
          tpu.vector_store %arg12[%swap3A_182], %add3A_179 {strides = array<i32>} : memref<80xi32, #tpu.memory_space<vmem>>, vector<16xi32>,
        }
        %scan3A_141 = arith.constant 5 : i32
        %dma_start3A_142 = arith.constant 0 : i32
        %dma_start3A_143 = arith.constant 0 : i32
        %dma_start3A_144 = tpu.memref_slice %arg2[%dma_start3A_142, %dma_start3A_143] : memref<80000x128xbf16, #tpu.memory_space<hbm>> -> memref<80000x128xbf16, #tpu.memory_space<hbm>>
        tpu.enqueue_indirect_dma source(%dma_start3A_144 : memref<80000x128xbf16, #tpu.memory_space<hbm>>) target(%arg16 : memref<80x128xbf16, #tpu.memory_space<vmem>>) offsets(%arg10 : memref<80xi32, #tpu.memory_space<vmem>>) semaphore(%arg22 : memref<!tpu.dma_semaphore, #tpu.memory_space<semaphore_mem>>)
        %dma_start3A_145 = arith.constant 0 : i32
        %dma_start3A_146 = arith.constant 0 : i32
        %dma_start3A_147 = tpu.memref_slice %arg4[%dma_start3A_145, %dma_start3A_146] : memref<81920x16xf32, #tpu.memory_space<hbm>> -> memref<81920x16xf32, #tpu.memory_space<hbm>>
        tpu.enqueue_indirect_dma source(%dma_start3A_147 : memref<81920x16xf32, #tpu.memory_space<hbm>>) target(%arg20 : memref<80x16xf32, #tpu.memory_space<vmem>>) offsets(%arg12 : memref<80xi32, #tpu.memory_space<vmem>>) semaphore(%arg22 : memref<!tpu.dma_semaphore, #tpu.memory_space<semaphore_mem>>)
      } else {
      }
    }
    %scan3A_63 = arith.constant 62 : i32
    %dma_wait3A = arith.constant 0 : i32
    %dma_wait3A_64 = arith.constant 0 : i32
    %dma_wait3A_65 = tpu.memref_slice %arg2[%dma_wait3A, %dma_wait3A_64] : memref<80000x128xbf16, #tpu.memory_space<hbm>> -> memref<80000x128xbf16, #tpu.memory_space<hbm>>
    tpu.wait_indirect_dma semaphore(%arg21 : memref<!tpu.dma_semaphore, #tpu.memory_space<semaphore_mem>>) src(%dma_wait3A_65 : memref<80000x128xbf16, #tpu.memory_space<hbm>>) dst(%arg15 : memref<80x128xbf16, #tpu.memory_space<vmem>>)
    %dma_wait3A_66 = arith.constant 0 : i32
    %dma_wait3A_67 = arith.constant 0 : i32
    %dma_wait3A_68 = tpu.memref_slice %arg4[%dma_wait3A_66, %dma_wait3A_67] : memref<81920x16xf32, #tpu.memory_space<hbm>> -> memref<81920x16xf32, #tpu.memory_space<hbm>>
    tpu.wait_indirect_dma semaphore(%arg21 : memref<!tpu.dma_semaphore, #tpu.memory_space<semaphore_mem>>) src(%dma_wait3A_68 : memref<81920x16xf32, #tpu.memory_space<hbm>>) dst(%arg19 : memref<80x16xf32, #tpu.memory_space<vmem>>)
    %parallel_loop3A = arith.constant 0 : i32
    %parallel_loop3A_69 = arith.constant 80 : i32
    %parallel_loop3A_70 = arith.constant 1 : i32
    scf.for %parallel_loop3A_79 = %parallel_loop3A to %parallel_loop3A_69 step %parallel_loop3A_70  : i32 {
      %parallel_loop3A_80 = arith.index_cast %parallel_loop3A_79 : i32 to index
      %parallel_loop3A_81 = arith.constant 0 : index
      %parallel_loop3A_82 = tpu.vector_load %arg19[%parallel_loop3A_80, %parallel_loop3A_81] {strides = array<i32>} : memref<80x16xf32, #tpu.memory_space<vmem>>, vector<16xf32>,
      %parallel_loop3A_83 = arith.index_cast %parallel_loop3A_79 : i32 to index
      %parallel_loop3A_84 = arith.constant 0 : index
      %parallel_loop3A_85 = tpu.vector_load %arg15[%parallel_loop3A_83, %parallel_loop3A_84] {strides = array<i32>} : memref<80x128xbf16, #tpu.memory_space<vmem>>, vector<32xbf16>,
      %parallel_loop3A_86 = tpu.unpack_subelements %parallel_loop3A_85, 0 {pack_format = #tpu.pack_format<interleaved>} : vector<32xbf16> -> vector<16xf32>
      %parallel_loop3A_87 = tpu.unpack_subelements %parallel_loop3A_85, 1 {pack_format = #tpu.pack_format<interleaved>} : vector<32xbf16> -> vector<16xf32>
      %parallel_loop3A_88 = arith.mulf %parallel_loop3A_86, %parallel_loop3A_82 : vector<16xf32>
      %parallel_loop3A_89 = arith.index_cast %parallel_loop3A_79 : i32 to index
      %parallel_loop3A_90 = arith.constant 0 : index
      %parallel_loop3A_91 = tpu.vector_load %arg17[%parallel_loop3A_89, %parallel_loop3A_90] {strides = array<i32>} : memref<80x128xf32, #tpu.memory_space<vmem>>, vector<16xf32>,
      tpu.vector_store %arg17[%parallel_loop3A_89, %parallel_loop3A_90], %parallel_loop3A_88 {strides = array<i32>} : memref<80x128xf32, #tpu.memory_space<vmem>>, vector<16xf32>,
      %parallel_loop3A_92 = arith.mulf %parallel_loop3A_87, %parallel_loop3A_82 : vector<16xf32>
      %parallel_loop3A_93 = arith.index_cast %parallel_loop3A_79 : i32 to index
      %parallel_loop3A_94 = arith.constant 16 : index
      %parallel_loop3A_95 = tpu.vector_load %arg17[%parallel_loop3A_93, %parallel_loop3A_94] {strides = array<i32>} : memref<80x128xf32, #tpu.memory_space<vmem>>, vector<16xf32>,
      tpu.vector_store %arg17[%parallel_loop3A_93, %parallel_loop3A_94], %parallel_loop3A_92 {strides = array<i32>} : memref<80x128xf32, #tpu.memory_space<vmem>>, vector<16xf32>,
      %parallel_loop3A_96 = arith.index_cast %parallel_loop3A_79 : i32 to index
      %parallel_loop3A_97 = arith.constant 32 : index
      %parallel_loop3A_98 = tpu.vector_load %arg15[%parallel_loop3A_96, %parallel_loop3A_97] {strides = array<i32>} : memref<80x128xbf16, #tpu.memory_space<vmem>>, vector<32xbf16>,
      %parallel_loop3A_99 = tpu.unpack_subelements %parallel_loop3A_98, 0 {pack_format = #tpu.pack_format<interleaved>} : vector<32xbf16> -> vector<16xf32>
      %parallel_loop3A_100 = tpu.unpack_subelements %parallel_loop3A_98, 1 {pack_format = #tpu.pack_format<interleaved>} : vector<32xbf16> -> vector<16xf32>
      %parallel_loop3A_101 = arith.mulf %parallel_loop3A_99, %parallel_loop3A_82 : vector<16xf32>
      %parallel_loop3A_102 = arith.index_cast %parallel_loop3A_79 : i32 to index
      %parallel_loop3A_103 = arith.constant 32 : index
      %parallel_loop3A_104 = tpu.vector_load %arg17[%parallel_loop3A_102, %parallel_loop3A_103] {strides = array<i32>} : memref<80x128xf32, #tpu.memory_space<vmem>>, vector<16xf32>,
      tpu.vector_store %arg17[%parallel_loop3A_102, %parallel_loop3A_103], %parallel_loop3A_101 {strides = array<i32>} : memref<80x128xf32, #tpu.memory_space<vmem>>, vector<16xf32>,
      %parallel_loop3A_105 = arith.mulf %parallel_loop3A_100, %parallel_loop3A_82 : vector<16xf32>
      %parallel_loop3A_106 = arith.index_cast %parallel_loop3A_79 : i32 to index
      %parallel_loop3A_107 = arith.constant 48 : index
      %parallel_loop3A_108 = tpu.vector_load %arg17[%parallel_loop3A_106, %parallel_loop3A_107] {strides = array<i32>} : memref<80x128xf32, #tpu.memory_space<vmem>>, vector<16xf32>,
      tpu.vector_store %arg17[%parallel_loop3A_106, %parallel_loop3A_107], %parallel_loop3A_105 {strides = array<i32>} : memref<80x128xf32, #tpu.memory_space<vmem>>, vector<16xf32>,
      %parallel_loop3A_109 = arith.index_cast %parallel_loop3A_79 : i32 to index
      %parallel_loop3A_110 = arith.constant 64 : index
      %parallel_loop3A_111 = tpu.vector_load %arg15[%parallel_loop3A_109, %parallel_loop3A_110] {strides = array<i32>} : memref<80x128xbf16, #tpu.memory_space<vmem>>, vector<32xbf16>,
      %parallel_loop3A_112 = tpu.unpack_subelements %parallel_loop3A_111, 0 {pack_format = #tpu.pack_format<interleaved>} : vector<32xbf16> -> vector<16xf32>
      %parallel_loop3A_113 = tpu.unpack_subelements %parallel_loop3A_111, 1 {pack_format = #tpu.pack_format<interleaved>} : vector<32xbf16> -> vector<16xf32>
      %parallel_loop3A_114 = arith.mulf %parallel_loop3A_112, %parallel_loop3A_82 : vector<16xf32>
      %parallel_loop3A_115 = arith.index_cast %parallel_loop3A_79 : i32 to index
      %parallel_loop3A_116 = arith.constant 64 : index
      %parallel_loop3A_117 = tpu.vector_load %arg17[%parallel_loop3A_115, %parallel_loop3A_116] {strides = array<i32>} : memref<80x128xf32, #tpu.memory_space<vmem>>, vector<16xf32>,
      tpu.vector_store %arg17[%parallel_loop3A_115, %parallel_loop3A_116], %parallel_loop3A_114 {strides = array<i32>} : memref<80x128xf32, #tpu.memory_space<vmem>>, vector<16xf32>,
      %parallel_loop3A_118 = arith.mulf %parallel_loop3A_113, %parallel_loop3A_82 : vector<16xf32>
      %parallel_loop3A_119 = arith.index_cast %parallel_loop3A_79 : i32 to index
      %parallel_loop3A_120 = arith.constant 80 : index
      %parallel_loop3A_121 = tpu.vector_load %arg17[%parallel_loop3A_119, %parallel_loop3A_120] {strides = array<i32>} : memref<80x128xf32, #tpu.memory_space<vmem>>, vector<16xf32>,
      tpu.vector_store %arg17[%parallel_loop3A_119, %parallel_loop3A_120], %parallel_loop3A_118 {strides = array<i32>} : memref<80x128xf32, #tpu.memory_space<vmem>>, vector<16xf32>,
      %parallel_loop3A_122 = arith.index_cast %parallel_loop3A_79 : i32 to index
      %parallel_loop3A_123 = arith.constant 96 : index
      %parallel_loop3A_124 = tpu.vector_load %arg15[%parallel_loop3A_122, %parallel_loop3A_123] {strides = array<i32>} : memref<80x128xbf16, #tpu.memory_space<vmem>>, vector<32xbf16>,
      %parallel_loop3A_125 = tpu.unpack_subelements %parallel_loop3A_124, 0 {pack_format = #tpu.pack_format<interleaved>} : vector<32xbf16> -> vector<16xf32>
      %parallel_loop3A_126 = tpu.unpack_subelements %parallel_loop3A_124, 1 {pack_format = #tpu.pack_format<interleaved>} : vector<32xbf16> -> vector<16xf32>
      %parallel_loop3A_127 = arith.mulf %parallel_loop3A_125, %parallel_loop3A_82 : vector<16xf32>
      %parallel_loop3A_128 = arith.index_cast %parallel_loop3A_79 : i32 to index
      %parallel_loop3A_129 = arith.constant 96 : index
      %parallel_loop3A_130 = tpu.vector_load %arg17[%parallel_loop3A_128, %parallel_loop3A_129] {strides = array<i32>} : memref<80x128xf32, #tpu.memory_space<vmem>>, vector<16xf32>,
      tpu.vector_store %arg17[%parallel_loop3A_128, %parallel_loop3A_129], %parallel_loop3A_127 {strides = array<i32>} : memref<80x128xf32, #tpu.memory_space<vmem>>, vector<16xf32>,
      %parallel_loop3A_131 = arith.mulf %parallel_loop3A_126, %parallel_loop3A_82 : vector<16xf32>
      %parallel_loop3A_132 = arith.index_cast %parallel_loop3A_79 : i32 to index
      %parallel_loop3A_133 = arith.constant 112 : index
      %parallel_loop3A_134 = tpu.vector_load %arg17[%parallel_loop3A_132, %parallel_loop3A_133] {strides = array<i32>} : memref<80x128xf32, #tpu.memory_space<vmem>>, vector<16xf32>,
      tpu.vector_store %arg17[%parallel_loop3A_132, %parallel_loop3A_133], %parallel_loop3A_131 {strides = array<i32>} : memref<80x128xf32, #tpu.memory_space<vmem>>, vector<16xf32>,
    } {sc.loop_unroll_factor = 4 : i64, sc.parallel_access}
    "tpu.region"() ({
      %run_scoped3A = tpu.sem_alloc : memref<!tpu.dma_semaphore, #tpu.memory_space<semaphore_mem>>
      %dma_start3A_79 = arith.constant 0 : i32
      %dma_start3A_80 = arith.constant 0 : i32
      %dma_start3A_81 = tpu.memref_slice %arg7[%dma_start3A_79, %dma_start3A_80] : memref<10000x128xf32, #tpu.memory_space<vmem_shared>> -> memref<10000x128xf32, #tpu.memory_space<vmem_shared>>
      tpu.enqueue_indirect_dma source(%arg17 : memref<80x128xf32, #tpu.memory_space<vmem>>) target(%dma_start3A_81 : memref<10000x128xf32, #tpu.memory_space<vmem_shared>>) offsets(%arg13 : memref<80xi32, #tpu.memory_space<vmem>>) semaphore(%run_scoped3A : memref<!tpu.dma_semaphore, #tpu.memory_space<semaphore_mem>>) {add = true}
      %dma_wait3A_82 = arith.constant 0 : i32
      %dma_wait3A_83 = arith.constant 0 : i32
      %dma_wait3A_84 = tpu.memref_slice %arg7[%dma_wait3A_82, %dma_wait3A_83] : memref<10000x128xf32, #tpu.memory_space<vmem_shared>> -> memref<10000x128xf32, #tpu.memory_space<vmem_shared>>
      tpu.wait_indirect_dma semaphore(%run_scoped3A : memref<!tpu.dma_semaphore, #tpu.memory_space<semaphore_mem>>) src(%arg17 : memref<80x128xf32, #tpu.memory_space<vmem>>) dst(%dma_wait3A_84 : memref<10000x128xf32, #tpu.memory_space<vmem_shared>>)
      tpu.yield
    }) : () -> ()
    %barrier3A_71 = arith.constant 0 : index
    tpu.barrier barrier_id(%barrier3A_71)
    %eq3A = arith.constant 0 : i32
    %eq3A_72 = arith.cmpi eq, %arg0, %eq3A : i32
    %convert_element_type3A = arith.extui %eq3A_72 : i1 to i32
    %cond3A = arith.constant 0 : i32
    %cond3A_73 = arith.cmpi ne, %convert_element_type3A, %cond3A : i32
    scf.if %cond3A_73 {
      %mul3A_79 = arith.constant 625 : i32
      %mul3A_80 = arith.muli %arg1, %mul3A_79 : i32
      %mul3A_81 = arith.constant 625 : i32
      %mul3A_82 = arith.muli %arg1, %mul3A_81 : i32
      "tpu.region"() ({
        %run_scoped3A = tpu.sem_alloc : memref<!tpu.dma_semaphore, #tpu.memory_space<semaphore_mem>>
        %dma_start3A_83 = arith.constant 0 : i32
        %dma_start3A_84 = tpu.memref_slice %arg5[%mul3A_82, %dma_start3A_83] : memref<10000x128xf32, #tpu.memory_space<hbm>> -> memref<625x128xf32, #tpu.memory_space<hbm>>
        %dma_start3A_85 = arith.constant 0 : i32
        %dma_start3A_86 = tpu.memref_slice %arg7[%mul3A_80, %dma_start3A_85] : memref<10000x128xf32, #tpu.memory_space<vmem_shared>> -> memref<625x128xf32, #tpu.memory_space<vmem_shared>>
        tpu.enqueue_dma source(%dma_start3A_86 : memref<625x128xf32, #tpu.memory_space<vmem_shared>>) target(%dma_start3A_84 : memref<625x128xf32, #tpu.memory_space<hbm>>) target_semaphore(%run_scoped3A : memref<!tpu.dma_semaphore, #tpu.memory_space<semaphore_mem>>)
        %dma_wait3A_87 = arith.constant 0 : i32
        %dma_wait3A_88 = tpu.memref_slice %arg5[%mul3A_82, %dma_wait3A_87] : memref<10000x128xf32, #tpu.memory_space<hbm>> -> memref<625x128xf32, #tpu.memory_space<hbm>>
        %dma_wait3A_89 = arith.constant 0 : i32
        %dma_wait3A_90 = tpu.memref_slice %arg7[%mul3A_80, %dma_wait3A_89] : memref<10000x128xf32, #tpu.memory_space<vmem_shared>> -> memref<625x128xf32, #tpu.memory_space<vmem_shared>>
        tpu.wait_dma2 semaphore(%run_scoped3A : memref<!tpu.dma_semaphore, #tpu.memory_space<semaphore_mem>>) src(%dma_wait3A_90 : memref<625x128xf32, #tpu.memory_space<vmem_shared>>) dst(%dma_wait3A_88 : memref<625x128xf32, #tpu.memory_space<hbm>>)
        tpu.yield
      }) : () -> ()
    } else {
    }
    %eq3A_74 = arith.constant 1 : i32
    %eq3A_75 = arith.cmpi eq, %arg0, %eq3A_74 : i32
    %convert_element_type3A_76 = arith.extui %eq3A_75 : i1 to i32
    %cond3A_77 = arith.constant 0 : i32
    %cond3A_78 = arith.cmpi ne, %convert_element_type3A_76, %cond3A_77 : i32
    scf.if %cond3A_78 {
      %mul3A_79 = arith.constant 625 : i32
      %mul3A_80 = arith.muli %arg1, %mul3A_79 : i32
      %mul3A_81 = arith.constant 625 : i32
      %mul3A_82 = arith.muli %arg1, %mul3A_81 : i32
      "tpu.region"() ({
        %run_scoped3A = tpu.sem_alloc : memref<!tpu.dma_semaphore, #tpu.memory_space<semaphore_mem>>
        %dma_start3A_83 = arith.constant 0 : i32
        %dma_start3A_84 = tpu.memref_slice %arg6[%mul3A_82, %dma_start3A_83] : memref<10000x128xf32, #tpu.memory_space<hbm>> -> memref<625x128xf32, #tpu.memory_space<hbm>>
        %dma_start3A_85 = arith.constant 0 : i32
        %dma_start3A_86 = tpu.memref_slice %arg7[%mul3A_80, %dma_start3A_85] : memref<10000x128xf32, #tpu.memory_space<vmem_shared>> -> memref<625x128xf32, #tpu.memory_space<vmem_shared>>
        tpu.enqueue_dma source(%dma_start3A_86 : memref<625x128xf32, #tpu.memory_space<vmem_shared>>) target(%dma_start3A_84 : memref<625x128xf32, #tpu.memory_space<hbm>>) target_semaphore(%run_scoped3A : memref<!tpu.dma_semaphore, #tpu.memory_space<semaphore_mem>>)
        %dma_wait3A_87 = arith.constant 0 : i32
        %dma_wait3A_88 = tpu.memref_slice %arg6[%mul3A_82, %dma_wait3A_87] : memref<10000x128xf32, #tpu.memory_space<hbm>> -> memref<625x128xf32, #tpu.memory_space<hbm>>
        %dma_wait3A_89 = arith.constant 0 : i32
        %dma_wait3A_90 = tpu.memref_slice %arg7[%mul3A_80, %dma_wait3A_89] : memref<10000x128xf32, #tpu.memory_space<vmem_shared>> -> memref<625x128xf32, #tpu.memory_space<vmem_shared>>
        tpu.wait_dma2 semaphore(%run_scoped3A : memref<!tpu.dma_semaphore, #tpu.memory_space<semaphore_mem>>) src(%dma_wait3A_90 : memref<625x128xf32, #tpu.memory_space<vmem_shared>>) dst(%dma_wait3A_88 : memref<625x128xf32, #tpu.memory_space<hbm>>)
        tpu.yield
      }) : () -> ()
    } else {
    }
    return
  }
}

#map = affine_map<(d0, d1) -> (0, 0, 0)>
#map1 = affine_map<(d0, d1) -> (0, 0)>
module attributes {stable_mosaic.version = 14 : i64} {
  func.func @_hist_weights(%arg0: i32, %arg1: i32, %arg2: memref<16x250x80xi32, #tpu.memory_space<hbm>>, %arg3: memref<81920x16xf32, #tpu.memory_space<hbm>>, %arg4: memref<81920xf32, #tpu.memory_space<vmem_shared>>, %arg5: memref<250x80xi32, #tpu.memory_space<vmem>>, %arg6: memref<80xf32, #tpu.memory_space<vmem>>, %arg7: memref<5120xf32, #tpu.memory_space<vmem>>, %arg8: memref<1024x16xf32, #tpu.memory_space<vmem>>, %arg9: memref<!tpu.dma_semaphore, #tpu.memory_space<semaphore_mem>>) attributes {dimension_semantics = [#tpu.dimension_semantics<core_parallel>, #tpu.dimension_semantics<subcore_parallel>], iteration_bounds = array<i64: 2, 16>, scalar_prefetch = 0 : i64, scratch_operands = 6 : i64, tpu.core_type = #tpu.core_type<sc_vector_subcore>, window_params = [{transform_indices = #map}, {transform_indices = #map1}]} {
    %eq3A = arith.constant 0 : i32
    %eq3A_0 = arith.cmpi eq, %arg0, %eq3A : i32
    %convert_element_type3A = arith.extui %eq3A_0 : i1 to i32
    %cond3A = arith.constant 0 : i32
    %cond3A_1 = arith.cmpi ne, %convert_element_type3A, %cond3A : i32
    scf.if %cond3A_1 {
      "tpu.region"() ({
        %run_scoped3A = tpu.sem_alloc : memref<!tpu.dma_semaphore, #tpu.memory_space<semaphore_mem>>
        %dma_start3A = arith.constant 0 : i32
        %dma_start3A_58 = arith.constant 0 : i32
        %dma_start3A_59 = tpu.memref_slice %arg2[%arg1, %dma_start3A, %dma_start3A_58] : memref<16x250x80xi32, #tpu.memory_space<hbm>> -> memref<1x250x80xi32, #tpu.memory_space<hbm>>
        %dma_start3A_60 = tpu.memref_squeeze %dma_start3A_59 : memref<1x250x80xi32, #tpu.memory_space<hbm>> -> memref<250x80xi32, #tpu.memory_space<hbm>>
        %dma_start3A_61 = arith.constant 0 : i32
        %dma_start3A_62 = arith.constant 0 : i32
        %dma_start3A_63 = tpu.memref_slice %arg2[%arg1, %dma_start3A_61, %dma_start3A_62] : memref<16x250x80xi32, #tpu.memory_space<hbm>> -> memref<1x250x80xi32, #tpu.memory_space<hbm>>
        %dma_start3A_64 = tpu.memref_squeeze %dma_start3A_63 : memref<1x250x80xi32, #tpu.memory_space<hbm>> -> memref<250x80xi32, #tpu.memory_space<hbm>>
        tpu.enqueue_dma source(%dma_start3A_64 : memref<250x80xi32, #tpu.memory_space<hbm>>) target(%arg5 : memref<250x80xi32, #tpu.memory_space<vmem>>) target_semaphore(%run_scoped3A : memref<!tpu.dma_semaphore, #tpu.memory_space<semaphore_mem>>)
        %dma_wait3A = arith.constant 0 : i32
        %dma_wait3A_65 = arith.constant 0 : i32
        %dma_wait3A_66 = tpu.memref_slice %arg2[%arg1, %dma_wait3A, %dma_wait3A_65] : memref<16x250x80xi32, #tpu.memory_space<hbm>> -> memref<1x250x80xi32, #tpu.memory_space<hbm>>
        %dma_wait3A_67 = tpu.memref_squeeze %dma_wait3A_66 : memref<1x250x80xi32, #tpu.memory_space<hbm>> -> memref<250x80xi32, #tpu.memory_space<hbm>>
        %dma_wait3A_68 = arith.constant 0 : i32
        %dma_wait3A_69 = arith.constant 0 : i32
        %dma_wait3A_70 = tpu.memref_slice %arg2[%arg1, %dma_wait3A_68, %dma_wait3A_69] : memref<16x250x80xi32, #tpu.memory_space<hbm>> -> memref<1x250x80xi32, #tpu.memory_space<hbm>>
        %dma_wait3A_71 = tpu.memref_squeeze %dma_wait3A_70 : memref<1x250x80xi32, #tpu.memory_space<hbm>> -> memref<250x80xi32, #tpu.memory_space<hbm>>
        tpu.wait_dma2 semaphore(%run_scoped3A : memref<!tpu.dma_semaphore, #tpu.memory_space<semaphore_mem>>) src(%dma_wait3A_71 : memref<250x80xi32, #tpu.memory_space<hbm>>) dst(%arg5 : memref<250x80xi32, #tpu.memory_space<vmem>>)
        tpu.yield
      }) : () -> ()
      %scan3A = arith.constant 0 : i32
      %scan3A_2 = arith.constant 320 : i32
      %scan3A_3 = arith.addi %scan3A, %scan3A_2 : i32
      %scan3A_4 = arith.constant 1 : i32
      scf.for %scan3A_58 = %scan3A to %scan3A_3 step %scan3A_4  : i32 {
        %mul3A_59 = arith.constant 1 : i32
        %mul3A_60 = arith.muli %scan3A_58, %mul3A_59 : i32
        %add3A_61 = arith.constant 0 : i32
        %add3A_62 = arith.addi %add3A_61, %mul3A_60 : i32
        %broadcast_in_dim3A = arith.constant 0.000000e+00 : f32
        %broadcast_in_dim3A_63 = vector.broadcast %broadcast_in_dim3A : f32 to vector<16xf32>
        %mul3A_64 = arith.constant 16 : i32
        %mul3A_65 = arith.muli %add3A_62, %mul3A_64 : i32
        %swap3A = arith.index_cast %mul3A_65 : i32 to index
        %swap3A_66 = tpu.vector_load %arg7[%swap3A] {strides = array<i32>} : memref<5120xf32, #tpu.memory_space<vmem>>, vector<16xf32>,
        tpu.vector_store %arg7[%swap3A], %broadcast_in_dim3A_63 {strides = array<i32>} : memref<5120xf32, #tpu.memory_space<vmem>>, vector<16xf32>,
      }
      %scan3A_5 = arith.constant 320 : i32
      %mul3A = arith.constant 5120 : i32
      %mul3A_6 = arith.muli %arg1, %mul3A : i32
      "tpu.region"() ({
        %run_scoped3A = tpu.sem_alloc : memref<!tpu.dma_semaphore, #tpu.memory_space<semaphore_mem>>
        %dma_start3A = tpu.memref_slice %arg4[%mul3A_6] : memref<81920xf32, #tpu.memory_space<vmem_shared>> -> memref<5120xf32, #tpu.memory_space<vmem_shared>>
        %dma_start3A_58 = tpu.memref_slice %arg4[%mul3A_6] : memref<81920xf32, #tpu.memory_space<vmem_shared>> -> memref<5120xf32, #tpu.memory_space<vmem_shared>>
        tpu.enqueue_dma source(%arg7 : memref<5120xf32, #tpu.memory_space<vmem>>) target(%dma_start3A_58 : memref<5120xf32, #tpu.memory_space<vmem_shared>>) target_semaphore(%run_scoped3A : memref<!tpu.dma_semaphore, #tpu.memory_space<semaphore_mem>>)
        %dma_wait3A = tpu.memref_slice %arg4[%mul3A_6] : memref<81920xf32, #tpu.memory_space<vmem_shared>> -> memref<5120xf32, #tpu.memory_space<vmem_shared>>
        %dma_wait3A_59 = tpu.memref_slice %arg4[%mul3A_6] : memref<81920xf32, #tpu.memory_space<vmem_shared>> -> memref<5120xf32, #tpu.memory_space<vmem_shared>>
        tpu.wait_dma2 semaphore(%run_scoped3A : memref<!tpu.dma_semaphore, #tpu.memory_space<semaphore_mem>>) src(%arg7 : memref<5120xf32, #tpu.memory_space<vmem>>) dst(%dma_wait3A_59 : memref<5120xf32, #tpu.memory_space<vmem_shared>>)
        tpu.yield
      }) : () -> ()
      %scan3A_7 = arith.constant 0 : i32
      %scan3A_8 = arith.constant 5 : i32
      %scan3A_9 = arith.addi %scan3A_7, %scan3A_8 : i32
      %scan3A_10 = arith.constant 1 : i32
      scf.for %scan3A_58 = %scan3A_7 to %scan3A_9 step %scan3A_10  : i32 {
        %mul3A_59 = arith.constant 1 : i32
        %mul3A_60 = arith.muli %scan3A_58, %mul3A_59 : i32
        %add3A_61 = arith.constant 0 : i32
        %add3A_62 = arith.addi %add3A_61, %mul3A_60 : i32
        %broadcast_in_dim3A = arith.constant 1.000000e+00 : f32
        %broadcast_in_dim3A_63 = vector.broadcast %broadcast_in_dim3A : f32 to vector<16xf32>
        %mul3A_64 = arith.constant 16 : i32
        %mul3A_65 = arith.muli %add3A_62, %mul3A_64 : i32
        %swap3A = arith.index_cast %mul3A_65 : i32 to index
        %swap3A_66 = tpu.vector_load %arg6[%swap3A] {strides = array<i32>} : memref<80xf32, #tpu.memory_space<vmem>>, vector<16xf32>,
        tpu.vector_store %arg6[%swap3A], %broadcast_in_dim3A_63 {strides = array<i32>} : memref<80xf32, #tpu.memory_space<vmem>>, vector<16xf32>,
      }
      %scan3A_11 = arith.constant 5 : i32
      %barrier3A = arith.constant 0 : index
      tpu.barrier barrier_id(%barrier3A)
      %scan3A_12 = arith.constant 0 : i32
      %scan3A_13 = arith.constant 25 : i32
      %scan3A_14 = arith.addi %scan3A_12, %scan3A_13 : i32
      %scan3A_15 = arith.constant 1 : i32
      scf.for %scan3A_58 = %scan3A_12 to %scan3A_14 step %scan3A_15  : i32 {
        %mul3A_59 = arith.constant 1 : i32
        %mul3A_60 = arith.muli %scan3A_58, %mul3A_59 : i32
        %add3A_61 = arith.constant 0 : i32
        %add3A_62 = arith.addi %add3A_61, %mul3A_60 : i32
        %mul3A_63 = arith.constant 10 : i32
        %mul3A_64 = arith.muli %add3A_62, %mul3A_63 : i32
        %add3A_65 = arith.constant 0 : i32
        %add3A_66 = arith.addi %mul3A_64, %add3A_65 : i32
        %dma_start3A = arith.constant 0 : i32
        %dma_start3A_67 = tpu.memref_slice %arg5[%add3A_66, %dma_start3A] : memref<250x80xi32, #tpu.memory_space<vmem>> -> memref<1x80xi32, #tpu.memory_space<vmem>>
        %dma_start3A_68 = tpu.memref_squeeze %dma_start3A_67 : memref<1x80xi32, #tpu.memory_space<vmem>> -> memref<80xi32, #tpu.memory_space<vmem>>
        %dma_start3A_69 = arith.constant 0 : i32
        %dma_start3A_70 = tpu.memref_slice %arg4[%dma_start3A_69] : memref<81920xf32, #tpu.memory_space<vmem_shared>> -> memref<81920xf32, #tpu.memory_space<vmem_shared>>
        tpu.enqueue_indirect_dma source(%arg6 : memref<80xf32, #tpu.memory_space<vmem>>) target(%dma_start3A_70 : memref<81920xf32, #tpu.memory_space<vmem_shared>>) offsets(%dma_start3A_68 : memref<80xi32, #tpu.memory_space<vmem>>) semaphore(%arg9 : memref<!tpu.dma_semaphore, #tpu.memory_space<semaphore_mem>>) {add = true}
        %mul3A_71 = arith.constant 10 : i32
        %mul3A_72 = arith.muli %add3A_62, %mul3A_71 : i32
        %add3A_73 = arith.constant 1 : i32
        %add3A_74 = arith.addi %mul3A_72, %add3A_73 : i32
        %dma_start3A_75 = arith.constant 0 : i32
        %dma_start3A_76 = tpu.memref_slice %arg5[%add3A_74, %dma_start3A_75] : memref<250x80xi32, #tpu.memory_space<vmem>> -> memref<1x80xi32, #tpu.memory_space<vmem>>
        %dma_start3A_77 = tpu.memref_squeeze %dma_start3A_76 : memref<1x80xi32, #tpu.memory_space<vmem>> -> memref<80xi32, #tpu.memory_space<vmem>>
        %dma_start3A_78 = arith.constant 0 : i32
        %dma_start3A_79 = tpu.memref_slice %arg4[%dma_start3A_78] : memref<81920xf32, #tpu.memory_space<vmem_shared>> -> memref<81920xf32, #tpu.memory_space<vmem_shared>>
        tpu.enqueue_indirect_dma source(%arg6 : memref<80xf32, #tpu.memory_space<vmem>>) target(%dma_start3A_79 : memref<81920xf32, #tpu.memory_space<vmem_shared>>) offsets(%dma_start3A_77 : memref<80xi32, #tpu.memory_space<vmem>>) semaphore(%arg9 : memref<!tpu.dma_semaphore, #tpu.memory_space<semaphore_mem>>) {add = true}
        %mul3A_80 = arith.constant 10 : i32
        %mul3A_81 = arith.muli %add3A_62, %mul3A_80 : i32
        %add3A_82 = arith.constant 2 : i32
        %add3A_83 = arith.addi %mul3A_81, %add3A_82 : i32
        %dma_start3A_84 = arith.constant 0 : i32
        %dma_start3A_85 = tpu.memref_slice %arg5[%add3A_83, %dma_start3A_84] : memref<250x80xi32, #tpu.memory_space<vmem>> -> memref<1x80xi32, #tpu.memory_space<vmem>>
        %dma_start3A_86 = tpu.memref_squeeze %dma_start3A_85 : memref<1x80xi32, #tpu.memory_space<vmem>> -> memref<80xi32, #tpu.memory_space<vmem>>
        %dma_start3A_87 = arith.constant 0 : i32
        %dma_start3A_88 = tpu.memref_slice %arg4[%dma_start3A_87] : memref<81920xf32, #tpu.memory_space<vmem_shared>> -> memref<81920xf32, #tpu.memory_space<vmem_shared>>
        tpu.enqueue_indirect_dma source(%arg6 : memref<80xf32, #tpu.memory_space<vmem>>) target(%dma_start3A_88 : memref<81920xf32, #tpu.memory_space<vmem_shared>>) offsets(%dma_start3A_86 : memref<80xi32, #tpu.memory_space<vmem>>) semaphore(%arg9 : memref<!tpu.dma_semaphore, #tpu.memory_space<semaphore_mem>>) {add = true}
        %mul3A_89 = arith.constant 10 : i32
        %mul3A_90 = arith.muli %add3A_62, %mul3A_89 : i32
        %add3A_91 = arith.constant 3 : i32
        %add3A_92 = arith.addi %mul3A_90, %add3A_91 : i32
        %dma_start3A_93 = arith.constant 0 : i32
        %dma_start3A_94 = tpu.memref_slice %arg5[%add3A_92, %dma_start3A_93] : memref<250x80xi32, #tpu.memory_space<vmem>> -> memref<1x80xi32, #tpu.memory_space<vmem>>
        %dma_start3A_95 = tpu.memref_squeeze %dma_start3A_94 : memref<1x80xi32, #tpu.memory_space<vmem>> -> memref<80xi32, #tpu.memory_space<vmem>>
        %dma_start3A_96 = arith.constant 0 : i32
        %dma_start3A_97 = tpu.memref_slice %arg4[%dma_start3A_96] : memref<81920xf32, #tpu.memory_space<vmem_shared>> -> memref<81920xf32, #tpu.memory_space<vmem_shared>>
        tpu.enqueue_indirect_dma source(%arg6 : memref<80xf32, #tpu.memory_space<vmem>>) target(%dma_start3A_97 : memref<81920xf32, #tpu.memory_space<vmem_shared>>) offsets(%dma_start3A_95 : memref<80xi32, #tpu.memory_space<vmem>>) semaphore(%arg9 : memref<!tpu.dma_semaphore, #tpu.memory_space<semaphore_mem>>) {add = true}
        %mul3A_98 = arith.constant 10 : i32
        %mul3A_99 = arith.muli %add3A_62, %mul3A_98 : i32
        %add3A_100 = arith.constant 4 : i32
        %add3A_101 = arith.addi %mul3A_99, %add3A_100 : i32
        %dma_start3A_102 = arith.constant 0 : i32
        %dma_start3A_103 = tpu.memref_slice %arg5[%add3A_101, %dma_start3A_102] : memref<250x80xi32, #tpu.memory_space<vmem>> -> memref<1x80xi32, #tpu.memory_space<vmem>>
        %dma_start3A_104 = tpu.memref_squeeze %dma_start3A_103 : memref<1x80xi32, #tpu.memory_space<vmem>> -> memref<80xi32, #tpu.memory_space<vmem>>
        %dma_start3A_105 = arith.constant 0 : i32
        %dma_start3A_106 = tpu.memref_slice %arg4[%dma_start3A_105] : memref<81920xf32, #tpu.memory_space<vmem_shared>> -> memref<81920xf32, #tpu.memory_space<vmem_shared>>
        tpu.enqueue_indirect_dma source(%arg6 : memref<80xf32, #tpu.memory_space<vmem>>) target(%dma_start3A_106 : memref<81920xf32, #tpu.memory_space<vmem_shared>>) offsets(%dma_start3A_104 : memref<80xi32, #tpu.memory_space<vmem>>) semaphore(%arg9 : memref<!tpu.dma_semaphore, #tpu.memory_space<semaphore_mem>>) {add = true}
        %mul3A_107 = arith.constant 10 : i32
        %mul3A_108 = arith.muli %add3A_62, %mul3A_107 : i32
        %add3A_109 = arith.constant 5 : i32
        %add3A_110 = arith.addi %mul3A_108, %add3A_109 : i32
        %dma_start3A_111 = arith.constant 0 : i32
        %dma_start3A_112 = tpu.memref_slice %arg5[%add3A_110, %dma_start3A_111] : memref<250x80xi32, #tpu.memory_space<vmem>> -> memref<1x80xi32, #tpu.memory_space<vmem>>
        %dma_start3A_113 = tpu.memref_squeeze %dma_start3A_112 : memref<1x80xi32, #tpu.memory_space<vmem>> -> memref<80xi32, #tpu.memory_space<vmem>>
        %dma_start3A_114 = arith.constant 0 : i32
        %dma_start3A_115 = tpu.memref_slice %arg4[%dma_start3A_114] : memref<81920xf32, #tpu.memory_space<vmem_shared>> -> memref<81920xf32, #tpu.memory_space<vmem_shared>>
        tpu.enqueue_indirect_dma source(%arg6 : memref<80xf32, #tpu.memory_space<vmem>>) target(%dma_start3A_115 : memref<81920xf32, #tpu.memory_space<vmem_shared>>) offsets(%dma_start3A_113 : memref<80xi32, #tpu.memory_space<vmem>>) semaphore(%arg9 : memref<!tpu.dma_semaphore, #tpu.memory_space<semaphore_mem>>) {add = true}
        %mul3A_116 = arith.constant 10 : i32
        %mul3A_117 = arith.muli %add3A_62, %mul3A_116 : i32
        %add3A_118 = arith.constant 6 : i32
        %add3A_119 = arith.addi %mul3A_117, %add3A_118 : i32
        %dma_start3A_120 = arith.constant 0 : i32
        %dma_start3A_121 = tpu.memref_slice %arg5[%add3A_119, %dma_start3A_120] : memref<250x80xi32, #tpu.memory_space<vmem>> -> memref<1x80xi32, #tpu.memory_space<vmem>>
        %dma_start3A_122 = tpu.memref_squeeze %dma_start3A_121 : memref<1x80xi32, #tpu.memory_space<vmem>> -> memref<80xi32, #tpu.memory_space<vmem>>
        %dma_start3A_123 = arith.constant 0 : i32
        %dma_start3A_124 = tpu.memref_slice %arg4[%dma_start3A_123] : memref<81920xf32, #tpu.memory_space<vmem_shared>> -> memref<81920xf32, #tpu.memory_space<vmem_shared>>
        tpu.enqueue_indirect_dma source(%arg6 : memref<80xf32, #tpu.memory_space<vmem>>) target(%dma_start3A_124 : memref<81920xf32, #tpu.memory_space<vmem_shared>>) offsets(%dma_start3A_122 : memref<80xi32, #tpu.memory_space<vmem>>) semaphore(%arg9 : memref<!tpu.dma_semaphore, #tpu.memory_space<semaphore_mem>>) {add = true}
        %mul3A_125 = arith.constant 10 : i32
        %mul3A_126 = arith.muli %add3A_62, %mul3A_125 : i32
        %add3A_127 = arith.constant 7 : i32
        %add3A_128 = arith.addi %mul3A_126, %add3A_127 : i32
        %dma_start3A_129 = arith.constant 0 : i32
        %dma_start3A_130 = tpu.memref_slice %arg5[%add3A_128, %dma_start3A_129] : memref<250x80xi32, #tpu.memory_space<vmem>> -> memref<1x80xi32, #tpu.memory_space<vmem>>
        %dma_start3A_131 = tpu.memref_squeeze %dma_start3A_130 : memref<1x80xi32, #tpu.memory_space<vmem>> -> memref<80xi32, #tpu.memory_space<vmem>>
        %dma_start3A_132 = arith.constant 0 : i32
        %dma_start3A_133 = tpu.memref_slice %arg4[%dma_start3A_132] : memref<81920xf32, #tpu.memory_space<vmem_shared>> -> memref<81920xf32, #tpu.memory_space<vmem_shared>>
        tpu.enqueue_indirect_dma source(%arg6 : memref<80xf32, #tpu.memory_space<vmem>>) target(%dma_start3A_133 : memref<81920xf32, #tpu.memory_space<vmem_shared>>) offsets(%dma_start3A_131 : memref<80xi32, #tpu.memory_space<vmem>>) semaphore(%arg9 : memref<!tpu.dma_semaphore, #tpu.memory_space<semaphore_mem>>) {add = true}
        %mul3A_134 = arith.constant 10 : i32
        %mul3A_135 = arith.muli %add3A_62, %mul3A_134 : i32
        %add3A_136 = arith.constant 8 : i32
        %add3A_137 = arith.addi %mul3A_135, %add3A_136 : i32
        %dma_start3A_138 = arith.constant 0 : i32
        %dma_start3A_139 = tpu.memref_slice %arg5[%add3A_137, %dma_start3A_138] : memref<250x80xi32, #tpu.memory_space<vmem>> -> memref<1x80xi32, #tpu.memory_space<vmem>>
        %dma_start3A_140 = tpu.memref_squeeze %dma_start3A_139 : memref<1x80xi32, #tpu.memory_space<vmem>> -> memref<80xi32, #tpu.memory_space<vmem>>
        %dma_start3A_141 = arith.constant 0 : i32
        %dma_start3A_142 = tpu.memref_slice %arg4[%dma_start3A_141] : memref<81920xf32, #tpu.memory_space<vmem_shared>> -> memref<81920xf32, #tpu.memory_space<vmem_shared>>
        tpu.enqueue_indirect_dma source(%arg6 : memref<80xf32, #tpu.memory_space<vmem>>) target(%dma_start3A_142 : memref<81920xf32, #tpu.memory_space<vmem_shared>>) offsets(%dma_start3A_140 : memref<80xi32, #tpu.memory_space<vmem>>) semaphore(%arg9 : memref<!tpu.dma_semaphore, #tpu.memory_space<semaphore_mem>>) {add = true}
        %mul3A_143 = arith.constant 10 : i32
        %mul3A_144 = arith.muli %add3A_62, %mul3A_143 : i32
        %add3A_145 = arith.constant 9 : i32
        %add3A_146 = arith.addi %mul3A_144, %add3A_145 : i32
        %dma_start3A_147 = arith.constant 0 : i32
        %dma_start3A_148 = tpu.memref_slice %arg5[%add3A_146, %dma_start3A_147] : memref<250x80xi32, #tpu.memory_space<vmem>> -> memref<1x80xi32, #tpu.memory_space<vmem>>
        %dma_start3A_149 = tpu.memref_squeeze %dma_start3A_148 : memref<1x80xi32, #tpu.memory_space<vmem>> -> memref<80xi32, #tpu.memory_space<vmem>>
        %dma_start3A_150 = arith.constant 0 : i32
        %dma_start3A_151 = tpu.memref_slice %arg4[%dma_start3A_150] : memref<81920xf32, #tpu.memory_space<vmem_shared>> -> memref<81920xf32, #tpu.memory_space<vmem_shared>>
        tpu.enqueue_indirect_dma source(%arg6 : memref<80xf32, #tpu.memory_space<vmem>>) target(%dma_start3A_151 : memref<81920xf32, #tpu.memory_space<vmem_shared>>) offsets(%dma_start3A_149 : memref<80xi32, #tpu.memory_space<vmem>>) semaphore(%arg9 : memref<!tpu.dma_semaphore, #tpu.memory_space<semaphore_mem>>) {add = true}
        %mul3A_152 = arith.constant 10 : i32
        %mul3A_153 = arith.muli %add3A_62, %mul3A_152 : i32
        %add3A_154 = arith.constant 0 : i32
        %add3A_155 = arith.addi %mul3A_153, %add3A_154 : i32
        %dma_wait3A = arith.constant 0 : i32
        %dma_wait3A_156 = tpu.memref_slice %arg5[%add3A_155, %dma_wait3A] : memref<250x80xi32, #tpu.memory_space<vmem>> -> memref<1x80xi32, #tpu.memory_space<vmem>>
        %dma_wait3A_157 = tpu.memref_squeeze %dma_wait3A_156 : memref<1x80xi32, #tpu.memory_space<vmem>> -> memref<80xi32, #tpu.memory_space<vmem>>
        %dma_wait3A_158 = arith.constant 0 : i32
        %dma_wait3A_159 = tpu.memref_slice %arg4[%dma_wait3A_158] : memref<81920xf32, #tpu.memory_space<vmem_shared>> -> memref<81920xf32, #tpu.memory_space<vmem_shared>>
        tpu.wait_indirect_dma semaphore(%arg9 : memref<!tpu.dma_semaphore, #tpu.memory_space<semaphore_mem>>) src(%arg6 : memref<80xf32, #tpu.memory_space<vmem>>) dst(%dma_wait3A_159 : memref<81920xf32, #tpu.memory_space<vmem_shared>>)
        %mul3A_160 = arith.constant 10 : i32
        %mul3A_161 = arith.muli %add3A_62, %mul3A_160 : i32
        %add3A_162 = arith.constant 1 : i32
        %add3A_163 = arith.addi %mul3A_161, %add3A_162 : i32
        %dma_wait3A_164 = arith.constant 0 : i32
        %dma_wait3A_165 = tpu.memref_slice %arg5[%add3A_163, %dma_wait3A_164] : memref<250x80xi32, #tpu.memory_space<vmem>> -> memref<1x80xi32, #tpu.memory_space<vmem>>
        %dma_wait3A_166 = tpu.memref_squeeze %dma_wait3A_165 : memref<1x80xi32, #tpu.memory_space<vmem>> -> memref<80xi32, #tpu.memory_space<vmem>>
        %dma_wait3A_167 = arith.constant 0 : i32
        %dma_wait3A_168 = tpu.memref_slice %arg4[%dma_wait3A_167] : memref<81920xf32, #tpu.memory_space<vmem_shared>> -> memref<81920xf32, #tpu.memory_space<vmem_shared>>
        tpu.wait_indirect_dma semaphore(%arg9 : memref<!tpu.dma_semaphore, #tpu.memory_space<semaphore_mem>>) src(%arg6 : memref<80xf32, #tpu.memory_space<vmem>>) dst(%dma_wait3A_168 : memref<81920xf32, #tpu.memory_space<vmem_shared>>)
        %mul3A_169 = arith.constant 10 : i32
        %mul3A_170 = arith.muli %add3A_62, %mul3A_169 : i32
        %add3A_171 = arith.constant 2 : i32
        %add3A_172 = arith.addi %mul3A_170, %add3A_171 : i32
        %dma_wait3A_173 = arith.constant 0 : i32
        %dma_wait3A_174 = tpu.memref_slice %arg5[%add3A_172, %dma_wait3A_173] : memref<250x80xi32, #tpu.memory_space<vmem>> -> memref<1x80xi32, #tpu.memory_space<vmem>>
        %dma_wait3A_175 = tpu.memref_squeeze %dma_wait3A_174 : memref<1x80xi32, #tpu.memory_space<vmem>> -> memref<80xi32, #tpu.memory_space<vmem>>
        %dma_wait3A_176 = arith.constant 0 : i32
        %dma_wait3A_177 = tpu.memref_slice %arg4[%dma_wait3A_176] : memref<81920xf32, #tpu.memory_space<vmem_shared>> -> memref<81920xf32, #tpu.memory_space<vmem_shared>>
        tpu.wait_indirect_dma semaphore(%arg9 : memref<!tpu.dma_semaphore, #tpu.memory_space<semaphore_mem>>) src(%arg6 : memref<80xf32, #tpu.memory_space<vmem>>) dst(%dma_wait3A_177 : memref<81920xf32, #tpu.memory_space<vmem_shared>>)
        %mul3A_178 = arith.constant 10 : i32
        %mul3A_179 = arith.muli %add3A_62, %mul3A_178 : i32
        %add3A_180 = arith.constant 3 : i32
        %add3A_181 = arith.addi %mul3A_179, %add3A_180 : i32
        %dma_wait3A_182 = arith.constant 0 : i32
        %dma_wait3A_183 = tpu.memref_slice %arg5[%add3A_181, %dma_wait3A_182] : memref<250x80xi32, #tpu.memory_space<vmem>> -> memref<1x80xi32, #tpu.memory_space<vmem>>
        %dma_wait3A_184 = tpu.memref_squeeze %dma_wait3A_183 : memref<1x80xi32, #tpu.memory_space<vmem>> -> memref<80xi32, #tpu.memory_space<vmem>>
        %dma_wait3A_185 = arith.constant 0 : i32
        %dma_wait3A_186 = tpu.memref_slice %arg4[%dma_wait3A_185] : memref<81920xf32, #tpu.memory_space<vmem_shared>> -> memref<81920xf32, #tpu.memory_space<vmem_shared>>
        tpu.wait_indirect_dma semaphore(%arg9 : memref<!tpu.dma_semaphore, #tpu.memory_space<semaphore_mem>>) src(%arg6 : memref<80xf32, #tpu.memory_space<vmem>>) dst(%dma_wait3A_186 : memref<81920xf32, #tpu.memory_space<vmem_shared>>)
        %mul3A_187 = arith.constant 10 : i32
        %mul3A_188 = arith.muli %add3A_62, %mul3A_187 : i32
        %add3A_189 = arith.constant 4 : i32
        %add3A_190 = arith.addi %mul3A_188, %add3A_189 : i32
        %dma_wait3A_191 = arith.constant 0 : i32
        %dma_wait3A_192 = tpu.memref_slice %arg5[%add3A_190, %dma_wait3A_191] : memref<250x80xi32, #tpu.memory_space<vmem>> -> memref<1x80xi32, #tpu.memory_space<vmem>>
        %dma_wait3A_193 = tpu.memref_squeeze %dma_wait3A_192 : memref<1x80xi32, #tpu.memory_space<vmem>> -> memref<80xi32, #tpu.memory_space<vmem>>
        %dma_wait3A_194 = arith.constant 0 : i32
        %dma_wait3A_195 = tpu.memref_slice %arg4[%dma_wait3A_194] : memref<81920xf32, #tpu.memory_space<vmem_shared>> -> memref<81920xf32, #tpu.memory_space<vmem_shared>>
        tpu.wait_indirect_dma semaphore(%arg9 : memref<!tpu.dma_semaphore, #tpu.memory_space<semaphore_mem>>) src(%arg6 : memref<80xf32, #tpu.memory_space<vmem>>) dst(%dma_wait3A_195 : memref<81920xf32, #tpu.memory_space<vmem_shared>>)
        %mul3A_196 = arith.constant 10 : i32
        %mul3A_197 = arith.muli %add3A_62, %mul3A_196 : i32
        %add3A_198 = arith.constant 5 : i32
        %add3A_199 = arith.addi %mul3A_197, %add3A_198 : i32
        %dma_wait3A_200 = arith.constant 0 : i32
        %dma_wait3A_201 = tpu.memref_slice %arg5[%add3A_199, %dma_wait3A_200] : memref<250x80xi32, #tpu.memory_space<vmem>> -> memref<1x80xi32, #tpu.memory_space<vmem>>
        %dma_wait3A_202 = tpu.memref_squeeze %dma_wait3A_201 : memref<1x80xi32, #tpu.memory_space<vmem>> -> memref<80xi32, #tpu.memory_space<vmem>>
        %dma_wait3A_203 = arith.constant 0 : i32
        %dma_wait3A_204 = tpu.memref_slice %arg4[%dma_wait3A_203] : memref<81920xf32, #tpu.memory_space<vmem_shared>> -> memref<81920xf32, #tpu.memory_space<vmem_shared>>
        tpu.wait_indirect_dma semaphore(%arg9 : memref<!tpu.dma_semaphore, #tpu.memory_space<semaphore_mem>>) src(%arg6 : memref<80xf32, #tpu.memory_space<vmem>>) dst(%dma_wait3A_204 : memref<81920xf32, #tpu.memory_space<vmem_shared>>)
        %mul3A_205 = arith.constant 10 : i32
        %mul3A_206 = arith.muli %add3A_62, %mul3A_205 : i32
        %add3A_207 = arith.constant 6 : i32
        %add3A_208 = arith.addi %mul3A_206, %add3A_207 : i32
        %dma_wait3A_209 = arith.constant 0 : i32
        %dma_wait3A_210 = tpu.memref_slice %arg5[%add3A_208, %dma_wait3A_209] : memref<250x80xi32, #tpu.memory_space<vmem>> -> memref<1x80xi32, #tpu.memory_space<vmem>>
        %dma_wait3A_211 = tpu.memref_squeeze %dma_wait3A_210 : memref<1x80xi32, #tpu.memory_space<vmem>> -> memref<80xi32, #tpu.memory_space<vmem>>
        %dma_wait3A_212 = arith.constant 0 : i32
        %dma_wait3A_213 = tpu.memref_slice %arg4[%dma_wait3A_212] : memref<81920xf32, #tpu.memory_space<vmem_shared>> -> memref<81920xf32, #tpu.memory_space<vmem_shared>>
        tpu.wait_indirect_dma semaphore(%arg9 : memref<!tpu.dma_semaphore, #tpu.memory_space<semaphore_mem>>) src(%arg6 : memref<80xf32, #tpu.memory_space<vmem>>) dst(%dma_wait3A_213 : memref<81920xf32, #tpu.memory_space<vmem_shared>>)
        %mul3A_214 = arith.constant 10 : i32
        %mul3A_215 = arith.muli %add3A_62, %mul3A_214 : i32
        %add3A_216 = arith.constant 7 : i32
        %add3A_217 = arith.addi %mul3A_215, %add3A_216 : i32
        %dma_wait3A_218 = arith.constant 0 : i32
        %dma_wait3A_219 = tpu.memref_slice %arg5[%add3A_217, %dma_wait3A_218] : memref<250x80xi32, #tpu.memory_space<vmem>> -> memref<1x80xi32, #tpu.memory_space<vmem>>
        %dma_wait3A_220 = tpu.memref_squeeze %dma_wait3A_219 : memref<1x80xi32, #tpu.memory_space<vmem>> -> memref<80xi32, #tpu.memory_space<vmem>>
        %dma_wait3A_221 = arith.constant 0 : i32
        %dma_wait3A_222 = tpu.memref_slice %arg4[%dma_wait3A_221] : memref<81920xf32, #tpu.memory_space<vmem_shared>> -> memref<81920xf32, #tpu.memory_space<vmem_shared>>
        tpu.wait_indirect_dma semaphore(%arg9 : memref<!tpu.dma_semaphore, #tpu.memory_space<semaphore_mem>>) src(%arg6 : memref<80xf32, #tpu.memory_space<vmem>>) dst(%dma_wait3A_222 : memref<81920xf32, #tpu.memory_space<vmem_shared>>)
        %mul3A_223 = arith.constant 10 : i32
        %mul3A_224 = arith.muli %add3A_62, %mul3A_223 : i32
        %add3A_225 = arith.constant 8 : i32
        %add3A_226 = arith.addi %mul3A_224, %add3A_225 : i32
        %dma_wait3A_227 = arith.constant 0 : i32
        %dma_wait3A_228 = tpu.memref_slice %arg5[%add3A_226, %dma_wait3A_227] : memref<250x80xi32, #tpu.memory_space<vmem>> -> memref<1x80xi32, #tpu.memory_space<vmem>>
        %dma_wait3A_229 = tpu.memref_squeeze %dma_wait3A_228 : memref<1x80xi32, #tpu.memory_space<vmem>> -> memref<80xi32, #tpu.memory_space<vmem>>
        %dma_wait3A_230 = arith.constant 0 : i32
        %dma_wait3A_231 = tpu.memref_slice %arg4[%dma_wait3A_230] : memref<81920xf32, #tpu.memory_space<vmem_shared>> -> memref<81920xf32, #tpu.memory_space<vmem_shared>>
        tpu.wait_indirect_dma semaphore(%arg9 : memref<!tpu.dma_semaphore, #tpu.memory_space<semaphore_mem>>) src(%arg6 : memref<80xf32, #tpu.memory_space<vmem>>) dst(%dma_wait3A_231 : memref<81920xf32, #tpu.memory_space<vmem_shared>>)
        %mul3A_232 = arith.constant 10 : i32
        %mul3A_233 = arith.muli %add3A_62, %mul3A_232 : i32
        %add3A_234 = arith.constant 9 : i32
        %add3A_235 = arith.addi %mul3A_233, %add3A_234 : i32
        %dma_wait3A_236 = arith.constant 0 : i32
        %dma_wait3A_237 = tpu.memref_slice %arg5[%add3A_235, %dma_wait3A_236] : memref<250x80xi32, #tpu.memory_space<vmem>> -> memref<1x80xi32, #tpu.memory_space<vmem>>
        %dma_wait3A_238 = tpu.memref_squeeze %dma_wait3A_237 : memref<1x80xi32, #tpu.memory_space<vmem>> -> memref<80xi32, #tpu.memory_space<vmem>>
        %dma_wait3A_239 = arith.constant 0 : i32
        %dma_wait3A_240 = tpu.memref_slice %arg4[%dma_wait3A_239] : memref<81920xf32, #tpu.memory_space<vmem_shared>> -> memref<81920xf32, #tpu.memory_space<vmem_shared>>
        tpu.wait_indirect_dma semaphore(%arg9 : memref<!tpu.dma_semaphore, #tpu.memory_space<semaphore_mem>>) src(%arg6 : memref<80xf32, #tpu.memory_space<vmem>>) dst(%dma_wait3A_240 : memref<81920xf32, #tpu.memory_space<vmem_shared>>)
      }
      %scan3A_16 = arith.constant 25 : i32
      %barrier3A_17 = arith.constant 0 : index
      tpu.barrier barrier_id(%barrier3A_17)
      %mul3A_18 = arith.constant 5120 : i32
      %mul3A_19 = arith.muli %arg1, %mul3A_18 : i32
      "tpu.region"() ({
        %run_scoped3A = tpu.sem_alloc : memref<!tpu.dma_semaphore, #tpu.memory_space<semaphore_mem>>
        %dma_start3A = tpu.memref_slice %arg4[%mul3A_19] : memref<81920xf32, #tpu.memory_space<vmem_shared>> -> memref<5120xf32, #tpu.memory_space<vmem_shared>>
        %dma_start3A_58 = tpu.memref_slice %arg4[%mul3A_19] : memref<81920xf32, #tpu.memory_space<vmem_shared>> -> memref<5120xf32, #tpu.memory_space<vmem_shared>>
        tpu.enqueue_dma source(%dma_start3A_58 : memref<5120xf32, #tpu.memory_space<vmem_shared>>) target(%arg7 : memref<5120xf32, #tpu.memory_space<vmem>>) target_semaphore(%run_scoped3A : memref<!tpu.dma_semaphore, #tpu.memory_space<semaphore_mem>>)
        %dma_wait3A = tpu.memref_slice %arg4[%mul3A_19] : memref<81920xf32, #tpu.memory_space<vmem_shared>> -> memref<5120xf32, #tpu.memory_space<vmem_shared>>
        %dma_wait3A_59 = tpu.memref_slice %arg4[%mul3A_19] : memref<81920xf32, #tpu.memory_space<vmem_shared>> -> memref<5120xf32, #tpu.memory_space<vmem_shared>>
        tpu.wait_dma2 semaphore(%run_scoped3A : memref<!tpu.dma_semaphore, #tpu.memory_space<semaphore_mem>>) src(%dma_wait3A_59 : memref<5120xf32, #tpu.memory_space<vmem_shared>>) dst(%arg7 : memref<5120xf32, #tpu.memory_space<vmem>>)
        tpu.yield
      }) : () -> ()
      %scan3A_20 = arith.constant 0 : i32
      %scan3A_21 = arith.constant 320 : i32
      %scan3A_22 = arith.addi %scan3A_20, %scan3A_21 : i32
      %scan3A_23 = arith.constant 1 : i32
      scf.for %scan3A_58 = %scan3A_20 to %scan3A_22 step %scan3A_23  : i32 {
        %mul3A_59 = arith.constant 1 : i32
        %mul3A_60 = arith.muli %scan3A_58, %mul3A_59 : i32
        %add3A_61 = arith.constant 0 : i32
        %add3A_62 = arith.addi %add3A_61, %mul3A_60 : i32
        %mul3A_63 = arith.constant 16 : i32
        %mul3A_64 = arith.muli %add3A_62, %mul3A_63 : i32
        %get3A = arith.index_cast %mul3A_64 : i32 to index
        %get3A_65 = tpu.vector_load %arg7[%get3A] {strides = array<i32>} : memref<5120xf32, #tpu.memory_space<vmem>>, vector<16xf32>,
        %max3A = arith.constant 1.000000e+00 : f32
        %max3A_66 = vector.broadcast %max3A : f32 to vector<16xf32>
        %max3A_67 = arith.maximumf %get3A_65, %max3A_66 : vector<16xf32>
        %div3A = arith.constant 1.000000e+00 : f32
        %div3A_68 = vector.broadcast %div3A : f32 to vector<16xf32>
        %div3A_69 = arith.divf %div3A_68, %max3A_67 : vector<16xf32>
        %mul3A_70 = arith.constant 16 : i32
        %mul3A_71 = arith.muli %add3A_62, %mul3A_70 : i32
        %swap3A = arith.index_cast %mul3A_71 : i32 to index
        %swap3A_72 = tpu.vector_load %arg7[%swap3A] {strides = array<i32>} : memref<5120xf32, #tpu.memory_space<vmem>>, vector<16xf32>,
        tpu.vector_store %arg7[%swap3A], %div3A_69 {strides = array<i32>} : memref<5120xf32, #tpu.memory_space<vmem>>, vector<16xf32>,
      }
      %scan3A_24 = arith.constant 320 : i32
      %parallel_loop3A = arith.constant 0 : i32
      %parallel_loop3A_25 = arith.constant 1024 : i32
      %parallel_loop3A_26 = arith.constant 1 : i32
      scf.for %parallel_loop3A_58 = %parallel_loop3A to %parallel_loop3A_25 step %parallel_loop3A_26  : i32 {
        %parallel_loop3A_59 = arith.constant 0 : i32
        %parallel_loop3A_60 = arith.addi %parallel_loop3A_59, %parallel_loop3A_58 : i32
        %parallel_loop3A_61 = vector.broadcast %parallel_loop3A_60 : i32 to vector<16xi32>
        %parallel_loop3A_62 = tpu.vector_load_idx %arg7[%parallel_loop3A_61] : memref<5120xf32, #tpu.memory_space<vmem>>[vector<16xi32>], vector<16xf32>,
        %parallel_loop3A_63 = arith.index_cast %parallel_loop3A_58 : i32 to index
        %parallel_loop3A_64 = arith.constant 0 : index
        %parallel_loop3A_65 = tpu.vector_load %arg8[%parallel_loop3A_63, %parallel_loop3A_64] {strides = array<i32>} : memref<1024x16xf32, #tpu.memory_space<vmem>>, vector<16xf32>,
        tpu.vector_store %arg8[%parallel_loop3A_63, %parallel_loop3A_64], %parallel_loop3A_62 {strides = array<i32>} : memref<1024x16xf32, #tpu.memory_space<vmem>>, vector<16xf32>,
      } {sc.loop_unroll_factor = 4 : i64, sc.parallel_access}
      %mul3A_27 = arith.constant 5120 : i32
      %mul3A_28 = arith.muli %arg1, %mul3A_27 : i32
      %add3A = arith.constant 0 : i32
      %add3A_29 = arith.addi %mul3A_28, %add3A : i32
      "tpu.region"() ({
        %run_scoped3A = tpu.sem_alloc : memref<!tpu.dma_semaphore, #tpu.memory_space<semaphore_mem>>
        %dma_start3A = arith.constant 0 : i32
        %dma_start3A_58 = tpu.memref_slice %arg3[%add3A_29, %dma_start3A] : memref<81920x16xf32, #tpu.memory_space<hbm>> -> memref<1024x16xf32, #tpu.memory_space<hbm>>
        %dma_start3A_59 = arith.constant 0 : i32
        %dma_start3A_60 = tpu.memref_slice %arg3[%add3A_29, %dma_start3A_59] : memref<81920x16xf32, #tpu.memory_space<hbm>> -> memref<1024x16xf32, #tpu.memory_space<hbm>>
        tpu.enqueue_dma source(%arg8 : memref<1024x16xf32, #tpu.memory_space<vmem>>) target(%dma_start3A_60 : memref<1024x16xf32, #tpu.memory_space<hbm>>) target_semaphore(%run_scoped3A : memref<!tpu.dma_semaphore, #tpu.memory_space<semaphore_mem>>)
        %dma_wait3A = arith.constant 0 : i32
        %dma_wait3A_61 = tpu.memref_slice %arg3[%add3A_29, %dma_wait3A] : memref<81920x16xf32, #tpu.memory_space<hbm>> -> memref<1024x16xf32, #tpu.memory_space<hbm>>
        %dma_wait3A_62 = arith.constant 0 : i32
        %dma_wait3A_63 = tpu.memref_slice %arg3[%add3A_29, %dma_wait3A_62] : memref<81920x16xf32, #tpu.memory_space<hbm>> -> memref<1024x16xf32, #tpu.memory_space<hbm>>
        tpu.wait_dma2 semaphore(%run_scoped3A : memref<!tpu.dma_semaphore, #tpu.memory_space<semaphore_mem>>) src(%arg8 : memref<1024x16xf32, #tpu.memory_space<vmem>>) dst(%dma_wait3A_63 : memref<1024x16xf32, #tpu.memory_space<hbm>>)
        tpu.yield
      }) : () -> ()
      %parallel_loop3A_30 = arith.constant 0 : i32
      %parallel_loop3A_31 = arith.constant 1024 : i32
      %parallel_loop3A_32 = arith.constant 1 : i32
      scf.for %parallel_loop3A_58 = %parallel_loop3A_30 to %parallel_loop3A_31 step %parallel_loop3A_32  : i32 {
        %parallel_loop3A_59 = arith.constant 1024 : i32
        %parallel_loop3A_60 = arith.addi %parallel_loop3A_59, %parallel_loop3A_58 : i32
        %parallel_loop3A_61 = vector.broadcast %parallel_loop3A_60 : i32 to vector<16xi32>
        %parallel_loop3A_62 = tpu.vector_load_idx %arg7[%parallel_loop3A_61] : memref<5120xf32, #tpu.memory_space<vmem>>[vector<16xi32>], vector<16xf32>,
        %parallel_loop3A_63 = arith.index_cast %parallel_loop3A_58 : i32 to index
        %parallel_loop3A_64 = arith.constant 0 : index
        %parallel_loop3A_65 = tpu.vector_load %arg8[%parallel_loop3A_63, %parallel_loop3A_64] {strides = array<i32>} : memref<1024x16xf32, #tpu.memory_space<vmem>>, vector<16xf32>,
        tpu.vector_store %arg8[%parallel_loop3A_63, %parallel_loop3A_64], %parallel_loop3A_62 {strides = array<i32>} : memref<1024x16xf32, #tpu.memory_space<vmem>>, vector<16xf32>,
      } {sc.loop_unroll_factor = 4 : i64, sc.parallel_access}
      %mul3A_33 = arith.constant 5120 : i32
      %mul3A_34 = arith.muli %arg1, %mul3A_33 : i32
      %add3A_35 = arith.constant 1024 : i32
      %add3A_36 = arith.addi %mul3A_34, %add3A_35 : i32
      "tpu.region"() ({
        %run_scoped3A = tpu.sem_alloc : memref<!tpu.dma_semaphore, #tpu.memory_space<semaphore_mem>>
        %dma_start3A = arith.constant 0 : i32
        %dma_start3A_58 = tpu.memref_slice %arg3[%add3A_36, %dma_start3A] : memref<81920x16xf32, #tpu.memory_space<hbm>> -> memref<1024x16xf32, #tpu.memory_space<hbm>>
        %dma_start3A_59 = arith.constant 0 : i32
        %dma_start3A_60 = tpu.memref_slice %arg3[%add3A_36, %dma_start3A_59] : memref<81920x16xf32, #tpu.memory_space<hbm>> -> memref<1024x16xf32, #tpu.memory_space<hbm>>
        tpu.enqueue_dma source(%arg8 : memref<1024x16xf32, #tpu.memory_space<vmem>>) target(%dma_start3A_60 : memref<1024x16xf32, #tpu.memory_space<hbm>>) target_semaphore(%run_scoped3A : memref<!tpu.dma_semaphore, #tpu.memory_space<semaphore_mem>>)
        %dma_wait3A = arith.constant 0 : i32
        %dma_wait3A_61 = tpu.memref_slice %arg3[%add3A_36, %dma_wait3A] : memref<81920x16xf32, #tpu.memory_space<hbm>> -> memref<1024x16xf32, #tpu.memory_space<hbm>>
        %dma_wait3A_62 = arith.constant 0 : i32
        %dma_wait3A_63 = tpu.memref_slice %arg3[%add3A_36, %dma_wait3A_62] : memref<81920x16xf32, #tpu.memory_space<hbm>> -> memref<1024x16xf32, #tpu.memory_space<hbm>>
        tpu.wait_dma2 semaphore(%run_scoped3A : memref<!tpu.dma_semaphore, #tpu.memory_space<semaphore_mem>>) src(%arg8 : memref<1024x16xf32, #tpu.memory_space<vmem>>) dst(%dma_wait3A_63 : memref<1024x16xf32, #tpu.memory_space<hbm>>)
        tpu.yield
      }) : () -> ()
      %parallel_loop3A_37 = arith.constant 0 : i32
      %parallel_loop3A_38 = arith.constant 1024 : i32
      %parallel_loop3A_39 = arith.constant 1 : i32
      scf.for %parallel_loop3A_58 = %parallel_loop3A_37 to %parallel_loop3A_38 step %parallel_loop3A_39  : i32 {
        %parallel_loop3A_59 = arith.constant 2048 : i32
        %parallel_loop3A_60 = arith.addi %parallel_loop3A_59, %parallel_loop3A_58 : i32
        %parallel_loop3A_61 = vector.broadcast %parallel_loop3A_60 : i32 to vector<16xi32>
        %parallel_loop3A_62 = tpu.vector_load_idx %arg7[%parallel_loop3A_61] : memref<5120xf32, #tpu.memory_space<vmem>>[vector<16xi32>], vector<16xf32>,
        %parallel_loop3A_63 = arith.index_cast %parallel_loop3A_58 : i32 to index
        %parallel_loop3A_64 = arith.constant 0 : index
        %parallel_loop3A_65 = tpu.vector_load %arg8[%parallel_loop3A_63, %parallel_loop3A_64] {strides = array<i32>} : memref<1024x16xf32, #tpu.memory_space<vmem>>, vector<16xf32>,
        tpu.vector_store %arg8[%parallel_loop3A_63, %parallel_loop3A_64], %parallel_loop3A_62 {strides = array<i32>} : memref<1024x16xf32, #tpu.memory_space<vmem>>, vector<16xf32>,
      } {sc.loop_unroll_factor = 4 : i64, sc.parallel_access}
      %mul3A_40 = arith.constant 5120 : i32
      %mul3A_41 = arith.muli %arg1, %mul3A_40 : i32
      %add3A_42 = arith.constant 2048 : i32
      %add3A_43 = arith.addi %mul3A_41, %add3A_42 : i32
      "tpu.region"() ({
        %run_scoped3A = tpu.sem_alloc : memref<!tpu.dma_semaphore, #tpu.memory_space<semaphore_mem>>
        %dma_start3A = arith.constant 0 : i32
        %dma_start3A_58 = tpu.memref_slice %arg3[%add3A_43, %dma_start3A] : memref<81920x16xf32, #tpu.memory_space<hbm>> -> memref<1024x16xf32, #tpu.memory_space<hbm>>
        %dma_start3A_59 = arith.constant 0 : i32
        %dma_start3A_60 = tpu.memref_slice %arg3[%add3A_43, %dma_start3A_59] : memref<81920x16xf32, #tpu.memory_space<hbm>> -> memref<1024x16xf32, #tpu.memory_space<hbm>>
        tpu.enqueue_dma source(%arg8 : memref<1024x16xf32, #tpu.memory_space<vmem>>) target(%dma_start3A_60 : memref<1024x16xf32, #tpu.memory_space<hbm>>) target_semaphore(%run_scoped3A : memref<!tpu.dma_semaphore, #tpu.memory_space<semaphore_mem>>)
        %dma_wait3A = arith.constant 0 : i32
        %dma_wait3A_61 = tpu.memref_slice %arg3[%add3A_43, %dma_wait3A] : memref<81920x16xf32, #tpu.memory_space<hbm>> -> memref<1024x16xf32, #tpu.memory_space<hbm>>
        %dma_wait3A_62 = arith.constant 0 : i32
        %dma_wait3A_63 = tpu.memref_slice %arg3[%add3A_43, %dma_wait3A_62] : memref<81920x16xf32, #tpu.memory_space<hbm>> -> memref<1024x16xf32, #tpu.memory_space<hbm>>
        tpu.wait_dma2 semaphore(%run_scoped3A : memref<!tpu.dma_semaphore, #tpu.memory_space<semaphore_mem>>) src(%arg8 : memref<1024x16xf32, #tpu.memory_space<vmem>>) dst(%dma_wait3A_63 : memref<1024x16xf32, #tpu.memory_space<hbm>>)
        tpu.yield
      }) : () -> ()
      %parallel_loop3A_44 = arith.constant 0 : i32
      %parallel_loop3A_45 = arith.constant 1024 : i32
      %parallel_loop3A_46 = arith.constant 1 : i32
      scf.for %parallel_loop3A_58 = %parallel_loop3A_44 to %parallel_loop3A_45 step %parallel_loop3A_46  : i32 {
        %parallel_loop3A_59 = arith.constant 3072 : i32
        %parallel_loop3A_60 = arith.addi %parallel_loop3A_59, %parallel_loop3A_58 : i32
        %parallel_loop3A_61 = vector.broadcast %parallel_loop3A_60 : i32 to vector<16xi32>
        %parallel_loop3A_62 = tpu.vector_load_idx %arg7[%parallel_loop3A_61] : memref<5120xf32, #tpu.memory_space<vmem>>[vector<16xi32>], vector<16xf32>,
        %parallel_loop3A_63 = arith.index_cast %parallel_loop3A_58 : i32 to index
        %parallel_loop3A_64 = arith.constant 0 : index
        %parallel_loop3A_65 = tpu.vector_load %arg8[%parallel_loop3A_63, %parallel_loop3A_64] {strides = array<i32>} : memref<1024x16xf32, #tpu.memory_space<vmem>>, vector<16xf32>,
        tpu.vector_store %arg8[%parallel_loop3A_63, %parallel_loop3A_64], %parallel_loop3A_62 {strides = array<i32>} : memref<1024x16xf32, #tpu.memory_space<vmem>>, vector<16xf32>,
      } {sc.loop_unroll_factor = 4 : i64, sc.parallel_access}
      %mul3A_47 = arith.constant 5120 : i32
      %mul3A_48 = arith.muli %arg1, %mul3A_47 : i32
      %add3A_49 = arith.constant 3072 : i32
      %add3A_50 = arith.addi %mul3A_48, %add3A_49 : i32
      "tpu.region"() ({
        %run_scoped3A = tpu.sem_alloc : memref<!tpu.dma_semaphore, #tpu.memory_space<semaphore_mem>>
        %dma_start3A = arith.constant 0 : i32
        %dma_start3A_58 = tpu.memref_slice %arg3[%add3A_50, %dma_start3A] : memref<81920x16xf32, #tpu.memory_space<hbm>> -> memref<1024x16xf32, #tpu.memory_space<hbm>>
        %dma_start3A_59 = arith.constant 0 : i32
        %dma_start3A_60 = tpu.memref_slice %arg3[%add3A_50, %dma_start3A_59] : memref<81920x16xf32, #tpu.memory_space<hbm>> -> memref<1024x16xf32, #tpu.memory_space<hbm>>
        tpu.enqueue_dma source(%arg8 : memref<1024x16xf32, #tpu.memory_space<vmem>>) target(%dma_start3A_60 : memref<1024x16xf32, #tpu.memory_space<hbm>>) target_semaphore(%run_scoped3A : memref<!tpu.dma_semaphore, #tpu.memory_space<semaphore_mem>>)
        %dma_wait3A = arith.constant 0 : i32
        %dma_wait3A_61 = tpu.memref_slice %arg3[%add3A_50, %dma_wait3A] : memref<81920x16xf32, #tpu.memory_space<hbm>> -> memref<1024x16xf32, #tpu.memory_space<hbm>>
        %dma_wait3A_62 = arith.constant 0 : i32
        %dma_wait3A_63 = tpu.memref_slice %arg3[%add3A_50, %dma_wait3A_62] : memref<81920x16xf32, #tpu.memory_space<hbm>> -> memref<1024x16xf32, #tpu.memory_space<hbm>>
        tpu.wait_dma2 semaphore(%run_scoped3A : memref<!tpu.dma_semaphore, #tpu.memory_space<semaphore_mem>>) src(%arg8 : memref<1024x16xf32, #tpu.memory_space<vmem>>) dst(%dma_wait3A_63 : memref<1024x16xf32, #tpu.memory_space<hbm>>)
        tpu.yield
      }) : () -> ()
      %parallel_loop3A_51 = arith.constant 0 : i32
      %parallel_loop3A_52 = arith.constant 1024 : i32
      %parallel_loop3A_53 = arith.constant 1 : i32
      scf.for %parallel_loop3A_58 = %parallel_loop3A_51 to %parallel_loop3A_52 step %parallel_loop3A_53  : i32 {
        %parallel_loop3A_59 = arith.constant 4096 : i32
        %parallel_loop3A_60 = arith.addi %parallel_loop3A_59, %parallel_loop3A_58 : i32
        %parallel_loop3A_61 = vector.broadcast %parallel_loop3A_60 : i32 to vector<16xi32>
        %parallel_loop3A_62 = tpu.vector_load_idx %arg7[%parallel_loop3A_61] : memref<5120xf32, #tpu.memory_space<vmem>>[vector<16xi32>], vector<16xf32>,
        %parallel_loop3A_63 = arith.index_cast %parallel_loop3A_58 : i32 to index
        %parallel_loop3A_64 = arith.constant 0 : index
        %parallel_loop3A_65 = tpu.vector_load %arg8[%parallel_loop3A_63, %parallel_loop3A_64] {strides = array<i32>} : memref<1024x16xf32, #tpu.memory_space<vmem>>, vector<16xf32>,
        tpu.vector_store %arg8[%parallel_loop3A_63, %parallel_loop3A_64], %parallel_loop3A_62 {strides = array<i32>} : memref<1024x16xf32, #tpu.memory_space<vmem>>, vector<16xf32>,
      } {sc.loop_unroll_factor = 4 : i64, sc.parallel_access}
      %mul3A_54 = arith.constant 5120 : i32
      %mul3A_55 = arith.muli %arg1, %mul3A_54 : i32
      %add3A_56 = arith.constant 4096 : i32
      %add3A_57 = arith.addi %mul3A_55, %add3A_56 : i32
      "tpu.region"() ({
        %run_scoped3A = tpu.sem_alloc : memref<!tpu.dma_semaphore, #tpu.memory_space<semaphore_mem>>
        %dma_start3A = arith.constant 0 : i32
        %dma_start3A_58 = tpu.memref_slice %arg3[%add3A_57, %dma_start3A] : memref<81920x16xf32, #tpu.memory_space<hbm>> -> memref<1024x16xf32, #tpu.memory_space<hbm>>
        %dma_start3A_59 = arith.constant 0 : i32
        %dma_start3A_60 = tpu.memref_slice %arg3[%add3A_57, %dma_start3A_59] : memref<81920x16xf32, #tpu.memory_space<hbm>> -> memref<1024x16xf32, #tpu.memory_space<hbm>>
        tpu.enqueue_dma source(%arg8 : memref<1024x16xf32, #tpu.memory_space<vmem>>) target(%dma_start3A_60 : memref<1024x16xf32, #tpu.memory_space<hbm>>) target_semaphore(%run_scoped3A : memref<!tpu.dma_semaphore, #tpu.memory_space<semaphore_mem>>)
        %dma_wait3A = arith.constant 0 : i32
        %dma_wait3A_61 = tpu.memref_slice %arg3[%add3A_57, %dma_wait3A] : memref<81920x16xf32, #tpu.memory_space<hbm>> -> memref<1024x16xf32, #tpu.memory_space<hbm>>
        %dma_wait3A_62 = arith.constant 0 : i32
        %dma_wait3A_63 = tpu.memref_slice %arg3[%add3A_57, %dma_wait3A_62] : memref<81920x16xf32, #tpu.memory_space<hbm>> -> memref<1024x16xf32, #tpu.memory_space<hbm>>
        tpu.wait_dma2 semaphore(%run_scoped3A : memref<!tpu.dma_semaphore, #tpu.memory_space<semaphore_mem>>) src(%arg8 : memref<1024x16xf32, #tpu.memory_space<vmem>>) dst(%dma_wait3A_63 : memref<1024x16xf32, #tpu.memory_space<hbm>>)
        tpu.yield
      }) : () -> ()
    } else {
    }
    return
  }
}

#map = affine_map<(d0, d1) -> (0, 0)>
#map1 = affine_map<(d0, d1) -> (0, 0, 0)>
module attributes {stable_mosaic.version = 14 : i64} {
  func.func @_agg(%arg0: i32, %arg1: i32, %arg2: memref<80000x128xbf16, #tpu.memory_space<hbm>>, %arg3: memref<32x125x80xi32, #tpu.memory_space<hbm>>, %arg4: memref<81920x16xf32, #tpu.memory_space<hbm>>, %arg5: memref<10000x128xf32, #tpu.memory_space<hbm>>, %arg6: memref<10000x128xf32, #tpu.memory_space<hbm>>, %arg7: memref<10000x128xf32, #tpu.memory_space<vmem_shared>>, %arg8: memref<125x80xi32, #tpu.memory_space<vmem>>, %arg9: memref<80xi32, #tpu.memory_space<vmem>>, %arg10: memref<80xi32, #tpu.memory_space<vmem>>, %arg11: memref<80xi32, #tpu.memory_space<vmem>>, %arg12: memref<80xi32, #tpu.memory_space<vmem>>, %arg13: memref<80xi32, #tpu.memory_space<vmem>>, %arg14: memref<80xi32, #tpu.memory_space<vmem>>, %arg15: memref<80x128xbf16, #tpu.memory_space<vmem>>, %arg16: memref<80x128xbf16, #tpu.memory_space<vmem>>, %arg17: memref<80x128xf32, #tpu.memory_space<vmem>>, %arg18: memref<80x128xf32, #tpu.memory_space<vmem>>, %arg19: memref<80x16xf32, #tpu.memory_space<vmem>>, %arg20: memref<80x16xf32, #tpu.memory_space<vmem>>, %arg21: memref<!tpu.dma_semaphore, #tpu.memory_space<semaphore_mem>>, %arg22: memref<!tpu.dma_semaphore, #tpu.memory_space<semaphore_mem>>, %arg23: memref<!tpu.dma_semaphore, #tpu.memory_space<semaphore_mem>>, %arg24: memref<!tpu.dma_semaphore, #tpu.memory_space<semaphore_mem>>) attributes {dimension_semantics = [#tpu.dimension_semantics<core_parallel>, #tpu.dimension_semantics<subcore_parallel>], iteration_bounds = array<i64: 2, 16>, scalar_prefetch = 0 : i64, scratch_operands = 18 : i64, tpu.core_type = #tpu.core_type<sc_vector_subcore>, window_params = [{transform_indices = #map}, {transform_indices = #map1}, {transform_indices = #map}, {transform_indices = #map}, {transform_indices = #map}]} {
    %mul3A = arith.constant 16 : i32
    %mul3A_0 = arith.muli %arg0, %mul3A : i32
    %add3A = arith.addi %mul3A_0, %arg1 : i32
    "tpu.region"() ({
      %run_scoped3A = tpu.sem_alloc : memref<!tpu.dma_semaphore, #tpu.memory_space<semaphore_mem>>
      %dma_start3A_79 = arith.constant 0 : i32
      %dma_start3A_80 = arith.constant 0 : i32
      %dma_start3A_81 = tpu.memref_slice %arg3[%add3A, %dma_start3A_79, %dma_start3A_80] : memref<32x125x80xi32, #tpu.memory_space<hbm>> -> memref<1x125x80xi32, #tpu.memory_space<hbm>>
      %dma_start3A_82 = tpu.memref_squeeze %dma_start3A_81 : memref<1x125x80xi32, #tpu.memory_space<hbm>> -> memref<125x80xi32, #tpu.memory_space<hbm>>
      %dma_start3A_83 = arith.constant 0 : i32
      %dma_start3A_84 = arith.constant 0 : i32
      %dma_start3A_85 = tpu.memref_slice %arg3[%add3A, %dma_start3A_83, %dma_start3A_84] : memref<32x125x80xi32, #tpu.memory_space<hbm>> -> memref<1x125x80xi32, #tpu.memory_space<hbm>>
      %dma_start3A_86 = tpu.memref_squeeze %dma_start3A_85 : memref<1x125x80xi32, #tpu.memory_space<hbm>> -> memref<125x80xi32, #tpu.memory_space<hbm>>
      tpu.enqueue_dma source(%dma_start3A_86 : memref<125x80xi32, #tpu.memory_space<hbm>>) target(%arg8 : memref<125x80xi32, #tpu.memory_space<vmem>>) target_semaphore(%run_scoped3A : memref<!tpu.dma_semaphore, #tpu.memory_space<semaphore_mem>>)
      %dma_wait3A_87 = arith.constant 0 : i32
      %dma_wait3A_88 = arith.constant 0 : i32
      %dma_wait3A_89 = tpu.memref_slice %arg3[%add3A, %dma_wait3A_87, %dma_wait3A_88] : memref<32x125x80xi32, #tpu.memory_space<hbm>> -> memref<1x125x80xi32, #tpu.memory_space<hbm>>
      %dma_wait3A_90 = tpu.memref_squeeze %dma_wait3A_89 : memref<1x125x80xi32, #tpu.memory_space<hbm>> -> memref<125x80xi32, #tpu.memory_space<hbm>>
      %dma_wait3A_91 = arith.constant 0 : i32
      %dma_wait3A_92 = arith.constant 0 : i32
      %dma_wait3A_93 = tpu.memref_slice %arg3[%add3A, %dma_wait3A_91, %dma_wait3A_92] : memref<32x125x80xi32, #tpu.memory_space<hbm>> -> memref<1x125x80xi32, #tpu.memory_space<hbm>>
      %dma_wait3A_94 = tpu.memref_squeeze %dma_wait3A_93 : memref<1x125x80xi32, #tpu.memory_space<hbm>> -> memref<125x80xi32, #tpu.memory_space<hbm>>
      tpu.wait_dma2 semaphore(%run_scoped3A : memref<!tpu.dma_semaphore, #tpu.memory_space<semaphore_mem>>) src(%dma_wait3A_94 : memref<125x80xi32, #tpu.memory_space<hbm>>) dst(%arg8 : memref<125x80xi32, #tpu.memory_space<vmem>>)
      tpu.yield
    }) : () -> ()
    %scan3A = arith.constant 0 : i32
    %scan3A_1 = arith.constant 80 : i32
    %scan3A_2 = arith.addi %scan3A, %scan3A_1 : i32
    %scan3A_3 = arith.constant 1 : i32
    scf.for %scan3A_79 = %scan3A to %scan3A_2 step %scan3A_3  : i32 {
      %mul3A_80 = arith.constant 1 : i32
      %mul3A_81 = arith.muli %scan3A_79, %mul3A_80 : i32
      %add3A_82 = arith.constant 0 : i32
      %add3A_83 = arith.addi %add3A_82, %mul3A_81 : i32
      %broadcast_in_dim3A = arith.constant 0.000000e+00 : f32
      %broadcast_in_dim3A_84 = vector.broadcast %broadcast_in_dim3A : f32 to vector<16xf32>
      %swap3A = arith.index_cast %add3A_83 : i32 to index
      %swap3A_85 = arith.constant 0 : index
      %swap3A_86 = tpu.vector_load %arg17[%swap3A, %swap3A_85] {strides = array<i32>} : memref<80x128xf32, #tpu.memory_space<vmem>>, vector<16xf32>,
      tpu.vector_store %arg17[%swap3A, %swap3A_85], %broadcast_in_dim3A_84 {strides = array<i32>} : memref<80x128xf32, #tpu.memory_space<vmem>>, vector<16xf32>,
      %broadcast_in_dim3A_87 = arith.constant 0.000000e+00 : f32
      %broadcast_in_dim3A_88 = vector.broadcast %broadcast_in_dim3A_87 : f32 to vector<16xf32>
      %swap3A_89 = arith.index_cast %add3A_83 : i32 to index
      %swap3A_90 = arith.constant 16 : index
      %swap3A_91 = tpu.vector_load %arg17[%swap3A_89, %swap3A_90] {strides = array<i32>} : memref<80x128xf32, #tpu.memory_space<vmem>>, vector<16xf32>,
      tpu.vector_store %arg17[%swap3A_89, %swap3A_90], %broadcast_in_dim3A_88 {strides = array<i32>} : memref<80x128xf32, #tpu.memory_space<vmem>>, vector<16xf32>,
      %broadcast_in_dim3A_92 = arith.constant 0.000000e+00 : f32
      %broadcast_in_dim3A_93 = vector.broadcast %broadcast_in_dim3A_92 : f32 to vector<16xf32>
      %swap3A_94 = arith.index_cast %add3A_83 : i32 to index
      %swap3A_95 = arith.constant 32 : index
      %swap3A_96 = tpu.vector_load %arg17[%swap3A_94, %swap3A_95] {strides = array<i32>} : memref<80x128xf32, #tpu.memory_space<vmem>>, vector<16xf32>,
      tpu.vector_store %arg17[%swap3A_94, %swap3A_95], %broadcast_in_dim3A_93 {strides = array<i32>} : memref<80x128xf32, #tpu.memory_space<vmem>>, vector<16xf32>,
      %broadcast_in_dim3A_97 = arith.constant 0.000000e+00 : f32
      %broadcast_in_dim3A_98 = vector.broadcast %broadcast_in_dim3A_97 : f32 to vector<16xf32>
      %swap3A_99 = arith.index_cast %add3A_83 : i32 to index
      %swap3A_100 = arith.constant 48 : index
      %swap3A_101 = tpu.vector_load %arg17[%swap3A_99, %swap3A_100] {strides = array<i32>} : memref<80x128xf32, #tpu.memory_space<vmem>>, vector<16xf32>,
      tpu.vector_store %arg17[%swap3A_99, %swap3A_100], %broadcast_in_dim3A_98 {strides = array<i32>} : memref<80x128xf32, #tpu.memory_space<vmem>>, vector<16xf32>,
      %broadcast_in_dim3A_102 = arith.constant 0.000000e+00 : f32
      %broadcast_in_dim3A_103 = vector.broadcast %broadcast_in_dim3A_102 : f32 to vector<16xf32>
      %swap3A_104 = arith.index_cast %add3A_83 : i32 to index
      %swap3A_105 = arith.constant 64 : index
      %swap3A_106 = tpu.vector_load %arg17[%swap3A_104, %swap3A_105] {strides = array<i32>} : memref<80x128xf32, #tpu.memory_space<vmem>>, vector<16xf32>,
      tpu.vector_store %arg17[%swap3A_104, %swap3A_105], %broadcast_in_dim3A_103 {strides = array<i32>} : memref<80x128xf32, #tpu.memory_space<vmem>>, vector<16xf32>,
      %broadcast_in_dim3A_107 = arith.constant 0.000000e+00 : f32
      %broadcast_in_dim3A_108 = vector.broadcast %broadcast_in_dim3A_107 : f32 to vector<16xf32>
      %swap3A_109 = arith.index_cast %add3A_83 : i32 to index
      %swap3A_110 = arith.constant 80 : index
      %swap3A_111 = tpu.vector_load %arg17[%swap3A_109, %swap3A_110] {strides = array<i32>} : memref<80x128xf32, #tpu.memory_space<vmem>>, vector<16xf32>,
      tpu.vector_store %arg17[%swap3A_109, %swap3A_110], %broadcast_in_dim3A_108 {strides = array<i32>} : memref<80x128xf32, #tpu.memory_space<vmem>>, vector<16xf32>,
      %broadcast_in_dim3A_112 = arith.constant 0.000000e+00 : f32
      %broadcast_in_dim3A_113 = vector.broadcast %broadcast_in_dim3A_112 : f32 to vector<16xf32>
      %swap3A_114 = arith.index_cast %add3A_83 : i32 to index
      %swap3A_115 = arith.constant 96 : index
      %swap3A_116 = tpu.vector_load %arg17[%swap3A_114, %swap3A_115] {strides = array<i32>} : memref<80x128xf32, #tpu.memory_space<vmem>>, vector<16xf32>,
      tpu.vector_store %arg17[%swap3A_114, %swap3A_115], %broadcast_in_dim3A_113 {strides = array<i32>} : memref<80x128xf32, #tpu.memory_space<vmem>>, vector<16xf32>,
      %broadcast_in_dim3A_117 = arith.constant 0.000000e+00 : f32
      %broadcast_in_dim3A_118 = vector.broadcast %broadcast_in_dim3A_117 : f32 to vector<16xf32>
      %swap3A_119 = arith.index_cast %add3A_83 : i32 to index
      %swap3A_120 = arith.constant 112 : index
      %swap3A_121 = tpu.vector_load %arg17[%swap3A_119, %swap3A_120] {strides = array<i32>} : memref<80x128xf32, #tpu.memory_space<vmem>>, vector<16xf32>,
      tpu.vector_store %arg17[%swap3A_119, %swap3A_120], %broadcast_in_dim3A_118 {strides = array<i32>} : memref<80x128xf32, #tpu.memory_space<vmem>>, vector<16xf32>,
    }
    %scan3A_4 = arith.constant 80 : i32
    %mul3A_5 = arith.constant 625 : i32
    %mul3A_6 = arith.muli %arg1, %mul3A_5 : i32
    %add3A_7 = arith.constant 0 : i32
    %add3A_8 = arith.addi %mul3A_6, %add3A_7 : i32
    "tpu.region"() ({
      %run_scoped3A = tpu.sem_alloc : memref<!tpu.dma_semaphore, #tpu.memory_space<semaphore_mem>>
      %dma_start3A_79 = arith.constant 0 : i32
      %dma_start3A_80 = tpu.memref_slice %arg7[%add3A_8, %dma_start3A_79] : memref<10000x128xf32, #tpu.memory_space<vmem_shared>> -> memref<80x128xf32, #tpu.memory_space<vmem_shared>>
      %dma_start3A_81 = arith.constant 0 : i32
      %dma_start3A_82 = tpu.memref_slice %arg7[%add3A_8, %dma_start3A_81] : memref<10000x128xf32, #tpu.memory_space<vmem_shared>> -> memref<80x128xf32, #tpu.memory_space<vmem_shared>>
      tpu.enqueue_dma source(%arg17 : memref<80x128xf32, #tpu.memory_space<vmem>>) target(%dma_start3A_82 : memref<80x128xf32, #tpu.memory_space<vmem_shared>>) target_semaphore(%run_scoped3A : memref<!tpu.dma_semaphore, #tpu.memory_space<semaphore_mem>>)
      %dma_wait3A_83 = arith.constant 0 : i32
      %dma_wait3A_84 = tpu.memref_slice %arg7[%add3A_8, %dma_wait3A_83] : memref<10000x128xf32, #tpu.memory_space<vmem_shared>> -> memref<80x128xf32, #tpu.memory_space<vmem_shared>>
      %dma_wait3A_85 = arith.constant 0 : i32
      %dma_wait3A_86 = tpu.memref_slice %arg7[%add3A_8, %dma_wait3A_85] : memref<10000x128xf32, #tpu.memory_space<vmem_shared>> -> memref<80x128xf32, #tpu.memory_space<vmem_shared>>
      tpu.wait_dma2 semaphore(%run_scoped3A : memref<!tpu.dma_semaphore, #tpu.memory_space<semaphore_mem>>) src(%arg17 : memref<80x128xf32, #tpu.memory_space<vmem>>) dst(%dma_wait3A_86 : memref<80x128xf32, #tpu.memory_space<vmem_shared>>)
      tpu.yield
    }) : () -> ()
    %mul3A_9 = arith.constant 625 : i32
    %mul3A_10 = arith.muli %arg1, %mul3A_9 : i32
    %add3A_11 = arith.constant 80 : i32
    %add3A_12 = arith.addi %mul3A_10, %add3A_11 : i32
    "tpu.region"() ({
      %run_scoped3A = tpu.sem_alloc : memref<!tpu.dma_semaphore, #tpu.memory_space<semaphore_mem>>
      %dma_start3A_79 = arith.constant 0 : i32
      %dma_start3A_80 = tpu.memref_slice %arg7[%add3A_12, %dma_start3A_79] : memref<10000x128xf32, #tpu.memory_space<vmem_shared>> -> memref<80x128xf32, #tpu.memory_space<vmem_shared>>
      %dma_start3A_81 = arith.constant 0 : i32
      %dma_start3A_82 = tpu.memref_slice %arg7[%add3A_12, %dma_start3A_81] : memref<10000x128xf32, #tpu.memory_space<vmem_shared>> -> memref<80x128xf32, #tpu.memory_space<vmem_shared>>
      tpu.enqueue_dma source(%arg17 : memref<80x128xf32, #tpu.memory_space<vmem>>) target(%dma_start3A_82 : memref<80x128xf32, #tpu.memory_space<vmem_shared>>) target_semaphore(%run_scoped3A : memref<!tpu.dma_semaphore, #tpu.memory_space<semaphore_mem>>)
      %dma_wait3A_83 = arith.constant 0 : i32
      %dma_wait3A_84 = tpu.memref_slice %arg7[%add3A_12, %dma_wait3A_83] : memref<10000x128xf32, #tpu.memory_space<vmem_shared>> -> memref<80x128xf32, #tpu.memory_space<vmem_shared>>
      %dma_wait3A_85 = arith.constant 0 : i32
      %dma_wait3A_86 = tpu.memref_slice %arg7[%add3A_12, %dma_wait3A_85] : memref<10000x128xf32, #tpu.memory_space<vmem_shared>> -> memref<80x128xf32, #tpu.memory_space<vmem_shared>>
      tpu.wait_dma2 semaphore(%run_scoped3A : memref<!tpu.dma_semaphore, #tpu.memory_space<semaphore_mem>>) src(%arg17 : memref<80x128xf32, #tpu.memory_space<vmem>>) dst(%dma_wait3A_86 : memref<80x128xf32, #tpu.memory_space<vmem_shared>>)
      tpu.yield
    }) : () -> ()
    %mul3A_13 = arith.constant 625 : i32
    %mul3A_14 = arith.muli %arg1, %mul3A_13 : i32
    %add3A_15 = arith.constant 160 : i32
    %add3A_16 = arith.addi %mul3A_14, %add3A_15 : i32
    "tpu.region"() ({
      %run_scoped3A = tpu.sem_alloc : memref<!tpu.dma_semaphore, #tpu.memory_space<semaphore_mem>>
      %dma_start3A_79 = arith.constant 0 : i32
      %dma_start3A_80 = tpu.memref_slice %arg7[%add3A_16, %dma_start3A_79] : memref<10000x128xf32, #tpu.memory_space<vmem_shared>> -> memref<80x128xf32, #tpu.memory_space<vmem_shared>>
      %dma_start3A_81 = arith.constant 0 : i32
      %dma_start3A_82 = tpu.memref_slice %arg7[%add3A_16, %dma_start3A_81] : memref<10000x128xf32, #tpu.memory_space<vmem_shared>> -> memref<80x128xf32, #tpu.memory_space<vmem_shared>>
      tpu.enqueue_dma source(%arg17 : memref<80x128xf32, #tpu.memory_space<vmem>>) target(%dma_start3A_82 : memref<80x128xf32, #tpu.memory_space<vmem_shared>>) target_semaphore(%run_scoped3A : memref<!tpu.dma_semaphore, #tpu.memory_space<semaphore_mem>>)
      %dma_wait3A_83 = arith.constant 0 : i32
      %dma_wait3A_84 = tpu.memref_slice %arg7[%add3A_16, %dma_wait3A_83] : memref<10000x128xf32, #tpu.memory_space<vmem_shared>> -> memref<80x128xf32, #tpu.memory_space<vmem_shared>>
      %dma_wait3A_85 = arith.constant 0 : i32
      %dma_wait3A_86 = tpu.memref_slice %arg7[%add3A_16, %dma_wait3A_85] : memref<10000x128xf32, #tpu.memory_space<vmem_shared>> -> memref<80x128xf32, #tpu.memory_space<vmem_shared>>
      tpu.wait_dma2 semaphore(%run_scoped3A : memref<!tpu.dma_semaphore, #tpu.memory_space<semaphore_mem>>) src(%arg17 : memref<80x128xf32, #tpu.memory_space<vmem>>) dst(%dma_wait3A_86 : memref<80x128xf32, #tpu.memory_space<vmem_shared>>)
      tpu.yield
    }) : () -> ()
    %mul3A_17 = arith.constant 625 : i32
    %mul3A_18 = arith.muli %arg1, %mul3A_17 : i32
    %add3A_19 = arith.constant 240 : i32
    %add3A_20 = arith.addi %mul3A_18, %add3A_19 : i32
    "tpu.region"() ({
      %run_scoped3A = tpu.sem_alloc : memref<!tpu.dma_semaphore, #tpu.memory_space<semaphore_mem>>
      %dma_start3A_79 = arith.constant 0 : i32
      %dma_start3A_80 = tpu.memref_slice %arg7[%add3A_20, %dma_start3A_79] : memref<10000x128xf32, #tpu.memory_space<vmem_shared>> -> memref<80x128xf32, #tpu.memory_space<vmem_shared>>
      %dma_start3A_81 = arith.constant 0 : i32
      %dma_start3A_82 = tpu.memref_slice %arg7[%add3A_20, %dma_start3A_81] : memref<10000x128xf32, #tpu.memory_space<vmem_shared>> -> memref<80x128xf32, #tpu.memory_space<vmem_shared>>
      tpu.enqueue_dma source(%arg17 : memref<80x128xf32, #tpu.memory_space<vmem>>) target(%dma_start3A_82 : memref<80x128xf32, #tpu.memory_space<vmem_shared>>) target_semaphore(%run_scoped3A : memref<!tpu.dma_semaphore, #tpu.memory_space<semaphore_mem>>)
      %dma_wait3A_83 = arith.constant 0 : i32
      %dma_wait3A_84 = tpu.memref_slice %arg7[%add3A_20, %dma_wait3A_83] : memref<10000x128xf32, #tpu.memory_space<vmem_shared>> -> memref<80x128xf32, #tpu.memory_space<vmem_shared>>
      %dma_wait3A_85 = arith.constant 0 : i32
      %dma_wait3A_86 = tpu.memref_slice %arg7[%add3A_20, %dma_wait3A_85] : memref<10000x128xf32, #tpu.memory_space<vmem_shared>> -> memref<80x128xf32, #tpu.memory_space<vmem_shared>>
      tpu.wait_dma2 semaphore(%run_scoped3A : memref<!tpu.dma_semaphore, #tpu.memory_space<semaphore_mem>>) src(%arg17 : memref<80x128xf32, #tpu.memory_space<vmem>>) dst(%dma_wait3A_86 : memref<80x128xf32, #tpu.memory_space<vmem_shared>>)
      tpu.yield
    }) : () -> ()
    %mul3A_21 = arith.constant 625 : i32
    %mul3A_22 = arith.muli %arg1, %mul3A_21 : i32
    %add3A_23 = arith.constant 320 : i32
    %add3A_24 = arith.addi %mul3A_22, %add3A_23 : i32
    "tpu.region"() ({
      %run_scoped3A = tpu.sem_alloc : memref<!tpu.dma_semaphore, #tpu.memory_space<semaphore_mem>>
      %dma_start3A_79 = arith.constant 0 : i32
      %dma_start3A_80 = tpu.memref_slice %arg7[%add3A_24, %dma_start3A_79] : memref<10000x128xf32, #tpu.memory_space<vmem_shared>> -> memref<80x128xf32, #tpu.memory_space<vmem_shared>>
      %dma_start3A_81 = arith.constant 0 : i32
      %dma_start3A_82 = tpu.memref_slice %arg7[%add3A_24, %dma_start3A_81] : memref<10000x128xf32, #tpu.memory_space<vmem_shared>> -> memref<80x128xf32, #tpu.memory_space<vmem_shared>>
      tpu.enqueue_dma source(%arg17 : memref<80x128xf32, #tpu.memory_space<vmem>>) target(%dma_start3A_82 : memref<80x128xf32, #tpu.memory_space<vmem_shared>>) target_semaphore(%run_scoped3A : memref<!tpu.dma_semaphore, #tpu.memory_space<semaphore_mem>>)
      %dma_wait3A_83 = arith.constant 0 : i32
      %dma_wait3A_84 = tpu.memref_slice %arg7[%add3A_24, %dma_wait3A_83] : memref<10000x128xf32, #tpu.memory_space<vmem_shared>> -> memref<80x128xf32, #tpu.memory_space<vmem_shared>>
      %dma_wait3A_85 = arith.constant 0 : i32
      %dma_wait3A_86 = tpu.memref_slice %arg7[%add3A_24, %dma_wait3A_85] : memref<10000x128xf32, #tpu.memory_space<vmem_shared>> -> memref<80x128xf32, #tpu.memory_space<vmem_shared>>
      tpu.wait_dma2 semaphore(%run_scoped3A : memref<!tpu.dma_semaphore, #tpu.memory_space<semaphore_mem>>) src(%arg17 : memref<80x128xf32, #tpu.memory_space<vmem>>) dst(%dma_wait3A_86 : memref<80x128xf32, #tpu.memory_space<vmem_shared>>)
      tpu.yield
    }) : () -> ()
    %mul3A_25 = arith.constant 625 : i32
    %mul3A_26 = arith.muli %arg1, %mul3A_25 : i32
    %add3A_27 = arith.constant 400 : i32
    %add3A_28 = arith.addi %mul3A_26, %add3A_27 : i32
    "tpu.region"() ({
      %run_scoped3A = tpu.sem_alloc : memref<!tpu.dma_semaphore, #tpu.memory_space<semaphore_mem>>
      %dma_start3A_79 = arith.constant 0 : i32
      %dma_start3A_80 = tpu.memref_slice %arg7[%add3A_28, %dma_start3A_79] : memref<10000x128xf32, #tpu.memory_space<vmem_shared>> -> memref<80x128xf32, #tpu.memory_space<vmem_shared>>
      %dma_start3A_81 = arith.constant 0 : i32
      %dma_start3A_82 = tpu.memref_slice %arg7[%add3A_28, %dma_start3A_81] : memref<10000x128xf32, #tpu.memory_space<vmem_shared>> -> memref<80x128xf32, #tpu.memory_space<vmem_shared>>
      tpu.enqueue_dma source(%arg17 : memref<80x128xf32, #tpu.memory_space<vmem>>) target(%dma_start3A_82 : memref<80x128xf32, #tpu.memory_space<vmem_shared>>) target_semaphore(%run_scoped3A : memref<!tpu.dma_semaphore, #tpu.memory_space<semaphore_mem>>)
      %dma_wait3A_83 = arith.constant 0 : i32
      %dma_wait3A_84 = tpu.memref_slice %arg7[%add3A_28, %dma_wait3A_83] : memref<10000x128xf32, #tpu.memory_space<vmem_shared>> -> memref<80x128xf32, #tpu.memory_space<vmem_shared>>
      %dma_wait3A_85 = arith.constant 0 : i32
      %dma_wait3A_86 = tpu.memref_slice %arg7[%add3A_28, %dma_wait3A_85] : memref<10000x128xf32, #tpu.memory_space<vmem_shared>> -> memref<80x128xf32, #tpu.memory_space<vmem_shared>>
      tpu.wait_dma2 semaphore(%run_scoped3A : memref<!tpu.dma_semaphore, #tpu.memory_space<semaphore_mem>>) src(%arg17 : memref<80x128xf32, #tpu.memory_space<vmem>>) dst(%dma_wait3A_86 : memref<80x128xf32, #tpu.memory_space<vmem_shared>>)
      tpu.yield
    }) : () -> ()
    %mul3A_29 = arith.constant 625 : i32
    %mul3A_30 = arith.muli %arg1, %mul3A_29 : i32
    %add3A_31 = arith.constant 480 : i32
    %add3A_32 = arith.addi %mul3A_30, %add3A_31 : i32
    "tpu.region"() ({
      %run_scoped3A = tpu.sem_alloc : memref<!tpu.dma_semaphore, #tpu.memory_space<semaphore_mem>>
      %dma_start3A_79 = arith.constant 0 : i32
      %dma_start3A_80 = tpu.memref_slice %arg7[%add3A_32, %dma_start3A_79] : memref<10000x128xf32, #tpu.memory_space<vmem_shared>> -> memref<80x128xf32, #tpu.memory_space<vmem_shared>>
      %dma_start3A_81 = arith.constant 0 : i32
      %dma_start3A_82 = tpu.memref_slice %arg7[%add3A_32, %dma_start3A_81] : memref<10000x128xf32, #tpu.memory_space<vmem_shared>> -> memref<80x128xf32, #tpu.memory_space<vmem_shared>>
      tpu.enqueue_dma source(%arg17 : memref<80x128xf32, #tpu.memory_space<vmem>>) target(%dma_start3A_82 : memref<80x128xf32, #tpu.memory_space<vmem_shared>>) target_semaphore(%run_scoped3A : memref<!tpu.dma_semaphore, #tpu.memory_space<semaphore_mem>>)
      %dma_wait3A_83 = arith.constant 0 : i32
      %dma_wait3A_84 = tpu.memref_slice %arg7[%add3A_32, %dma_wait3A_83] : memref<10000x128xf32, #tpu.memory_space<vmem_shared>> -> memref<80x128xf32, #tpu.memory_space<vmem_shared>>
      %dma_wait3A_85 = arith.constant 0 : i32
      %dma_wait3A_86 = tpu.memref_slice %arg7[%add3A_32, %dma_wait3A_85] : memref<10000x128xf32, #tpu.memory_space<vmem_shared>> -> memref<80x128xf32, #tpu.memory_space<vmem_shared>>
      tpu.wait_dma2 semaphore(%run_scoped3A : memref<!tpu.dma_semaphore, #tpu.memory_space<semaphore_mem>>) src(%arg17 : memref<80x128xf32, #tpu.memory_space<vmem>>) dst(%dma_wait3A_86 : memref<80x128xf32, #tpu.memory_space<vmem_shared>>)
      tpu.yield
    }) : () -> ()
    %mul3A_33 = arith.constant 625 : i32
    %mul3A_34 = arith.muli %arg1, %mul3A_33 : i32
    %add3A_35 = arith.constant 625 : i32
    %add3A_36 = arith.addi %mul3A_34, %add3A_35 : i32
    %sub3A = arith.constant 80 : i32
    %sub3A_37 = arith.subi %add3A_36, %sub3A : i32
    "tpu.region"() ({
      %run_scoped3A = tpu.sem_alloc : memref<!tpu.dma_semaphore, #tpu.memory_space<semaphore_mem>>
      %dma_start3A_79 = arith.constant 0 : i32
      %dma_start3A_80 = tpu.memref_slice %arg7[%sub3A_37, %dma_start3A_79] : memref<10000x128xf32, #tpu.memory_space<vmem_shared>> -> memref<80x128xf32, #tpu.memory_space<vmem_shared>>
      %dma_start3A_81 = arith.constant 0 : i32
      %dma_start3A_82 = tpu.memref_slice %arg7[%sub3A_37, %dma_start3A_81] : memref<10000x128xf32, #tpu.memory_space<vmem_shared>> -> memref<80x128xf32, #tpu.memory_space<vmem_shared>>
      tpu.enqueue_dma source(%arg17 : memref<80x128xf32, #tpu.memory_space<vmem>>) target(%dma_start3A_82 : memref<80x128xf32, #tpu.memory_space<vmem_shared>>) target_semaphore(%run_scoped3A : memref<!tpu.dma_semaphore, #tpu.memory_space<semaphore_mem>>)
      %dma_wait3A_83 = arith.constant 0 : i32
      %dma_wait3A_84 = tpu.memref_slice %arg7[%sub3A_37, %dma_wait3A_83] : memref<10000x128xf32, #tpu.memory_space<vmem_shared>> -> memref<80x128xf32, #tpu.memory_space<vmem_shared>>
      %dma_wait3A_85 = arith.constant 0 : i32
      %dma_wait3A_86 = tpu.memref_slice %arg7[%sub3A_37, %dma_wait3A_85] : memref<10000x128xf32, #tpu.memory_space<vmem_shared>> -> memref<80x128xf32, #tpu.memory_space<vmem_shared>>
      tpu.wait_dma2 semaphore(%run_scoped3A : memref<!tpu.dma_semaphore, #tpu.memory_space<semaphore_mem>>) src(%arg17 : memref<80x128xf32, #tpu.memory_space<vmem>>) dst(%dma_wait3A_86 : memref<80x128xf32, #tpu.memory_space<vmem_shared>>)
      tpu.yield
    }) : () -> ()
    %barrier3A = arith.constant 0 : index
    tpu.barrier barrier_id(%barrier3A)
    %scan3A_38 = arith.constant 0 : i32
    %scan3A_39 = arith.constant 5 : i32
    %scan3A_40 = arith.addi %scan3A_38, %scan3A_39 : i32
    %scan3A_41 = arith.constant 1 : i32
    scf.for %scan3A_79 = %scan3A_38 to %scan3A_40 step %scan3A_41  : i32 {
      %mul3A_80 = arith.constant 1 : i32
      %mul3A_81 = arith.muli %scan3A_79, %mul3A_80 : i32
      %add3A_82 = arith.constant 0 : i32
      %add3A_83 = arith.addi %add3A_82, %mul3A_81 : i32
      %mul3A_84 = arith.constant 16 : i32
      %mul3A_85 = arith.muli %add3A_83, %mul3A_84 : i32
      %get3A = arith.constant 0 : i32
      %get3A_86 = arith.index_cast %get3A : i32 to index
      %get3A_87 = arith.index_cast %mul3A_85 : i32 to index
      %get3A_88 = tpu.vector_load %arg8[%get3A_86, %get3A_87] {strides = array<i32>} : memref<125x80xi32, #tpu.memory_space<vmem>>, vector<16xi32>,
      %and3A = arith.constant 16383 : i32
      %and3A_89 = vector.broadcast %and3A : i32 to vector<16xi32>
      %and3A_90 = arith.andi %get3A_88, %and3A_89 : vector<16xi32>
      %shift_right_arithmetic3A = arith.constant 14 : i32
      %shift_right_arithmetic3A_91 = vector.broadcast %shift_right_arithmetic3A : i32 to vector<16xi32>
      %shift_right_arithmetic3A_92 = arith.shrsi %get3A_88, %shift_right_arithmetic3A_91 : vector<16xi32>
      %convert_element_type3A_93 = arith.sitofp %shift_right_arithmetic3A_92 : vector<16xi32> to vector<16xf32>
      %add3A_94 = arith.constant 5.000000e-01 : f32
      %add3A_95 = vector.broadcast %add3A_94 : f32 to vector<16xf32>
      %add3A_96 = arith.addf %convert_element_type3A_93, %add3A_95 : vector<16xf32>
      %mul3A_97 = arith.constant 9.99999974E-5 : f32
      %mul3A_98 = vector.broadcast %mul3A_97 : f32 to vector<16xf32>
      %mul3A_99 = arith.mulf %add3A_96, %mul3A_98 : vector<16xf32>
      %convert_element_type3A_100 = arith.fptosi %mul3A_99 : vector<16xf32> to vector<16xi32>
      %mul3A_101 = arith.constant 16 : i32
      %mul3A_102 = arith.muli %add3A_83, %mul3A_101 : i32
      %swap3A = arith.index_cast %mul3A_102 : i32 to index
      %swap3A_103 = tpu.vector_load %arg9[%swap3A] {strides = array<i32>} : memref<80xi32, #tpu.memory_space<vmem>>, vector<16xi32>,
      tpu.vector_store %arg9[%swap3A], %shift_right_arithmetic3A_92 {strides = array<i32>} : memref<80xi32, #tpu.memory_space<vmem>>, vector<16xi32>,
      %mul3A_104 = arith.constant 16 : i32
      %mul3A_105 = arith.muli %add3A_83, %mul3A_104 : i32
      %swap3A_106 = arith.index_cast %mul3A_105 : i32 to index
      %swap3A_107 = tpu.vector_load %arg13[%swap3A_106] {strides = array<i32>} : memref<80xi32, #tpu.memory_space<vmem>>, vector<16xi32>,
      tpu.vector_store %arg13[%swap3A_106], %and3A_90 {strides = array<i32>} : memref<80xi32, #tpu.memory_space<vmem>>, vector<16xi32>,
      %mul3A_108 = arith.constant 10000 : i32
      %mul3A_109 = vector.broadcast %mul3A_108 : i32 to vector<16xi32>
      %mul3A_110 = arith.muli %convert_element_type3A_100, %mul3A_109 : vector<16xi32>
      %add3A_111 = arith.addi %mul3A_110, %and3A_90 : vector<16xi32>
      %mul3A_112 = arith.constant 16 : i32
      %mul3A_113 = arith.muli %add3A_83, %mul3A_112 : i32
      %swap3A_114 = arith.index_cast %mul3A_113 : i32 to index
      %swap3A_115 = tpu.vector_load %arg11[%swap3A_114] {strides = array<i32>} : memref<80xi32, #tpu.memory_space<vmem>>, vector<16xi32>,
      tpu.vector_store %arg11[%swap3A_114], %add3A_111 {strides = array<i32>} : memref<80xi32, #tpu.memory_space<vmem>>, vector<16xi32>,
    }
    %scan3A_42 = arith.constant 5 : i32
    %dma_start3A = arith.constant 0 : i32
    %dma_start3A_43 = arith.constant 0 : i32
    %dma_start3A_44 = tpu.memref_slice %arg2[%dma_start3A, %dma_start3A_43] : memref<80000x128xbf16, #tpu.memory_space<hbm>> -> memref<80000x128xbf16, #tpu.memory_space<hbm>>
    tpu.enqueue_indirect_dma source(%dma_start3A_44 : memref<80000x128xbf16, #tpu.memory_space<hbm>>) target(%arg15 : memref<80x128xbf16, #tpu.memory_space<vmem>>) offsets(%arg9 : memref<80xi32, #tpu.memory_space<vmem>>) semaphore(%arg21 : memref<!tpu.dma_semaphore, #tpu.memory_space<semaphore_mem>>)
    %dma_start3A_45 = arith.constant 0 : i32
    %dma_start3A_46 = arith.constant 0 : i32
    %dma_start3A_47 = tpu.memref_slice %arg4[%dma_start3A_45, %dma_start3A_46] : memref<81920x16xf32, #tpu.memory_space<hbm>> -> memref<81920x16xf32, #tpu.memory_space<hbm>>
    tpu.enqueue_indirect_dma source(%dma_start3A_47 : memref<81920x16xf32, #tpu.memory_space<hbm>>) target(%arg19 : memref<80x16xf32, #tpu.memory_space<vmem>>) offsets(%arg11 : memref<80xi32, #tpu.memory_space<vmem>>) semaphore(%arg21 : memref<!tpu.dma_semaphore, #tpu.memory_space<semaphore_mem>>)
    %scan3A_48 = arith.constant 0 : i32
    %scan3A_49 = arith.constant 5 : i32
    %scan3A_50 = arith.addi %scan3A_48, %scan3A_49 : i32
    %scan3A_51 = arith.constant 1 : i32
    scf.for %scan3A_79 = %scan3A_48 to %scan3A_50 step %scan3A_51  : i32 {
      %mul3A_80 = arith.constant 1 : i32
      %mul3A_81 = arith.muli %scan3A_79, %mul3A_80 : i32
      %add3A_82 = arith.constant 0 : i32
      %add3A_83 = arith.addi %add3A_82, %mul3A_81 : i32
      %mul3A_84 = arith.constant 16 : i32
      %mul3A_85 = arith.muli %add3A_83, %mul3A_84 : i32
      %get3A = arith.constant 1 : i32
      %get3A_86 = arith.index_cast %get3A : i32 to index
      %get3A_87 = arith.index_cast %mul3A_85 : i32 to index
      %get3A_88 = tpu.vector_load %arg8[%get3A_86, %get3A_87] {strides = array<i32>} : memref<125x80xi32, #tpu.memory_space<vmem>>, vector<16xi32>,
      %and3A = arith.constant 16383 : i32
      %and3A_89 = vector.broadcast %and3A : i32 to vector<16xi32>
      %and3A_90 = arith.andi %get3A_88, %and3A_89 : vector<16xi32>
      %shift_right_arithmetic3A = arith.constant 14 : i32
      %shift_right_arithmetic3A_91 = vector.broadcast %shift_right_arithmetic3A : i32 to vector<16xi32>
      %shift_right_arithmetic3A_92 = arith.shrsi %get3A_88, %shift_right_arithmetic3A_91 : vector<16xi32>
      %convert_element_type3A_93 = arith.sitofp %shift_right_arithmetic3A_92 : vector<16xi32> to vector<16xf32>
      %add3A_94 = arith.constant 5.000000e-01 : f32
      %add3A_95 = vector.broadcast %add3A_94 : f32 to vector<16xf32>
      %add3A_96 = arith.addf %convert_element_type3A_93, %add3A_95 : vector<16xf32>
      %mul3A_97 = arith.constant 9.99999974E-5 : f32
      %mul3A_98 = vector.broadcast %mul3A_97 : f32 to vector<16xf32>
      %mul3A_99 = arith.mulf %add3A_96, %mul3A_98 : vector<16xf32>
      %convert_element_type3A_100 = arith.fptosi %mul3A_99 : vector<16xf32> to vector<16xi32>
      %mul3A_101 = arith.constant 16 : i32
      %mul3A_102 = arith.muli %add3A_83, %mul3A_101 : i32
      %swap3A = arith.index_cast %mul3A_102 : i32 to index
      %swap3A_103 = tpu.vector_load %arg10[%swap3A] {strides = array<i32>} : memref<80xi32, #tpu.memory_space<vmem>>, vector<16xi32>,
      tpu.vector_store %arg10[%swap3A], %shift_right_arithmetic3A_92 {strides = array<i32>} : memref<80xi32, #tpu.memory_space<vmem>>, vector<16xi32>,
      %mul3A_104 = arith.constant 16 : i32
      %mul3A_105 = arith.muli %add3A_83, %mul3A_104 : i32
      %swap3A_106 = arith.index_cast %mul3A_105 : i32 to index
      %swap3A_107 = tpu.vector_load %arg14[%swap3A_106] {strides = array<i32>} : memref<80xi32, #tpu.memory_space<vmem>>, vector<16xi32>,
      tpu.vector_store %arg14[%swap3A_106], %and3A_90 {strides = array<i32>} : memref<80xi32, #tpu.memory_space<vmem>>, vector<16xi32>,
      %mul3A_108 = arith.constant 10000 : i32
      %mul3A_109 = vector.broadcast %mul3A_108 : i32 to vector<16xi32>
      %mul3A_110 = arith.muli %convert_element_type3A_100, %mul3A_109 : vector<16xi32>
      %add3A_111 = arith.addi %mul3A_110, %and3A_90 : vector<16xi32>
      %mul3A_112 = arith.constant 16 : i32
      %mul3A_113 = arith.muli %add3A_83, %mul3A_112 : i32
      %swap3A_114 = arith.index_cast %mul3A_113 : i32 to index
      %swap3A_115 = tpu.vector_load %arg12[%swap3A_114] {strides = array<i32>} : memref<80xi32, #tpu.memory_space<vmem>>, vector<16xi32>,
      tpu.vector_store %arg12[%swap3A_114], %add3A_111 {strides = array<i32>} : memref<80xi32, #tpu.memory_space<vmem>>, vector<16xi32>,
    }
    %scan3A_52 = arith.constant 5 : i32
    %dma_start3A_53 = arith.constant 0 : i32
    %dma_start3A_54 = arith.constant 0 : i32
    %dma_start3A_55 = tpu.memref_slice %arg2[%dma_start3A_53, %dma_start3A_54] : memref<80000x128xbf16, #tpu.memory_space<hbm>> -> memref<80000x128xbf16, #tpu.memory_space<hbm>>
    tpu.enqueue_indirect_dma source(%dma_start3A_55 : memref<80000x128xbf16, #tpu.memory_space<hbm>>) target(%arg16 : memref<80x128xbf16, #tpu.memory_space<vmem>>) offsets(%arg10 : memref<80xi32, #tpu.memory_space<vmem>>) semaphore(%arg22 : memref<!tpu.dma_semaphore, #tpu.memory_space<semaphore_mem>>)
    %dma_start3A_56 = arith.constant 0 : i32
    %dma_start3A_57 = arith.constant 0 : i32
    %dma_start3A_58 = tpu.memref_slice %arg4[%dma_start3A_56, %dma_start3A_57] : memref<81920x16xf32, #tpu.memory_space<hbm>> -> memref<81920x16xf32, #tpu.memory_space<hbm>>
    tpu.enqueue_indirect_dma source(%dma_start3A_58 : memref<81920x16xf32, #tpu.memory_space<hbm>>) target(%arg20 : memref<80x16xf32, #tpu.memory_space<vmem>>) offsets(%arg12 : memref<80xi32, #tpu.memory_space<vmem>>) semaphore(%arg22 : memref<!tpu.dma_semaphore, #tpu.memory_space<semaphore_mem>>)
    %scan3A_59 = arith.constant 0 : i32
    %scan3A_60 = arith.constant 62 : i32
    %scan3A_61 = arith.addi %scan3A_59, %scan3A_60 : i32
    %scan3A_62 = arith.constant 1 : i32
    scf.for %scan3A_79 = %scan3A_59 to %scan3A_61 step %scan3A_62  : i32 {
      %mul3A_80 = arith.constant 1 : i32
      %mul3A_81 = arith.muli %scan3A_79, %mul3A_80 : i32
      %add3A_82 = arith.constant 0 : i32
      %add3A_83 = arith.addi %add3A_82, %mul3A_81 : i32
      %mul3A_84 = arith.constant 2 : i32
      %mul3A_85 = arith.muli %mul3A_84, %add3A_83 : i32
      %dma_wait3A_86 = arith.constant 0 : i32
      %dma_wait3A_87 = arith.constant 0 : i32
      %dma_wait3A_88 = tpu.memref_slice %arg2[%dma_wait3A_86, %dma_wait3A_87] : memref<80000x128xbf16, #tpu.memory_space<hbm>> -> memref<80000x128xbf16, #tpu.memory_space<hbm>>
      tpu.wait_indirect_dma semaphore(%arg21 : memref<!tpu.dma_semaphore, #tpu.memory_space<semaphore_mem>>) src(%dma_wait3A_88 : memref<80000x128xbf16, #tpu.memory_space<hbm>>) dst(%arg15 : memref<80x128xbf16, #tpu.memory_space<vmem>>)
      %dma_wait3A_89 = arith.constant 0 : i32
      %dma_wait3A_90 = arith.constant 0 : i32
      %dma_wait3A_91 = tpu.memref_slice %arg4[%dma_wait3A_89, %dma_wait3A_90] : memref<81920x16xf32, #tpu.memory_space<hbm>> -> memref<81920x16xf32, #tpu.memory_space<hbm>>
      tpu.wait_indirect_dma semaphore(%arg21 : memref<!tpu.dma_semaphore, #tpu.memory_space<semaphore_mem>>) src(%dma_wait3A_91 : memref<81920x16xf32, #tpu.memory_space<hbm>>) dst(%arg19 : memref<80x16xf32, #tpu.memory_space<vmem>>)
      %parallel_loop3A_92 = arith.constant 0 : i32
      %parallel_loop3A_93 = arith.constant 80 : i32
      %parallel_loop3A_94 = arith.constant 1 : i32
      scf.for %parallel_loop3A_135 = %parallel_loop3A_92 to %parallel_loop3A_93 step %parallel_loop3A_94  : i32 {
        %parallel_loop3A_136 = arith.index_cast %parallel_loop3A_135 : i32 to index
        %parallel_loop3A_137 = arith.constant 0 : index
        %parallel_loop3A_138 = tpu.vector_load %arg19[%parallel_loop3A_136, %parallel_loop3A_137] {strides = array<i32>} : memref<80x16xf32, #tpu.memory_space<vmem>>, vector<16xf32>,
        %parallel_loop3A_139 = arith.index_cast %parallel_loop3A_135 : i32 to index
        %parallel_loop3A_140 = arith.constant 0 : index
        %parallel_loop3A_141 = tpu.vector_load %arg15[%parallel_loop3A_139, %parallel_loop3A_140] {strides = array<i32>} : memref<80x128xbf16, #tpu.memory_space<vmem>>, vector<32xbf16>,
        %parallel_loop3A_142 = tpu.unpack_subelements %parallel_loop3A_141, 0 {pack_format = #tpu.pack_format<interleaved>} : vector<32xbf16> -> vector<16xf32>
        %parallel_loop3A_143 = tpu.unpack_subelements %parallel_loop3A_141, 1 {pack_format = #tpu.pack_format<interleaved>} : vector<32xbf16> -> vector<16xf32>
        %parallel_loop3A_144 = arith.mulf %parallel_loop3A_142, %parallel_loop3A_138 : vector<16xf32>
        %parallel_loop3A_145 = arith.index_cast %parallel_loop3A_135 : i32 to index
        %parallel_loop3A_146 = arith.constant 0 : index
        %parallel_loop3A_147 = tpu.vector_load %arg17[%parallel_loop3A_145, %parallel_loop3A_146] {strides = array<i32>} : memref<80x128xf32, #tpu.memory_space<vmem>>, vector<16xf32>,
        tpu.vector_store %arg17[%parallel_loop3A_145, %parallel_loop3A_146], %parallel_loop3A_144 {strides = array<i32>} : memref<80x128xf32, #tpu.memory_space<vmem>>, vector<16xf32>,
        %parallel_loop3A_148 = arith.mulf %parallel_loop3A_143, %parallel_loop3A_138 : vector<16xf32>
        %parallel_loop3A_149 = arith.index_cast %parallel_loop3A_135 : i32 to index
        %parallel_loop3A_150 = arith.constant 16 : index
        %parallel_loop3A_151 = tpu.vector_load %arg17[%parallel_loop3A_149, %parallel_loop3A_150] {strides = array<i32>} : memref<80x128xf32, #tpu.memory_space<vmem>>, vector<16xf32>,
        tpu.vector_store %arg17[%parallel_loop3A_149, %parallel_loop3A_150], %parallel_loop3A_148 {strides = array<i32>} : memref<80x128xf32, #tpu.memory_space<vmem>>, vector<16xf32>,
        %parallel_loop3A_152 = arith.index_cast %parallel_loop3A_135 : i32 to index
        %parallel_loop3A_153 = arith.constant 32 : index
        %parallel_loop3A_154 = tpu.vector_load %arg15[%parallel_loop3A_152, %parallel_loop3A_153] {strides = array<i32>} : memref<80x128xbf16, #tpu.memory_space<vmem>>, vector<32xbf16>,
        %parallel_loop3A_155 = tpu.unpack_subelements %parallel_loop3A_154, 0 {pack_format = #tpu.pack_format<interleaved>} : vector<32xbf16> -> vector<16xf32>
        %parallel_loop3A_156 = tpu.unpack_subelements %parallel_loop3A_154, 1 {pack_format = #tpu.pack_format<interleaved>} : vector<32xbf16> -> vector<16xf32>
        %parallel_loop3A_157 = arith.mulf %parallel_loop3A_155, %parallel_loop3A_138 : vector<16xf32>
        %parallel_loop3A_158 = arith.index_cast %parallel_loop3A_135 : i32 to index
        %parallel_loop3A_159 = arith.constant 32 : index
        %parallel_loop3A_160 = tpu.vector_load %arg17[%parallel_loop3A_158, %parallel_loop3A_159] {strides = array<i32>} : memref<80x128xf32, #tpu.memory_space<vmem>>, vector<16xf32>,
        tpu.vector_store %arg17[%parallel_loop3A_158, %parallel_loop3A_159], %parallel_loop3A_157 {strides = array<i32>} : memref<80x128xf32, #tpu.memory_space<vmem>>, vector<16xf32>,
        %parallel_loop3A_161 = arith.mulf %parallel_loop3A_156, %parallel_loop3A_138 : vector<16xf32>
        %parallel_loop3A_162 = arith.index_cast %parallel_loop3A_135 : i32 to index
        %parallel_loop3A_163 = arith.constant 48 : index
        %parallel_loop3A_164 = tpu.vector_load %arg17[%parallel_loop3A_162, %parallel_loop3A_163] {strides = array<i32>} : memref<80x128xf32, #tpu.memory_space<vmem>>, vector<16xf32>,
        tpu.vector_store %arg17[%parallel_loop3A_162, %parallel_loop3A_163], %parallel_loop3A_161 {strides = array<i32>} : memref<80x128xf32, #tpu.memory_space<vmem>>, vector<16xf32>,
        %parallel_loop3A_165 = arith.index_cast %parallel_loop3A_135 : i32 to index
        %parallel_loop3A_166 = arith.constant 64 : index
        %parallel_loop3A_167 = tpu.vector_load %arg15[%parallel_loop3A_165, %parallel_loop3A_166] {strides = array<i32>} : memref<80x128xbf16, #tpu.memory_space<vmem>>, vector<32xbf16>,
        %parallel_loop3A_168 = tpu.unpack_subelements %parallel_loop3A_167, 0 {pack_format = #tpu.pack_format<interleaved>} : vector<32xbf16> -> vector<16xf32>
        %parallel_loop3A_169 = tpu.unpack_subelements %parallel_loop3A_167, 1 {pack_format = #tpu.pack_format<interleaved>} : vector<32xbf16> -> vector<16xf32>
        %parallel_loop3A_170 = arith.mulf %parallel_loop3A_168, %parallel_loop3A_138 : vector<16xf32>
        %parallel_loop3A_171 = arith.index_cast %parallel_loop3A_135 : i32 to index
        %parallel_loop3A_172 = arith.constant 64 : index
        %parallel_loop3A_173 = tpu.vector_load %arg17[%parallel_loop3A_171, %parallel_loop3A_172] {strides = array<i32>} : memref<80x128xf32, #tpu.memory_space<vmem>>, vector<16xf32>,
        tpu.vector_store %arg17[%parallel_loop3A_171, %parallel_loop3A_172], %parallel_loop3A_170 {strides = array<i32>} : memref<80x128xf32, #tpu.memory_space<vmem>>, vector<16xf32>,
        %parallel_loop3A_174 = arith.mulf %parallel_loop3A_169, %parallel_loop3A_138 : vector<16xf32>
        %parallel_loop3A_175 = arith.index_cast %parallel_loop3A_135 : i32 to index
        %parallel_loop3A_176 = arith.constant 80 : index
        %parallel_loop3A_177 = tpu.vector_load %arg17[%parallel_loop3A_175, %parallel_loop3A_176] {strides = array<i32>} : memref<80x128xf32, #tpu.memory_space<vmem>>, vector<16xf32>,
        tpu.vector_store %arg17[%parallel_loop3A_175, %parallel_loop3A_176], %parallel_loop3A_174 {strides = array<i32>} : memref<80x128xf32, #tpu.memory_space<vmem>>, vector<16xf32>,
        %parallel_loop3A_178 = arith.index_cast %parallel_loop3A_135 : i32 to index
        %parallel_loop3A_179 = arith.constant 96 : index
        %parallel_loop3A_180 = tpu.vector_load %arg15[%parallel_loop3A_178, %parallel_loop3A_179] {strides = array<i32>} : memref<80x128xbf16, #tpu.memory_space<vmem>>, vector<32xbf16>,
        %parallel_loop3A_181 = tpu.unpack_subelements %parallel_loop3A_180, 0 {pack_format = #tpu.pack_format<interleaved>} : vector<32xbf16> -> vector<16xf32>
        %parallel_loop3A_182 = tpu.unpack_subelements %parallel_loop3A_180, 1 {pack_format = #tpu.pack_format<interleaved>} : vector<32xbf16> -> vector<16xf32>
        %parallel_loop3A_183 = arith.mulf %parallel_loop3A_181, %parallel_loop3A_138 : vector<16xf32>
        %parallel_loop3A_184 = arith.index_cast %parallel_loop3A_135 : i32 to index
        %parallel_loop3A_185 = arith.constant 96 : index
        %parallel_loop3A_186 = tpu.vector_load %arg17[%parallel_loop3A_184, %parallel_loop3A_185] {strides = array<i32>} : memref<80x128xf32, #tpu.memory_space<vmem>>, vector<16xf32>,
        tpu.vector_store %arg17[%parallel_loop3A_184, %parallel_loop3A_185], %parallel_loop3A_183 {strides = array<i32>} : memref<80x128xf32, #tpu.memory_space<vmem>>, vector<16xf32>,
        %parallel_loop3A_187 = arith.mulf %parallel_loop3A_182, %parallel_loop3A_138 : vector<16xf32>
        %parallel_loop3A_188 = arith.index_cast %parallel_loop3A_135 : i32 to index
        %parallel_loop3A_189 = arith.constant 112 : index
        %parallel_loop3A_190 = tpu.vector_load %arg17[%parallel_loop3A_188, %parallel_loop3A_189] {strides = array<i32>} : memref<80x128xf32, #tpu.memory_space<vmem>>, vector<16xf32>,
        tpu.vector_store %arg17[%parallel_loop3A_188, %parallel_loop3A_189], %parallel_loop3A_187 {strides = array<i32>} : memref<80x128xf32, #tpu.memory_space<vmem>>, vector<16xf32>,
      } {sc.loop_unroll_factor = 4 : i64, sc.parallel_access}
      %dma_start3A_95 = arith.constant 0 : i32
      %dma_start3A_96 = arith.constant 0 : i32
      %dma_start3A_97 = tpu.memref_slice %arg7[%dma_start3A_95, %dma_start3A_96] : memref<10000x128xf32, #tpu.memory_space<vmem_shared>> -> memref<10000x128xf32, #tpu.memory_space<vmem_shared>>
      tpu.enqueue_indirect_dma source(%arg17 : memref<80x128xf32, #tpu.memory_space<vmem>>) target(%dma_start3A_97 : memref<10000x128xf32, #tpu.memory_space<vmem_shared>>) offsets(%arg13 : memref<80xi32, #tpu.memory_space<vmem>>) semaphore(%arg23 : memref<!tpu.dma_semaphore, #tpu.memory_space<semaphore_mem>>) {add = true}
      %dma_wait3A_98 = arith.constant 0 : i32
      %dma_wait3A_99 = arith.constant 0 : i32
      %dma_wait3A_100 = tpu.memref_slice %arg2[%dma_wait3A_98, %dma_wait3A_99] : memref<80000x128xbf16, #tpu.memory_space<hbm>> -> memref<80000x128xbf16, #tpu.memory_space<hbm>>
      tpu.wait_indirect_dma semaphore(%arg22 : memref<!tpu.dma_semaphore, #tpu.memory_space<semaphore_mem>>) src(%dma_wait3A_100 : memref<80000x128xbf16, #tpu.memory_space<hbm>>) dst(%arg16 : memref<80x128xbf16, #tpu.memory_space<vmem>>)
      %dma_wait3A_101 = arith.constant 0 : i32
      %dma_wait3A_102 = arith.constant 0 : i32
      %dma_wait3A_103 = tpu.memref_slice %arg4[%dma_wait3A_101, %dma_wait3A_102] : memref<81920x16xf32, #tpu.memory_space<hbm>> -> memref<81920x16xf32, #tpu.memory_space<hbm>>
      tpu.wait_indirect_dma semaphore(%arg22 : memref<!tpu.dma_semaphore, #tpu.memory_space<semaphore_mem>>) src(%dma_wait3A_103 : memref<81920x16xf32, #tpu.memory_space<hbm>>) dst(%arg20 : memref<80x16xf32, #tpu.memory_space<vmem>>)
      %parallel_loop3A_104 = arith.constant 0 : i32
      %parallel_loop3A_105 = arith.constant 80 : i32
      %parallel_loop3A_106 = arith.constant 1 : i32
      scf.for %parallel_loop3A_135 = %parallel_loop3A_104 to %parallel_loop3A_105 step %parallel_loop3A_106  : i32 {
        %parallel_loop3A_136 = arith.index_cast %parallel_loop3A_135 : i32 to index
        %parallel_loop3A_137 = arith.constant 0 : index
        %parallel_loop3A_138 = tpu.vector_load %arg20[%parallel_loop3A_136, %parallel_loop3A_137] {strides = array<i32>} : memref<80x16xf32, #tpu.memory_space<vmem>>, vector<16xf32>,
        %parallel_loop3A_139 = arith.index_cast %parallel_loop3A_135 : i32 to index
        %parallel_loop3A_140 = arith.constant 0 : index
        %parallel_loop3A_141 = tpu.vector_load %arg16[%parallel_loop3A_139, %parallel_loop3A_140] {strides = array<i32>} : memref<80x128xbf16, #tpu.memory_space<vmem>>, vector<32xbf16>,
        %parallel_loop3A_142 = tpu.unpack_subelements %parallel_loop3A_141, 0 {pack_format = #tpu.pack_format<interleaved>} : vector<32xbf16> -> vector<16xf32>
        %parallel_loop3A_143 = tpu.unpack_subelements %parallel_loop3A_141, 1 {pack_format = #tpu.pack_format<interleaved>} : vector<32xbf16> -> vector<16xf32>
        %parallel_loop3A_144 = arith.mulf %parallel_loop3A_142, %parallel_loop3A_138 : vector<16xf32>
        %parallel_loop3A_145 = arith.index_cast %parallel_loop3A_135 : i32 to index
        %parallel_loop3A_146 = arith.constant 0 : index
        %parallel_loop3A_147 = tpu.vector_load %arg18[%parallel_loop3A_145, %parallel_loop3A_146] {strides = array<i32>} : memref<80x128xf32, #tpu.memory_space<vmem>>, vector<16xf32>,
        tpu.vector_store %arg18[%parallel_loop3A_145, %parallel_loop3A_146], %parallel_loop3A_144 {strides = array<i32>} : memref<80x128xf32, #tpu.memory_space<vmem>>, vector<16xf32>,
        %parallel_loop3A_148 = arith.mulf %parallel_loop3A_143, %parallel_loop3A_138 : vector<16xf32>
        %parallel_loop3A_149 = arith.index_cast %parallel_loop3A_135 : i32 to index
        %parallel_loop3A_150 = arith.constant 16 : index
        %parallel_loop3A_151 = tpu.vector_load %arg18[%parallel_loop3A_149, %parallel_loop3A_150] {strides = array<i32>} : memref<80x128xf32, #tpu.memory_space<vmem>>, vector<16xf32>,
        tpu.vector_store %arg18[%parallel_loop3A_149, %parallel_loop3A_150], %parallel_loop3A_148 {strides = array<i32>} : memref<80x128xf32, #tpu.memory_space<vmem>>, vector<16xf32>,
        %parallel_loop3A_152 = arith.index_cast %parallel_loop3A_135 : i32 to index
        %parallel_loop3A_153 = arith.constant 32 : index
        %parallel_loop3A_154 = tpu.vector_load %arg16[%parallel_loop3A_152, %parallel_loop3A_153] {strides = array<i32>} : memref<80x128xbf16, #tpu.memory_space<vmem>>, vector<32xbf16>,
        %parallel_loop3A_155 = tpu.unpack_subelements %parallel_loop3A_154, 0 {pack_format = #tpu.pack_format<interleaved>} : vector<32xbf16> -> vector<16xf32>
        %parallel_loop3A_156 = tpu.unpack_subelements %parallel_loop3A_154, 1 {pack_format = #tpu.pack_format<interleaved>} : vector<32xbf16> -> vector<16xf32>
        %parallel_loop3A_157 = arith.mulf %parallel_loop3A_155, %parallel_loop3A_138 : vector<16xf32>
        %parallel_loop3A_158 = arith.index_cast %parallel_loop3A_135 : i32 to index
        %parallel_loop3A_159 = arith.constant 32 : index
        %parallel_loop3A_160 = tpu.vector_load %arg18[%parallel_loop3A_158, %parallel_loop3A_159] {strides = array<i32>} : memref<80x128xf32, #tpu.memory_space<vmem>>, vector<16xf32>,
        tpu.vector_store %arg18[%parallel_loop3A_158, %parallel_loop3A_159], %parallel_loop3A_157 {strides = array<i32>} : memref<80x128xf32, #tpu.memory_space<vmem>>, vector<16xf32>,
        %parallel_loop3A_161 = arith.mulf %parallel_loop3A_156, %parallel_loop3A_138 : vector<16xf32>
        %parallel_loop3A_162 = arith.index_cast %parallel_loop3A_135 : i32 to index
        %parallel_loop3A_163 = arith.constant 48 : index
        %parallel_loop3A_164 = tpu.vector_load %arg18[%parallel_loop3A_162, %parallel_loop3A_163] {strides = array<i32>} : memref<80x128xf32, #tpu.memory_space<vmem>>, vector<16xf32>,
        tpu.vector_store %arg18[%parallel_loop3A_162, %parallel_loop3A_163], %parallel_loop3A_161 {strides = array<i32>} : memref<80x128xf32, #tpu.memory_space<vmem>>, vector<16xf32>,
        %parallel_loop3A_165 = arith.index_cast %parallel_loop3A_135 : i32 to index
        %parallel_loop3A_166 = arith.constant 64 : index
        %parallel_loop3A_167 = tpu.vector_load %arg16[%parallel_loop3A_165, %parallel_loop3A_166] {strides = array<i32>} : memref<80x128xbf16, #tpu.memory_space<vmem>>, vector<32xbf16>,
        %parallel_loop3A_168 = tpu.unpack_subelements %parallel_loop3A_167, 0 {pack_format = #tpu.pack_format<interleaved>} : vector<32xbf16> -> vector<16xf32>
        %parallel_loop3A_169 = tpu.unpack_subelements %parallel_loop3A_167, 1 {pack_format = #tpu.pack_format<interleaved>} : vector<32xbf16> -> vector<16xf32>
        %parallel_loop3A_170 = arith.mulf %parallel_loop3A_168, %parallel_loop3A_138 : vector<16xf32>
        %parallel_loop3A_171 = arith.index_cast %parallel_loop3A_135 : i32 to index
        %parallel_loop3A_172 = arith.constant 64 : index
        %parallel_loop3A_173 = tpu.vector_load %arg18[%parallel_loop3A_171, %parallel_loop3A_172] {strides = array<i32>} : memref<80x128xf32, #tpu.memory_space<vmem>>, vector<16xf32>,
        tpu.vector_store %arg18[%parallel_loop3A_171, %parallel_loop3A_172], %parallel_loop3A_170 {strides = array<i32>} : memref<80x128xf32, #tpu.memory_space<vmem>>, vector<16xf32>,
        %parallel_loop3A_174 = arith.mulf %parallel_loop3A_169, %parallel_loop3A_138 : vector<16xf32>
        %parallel_loop3A_175 = arith.index_cast %parallel_loop3A_135 : i32 to index
        %parallel_loop3A_176 = arith.constant 80 : index
        %parallel_loop3A_177 = tpu.vector_load %arg18[%parallel_loop3A_175, %parallel_loop3A_176] {strides = array<i32>} : memref<80x128xf32, #tpu.memory_space<vmem>>, vector<16xf32>,
        tpu.vector_store %arg18[%parallel_loop3A_175, %parallel_loop3A_176], %parallel_loop3A_174 {strides = array<i32>} : memref<80x128xf32, #tpu.memory_space<vmem>>, vector<16xf32>,
        %parallel_loop3A_178 = arith.index_cast %parallel_loop3A_135 : i32 to index
        %parallel_loop3A_179 = arith.constant 96 : index
        %parallel_loop3A_180 = tpu.vector_load %arg16[%parallel_loop3A_178, %parallel_loop3A_179] {strides = array<i32>} : memref<80x128xbf16, #tpu.memory_space<vmem>>, vector<32xbf16>,
        %parallel_loop3A_181 = tpu.unpack_subelements %parallel_loop3A_180, 0 {pack_format = #tpu.pack_format<interleaved>} : vector<32xbf16> -> vector<16xf32>
        %parallel_loop3A_182 = tpu.unpack_subelements %parallel_loop3A_180, 1 {pack_format = #tpu.pack_format<interleaved>} : vector<32xbf16> -> vector<16xf32>
        %parallel_loop3A_183 = arith.mulf %parallel_loop3A_181, %parallel_loop3A_138 : vector<16xf32>
        %parallel_loop3A_184 = arith.index_cast %parallel_loop3A_135 : i32 to index
        %parallel_loop3A_185 = arith.constant 96 : index
        %parallel_loop3A_186 = tpu.vector_load %arg18[%parallel_loop3A_184, %parallel_loop3A_185] {strides = array<i32>} : memref<80x128xf32, #tpu.memory_space<vmem>>, vector<16xf32>,
        tpu.vector_store %arg18[%parallel_loop3A_184, %parallel_loop3A_185], %parallel_loop3A_183 {strides = array<i32>} : memref<80x128xf32, #tpu.memory_space<vmem>>, vector<16xf32>,
        %parallel_loop3A_187 = arith.mulf %parallel_loop3A_182, %parallel_loop3A_138 : vector<16xf32>
        %parallel_loop3A_188 = arith.index_cast %parallel_loop3A_135 : i32 to index
        %parallel_loop3A_189 = arith.constant 112 : index
        %parallel_loop3A_190 = tpu.vector_load %arg18[%parallel_loop3A_188, %parallel_loop3A_189] {strides = array<i32>} : memref<80x128xf32, #tpu.memory_space<vmem>>, vector<16xf32>,
        tpu.vector_store %arg18[%parallel_loop3A_188, %parallel_loop3A_189], %parallel_loop3A_187 {strides = array<i32>} : memref<80x128xf32, #tpu.memory_space<vmem>>, vector<16xf32>,
      } {sc.loop_unroll_factor = 4 : i64, sc.parallel_access}
      %dma_start3A_107 = arith.constant 0 : i32
      %dma_start3A_108 = arith.constant 0 : i32
      %dma_start3A_109 = tpu.memref_slice %arg7[%dma_start3A_107, %dma_start3A_108] : memref<10000x128xf32, #tpu.memory_space<vmem_shared>> -> memref<10000x128xf32, #tpu.memory_space<vmem_shared>>
      tpu.enqueue_indirect_dma source(%arg18 : memref<80x128xf32, #tpu.memory_space<vmem>>) target(%dma_start3A_109 : memref<10000x128xf32, #tpu.memory_space<vmem_shared>>) offsets(%arg14 : memref<80xi32, #tpu.memory_space<vmem>>) semaphore(%arg24 : memref<!tpu.dma_semaphore, #tpu.memory_space<semaphore_mem>>) {add = true}
      %dma_wait3A_110 = arith.constant 0 : i32
      %dma_wait3A_111 = arith.constant 0 : i32
      %dma_wait3A_112 = tpu.memref_slice %arg7[%dma_wait3A_110, %dma_wait3A_111] : memref<10000x128xf32, #tpu.memory_space<vmem_shared>> -> memref<10000x128xf32, #tpu.memory_space<vmem_shared>>
      tpu.wait_indirect_dma semaphore(%arg23 : memref<!tpu.dma_semaphore, #tpu.memory_space<semaphore_mem>>) src(%arg17 : memref<80x128xf32, #tpu.memory_space<vmem>>) dst(%dma_wait3A_112 : memref<10000x128xf32, #tpu.memory_space<vmem_shared>>)
      %add3A_113 = arith.constant 2 : i32
      %add3A_114 = arith.addi %mul3A_85, %add3A_113 : i32
      %scan3A_115 = arith.constant 0 : i32
      %scan3A_116 = arith.constant 5 : i32
      %scan3A_117 = arith.addi %scan3A_115, %scan3A_116 : i32
      %scan3A_118 = arith.constant 1 : i32
      scf.for %scan3A_135 = %scan3A_115 to %scan3A_117 step %scan3A_118  : i32 {
        %mul3A_136 = arith.constant 1 : i32
        %mul3A_137 = arith.muli %scan3A_135, %mul3A_136 : i32
        %add3A_138 = arith.constant 0 : i32
        %add3A_139 = arith.addi %add3A_138, %mul3A_137 : i32
        %mul3A_140 = arith.constant 16 : i32
        %mul3A_141 = arith.muli %add3A_139, %mul3A_140 : i32
        %get3A = arith.index_cast %add3A_114 : i32 to index
        %get3A_142 = arith.index_cast %mul3A_141 : i32 to index
        %get3A_143 = tpu.vector_load %arg8[%get3A, %get3A_142] {strides = array<i32>} : memref<125x80xi32, #tpu.memory_space<vmem>>, vector<16xi32>,
        %and3A = arith.constant 16383 : i32
        %and3A_144 = vector.broadcast %and3A : i32 to vector<16xi32>
        %and3A_145 = arith.andi %get3A_143, %and3A_144 : vector<16xi32>
        %shift_right_arithmetic3A = arith.constant 14 : i32
        %shift_right_arithmetic3A_146 = vector.broadcast %shift_right_arithmetic3A : i32 to vector<16xi32>
        %shift_right_arithmetic3A_147 = arith.shrsi %get3A_143, %shift_right_arithmetic3A_146 : vector<16xi32>
        %convert_element_type3A_148 = arith.sitofp %shift_right_arithmetic3A_147 : vector<16xi32> to vector<16xf32>
        %add3A_149 = arith.constant 5.000000e-01 : f32
        %add3A_150 = vector.broadcast %add3A_149 : f32 to vector<16xf32>
        %add3A_151 = arith.addf %convert_element_type3A_148, %add3A_150 : vector<16xf32>
        %mul3A_152 = arith.constant 9.99999974E-5 : f32
        %mul3A_153 = vector.broadcast %mul3A_152 : f32 to vector<16xf32>
        %mul3A_154 = arith.mulf %add3A_151, %mul3A_153 : vector<16xf32>
        %convert_element_type3A_155 = arith.fptosi %mul3A_154 : vector<16xf32> to vector<16xi32>
        %mul3A_156 = arith.constant 16 : i32
        %mul3A_157 = arith.muli %add3A_139, %mul3A_156 : i32
        %swap3A = arith.index_cast %mul3A_157 : i32 to index
        %swap3A_158 = tpu.vector_load %arg9[%swap3A] {strides = array<i32>} : memref<80xi32, #tpu.memory_space<vmem>>, vector<16xi32>,
        tpu.vector_store %arg9[%swap3A], %shift_right_arithmetic3A_147 {strides = array<i32>} : memref<80xi32, #tpu.memory_space<vmem>>, vector<16xi32>,
        %mul3A_159 = arith.constant 16 : i32
        %mul3A_160 = arith.muli %add3A_139, %mul3A_159 : i32
        %swap3A_161 = arith.index_cast %mul3A_160 : i32 to index
        %swap3A_162 = tpu.vector_load %arg13[%swap3A_161] {strides = array<i32>} : memref<80xi32, #tpu.memory_space<vmem>>, vector<16xi32>,
        tpu.vector_store %arg13[%swap3A_161], %and3A_145 {strides = array<i32>} : memref<80xi32, #tpu.memory_space<vmem>>, vector<16xi32>,
        %mul3A_163 = arith.constant 10000 : i32
        %mul3A_164 = vector.broadcast %mul3A_163 : i32 to vector<16xi32>
        %mul3A_165 = arith.muli %convert_element_type3A_155, %mul3A_164 : vector<16xi32>
        %add3A_166 = arith.addi %mul3A_165, %and3A_145 : vector<16xi32>
        %mul3A_167 = arith.constant 16 : i32
        %mul3A_168 = arith.muli %add3A_139, %mul3A_167 : i32
        %swap3A_169 = arith.index_cast %mul3A_168 : i32 to index
        %swap3A_170 = tpu.vector_load %arg11[%swap3A_169] {strides = array<i32>} : memref<80xi32, #tpu.memory_space<vmem>>, vector<16xi32>,
        tpu.vector_store %arg11[%swap3A_169], %add3A_166 {strides = array<i32>} : memref<80xi32, #tpu.memory_space<vmem>>, vector<16xi32>,
      }
      %scan3A_119 = arith.constant 5 : i32
      %dma_start3A_120 = arith.constant 0 : i32
      %dma_start3A_121 = arith.constant 0 : i32
      %dma_start3A_122 = tpu.memref_slice %arg2[%dma_start3A_120, %dma_start3A_121] : memref<80000x128xbf16, #tpu.memory_space<hbm>> -> memref<80000x128xbf16, #tpu.memory_space<hbm>>
      tpu.enqueue_indirect_dma source(%dma_start3A_122 : memref<80000x128xbf16, #tpu.memory_space<hbm>>) target(%arg15 : memref<80x128xbf16, #tpu.memory_space<vmem>>) offsets(%arg9 : memref<80xi32, #tpu.memory_space<vmem>>) semaphore(%arg21 : memref<!tpu.dma_semaphore, #tpu.memory_space<semaphore_mem>>)
      %dma_start3A_123 = arith.constant 0 : i32
      %dma_start3A_124 = arith.constant 0 : i32
      %dma_start3A_125 = tpu.memref_slice %arg4[%dma_start3A_123, %dma_start3A_124] : memref<81920x16xf32, #tpu.memory_space<hbm>> -> memref<81920x16xf32, #tpu.memory_space<hbm>>
      tpu.enqueue_indirect_dma source(%dma_start3A_125 : memref<81920x16xf32, #tpu.memory_space<hbm>>) target(%arg19 : memref<80x16xf32, #tpu.memory_space<vmem>>) offsets(%arg11 : memref<80xi32, #tpu.memory_space<vmem>>) semaphore(%arg21 : memref<!tpu.dma_semaphore, #tpu.memory_space<semaphore_mem>>)
      %dma_wait3A_126 = arith.constant 0 : i32
      %dma_wait3A_127 = arith.constant 0 : i32
      %dma_wait3A_128 = tpu.memref_slice %arg7[%dma_wait3A_126, %dma_wait3A_127] : memref<10000x128xf32, #tpu.memory_space<vmem_shared>> -> memref<10000x128xf32, #tpu.memory_space<vmem_shared>>
      tpu.wait_indirect_dma semaphore(%arg24 : memref<!tpu.dma_semaphore, #tpu.memory_space<semaphore_mem>>) src(%arg18 : memref<80x128xf32, #tpu.memory_space<vmem>>) dst(%dma_wait3A_128 : memref<10000x128xf32, #tpu.memory_space<vmem_shared>>)
      %add3A_129 = arith.constant 3 : i32
      %add3A_130 = arith.addi %mul3A_85, %add3A_129 : i32
      %lt3A = arith.constant 125 : i32
      %lt3A_131 = arith.cmpi slt, %add3A_130, %lt3A : i32
      %convert_element_type3A_132 = arith.extui %lt3A_131 : i1 to i32
      %cond3A_133 = arith.constant 0 : i32
      %cond3A_134 = arith.cmpi ne, %convert_element_type3A_132, %cond3A_133 : i32
      scf.if %cond3A_134 {
        %add3A_135 = arith.constant 3 : i32
        %add3A_136 = arith.addi %mul3A_85, %add3A_135 : i32
        %scan3A_137 = arith.constant 0 : i32
        %scan3A_138 = arith.constant 5 : i32
        %scan3A_139 = arith.addi %scan3A_137, %scan3A_138 : i32
        %scan3A_140 = arith.constant 1 : i32
        scf.for %scan3A_148 = %scan3A_137 to %scan3A_139 step %scan3A_140  : i32 {
          %mul3A_149 = arith.constant 1 : i32
          %mul3A_150 = arith.muli %scan3A_148, %mul3A_149 : i32
          %add3A_151 = arith.constant 0 : i32
          %add3A_152 = arith.addi %add3A_151, %mul3A_150 : i32
          %mul3A_153 = arith.constant 16 : i32
          %mul3A_154 = arith.muli %add3A_152, %mul3A_153 : i32
          %get3A = arith.index_cast %add3A_136 : i32 to index
          %get3A_155 = arith.index_cast %mul3A_154 : i32 to index
          %get3A_156 = tpu.vector_load %arg8[%get3A, %get3A_155] {strides = array<i32>} : memref<125x80xi32, #tpu.memory_space<vmem>>, vector<16xi32>,
          %and3A = arith.constant 16383 : i32
          %and3A_157 = vector.broadcast %and3A : i32 to vector<16xi32>
          %and3A_158 = arith.andi %get3A_156, %and3A_157 : vector<16xi32>
          %shift_right_arithmetic3A = arith.constant 14 : i32
          %shift_right_arithmetic3A_159 = vector.broadcast %shift_right_arithmetic3A : i32 to vector<16xi32>
          %shift_right_arithmetic3A_160 = arith.shrsi %get3A_156, %shift_right_arithmetic3A_159 : vector<16xi32>
          %convert_element_type3A_161 = arith.sitofp %shift_right_arithmetic3A_160 : vector<16xi32> to vector<16xf32>
          %add3A_162 = arith.constant 5.000000e-01 : f32
          %add3A_163 = vector.broadcast %add3A_162 : f32 to vector<16xf32>
          %add3A_164 = arith.addf %convert_element_type3A_161, %add3A_163 : vector<16xf32>
          %mul3A_165 = arith.constant 9.99999974E-5 : f32
          %mul3A_166 = vector.broadcast %mul3A_165 : f32 to vector<16xf32>
          %mul3A_167 = arith.mulf %add3A_164, %mul3A_166 : vector<16xf32>
          %convert_element_type3A_168 = arith.fptosi %mul3A_167 : vector<16xf32> to vector<16xi32>
          %mul3A_169 = arith.constant 16 : i32
          %mul3A_170 = arith.muli %add3A_152, %mul3A_169 : i32
          %swap3A = arith.index_cast %mul3A_170 : i32 to index
          %swap3A_171 = tpu.vector_load %arg10[%swap3A] {strides = array<i32>} : memref<80xi32, #tpu.memory_space<vmem>>, vector<16xi32>,
          tpu.vector_store %arg10[%swap3A], %shift_right_arithmetic3A_160 {strides = array<i32>} : memref<80xi32, #tpu.memory_space<vmem>>, vector<16xi32>,
          %mul3A_172 = arith.constant 16 : i32
          %mul3A_173 = arith.muli %add3A_152, %mul3A_172 : i32
          %swap3A_174 = arith.index_cast %mul3A_173 : i32 to index
          %swap3A_175 = tpu.vector_load %arg14[%swap3A_174] {strides = array<i32>} : memref<80xi32, #tpu.memory_space<vmem>>, vector<16xi32>,
          tpu.vector_store %arg14[%swap3A_174], %and3A_158 {strides = array<i32>} : memref<80xi32, #tpu.memory_space<vmem>>, vector<16xi32>,
          %mul3A_176 = arith.constant 10000 : i32
          %mul3A_177 = vector.broadcast %mul3A_176 : i32 to vector<16xi32>
          %mul3A_178 = arith.muli %convert_element_type3A_168, %mul3A_177 : vector<16xi32>
          %add3A_179 = arith.addi %mul3A_178, %and3A_158 : vector<16xi32>
          %mul3A_180 = arith.constant 16 : i32
          %mul3A_181 = arith.muli %add3A_152, %mul3A_180 : i32
          %swap3A_182 = arith.index_cast %mul3A_181 : i32 to index
          %swap3A_183 = tpu.vector_load %arg12[%swap3A_182] {strides = array<i32>} : memref<80xi32, #tpu.memory_space<vmem>>, vector<16xi32>,
          tpu.vector_store %arg12[%swap3A_182], %add3A_179 {strides = array<i32>} : memref<80xi32, #tpu.memory_space<vmem>>, vector<16xi32>,
        }
        %scan3A_141 = arith.constant 5 : i32
        %dma_start3A_142 = arith.constant 0 : i32
        %dma_start3A_143 = arith.constant 0 : i32
        %dma_start3A_144 = tpu.memref_slice %arg2[%dma_start3A_142, %dma_start3A_143] : memref<80000x128xbf16, #tpu.memory_space<hbm>> -> memref<80000x128xbf16, #tpu.memory_space<hbm>>
        tpu.enqueue_indirect_dma source(%dma_start3A_144 : memref<80000x128xbf16, #tpu.memory_space<hbm>>) target(%arg16 : memref<80x128xbf16, #tpu.memory_space<vmem>>) offsets(%arg10 : memref<80xi32, #tpu.memory_space<vmem>>) semaphore(%arg22 : memref<!tpu.dma_semaphore, #tpu.memory_space<semaphore_mem>>)
        %dma_start3A_145 = arith.constant 0 : i32
        %dma_start3A_146 = arith.constant 0 : i32
        %dma_start3A_147 = tpu.memref_slice %arg4[%dma_start3A_145, %dma_start3A_146] : memref<81920x16xf32, #tpu.memory_space<hbm>> -> memref<81920x16xf32, #tpu.memory_space<hbm>>
        tpu.enqueue_indirect_dma source(%dma_start3A_147 : memref<81920x16xf32, #tpu.memory_space<hbm>>) target(%arg20 : memref<80x16xf32, #tpu.memory_space<vmem>>) offsets(%arg12 : memref<80xi32, #tpu.memory_space<vmem>>) semaphore(%arg22 : memref<!tpu.dma_semaphore, #tpu.memory_space<semaphore_mem>>)
      } else {
      }
    }
    %scan3A_63 = arith.constant 62 : i32
    %dma_wait3A = arith.constant 0 : i32
    %dma_wait3A_64 = arith.constant 0 : i32
    %dma_wait3A_65 = tpu.memref_slice %arg2[%dma_wait3A, %dma_wait3A_64] : memref<80000x128xbf16, #tpu.memory_space<hbm>> -> memref<80000x128xbf16, #tpu.memory_space<hbm>>
    tpu.wait_indirect_dma semaphore(%arg21 : memref<!tpu.dma_semaphore, #tpu.memory_space<semaphore_mem>>) src(%dma_wait3A_65 : memref<80000x128xbf16, #tpu.memory_space<hbm>>) dst(%arg15 : memref<80x128xbf16, #tpu.memory_space<vmem>>)
    %dma_wait3A_66 = arith.constant 0 : i32
    %dma_wait3A_67 = arith.constant 0 : i32
    %dma_wait3A_68 = tpu.memref_slice %arg4[%dma_wait3A_66, %dma_wait3A_67] : memref<81920x16xf32, #tpu.memory_space<hbm>> -> memref<81920x16xf32, #tpu.memory_space<hbm>>
    tpu.wait_indirect_dma semaphore(%arg21 : memref<!tpu.dma_semaphore, #tpu.memory_space<semaphore_mem>>) src(%dma_wait3A_68 : memref<81920x16xf32, #tpu.memory_space<hbm>>) dst(%arg19 : memref<80x16xf32, #tpu.memory_space<vmem>>)
    %parallel_loop3A = arith.constant 0 : i32
    %parallel_loop3A_69 = arith.constant 80 : i32
    %parallel_loop3A_70 = arith.constant 1 : i32
    scf.for %parallel_loop3A_79 = %parallel_loop3A to %parallel_loop3A_69 step %parallel_loop3A_70  : i32 {
      %parallel_loop3A_80 = arith.index_cast %parallel_loop3A_79 : i32 to index
      %parallel_loop3A_81 = arith.constant 0 : index
      %parallel_loop3A_82 = tpu.vector_load %arg19[%parallel_loop3A_80, %parallel_loop3A_81] {strides = array<i32>} : memref<80x16xf32, #tpu.memory_space<vmem>>, vector<16xf32>,
      %parallel_loop3A_83 = arith.index_cast %parallel_loop3A_79 : i32 to index
      %parallel_loop3A_84 = arith.constant 0 : index
      %parallel_loop3A_85 = tpu.vector_load %arg15[%parallel_loop3A_83, %parallel_loop3A_84] {strides = array<i32>} : memref<80x128xbf16, #tpu.memory_space<vmem>>, vector<32xbf16>,
      %parallel_loop3A_86 = tpu.unpack_subelements %parallel_loop3A_85, 0 {pack_format = #tpu.pack_format<interleaved>} : vector<32xbf16> -> vector<16xf32>
      %parallel_loop3A_87 = tpu.unpack_subelements %parallel_loop3A_85, 1 {pack_format = #tpu.pack_format<interleaved>} : vector<32xbf16> -> vector<16xf32>
      %parallel_loop3A_88 = arith.mulf %parallel_loop3A_86, %parallel_loop3A_82 : vector<16xf32>
      %parallel_loop3A_89 = arith.index_cast %parallel_loop3A_79 : i32 to index
      %parallel_loop3A_90 = arith.constant 0 : index
      %parallel_loop3A_91 = tpu.vector_load %arg17[%parallel_loop3A_89, %parallel_loop3A_90] {strides = array<i32>} : memref<80x128xf32, #tpu.memory_space<vmem>>, vector<16xf32>,
      tpu.vector_store %arg17[%parallel_loop3A_89, %parallel_loop3A_90], %parallel_loop3A_88 {strides = array<i32>} : memref<80x128xf32, #tpu.memory_space<vmem>>, vector<16xf32>,
      %parallel_loop3A_92 = arith.mulf %parallel_loop3A_87, %parallel_loop3A_82 : vector<16xf32>
      %parallel_loop3A_93 = arith.index_cast %parallel_loop3A_79 : i32 to index
      %parallel_loop3A_94 = arith.constant 16 : index
      %parallel_loop3A_95 = tpu.vector_load %arg17[%parallel_loop3A_93, %parallel_loop3A_94] {strides = array<i32>} : memref<80x128xf32, #tpu.memory_space<vmem>>, vector<16xf32>,
      tpu.vector_store %arg17[%parallel_loop3A_93, %parallel_loop3A_94], %parallel_loop3A_92 {strides = array<i32>} : memref<80x128xf32, #tpu.memory_space<vmem>>, vector<16xf32>,
      %parallel_loop3A_96 = arith.index_cast %parallel_loop3A_79 : i32 to index
      %parallel_loop3A_97 = arith.constant 32 : index
      %parallel_loop3A_98 = tpu.vector_load %arg15[%parallel_loop3A_96, %parallel_loop3A_97] {strides = array<i32>} : memref<80x128xbf16, #tpu.memory_space<vmem>>, vector<32xbf16>,
      %parallel_loop3A_99 = tpu.unpack_subelements %parallel_loop3A_98, 0 {pack_format = #tpu.pack_format<interleaved>} : vector<32xbf16> -> vector<16xf32>
      %parallel_loop3A_100 = tpu.unpack_subelements %parallel_loop3A_98, 1 {pack_format = #tpu.pack_format<interleaved>} : vector<32xbf16> -> vector<16xf32>
      %parallel_loop3A_101 = arith.mulf %parallel_loop3A_99, %parallel_loop3A_82 : vector<16xf32>
      %parallel_loop3A_102 = arith.index_cast %parallel_loop3A_79 : i32 to index
      %parallel_loop3A_103 = arith.constant 32 : index
      %parallel_loop3A_104 = tpu.vector_load %arg17[%parallel_loop3A_102, %parallel_loop3A_103] {strides = array<i32>} : memref<80x128xf32, #tpu.memory_space<vmem>>, vector<16xf32>,
      tpu.vector_store %arg17[%parallel_loop3A_102, %parallel_loop3A_103], %parallel_loop3A_101 {strides = array<i32>} : memref<80x128xf32, #tpu.memory_space<vmem>>, vector<16xf32>,
      %parallel_loop3A_105 = arith.mulf %parallel_loop3A_100, %parallel_loop3A_82 : vector<16xf32>
      %parallel_loop3A_106 = arith.index_cast %parallel_loop3A_79 : i32 to index
      %parallel_loop3A_107 = arith.constant 48 : index
      %parallel_loop3A_108 = tpu.vector_load %arg17[%parallel_loop3A_106, %parallel_loop3A_107] {strides = array<i32>} : memref<80x128xf32, #tpu.memory_space<vmem>>, vector<16xf32>,
      tpu.vector_store %arg17[%parallel_loop3A_106, %parallel_loop3A_107], %parallel_loop3A_105 {strides = array<i32>} : memref<80x128xf32, #tpu.memory_space<vmem>>, vector<16xf32>,
      %parallel_loop3A_109 = arith.index_cast %parallel_loop3A_79 : i32 to index
      %parallel_loop3A_110 = arith.constant 64 : index
      %parallel_loop3A_111 = tpu.vector_load %arg15[%parallel_loop3A_109, %parallel_loop3A_110] {strides = array<i32>} : memref<80x128xbf16, #tpu.memory_space<vmem>>, vector<32xbf16>,
      %parallel_loop3A_112 = tpu.unpack_subelements %parallel_loop3A_111, 0 {pack_format = #tpu.pack_format<interleaved>} : vector<32xbf16> -> vector<16xf32>
      %parallel_loop3A_113 = tpu.unpack_subelements %parallel_loop3A_111, 1 {pack_format = #tpu.pack_format<interleaved>} : vector<32xbf16> -> vector<16xf32>
      %parallel_loop3A_114 = arith.mulf %parallel_loop3A_112, %parallel_loop3A_82 : vector<16xf32>
      %parallel_loop3A_115 = arith.index_cast %parallel_loop3A_79 : i32 to index
      %parallel_loop3A_116 = arith.constant 64 : index
      %parallel_loop3A_117 = tpu.vector_load %arg17[%parallel_loop3A_115, %parallel_loop3A_116] {strides = array<i32>} : memref<80x128xf32, #tpu.memory_space<vmem>>, vector<16xf32>,
      tpu.vector_store %arg17[%parallel_loop3A_115, %parallel_loop3A_116], %parallel_loop3A_114 {strides = array<i32>} : memref<80x128xf32, #tpu.memory_space<vmem>>, vector<16xf32>,
      %parallel_loop3A_118 = arith.mulf %parallel_loop3A_113, %parallel_loop3A_82 : vector<16xf32>
      %parallel_loop3A_119 = arith.index_cast %parallel_loop3A_79 : i32 to index
      %parallel_loop3A_120 = arith.constant 80 : index
      %parallel_loop3A_121 = tpu.vector_load %arg17[%parallel_loop3A_119, %parallel_loop3A_120] {strides = array<i32>} : memref<80x128xf32, #tpu.memory_space<vmem>>, vector<16xf32>,
      tpu.vector_store %arg17[%parallel_loop3A_119, %parallel_loop3A_120], %parallel_loop3A_118 {strides = array<i32>} : memref<80x128xf32, #tpu.memory_space<vmem>>, vector<16xf32>,
      %parallel_loop3A_122 = arith.index_cast %parallel_loop3A_79 : i32 to index
      %parallel_loop3A_123 = arith.constant 96 : index
      %parallel_loop3A_124 = tpu.vector_load %arg15[%parallel_loop3A_122, %parallel_loop3A_123] {strides = array<i32>} : memref<80x128xbf16, #tpu.memory_space<vmem>>, vector<32xbf16>,
      %parallel_loop3A_125 = tpu.unpack_subelements %parallel_loop3A_124, 0 {pack_format = #tpu.pack_format<interleaved>} : vector<32xbf16> -> vector<16xf32>
      %parallel_loop3A_126 = tpu.unpack_subelements %parallel_loop3A_124, 1 {pack_format = #tpu.pack_format<interleaved>} : vector<32xbf16> -> vector<16xf32>
      %parallel_loop3A_127 = arith.mulf %parallel_loop3A_125, %parallel_loop3A_82 : vector<16xf32>
      %parallel_loop3A_128 = arith.index_cast %parallel_loop3A_79 : i32 to index
      %parallel_loop3A_129 = arith.constant 96 : index
      %parallel_loop3A_130 = tpu.vector_load %arg17[%parallel_loop3A_128, %parallel_loop3A_129] {strides = array<i32>} : memref<80x128xf32, #tpu.memory_space<vmem>>, vector<16xf32>,
      tpu.vector_store %arg17[%parallel_loop3A_128, %parallel_loop3A_129], %parallel_loop3A_127 {strides = array<i32>} : memref<80x128xf32, #tpu.memory_space<vmem>>, vector<16xf32>,
      %parallel_loop3A_131 = arith.mulf %parallel_loop3A_126, %parallel_loop3A_82 : vector<16xf32>
      %parallel_loop3A_132 = arith.index_cast %parallel_loop3A_79 : i32 to index
      %parallel_loop3A_133 = arith.constant 112 : index
      %parallel_loop3A_134 = tpu.vector_load %arg17[%parallel_loop3A_132, %parallel_loop3A_133] {strides = array<i32>} : memref<80x128xf32, #tpu.memory_space<vmem>>, vector<16xf32>,
      tpu.vector_store %arg17[%parallel_loop3A_132, %parallel_loop3A_133], %parallel_loop3A_131 {strides = array<i32>} : memref<80x128xf32, #tpu.memory_space<vmem>>, vector<16xf32>,
    } {sc.loop_unroll_factor = 4 : i64, sc.parallel_access}
    "tpu.region"() ({
      %run_scoped3A = tpu.sem_alloc : memref<!tpu.dma_semaphore, #tpu.memory_space<semaphore_mem>>
      %dma_start3A_79 = arith.constant 0 : i32
      %dma_start3A_80 = arith.constant 0 : i32
      %dma_start3A_81 = tpu.memref_slice %arg7[%dma_start3A_79, %dma_start3A_80] : memref<10000x128xf32, #tpu.memory_space<vmem_shared>> -> memref<10000x128xf32, #tpu.memory_space<vmem_shared>>
      tpu.enqueue_indirect_dma source(%arg17 : memref<80x128xf32, #tpu.memory_space<vmem>>) target(%dma_start3A_81 : memref<10000x128xf32, #tpu.memory_space<vmem_shared>>) offsets(%arg13 : memref<80xi32, #tpu.memory_space<vmem>>) semaphore(%run_scoped3A : memref<!tpu.dma_semaphore, #tpu.memory_space<semaphore_mem>>) {add = true}
      %dma_wait3A_82 = arith.constant 0 : i32
      %dma_wait3A_83 = arith.constant 0 : i32
      %dma_wait3A_84 = tpu.memref_slice %arg7[%dma_wait3A_82, %dma_wait3A_83] : memref<10000x128xf32, #tpu.memory_space<vmem_shared>> -> memref<10000x128xf32, #tpu.memory_space<vmem_shared>>
      tpu.wait_indirect_dma semaphore(%run_scoped3A : memref<!tpu.dma_semaphore, #tpu.memory_space<semaphore_mem>>) src(%arg17 : memref<80x128xf32, #tpu.memory_space<vmem>>) dst(%dma_wait3A_84 : memref<10000x128xf32, #tpu.memory_space<vmem_shared>>)
      tpu.yield
    }) : () -> ()
    %barrier3A_71 = arith.constant 0 : index
    tpu.barrier barrier_id(%barrier3A_71)
    %eq3A = arith.constant 0 : i32
    %eq3A_72 = arith.cmpi eq, %arg0, %eq3A : i32
    %convert_element_type3A = arith.extui %eq3A_72 : i1 to i32
    %cond3A = arith.constant 0 : i32
    %cond3A_73 = arith.cmpi ne, %convert_element_type3A, %cond3A : i32
    scf.if %cond3A_73 {
      %mul3A_79 = arith.constant 625 : i32
      %mul3A_80 = arith.muli %arg1, %mul3A_79 : i32
      %mul3A_81 = arith.constant 625 : i32
      %mul3A_82 = arith.muli %arg1, %mul3A_81 : i32
      "tpu.region"() ({
        %run_scoped3A = tpu.sem_alloc : memref<!tpu.dma_semaphore, #tpu.memory_space<semaphore_mem>>
        %dma_start3A_83 = arith.constant 0 : i32
        %dma_start3A_84 = tpu.memref_slice %arg5[%mul3A_82, %dma_start3A_83] : memref<10000x128xf32, #tpu.memory_space<hbm>> -> memref<625x128xf32, #tpu.memory_space<hbm>>
        %dma_start3A_85 = arith.constant 0 : i32
        %dma_start3A_86 = tpu.memref_slice %arg7[%mul3A_80, %dma_start3A_85] : memref<10000x128xf32, #tpu.memory_space<vmem_shared>> -> memref<625x128xf32, #tpu.memory_space<vmem_shared>>
        tpu.enqueue_dma source(%dma_start3A_86 : memref<625x128xf32, #tpu.memory_space<vmem_shared>>) target(%dma_start3A_84 : memref<625x128xf32, #tpu.memory_space<hbm>>) target_semaphore(%run_scoped3A : memref<!tpu.dma_semaphore, #tpu.memory_space<semaphore_mem>>)
        %dma_wait3A_87 = arith.constant 0 : i32
        %dma_wait3A_88 = tpu.memref_slice %arg5[%mul3A_82, %dma_wait3A_87] : memref<10000x128xf32, #tpu.memory_space<hbm>> -> memref<625x128xf32, #tpu.memory_space<hbm>>
        %dma_wait3A_89 = arith.constant 0 : i32
        %dma_wait3A_90 = tpu.memref_slice %arg7[%mul3A_80, %dma_wait3A_89] : memref<10000x128xf32, #tpu.memory_space<vmem_shared>> -> memref<625x128xf32, #tpu.memory_space<vmem_shared>>
        tpu.wait_dma2 semaphore(%run_scoped3A : memref<!tpu.dma_semaphore, #tpu.memory_space<semaphore_mem>>) src(%dma_wait3A_90 : memref<625x128xf32, #tpu.memory_space<vmem_shared>>) dst(%dma_wait3A_88 : memref<625x128xf32, #tpu.memory_space<hbm>>)
        tpu.yield
      }) : () -> ()
    } else {
    }
    %eq3A_74 = arith.constant 1 : i32
    %eq3A_75 = arith.cmpi eq, %arg0, %eq3A_74 : i32
    %convert_element_type3A_76 = arith.extui %eq3A_75 : i1 to i32
    %cond3A_77 = arith.constant 0 : i32
    %cond3A_78 = arith.cmpi ne, %convert_element_type3A_76, %cond3A_77 : i32
    scf.if %cond3A_78 {
      %mul3A_79 = arith.constant 625 : i32
      %mul3A_80 = arith.muli %arg1, %mul3A_79 : i32
      %mul3A_81 = arith.constant 625 : i32
      %mul3A_82 = arith.muli %arg1, %mul3A_81 : i32
      "tpu.region"() ({
        %run_scoped3A = tpu.sem_alloc : memref<!tpu.dma_semaphore, #tpu.memory_space<semaphore_mem>>
        %dma_start3A_83 = arith.constant 0 : i32
        %dma_start3A_84 = tpu.memref_slice %arg6[%mul3A_82, %dma_start3A_83] : memref<10000x128xf32, #tpu.memory_space<hbm>> -> memref<625x128xf32, #tpu.memory_space<hbm>>
        %dma_start3A_85 = arith.constant 0 : i32
        %dma_start3A_86 = tpu.memref_slice %arg7[%mul3A_80, %dma_start3A_85] : memref<10000x128xf32, #tpu.memory_space<vmem_shared>> -> memref<625x128xf32, #tpu.memory_space<vmem_shared>>
        tpu.enqueue_dma source(%dma_start3A_86 : memref<625x128xf32, #tpu.memory_space<vmem_shared>>) target(%dma_start3A_84 : memref<625x128xf32, #tpu.memory_space<hbm>>) target_semaphore(%run_scoped3A : memref<!tpu.dma_semaphore, #tpu.memory_space<semaphore_mem>>)
        %dma_wait3A_87 = arith.constant 0 : i32
        %dma_wait3A_88 = tpu.memref_slice %arg6[%mul3A_82, %dma_wait3A_87] : memref<10000x128xf32, #tpu.memory_space<hbm>> -> memref<625x128xf32, #tpu.memory_space<hbm>>
        %dma_wait3A_89 = arith.constant 0 : i32
        %dma_wait3A_90 = tpu.memref_slice %arg7[%mul3A_80, %dma_wait3A_89] : memref<10000x128xf32, #tpu.memory_space<vmem_shared>> -> memref<625x128xf32, #tpu.memory_space<vmem_shared>>
        tpu.wait_dma2 semaphore(%run_scoped3A : memref<!tpu.dma_semaphore, #tpu.memory_space<semaphore_mem>>) src(%dma_wait3A_90 : memref<625x128xf32, #tpu.memory_space<vmem_shared>>) dst(%dma_wait3A_88 : memref<625x128xf32, #tpu.memory_space<hbm>>)
        tpu.yield
      }) : () -> ()
    } else {
    }
    return
  }
}

module attributes {stable_mosaic.version = 14 : i64} {
  func.func @_prep1_body(%arg0: i32, %arg1: i32, %arg2: memref<2000x128xf32, #tpu.memory_space<vmem>>, %arg3: memref<1x1x4xf32, #tpu.memory_space<vmem>>, %arg4: memref<4x128x128xf32, #tpu.memory_space<vmem>>, %arg5: memref<128x128xf32, #tpu.memory_space<vmem>>, %arg6: memref<1x128xf32, #tpu.memory_space<vmem>>, %arg7: memref<1x2000x128xbf16, #tpu.memory_space<vmem>>, %arg8: memref<2000x128xf32, #tpu.memory_space<vmem>>, %arg9: memref<8x128x128xbf16, #tpu.memory_space<vmem>>, %arg10: memref<2000x128xbf16, #tpu.memory_space<vmem>>) attributes {dimension_semantics = [#tpu.dimension_semantics<arbitrary>, #tpu.dimension_semantics<arbitrary>], iteration_bounds = array<i64: 5, 9>, scalar_prefetch = 0 : i64, scratch_operands = 2 : i64, tpu.core_type = #tpu.core_type<tc>, window_params = [{transform_indices = @transform_0, window_bounds = array<i64: 2000, 128>}, {transform_indices = @transform_1, window_bounds = array<i64: 1, 1, 4>}, {pipeline_mode = #tpu.pipeline_mode<synchronous>, transform_indices = @transform_2, window_bounds = array<i64: 4, 128, 128>}, {pipeline_mode = #tpu.pipeline_mode<synchronous>, transform_indices = @transform_3, window_bounds = array<i64: 128, 128>}, {pipeline_mode = #tpu.pipeline_mode<synchronous>, transform_indices = @transform_4, window_bounds = array<i64: 1, 128>}, {transform_indices = @transform_5, window_bounds = array<i64: 1, 2000, 128>}, {transform_indices = @transform_6, window_bounds = array<i64: 2000, 128>}]} {
    %eq3A = arith.constant 0 : i32
    %eq3A_0 = arith.cmpi eq, %arg1, %eq3A : i32
    %convert_element_type3A = arith.extui %eq3A_0 : i1 to i32
    %cond3A = arith.constant 0 : i32
    %cond3A_1 = arith.cmpi ne, %convert_element_type3A, %cond3A : i32
    scf.if %cond3A_1 {
      %get3A = arith.constant 0 : index
      %get3A_18 = arith.constant 0 : index
      %get3A_19 = vector.load %arg2[%get3A, %get3A_18] : memref<2000x128xf32, #tpu.memory_space<vmem>>, vector<2000x128xf32>
      %convert_element_type3A_20 = arith.truncf %get3A_19 : vector<2000x128xf32> to vector<2000x128xbf16>
      %swap3A = arith.constant 0 : index
      %swap3A_21 = arith.constant 0 : index
      %swap3A_22 = vector.load %arg10[%swap3A, %swap3A_21] : memref<2000x128xbf16, #tpu.memory_space<vmem>>, vector<2000x128xbf16>
      tpu.vector_store %arg10[%swap3A, %swap3A_21], %convert_element_type3A_20 {strides = array<i32>} : memref<2000x128xbf16, #tpu.memory_space<vmem>>, vector<2000x128xbf16>,
    } else {
    }
    %eq3A_2 = arith.constant 0 : i32
    %eq3A_3 = arith.cmpi eq, %arg0, %eq3A_2 : i32
    %lt3A = arith.constant 8 : i32
    %lt3A_4 = arith.cmpi slt, %arg1, %lt3A : i32
    %and3A = arith.andi %eq3A_3, %lt3A_4 : i1
    %convert_element_type3A_5 = arith.extui %and3A : i1 to i32
    %cond3A_6 = arith.constant 0 : i32
    %cond3A_7 = arith.cmpi ne, %convert_element_type3A_5, %cond3A_6 : i32
    scf.if %cond3A_7 {
      %get3A = arith.constant 0 : index
      %get3A_18 = arith.constant 0 : index
      %get3A_19 = arith.constant 0 : index
      %get3A_20 = vector.load %arg3[%get3A, %get3A_18, %get3A_19] : memref<1x1x4xf32, #tpu.memory_space<vmem>>, vector<1x1x4xf32>
      %get3A_21 = arith.constant 0 : index
      %get3A_22 = arith.constant 0 : index
      %get3A_23 = arith.constant 0 : index
      %get3A_24 = vector.load %arg4[%get3A_21, %get3A_22, %get3A_23] : memref<4x128x128xf32, #tpu.memory_space<vmem>>, vector<4x128x128xf32>
      %squeeze3A = vector.shape_cast %get3A_20 : vector<1x1x4xf32> to vector<1x4xf32>
      %slice3A = vector.extract_strided_slice %squeeze3A {offsets = [0, 0], sizes = [1, 1], strides = [1, 1]} : vector<1x4xf32> to vector<1x1xf32>
      %slice3A_25 = vector.extract_strided_slice %get3A_24 {offsets = [0, 0, 0], sizes = [1, 128, 128], strides = [1, 1, 1]} : vector<4x128x128xf32> to vector<1x128x128xf32>
      %squeeze3A_26 = vector.shape_cast %slice3A_25 : vector<1x128x128xf32> to vector<128x128xf32>
      %mul3A = vector.broadcast %slice3A : vector<1x1xf32> to vector<128x128xf32>
      %mul3A_27 = arith.mulf %mul3A, %squeeze3A_26 : vector<128x128xf32>
      %slice3A_28 = vector.extract_strided_slice %squeeze3A {offsets = [0, 1], sizes = [1, 1], strides = [1, 1]} : vector<1x4xf32> to vector<1x1xf32>
      %slice3A_29 = vector.extract_strided_slice %get3A_24 {offsets = [1, 0, 0], sizes = [1, 128, 128], strides = [1, 1, 1]} : vector<4x128x128xf32> to vector<1x128x128xf32>
      %squeeze3A_30 = vector.shape_cast %slice3A_29 : vector<1x128x128xf32> to vector<128x128xf32>
      %mul3A_31 = vector.broadcast %slice3A_28 : vector<1x1xf32> to vector<128x128xf32>
      %mul3A_32 = arith.mulf %mul3A_31, %squeeze3A_30 : vector<128x128xf32>
      %add3A = arith.addf %mul3A_27, %mul3A_32 : vector<128x128xf32>
      %slice3A_33 = vector.extract_strided_slice %squeeze3A {offsets = [0, 2], sizes = [1, 1], strides = [1, 1]} : vector<1x4xf32> to vector<1x1xf32>
      %slice3A_34 = vector.extract_strided_slice %get3A_24 {offsets = [2, 0, 0], sizes = [1, 128, 128], strides = [1, 1, 1]} : vector<4x128x128xf32> to vector<1x128x128xf32>
      %squeeze3A_35 = vector.shape_cast %slice3A_34 : vector<1x128x128xf32> to vector<128x128xf32>
      %mul3A_36 = vector.broadcast %slice3A_33 : vector<1x1xf32> to vector<128x128xf32>
      %mul3A_37 = arith.mulf %mul3A_36, %squeeze3A_35 : vector<128x128xf32>
      %add3A_38 = arith.addf %add3A, %mul3A_37 : vector<128x128xf32>
      %slice3A_39 = vector.extract_strided_slice %squeeze3A {offsets = [0, 3], sizes = [1, 1], strides = [1, 1]} : vector<1x4xf32> to vector<1x1xf32>
      %slice3A_40 = vector.extract_strided_slice %get3A_24 {offsets = [3, 0, 0], sizes = [1, 128, 128], strides = [1, 1, 1]} : vector<4x128x128xf32> to vector<1x128x128xf32>
      %squeeze3A_41 = vector.shape_cast %slice3A_40 : vector<1x128x128xf32> to vector<128x128xf32>
      %mul3A_42 = vector.broadcast %slice3A_39 : vector<1x1xf32> to vector<128x128xf32>
      %mul3A_43 = arith.mulf %mul3A_42, %squeeze3A_41 : vector<128x128xf32>
      %add3A_44 = arith.addf %add3A_38, %mul3A_43 : vector<128x128xf32>
      %convert_element_type3A_45 = arith.truncf %add3A_44 : vector<128x128xf32> to vector<128x128xbf16>
      %swap3A = arith.index_cast %arg1 : i32 to index
      %swap3A_46 = arith.constant 0 : index
      %swap3A_47 = arith.constant 0 : index
      %swap3A_48 = vector.load %arg9[%swap3A, %swap3A_46, %swap3A_47] : memref<8x128x128xbf16, #tpu.memory_space<vmem>>, vector<1x128x128xbf16>
      %swap3A_49 = vector.shape_cast %swap3A_48 : vector<1x128x128xbf16> to vector<128x128xbf16>
      %swap3A_50 = vector.shape_cast %convert_element_type3A_45 : vector<128x128xbf16> to vector<1x128x128xbf16>
      tpu.vector_store %arg9[%swap3A, %swap3A_46, %swap3A_47], %swap3A_50 {strides = array<i32>} : memref<8x128x128xbf16, #tpu.memory_space<vmem>>, vector<1x128x128xbf16>,
    } else {
    }
    %lt3A_8 = arith.constant 8 : i32
    %lt3A_9 = arith.cmpi slt, %arg1, %lt3A_8 : i32
    %convert_element_type3A_10 = arith.extui %lt3A_9 : i1 to i32
    %cond3A_11 = arith.constant 0 : i32
    %cond3A_12 = arith.cmpi ne, %convert_element_type3A_10, %cond3A_11 : i32
    scf.if %cond3A_12 {
      %get3A = arith.constant 0 : index
      %get3A_18 = arith.constant 0 : index
      %get3A_19 = vector.load %arg10[%get3A, %get3A_18] : memref<2000x128xbf16, #tpu.memory_space<vmem>>, vector<2000x128xbf16>
      %get3A_20 = arith.index_cast %arg1 : i32 to index
      %get3A_21 = arith.constant 0 : index
      %get3A_22 = arith.constant 0 : index
      %get3A_23 = vector.load %arg9[%get3A_20, %get3A_21, %get3A_22] : memref<8x128x128xbf16, #tpu.memory_space<vmem>>, vector<1x128x128xbf16>
      %get3A_24 = vector.shape_cast %get3A_23 : vector<1x128x128xbf16> to vector<128x128xbf16>
      %dot_general3A = arith.constant dense<0.000000e+00> : vector<2000x128xf32>
      %dot_general3A_25 = tpu.matmul %get3A_19, %get3A_24, %dot_general3A {dimension_numbers = #tpu.dot_dimension_numbers<[1], [0], [0], [1], [0, 0, 1, 1], [], []>, transpose_lhs_hint = false} : vector<2000x128xbf16>, vector<128x128xbf16>, vector<2000x128xf32> -> vector<2000x128xf32>
      %convert_element_type3A_26 = arith.truncf %dot_general3A_25 : vector<2000x128xf32> to vector<2000x128xbf16>
      %swap3A = arith.constant 0 : index
      %swap3A_27 = arith.constant 0 : index
      %swap3A_28 = arith.constant 0 : index
      %swap3A_29 = vector.load %arg7[%swap3A, %swap3A_27, %swap3A_28] : memref<1x2000x128xbf16, #tpu.memory_space<vmem>>, vector<1x2000x128xbf16>
      %swap3A_30 = vector.shape_cast %swap3A_29 : vector<1x2000x128xbf16> to vector<2000x128xbf16>
      %swap3A_31 = vector.shape_cast %convert_element_type3A_26 : vector<2000x128xbf16> to vector<1x2000x128xbf16>
      tpu.vector_store %arg7[%swap3A, %swap3A_27, %swap3A_28], %swap3A_31 {strides = array<i32>} : memref<1x2000x128xbf16, #tpu.memory_space<vmem>>, vector<1x2000x128xbf16>,
    } else {
    }
    %eq3A_13 = arith.constant 8 : i32
    %eq3A_14 = arith.cmpi eq, %arg1, %eq3A_13 : i32
    %convert_element_type3A_15 = arith.extui %eq3A_14 : i1 to i32
    %cond3A_16 = arith.constant 0 : i32
    %cond3A_17 = arith.cmpi ne, %convert_element_type3A_15, %cond3A_16 : i32
    scf.if %cond3A_17 {
      %get3A = arith.constant 0 : index
      %get3A_18 = arith.constant 0 : index
      %get3A_19 = vector.load %arg2[%get3A, %get3A_18] : memref<2000x128xf32, #tpu.memory_space<vmem>>, vector<2000x128xf32>
      %get3A_20 = arith.constant 0 : index
      %get3A_21 = arith.constant 0 : index
      %get3A_22 = vector.load %arg5[%get3A_20, %get3A_21] : memref<128x128xf32, #tpu.memory_space<vmem>>, vector<128x128xf32>
      %dot_general3A = arith.constant dense<0.000000e+00> : vector<2000x128xf32>
      %dot_general3A_23 = tpu.matmul %get3A_19, %get3A_22, %dot_general3A {dimension_numbers = #tpu.dot_dimension_numbers<[1], [0], [0], [1], [0, 0, 1, 1], [], []>, transpose_lhs_hint = false} : vector<2000x128xf32>, vector<128x128xf32>, vector<2000x128xf32> -> vector<2000x128xf32>
      %get3A_24 = arith.constant 0 : index
      %get3A_25 = arith.constant 0 : index
      %get3A_26 = vector.load %arg6[%get3A_24, %get3A_25] : memref<1x128xf32, #tpu.memory_space<vmem>>, vector<1x128xf32>
      %add3A = vector.broadcast %get3A_26 : vector<1x128xf32> to vector<2000x128xf32>
      %add3A_27 = arith.addf %dot_general3A_23, %add3A : vector<2000x128xf32>
      %swap3A = arith.constant 0 : index
      %swap3A_28 = arith.constant 0 : index
      %swap3A_29 = vector.load %arg8[%swap3A, %swap3A_28] : memref<2000x128xf32, #tpu.memory_space<vmem>>, vector<2000x128xf32>
      tpu.vector_store %arg8[%swap3A, %swap3A_28], %add3A_27 {strides = array<i32>} : memref<2000x128xf32, #tpu.memory_space<vmem>>, vector<2000x128xf32>,
    } else {
    }
    return
  }
  func.func @transform_0(%arg0: i32, %arg1: i32) -> (i32, i32) {
    %c0_i32 = arith.constant 0 : i32
    %c0_i32_0 = arith.constant 0 : i32
    return %arg0, %c0_i32 : i32, i32
  }
  func.func @transform_1(%arg0: i32, %arg1: i32) -> (i32, i32, i32) {
    %c0_i32 = arith.constant 0 : i32
    %c0_i32_0 = arith.constant 0 : i32
    %c0_i32_1 = arith.constant 0 : i32
    return %arg1, %c0_i32, %c0_i32_0 : i32, i32, i32
  }
  func.func @transform_2(%arg0: i32, %arg1: i32) -> (i32, i32, i32) {
    %c0_i32 = arith.constant 0 : i32
    %c0_i32_0 = arith.constant 0 : i32
    %c0_i32_1 = arith.constant 0 : i32
    %c0_i32_2 = arith.constant 0 : i32
    return %c0_i32, %c0_i32_0, %c0_i32_1 : i32, i32, i32
  }
  func.func @transform_3(%arg0: i32, %arg1: i32) -> (i32, i32) {
    %c0_i32 = arith.constant 0 : i32
    %c0_i32_0 = arith.constant 0 : i32
    %c0_i32_1 = arith.constant 0 : i32
    return %c0_i32, %c0_i32_0 : i32, i32
  }
  func.func @transform_4(%arg0: i32, %arg1: i32) -> (i32, i32) {
    %c0_i32 = arith.constant 0 : i32
    %c0_i32_0 = arith.constant 0 : i32
    %c0_i32_1 = arith.constant 0 : i32
    return %c0_i32, %c0_i32_0 : i32, i32
  }
  func.func @transform_5(%arg0: i32, %arg1: i32) -> (i32, i32, i32) {
    %min3A = arith.constant 7 : i32
    %min3A_0 = arith.minsi %arg1, %min3A : i32
    %c0_i32 = arith.constant 0 : i32
    %c0_i32_1 = arith.constant 0 : i32
    return %min3A_0, %arg0, %c0_i32 : i32, i32, i32
  }
  func.func @transform_6(%arg0: i32, %arg1: i32) -> (i32, i32) {
    %c0_i32 = arith.constant 0 : i32
    %c0_i32_0 = arith.constant 0 : i32
    return %arg0, %c0_i32 : i32, i32
  }
}

module attributes {stable_mosaic.version = 14 : i64} {
  func.func @_prep2_body(%arg0: i32, %arg1: i32, %arg2: memref<2000x128xf32, #tpu.memory_space<vmem>>, %arg3: memref<2000x128xf32, #tpu.memory_space<vmem>>, %arg4: memref<2000x128xf32, #tpu.memory_space<vmem>>, %arg5: memref<1x1x4xf32, #tpu.memory_space<vmem>>, %arg6: memref<4x128x128xf32, #tpu.memory_space<vmem>>, %arg7: memref<128x128xf32, #tpu.memory_space<vmem>>, %arg8: memref<1x128xf32, #tpu.memory_space<vmem>>, %arg9: memref<1x2000x128xbf16, #tpu.memory_space<vmem>>, %arg10: memref<2000x128xf32, #tpu.memory_space<vmem>>, %arg11: memref<8x128x128xbf16, #tpu.memory_space<vmem>>, %arg12: memref<2000x128xf32, #tpu.memory_space<vmem>>, %arg13: memref<2000x128xbf16, #tpu.memory_space<vmem>>) attributes {dimension_semantics = [#tpu.dimension_semantics<arbitrary>, #tpu.dimension_semantics<arbitrary>], iteration_bounds = array<i64: 5, 9>, scalar_prefetch = 0 : i64, scratch_operands = 3 : i64, tpu.core_type = #tpu.core_type<tc>, window_params = [{transform_indices = @transform_0, window_bounds = array<i64: 2000, 128>}, {transform_indices = @transform_1, window_bounds = array<i64: 2000, 128>}, {transform_indices = @transform_2, window_bounds = array<i64: 2000, 128>}, {transform_indices = @transform_3, window_bounds = array<i64: 1, 1, 4>}, {pipeline_mode = #tpu.pipeline_mode<synchronous>, transform_indices = @transform_4, window_bounds = array<i64: 4, 128, 128>}, {pipeline_mode = #tpu.pipeline_mode<synchronous>, transform_indices = @transform_5, window_bounds = array<i64: 128, 128>}, {pipeline_mode = #tpu.pipeline_mode<synchronous>, transform_indices = @transform_6, window_bounds = array<i64: 1, 128>}, {transform_indices = @transform_7, window_bounds = array<i64: 1, 2000, 128>}, {transform_indices = @transform_8, window_bounds = array<i64: 2000, 128>}]} {
    %eq3A = arith.constant 0 : i32
    %eq3A_0 = arith.cmpi eq, %arg1, %eq3A : i32
    %convert_element_type3A = arith.extui %eq3A_0 : i1 to i32
    %cond3A = arith.constant 0 : i32
    %cond3A_1 = arith.cmpi ne, %convert_element_type3A, %cond3A : i32
    scf.if %cond3A_1 {
      %get3A = arith.constant 0 : index
      %get3A_18 = arith.constant 0 : index
      %get3A_19 = vector.load %arg2[%get3A, %get3A_18] : memref<2000x128xf32, #tpu.memory_space<vmem>>, vector<2000x128xf32>
      %get3A_20 = arith.constant 0 : index
      %get3A_21 = arith.constant 0 : index
      %get3A_22 = vector.load %arg3[%get3A_20, %get3A_21] : memref<2000x128xf32, #tpu.memory_space<vmem>>, vector<2000x128xf32>
      %add3A = arith.addf %get3A_19, %get3A_22 : vector<2000x128xf32>
      %get3A_23 = arith.constant 0 : index
      %get3A_24 = arith.constant 0 : index
      %get3A_25 = vector.load %arg4[%get3A_23, %get3A_24] : memref<2000x128xf32, #tpu.memory_space<vmem>>, vector<2000x128xf32>
      %add3A_26 = arith.addf %add3A, %get3A_25 : vector<2000x128xf32>
      %logistic3A = arith.negf %add3A_26 : vector<2000x128xf32>
      %logistic3A_27 = math.exp %logistic3A : vector<2000x128xf32>
      %logistic3A_28 = arith.constant 1.000000e+00 : f32
      %logistic3A_29 = vector.broadcast %logistic3A_28 : f32 to vector<2000x128xf32>
      %logistic3A_30 = arith.addf %logistic3A_29, %logistic3A_27 : vector<2000x128xf32>
      %logistic3A_31 = arith.divf %logistic3A_29, %logistic3A_30 : vector<2000x128xf32>
      %swap3A = arith.constant 0 : index
      %swap3A_32 = arith.constant 0 : index
      %swap3A_33 = vector.load %arg12[%swap3A, %swap3A_32] : memref<2000x128xf32, #tpu.memory_space<vmem>>, vector<2000x128xf32>
      tpu.vector_store %arg12[%swap3A, %swap3A_32], %logistic3A_31 {strides = array<i32>} : memref<2000x128xf32, #tpu.memory_space<vmem>>, vector<2000x128xf32>,
      %convert_element_type3A_34 = arith.truncf %logistic3A_31 : vector<2000x128xf32> to vector<2000x128xbf16>
      %swap3A_35 = arith.constant 0 : index
      %swap3A_36 = arith.constant 0 : index
      %swap3A_37 = vector.load %arg13[%swap3A_35, %swap3A_36] : memref<2000x128xbf16, #tpu.memory_space<vmem>>, vector<2000x128xbf16>
      tpu.vector_store %arg13[%swap3A_35, %swap3A_36], %convert_element_type3A_34 {strides = array<i32>} : memref<2000x128xbf16, #tpu.memory_space<vmem>>, vector<2000x128xbf16>,
    } else {
    }
    %eq3A_2 = arith.constant 0 : i32
    %eq3A_3 = arith.cmpi eq, %arg0, %eq3A_2 : i32
    %lt3A = arith.constant 8 : i32
    %lt3A_4 = arith.cmpi slt, %arg1, %lt3A : i32
    %and3A = arith.andi %eq3A_3, %lt3A_4 : i1
    %convert_element_type3A_5 = arith.extui %and3A : i1 to i32
    %cond3A_6 = arith.constant 0 : i32
    %cond3A_7 = arith.cmpi ne, %convert_element_type3A_5, %cond3A_6 : i32
    scf.if %cond3A_7 {
      %get3A = arith.constant 0 : index
      %get3A_18 = arith.constant 0 : index
      %get3A_19 = arith.constant 0 : index
      %get3A_20 = vector.load %arg5[%get3A, %get3A_18, %get3A_19] : memref<1x1x4xf32, #tpu.memory_space<vmem>>, vector<1x1x4xf32>
      %get3A_21 = arith.constant 0 : index
      %get3A_22 = arith.constant 0 : index
      %get3A_23 = arith.constant 0 : index
      %get3A_24 = vector.load %arg6[%get3A_21, %get3A_22, %get3A_23] : memref<4x128x128xf32, #tpu.memory_space<vmem>>, vector<4x128x128xf32>
      %squeeze3A = vector.shape_cast %get3A_20 : vector<1x1x4xf32> to vector<1x4xf32>
      %slice3A = vector.extract_strided_slice %squeeze3A {offsets = [0, 0], sizes = [1, 1], strides = [1, 1]} : vector<1x4xf32> to vector<1x1xf32>
      %slice3A_25 = vector.extract_strided_slice %get3A_24 {offsets = [0, 0, 0], sizes = [1, 128, 128], strides = [1, 1, 1]} : vector<4x128x128xf32> to vector<1x128x128xf32>
      %squeeze3A_26 = vector.shape_cast %slice3A_25 : vector<1x128x128xf32> to vector<128x128xf32>
      %mul3A = vector.broadcast %slice3A : vector<1x1xf32> to vector<128x128xf32>
      %mul3A_27 = arith.mulf %mul3A, %squeeze3A_26 : vector<128x128xf32>
      %slice3A_28 = vector.extract_strided_slice %squeeze3A {offsets = [0, 1], sizes = [1, 1], strides = [1, 1]} : vector<1x4xf32> to vector<1x1xf32>
      %slice3A_29 = vector.extract_strided_slice %get3A_24 {offsets = [1, 0, 0], sizes = [1, 128, 128], strides = [1, 1, 1]} : vector<4x128x128xf32> to vector<1x128x128xf32>
      %squeeze3A_30 = vector.shape_cast %slice3A_29 : vector<1x128x128xf32> to vector<128x128xf32>
      %mul3A_31 = vector.broadcast %slice3A_28 : vector<1x1xf32> to vector<128x128xf32>
      %mul3A_32 = arith.mulf %mul3A_31, %squeeze3A_30 : vector<128x128xf32>
      %add3A = arith.addf %mul3A_27, %mul3A_32 : vector<128x128xf32>
      %slice3A_33 = vector.extract_strided_slice %squeeze3A {offsets = [0, 2], sizes = [1, 1], strides = [1, 1]} : vector<1x4xf32> to vector<1x1xf32>
      %slice3A_34 = vector.extract_strided_slice %get3A_24 {offsets = [2, 0, 0], sizes = [1, 128, 128], strides = [1, 1, 1]} : vector<4x128x128xf32> to vector<1x128x128xf32>
      %squeeze3A_35 = vector.shape_cast %slice3A_34 : vector<1x128x128xf32> to vector<128x128xf32>
      %mul3A_36 = vector.broadcast %slice3A_33 : vector<1x1xf32> to vector<128x128xf32>
      %mul3A_37 = arith.mulf %mul3A_36, %squeeze3A_35 : vector<128x128xf32>
      %add3A_38 = arith.addf %add3A, %mul3A_37 : vector<128x128xf32>
      %slice3A_39 = vector.extract_strided_slice %squeeze3A {offsets = [0, 3], sizes = [1, 1], strides = [1, 1]} : vector<1x4xf32> to vector<1x1xf32>
      %slice3A_40 = vector.extract_strided_slice %get3A_24 {offsets = [3, 0, 0], sizes = [1, 128, 128], strides = [1, 1, 1]} : vector<4x128x128xf32> to vector<1x128x128xf32>
      %squeeze3A_41 = vector.shape_cast %slice3A_40 : vector<1x128x128xf32> to vector<128x128xf32>
      %mul3A_42 = vector.broadcast %slice3A_39 : vector<1x1xf32> to vector<128x128xf32>
      %mul3A_43 = arith.mulf %mul3A_42, %squeeze3A_41 : vector<128x128xf32>
      %add3A_44 = arith.addf %add3A_38, %mul3A_43 : vector<128x128xf32>
      %convert_element_type3A_45 = arith.truncf %add3A_44 : vector<128x128xf32> to vector<128x128xbf16>
      %swap3A = arith.index_cast %arg1 : i32 to index
      %swap3A_46 = arith.constant 0 : index
      %swap3A_47 = arith.constant 0 : index
      %swap3A_48 = vector.load %arg11[%swap3A, %swap3A_46, %swap3A_47] : memref<8x128x128xbf16, #tpu.memory_space<vmem>>, vector<1x128x128xbf16>
      %swap3A_49 = vector.shape_cast %swap3A_48 : vector<1x128x128xbf16> to vector<128x128xbf16>
      %swap3A_50 = vector.shape_cast %convert_element_type3A_45 : vector<128x128xbf16> to vector<1x128x128xbf16>
      tpu.vector_store %arg11[%swap3A, %swap3A_46, %swap3A_47], %swap3A_50 {strides = array<i32>} : memref<8x128x128xbf16, #tpu.memory_space<vmem>>, vector<1x128x128xbf16>,
    } else {
    }
    %lt3A_8 = arith.constant 8 : i32
    %lt3A_9 = arith.cmpi slt, %arg1, %lt3A_8 : i32
    %convert_element_type3A_10 = arith.extui %lt3A_9 : i1 to i32
    %cond3A_11 = arith.constant 0 : i32
    %cond3A_12 = arith.cmpi ne, %convert_element_type3A_10, %cond3A_11 : i32
    scf.if %cond3A_12 {
      %get3A = arith.constant 0 : index
      %get3A_18 = arith.constant 0 : index
      %get3A_19 = vector.load %arg13[%get3A, %get3A_18] : memref<2000x128xbf16, #tpu.memory_space<vmem>>, vector<2000x128xbf16>
      %get3A_20 = arith.index_cast %arg1 : i32 to index
      %get3A_21 = arith.constant 0 : index
      %get3A_22 = arith.constant 0 : index
      %get3A_23 = vector.load %arg11[%get3A_20, %get3A_21, %get3A_22] : memref<8x128x128xbf16, #tpu.memory_space<vmem>>, vector<1x128x128xbf16>
      %get3A_24 = vector.shape_cast %get3A_23 : vector<1x128x128xbf16> to vector<128x128xbf16>
      %dot_general3A = arith.constant dense<0.000000e+00> : vector<2000x128xf32>
      %dot_general3A_25 = tpu.matmul %get3A_19, %get3A_24, %dot_general3A {dimension_numbers = #tpu.dot_dimension_numbers<[1], [0], [0], [1], [0, 0, 1, 1], [], []>, transpose_lhs_hint = false} : vector<2000x128xbf16>, vector<128x128xbf16>, vector<2000x128xf32> -> vector<2000x128xf32>
      %convert_element_type3A_26 = arith.truncf %dot_general3A_25 : vector<2000x128xf32> to vector<2000x128xbf16>
      %swap3A = arith.constant 0 : index
      %swap3A_27 = arith.constant 0 : index
      %swap3A_28 = arith.constant 0 : index
      %swap3A_29 = vector.load %arg9[%swap3A, %swap3A_27, %swap3A_28] : memref<1x2000x128xbf16, #tpu.memory_space<vmem>>, vector<1x2000x128xbf16>
      %swap3A_30 = vector.shape_cast %swap3A_29 : vector<1x2000x128xbf16> to vector<2000x128xbf16>
      %swap3A_31 = vector.shape_cast %convert_element_type3A_26 : vector<2000x128xbf16> to vector<1x2000x128xbf16>
      tpu.vector_store %arg9[%swap3A, %swap3A_27, %swap3A_28], %swap3A_31 {strides = array<i32>} : memref<1x2000x128xbf16, #tpu.memory_space<vmem>>, vector<1x2000x128xbf16>,
    } else {
    }
    %eq3A_13 = arith.constant 8 : i32
    %eq3A_14 = arith.cmpi eq, %arg1, %eq3A_13 : i32
    %convert_element_type3A_15 = arith.extui %eq3A_14 : i1 to i32
    %cond3A_16 = arith.constant 0 : i32
    %cond3A_17 = arith.cmpi ne, %convert_element_type3A_15, %cond3A_16 : i32
    scf.if %cond3A_17 {
      %get3A = arith.constant 0 : index
      %get3A_18 = arith.constant 0 : index
      %get3A_19 = vector.load %arg12[%get3A, %get3A_18] : memref<2000x128xf32, #tpu.memory_space<vmem>>, vector<2000x128xf32>
      %get3A_20 = arith.constant 0 : index
      %get3A_21 = arith.constant 0 : index
      %get3A_22 = vector.load %arg7[%get3A_20, %get3A_21] : memref<128x128xf32, #tpu.memory_space<vmem>>, vector<128x128xf32>
      %dot_general3A = arith.constant dense<0.000000e+00> : vector<2000x128xf32>
      %dot_general3A_23 = tpu.matmul %get3A_19, %get3A_22, %dot_general3A {dimension_numbers = #tpu.dot_dimension_numbers<[1], [0], [0], [1], [0, 0, 1, 1], [], []>, transpose_lhs_hint = false} : vector<2000x128xf32>, vector<128x128xf32>, vector<2000x128xf32> -> vector<2000x128xf32>
      %get3A_24 = arith.constant 0 : index
      %get3A_25 = arith.constant 0 : index
      %get3A_26 = vector.load %arg8[%get3A_24, %get3A_25] : memref<1x128xf32, #tpu.memory_space<vmem>>, vector<1x128xf32>
      %add3A = vector.broadcast %get3A_26 : vector<1x128xf32> to vector<2000x128xf32>
      %add3A_27 = arith.addf %dot_general3A_23, %add3A : vector<2000x128xf32>
      %swap3A = arith.constant 0 : index
      %swap3A_28 = arith.constant 0 : index
      %swap3A_29 = vector.load %arg10[%swap3A, %swap3A_28] : memref<2000x128xf32, #tpu.memory_space<vmem>>, vector<2000x128xf32>
      tpu.vector_store %arg10[%swap3A, %swap3A_28], %add3A_27 {strides = array<i32>} : memref<2000x128xf32, #tpu.memory_space<vmem>>, vector<2000x128xf32>,
    } else {
    }
    return
  }
  func.func @transform_0(%arg0: i32, %arg1: i32) -> (i32, i32) {
    %c0_i32 = arith.constant 0 : i32
    %c0_i32_0 = arith.constant 0 : i32
    return %arg0, %c0_i32 : i32, i32
  }
  func.func @transform_1(%arg0: i32, %arg1: i32) -> (i32, i32) {
    %c0_i32 = arith.constant 0 : i32
    %c0_i32_0 = arith.constant 0 : i32
    return %arg0, %c0_i32 : i32, i32
  }
  func.func @transform_2(%arg0: i32, %arg1: i32) -> (i32, i32) {
    %c0_i32 = arith.constant 0 : i32
    %c0_i32_0 = arith.constant 0 : i32
    return %arg0, %c0_i32 : i32, i32
  }
  func.func @transform_3(%arg0: i32, %arg1: i32) -> (i32, i32, i32) {
    %c0_i32 = arith.constant 0 : i32
    %c0_i32_0 = arith.constant 0 : i32
    %c0_i32_1 = arith.constant 0 : i32
    return %arg1, %c0_i32, %c0_i32_0 : i32, i32, i32
  }
  func.func @transform_4(%arg0: i32, %arg1: i32) -> (i32, i32, i32) {
    %c0_i32 = arith.constant 0 : i32
    %c0_i32_0 = arith.constant 0 : i32
    %c0_i32_1 = arith.constant 0 : i32
    %c0_i32_2 = arith.constant 0 : i32
    return %c0_i32, %c0_i32_0, %c0_i32_1 : i32, i32, i32
  }
  func.func @transform_5(%arg0: i32, %arg1: i32) -> (i32, i32) {
    %c0_i32 = arith.constant 0 : i32
    %c0_i32_0 = arith.constant 0 : i32
    %c0_i32_1 = arith.constant 0 : i32
    return %c0_i32, %c0_i32_0 : i32, i32
  }
  func.func @transform_6(%arg0: i32, %arg1: i32) -> (i32, i32) {
    %c0_i32 = arith.constant 0 : i32
    %c0_i32_0 = arith.constant 0 : i32
    %c0_i32_1 = arith.constant 0 : i32
    return %c0_i32, %c0_i32_0 : i32, i32
  }
  func.func @transform_7(%arg0: i32, %arg1: i32) -> (i32, i32, i32) {
    %min3A = arith.constant 7 : i32
    %min3A_0 = arith.minsi %arg1, %min3A : i32
    %c0_i32 = arith.constant 0 : i32
    %c0_i32_1 = arith.constant 0 : i32
    return %min3A_0, %arg0, %c0_i32 : i32, i32, i32
  }
  func.func @transform_8(%arg0: i32, %arg1: i32) -> (i32, i32) {
    %c0_i32 = arith.constant 0 : i32
    %c0_i32_0 = arith.constant 0 : i32
    return %arg0, %c0_i32 : i32, i32
  }
}

module attributes {stable_mosaic.version = 14 : i64} {
  func.func @_combine_body(%arg0: i32, %arg1: memref<2000x128xf32, #tpu.memory_space<vmem>>, %arg2: memref<2000x128xf32, #tpu.memory_space<vmem>>, %arg3: memref<2000x128xf32, #tpu.memory_space<vmem>>, %arg4: memref<2000x128xf32, #tpu.memory_space<vmem>>) attributes {dimension_semantics = [#tpu.dimension_semantics<arbitrary>], iteration_bounds = array<i64: 5>, scalar_prefetch = 0 : i64, scratch_operands = 0 : i64, tpu.core_type = #tpu.core_type<tc>, window_params = [{transform_indices = @transform_0, window_bounds = array<i64: 2000, 128>}, {transform_indices = @transform_1, window_bounds = array<i64: 2000, 128>}, {transform_indices = @transform_2, window_bounds = array<i64: 2000, 128>}, {transform_indices = @transform_3, window_bounds = array<i64: 2000, 128>}]} {
    %get3A = arith.constant 0 : index
    %get3A_0 = arith.constant 0 : index
    %get3A_1 = vector.load %arg1[%get3A, %get3A_0] : memref<2000x128xf32, #tpu.memory_space<vmem>>, vector<2000x128xf32>
    %get3A_2 = arith.constant 0 : index
    %get3A_3 = arith.constant 0 : index
    %get3A_4 = vector.load %arg2[%get3A_2, %get3A_3] : memref<2000x128xf32, #tpu.memory_space<vmem>>, vector<2000x128xf32>
    %add3A = arith.addf %get3A_1, %get3A_4 : vector<2000x128xf32>
    %get3A_5 = arith.constant 0 : index
    %get3A_6 = arith.constant 0 : index
    %get3A_7 = vector.load %arg3[%get3A_5, %get3A_6] : memref<2000x128xf32, #tpu.memory_space<vmem>>, vector<2000x128xf32>
    %add3A_8 = arith.addf %add3A, %get3A_7 : vector<2000x128xf32>
    %logistic3A = arith.negf %add3A_8 : vector<2000x128xf32>
    %logistic3A_9 = math.exp %logistic3A : vector<2000x128xf32>
    %logistic3A_10 = arith.constant 1.000000e+00 : f32
    %logistic3A_11 = vector.broadcast %logistic3A_10 : f32 to vector<2000x128xf32>
    %logistic3A_12 = arith.addf %logistic3A_11, %logistic3A_9 : vector<2000x128xf32>
    %logistic3A_13 = arith.divf %logistic3A_11, %logistic3A_12 : vector<2000x128xf32>
    %swap3A = arith.constant 0 : index
    %swap3A_14 = arith.constant 0 : index
    %swap3A_15 = vector.load %arg4[%swap3A, %swap3A_14] : memref<2000x128xf32, #tpu.memory_space<vmem>>, vector<2000x128xf32>
    tpu.vector_store %arg4[%swap3A, %swap3A_14], %logistic3A_13 {strides = array<i32>} : memref<2000x128xf32, #tpu.memory_space<vmem>>, vector<2000x128xf32>,
    return
  }
  func.func @transform_0(%arg0: i32) -> (i32, i32) {
    %c0_i32 = arith.constant 0 : i32
    %c0_i32_0 = arith.constant 0 : i32
    return %arg0, %c0_i32 : i32, i32
  }
  func.func @transform_1(%arg0: i32) -> (i32, i32) {
    %c0_i32 = arith.constant 0 : i32
    %c0_i32_0 = arith.constant 0 : i32
    return %arg0, %c0_i32 : i32, i32
  }
  func.func @transform_2(%arg0: i32) -> (i32, i32) {
    %c0_i32 = arith.constant 0 : i32
    %c0_i32_0 = arith.constant 0 : i32
    return %arg0, %c0_i32 : i32, i32
  }
  func.func @transform_3(%arg0: i32) -> (i32, i32) {
    %c0_i32 = arith.constant 0 : i32
    %c0_i32_0 = arith.constant 0 : i32
    return %arg0, %c0_i32 : i32, i32
  }
}

</mosaic_0001>

<sc_bundles>
// kernel: kernel.11.cloned.1.call-start
scs
__scs_entry_jumppad:
0x0: {  	(pc) =	sbr.rel $0x88, $3  }
0x1: {  	(tag) =	ssettag $0x0;
	lr =	simm.s32 $0x1  }
0x2: {  	[smem:$0x3F96] =	sst lr;
	_ =	strace $0xD0000000  }
0x3: {  	_ = 	snop  }
0x4: {  	_ = 	snop  }
0x5: {  	_ = 	snop  }
0x6: {  	_ = 	snop  }
0x7: {  	_ = 	snop  }
__scs_overlays_trampoline_lowered:
0x8: {  	[smem:$0x3FA5] =	sst s0  }
0x9: {  	[smem:$0x3FA6] =	sst s1  }
0xa: {  	[smem:$0x3FA7] =	sst s2  }
0xb: {  	[smem:$0x3FA8] =	sst s3  }
0xc: {  	[smem:$0x3FA9] =	sst s4  }
0xd: {  	[smem:$0x3FAA] =	sst s5  }
0xe: {  	[smem:$0x3FAB] =	sst s6  }
0xf: {  	[smem:$0x3FAC] =	sst s7  }
0x10: {  	[smem:$0x3FAD] =	sst s8  }
0x11: {  	[smem:$0x3FAE] =	sst s9;
	s0 =	simm.s32 @!p0 $0x0  }
0x12: {  	s1 =	sld [smem:$0x3F94];
	s0 =	simm.s32 @p0 $0x1  }
0x13: {  	[smem:$0x3FAF] =	sst s0;
	s0 =	simm.s32 @!p1 $0x0  }
0x14: {  	s2 =	sld [smem:$0x3F93];
	s0 =	simm.s32 @p1 $0x1  }
0x15: {  	[smem:$0x3FB0] =	sst s0;
	s0 =	simm.s32 @!p2 $0x0  }
0x16: {  	s3 =	sld [smem:$0x3FDB];
	s0 =	simm.s32 @p2 $0x1  }
0x17: {  	s4 =	simm.s32 $0x1BF5;
	[smem:$0x3FB2] =	sst s0  }
0x18: {  	s0 =	sld [smem:$0x3F95];
	_ =	swait.ge [sflag:s4], $0x0  }
0x19: {  	s7 =	sld [smem:$0x3F96]  }
0x1a: {  	s8 =	sadd.s32 $0xFFFFE003, lr  }
0x1b: {  	s9 =	sadd.s32 $0xFFFFFEF7, lr;
	s5 =	simm.s32 $0xFFFFFFFF;
	p2 =	slt.u32 s8, $0xFFFFF086  }
0x1c: {  	p1 =	slt.u32 s9, $0xF7A;
	s5 =	simm.s32 @!p2 $0x0  }
0x1d: {  	s5 =	simm.s32 @p1 $0x1;
	p0 =	seq.s32 s7, s2  }
0x1e: {  	s7 =	smul.u32 @!p0 $0xF7A, s2;
	p2 =	seq.s32 @!p0 s5, $0x0  }
0x1f: {  	s9 =	smul.u32 $0xF7A, s1;
	s8 =	simm.s32 @!p0 $0x1BF5;
	p2 =	por !p2, p0  }
0x20: {  	[sflag:s8] =	ssyncset.s32 @!p0 $0xFFFFF086;
	s6 =	sadd.s32 @!p0 s3, s7;
	s7 =	simm.s32 @!p0 $0x108  }
0x21: {  	s3 =	sadd.s32 s3, s9;
	s6 =	sadd.s32 @!p0 $0x88, s6;
	s7 =	simm.s32 @p2 $0x1082  }
0x22: {  	[simem:s7], [sflag:s8] =	dma.local @!p0 [hbm:s6], $0xF7A  }
0x23: {  	s9 =	sor.u32 $0xD0000000, s2;
	s6 =	simm.s32 $0x108;
	_ =	swait.ge @!p0 [sflag:s8], $0x0  }
0x24: {  	s3 =	sadd.s32 $0x88, s3;
	s6 =	simm.s32 @!p1 $0x1082;
	[sflag:s4] =	ssyncset.s32 $0xFFFFF086  }
0x25: {  	[simem:s6], [sflag:s4] =	dma.local [hbm:s3], $0xF7A  }
0x26: {  	[smem:$0x3F96] =	sst s1;
	(tag) =	ssettag s2;
	_ =	strace s9  }
0x27: {  	s1 =	sld [smem:$0x3FA6]  }
0x28: {  	s2 =	sld [smem:$0x3FA7]  }
0x29: {  	s4 =	sld [smem:$0x3FA9]  }
0x2a: {  	p0 =	seq.s32 s5, $0x0;
	s5 =	sld [smem:$0x3FAA]  }
0x2b: {  	s6 =	sld [smem:$0x3FAB]  }
0x2c: {  	s7 =	sld [smem:$0x3FAC]  }
0x2d: {  	s3 =	simm.s32 $0x108;
	s8 =	sld [smem:$0x3FAD]  }
0x2e: {  	s3 =	simm.s32 @!p0 $0x1082;
	s9 =	sld [smem:$0x3FAE]  }
0x2f: {  	lr =	sadd.s32 s0, s3;
	s0 =	sld [smem:$0x3FA5]  }
0x30: {  	s3 =	sld [smem:$0x3FA8]  }
0x31: {  	[smem:$0x3FB1] =	sst s10  }
0x32: {  	s10 =	sld [smem:$0x3FAF];
	_ =	sdelay $0x3  }
0x33: {  	p0 =	seq.s32 s10, $0x1;
	s10 =	sld [smem:$0x3FB1];
	_ =	sdelay $0x3  }
0x34: {  	[smem:$0x3FB1] =	sst s10  }
0x35: {  	s10 =	sld [smem:$0x3FB0];
	_ =	sdelay $0x3  }
0x36: {  	p1 =	seq.s32 s10, $0x1;
	s10 =	sld [smem:$0x3FB1];
	_ =	sdelay $0x3  }
0x37: {  	[smem:$0x3FB1] =	sst s10  }
0x38: {  	s10 =	sld [smem:$0x3FB2]  }
0x39: {  	_ = 	snop;
	(pc) =	sbr.ind lr, $3  }
0x3a: {  	_ = 	snop  }
0x3b: {  	_ = 	snop  }
0x3c: {  	p2 =	seq.s32 s10, $0x1;
	s10 =	sld [smem:$0x3FB1]  }
0x3d: {  	_ =	shalt  }
0x3e: {  	_ =	shalt  }
0x3f: {  	_ =	shalt  }
0x40: {  	_ =	shalt  }
0x41: {  	_ =	shalt  }
0x42: {  	_ =	shalt  }
0x43: {  	_ =	shalt  }
0x44: {  	_ =	shalt  }
0x45: {  	_ =	shalt  }
0x46: {  	_ =	shalt  }
0x47: {  	_ =	shalt  }
0x48: {  	_ =	shalt  }
0x49: {  	_ =	shalt  }
0x4a: {  	_ =	shalt  }
0x4b: {  	_ =	shalt  }
0x4c: {  	_ =	shalt  }
0x4d: {  	_ =	shalt  }
0x4e: {  	_ =	shalt  }
0x4f: {  	_ =	shalt  }
0x50: {  	_ =	shalt  }
0x51: {  	_ =	shalt  }
0x52: {  	_ =	shalt  }
0x53: {  	_ =	shalt  }
0x54: {  	_ =	shalt  }
0x55: {  	_ =	shalt  }
0x56: {  	_ =	shalt  }
0x57: {  	_ =	shalt  }
0x58: {  	_ =	shalt  }
0x59: {  	_ =	shalt  }
0x5a: {  	_ =	shalt  }
0x5b: {  	_ =	shalt  }
0x5c: {  	_ =	shalt  }
0x5d: {  	_ =	shalt  }
0x5e: {  	_ =	shalt  }
0x5f: {  	_ =	shalt  }
0x60: {  	_ =	shalt  }
0x61: {  	_ =	shalt  }
0x62: {  	_ =	shalt  }
0x63: {  	_ =	shalt  }
0x64: {  	_ =	shalt  }
0x65: {  	_ =	shalt  }
0x66: {  	_ =	shalt  }
0x67: {  	_ =	shalt  }
0x68: {  	_ =	shalt  }
0x69: {  	_ =	shalt  }
0x6a: {  	_ =	shalt  }
0x6b: {  	_ =	shalt  }
0x6c: {  	_ =	shalt  }
0x6d: {  	_ =	shalt  }
0x6e: {  	_ =	shalt  }
0x6f: {  	_ =	shalt  }
0x70: {  	_ =	shalt  }
0x71: {  	_ =	shalt  }
0x72: {  	_ =	shalt  }
0x73: {  	_ =	shalt  }
0x74: {  	_ =	shalt  }
0x75: {  	_ =	shalt  }
0x76: {  	_ =	shalt  }
0x77: {  	_ =	shalt  }
0x78: {  	_ =	shalt  }
0x79: {  	_ =	shalt  }
0x7a: {  	_ =	shalt  }
0x7b: {  	_ =	shalt  }
0x7c: {  	_ =	shalt  }
0x7d: {  	_ =	shalt  }
0x7e: {  	_ =	shalt  }
0x7f: {  	_ =	shalt  }
0x80: {  	_ =	shalt  }
0x81: {  	_ =	shalt  }
0x82: {  	_ =	shalt  }
0x83: {  	_ =	shalt  }
0x84: {  	_ =	shalt  }
0x85: {  	_ =	shalt  }
0x86: {  	_ =	shalt  }
0x87: {  	_ =	shalt  }
.Lfunc_end0:
.L_simem_size_0:
called_computation.1_lowered:
.L_overlay_start_0:
0x88: {  	s2 =	sld [smem:$0x3FD9]  }
0x89: {  	s3 =	sld [smem:$0x3FFE];
	_ =	sdelay $0x1  }
0x8a: {  	s1 =	srdreg.scid  }
0x8b: {  	s0 =	sand.u32 $0x1, s1  }
0x8c: {  	s17 =	sshll.u32 s0, $0xA;
	s2 =	sadd.s32 s3, s2  }
0x8d: {  	s2 =	sadd.s32 s2, s17  }
0x8e: {  	[smem:$0x3FBD] =	sst s2  }
0x8f: {  	_ = 	snop  }
0x90: {  	s2 =	sld [smem:$0x3FD0];
	(tm) =	ssettm $0x1  }
0x91: {  	s18 =	sld [smem:$0x3FFB];
	_ =	sdelay $0x3  }
0x92: {  	_ =	strace s18  }
0x93: {  	s3 =	sld [smem:$0x3FFC];
	_ =	sdelay $0x3  }
0x94: {  	_ =	strace s3  }
0x95: {  	s3 =	sld [smem:$0x3FFD];
	_ =	sdelay $0x3  }
0x96: {  	_ =	strace s3  }
0x97: {  	_ =	strace $0x8FFFFFFF  }
0x98: {  	s19 =	sld [smem:$0x3FDB];
	_ =	sdelay $0x1  }
0x99: {  	s4 =	simm.s32 $_scs_section_size  }
0x9a: {  	s5 =	simm.s32 $_size__tile_overlayer_lowered;
	s6 =	simm.s32 $_tile_overlayer_lowered  }
0x9b: {  	s22 =	simm.s32 $0x1BFF;
	s21 =	sshll.u32 s6, $0x1;
	s3 =	sadd.s32 s4, s19  }
0x9c: {  	s7 =	simm.s32 $0x0;
	s20 =	sshll.u32 s5, $0x1;
	s5 =	sadd.s32 s21, s3  }
0x9d: {  	[timem:s7], [sflag:s22] =	dma.local [hbm:s5], s20  }
0x9e: {  	_ =	swait.ge [sflag:s22], s20  }
0x9f: {  	s4 =	ssub.s32 $0x0, s20;
	[sflag:s22] =	ssyncset.done $0x0  }
0xa0: {  	[sflag:s22] =	ssyncadd.s32 s4;
	_ =	sdelay $0x1  }
0xa1: {  	s23 =	simm.s32 $0x1B8B  }
0xa2: {  	_ =	swait.ge [sflag:s23], $0x1  }
0xa3: {  	[sflag:s23] =	ssyncset.done $0x0  }
0xa4: {  	s25 =	simm.s32 $0x1B8E;
	s24 =	sld [smem:$0x3FFE];
	[sflag:s23] =	ssyncadd.s32 $0xFFFFFFFF  }
0xa5: {  	s26 =	simm.s32 $execute0_lowered;
	[smem:$0x3FD2] =	sst s25  }
0xa6: {  	s5 =	sshll.u32 s26, $0x1;
	_ =	strace $0x80000049;
	[dreg:$0x1] =	wrdreg $0xFFFFFFFF  }
0xa7: {  	s28 =	simm.s32 $_size_execute0_lowered;
	s3 =	sadd.s32 s3, s5;
	[dreg:$0x0] =	wrdreg $0x0  }
0xa8: {  	s5 =	sshll.u32 s28, $0x1;
	[dreg:$0x2] =	wrdreg s3  }
0xa9: {  	[dreg:$0x3] =	wrdreg s5  }
0xaa: {  	[dreg:$0x4] =	wrdreg $0xC0  }
0xab: {  	_ =	task [dreg:s7], $0x5FFFF  }
0xac: {  	[dreg:$0x1] =	wrdreg $0xFFFFFFFF  }
0xad: {  	[dreg:$0x0] =	wrdreg $0x60  }
0xae: {  	[dreg:$0x2] =	wrdreg s24  }
0xaf: {  	[dreg:$0x3] =	wrdreg s2  }
0xb0: {  	[dreg:$0x4] =	wrdreg $0x0  }
0xb1: {  	[dreg:$0x5] =	wrdreg $0x9  }
0xb2: {  	_ =	task.clear_ibuf [dreg:s7], $0x6FFFF;
	_ =	strace $0x90000049  }
0xb3: {  	s29 =	simm.s32 $0x9;
	_ =	strace $0x8000004B  }
0xb4: {  	_ =	swait.ge [sflag:s29], $0x1  }
0xb5: {  	[sflag:s29] =	ssyncadd.s32 $0xFFFFFFFF  }
0xb6: {  	_ =	strace $0x9000004B  }
0xb7: {  	_ =	sfence  }
0xb8: {  	s30 =	sld [smem:$0x0];
	_ =	sdelay $0x2  }
0xb9: {  	s31 =	sshll.u32 s1, $0xD;
	s1 =	sshrl.u32 s1, $0x2  }
0xba: {  	s3 =	sand.u32 $0x4000, s31;
	s1 =	sadd.s32 s1, s30  }
0xbb: {  	s0 =	sor.u32 s3, s0;
	s1 =	sshll.u32 s1, $0x11  }
0xbc: {  	s0 =	sor.u32 s1, s0  }
0xbd: {  	s0 =	sadd.s32 $0x8F2B, s0  }
0xbe: {  	[sflag:s0] =	ssyncadd.remote.s32 $0x1  }
0xbf: {  	_ =	sfence.sel $0xFFFF  }
0xc0: {  	[dreg:$0x0] =	wrdreg $0xFFFFFFFF;
	(pc) =	sbr.abs _section_cstart, $3  }
0xc1: {  	[dreg:$0x1] =	wrdreg $0xFFFFFFFF  }
0xc2: {  	_ =	task.clear_ibuf [dreg:s7], $0x2FFFF;
	_ =	strace $0x9FFFFFFF  }
0xc3: {  	(tm) =	ssettm $0x7FFFFFFF  }
tec
execute0_lowered:
.L_overlay_start_1:
0x0: {  	(tag) =	ssettag $0x1  }
0x1: {  	s0 =	rddreg [dreg:$0x0]  }
0x2: {  	s1 =	srdreg.scid;
	s3 =	rddreg [dreg:$0x1]  }
0x3: {  	s2 =	rddreg [dreg:$0x2];
	s10 =	stileid.u32;
	s5 =	simm.s32 $0x0  }
0x4: {  	s28 =	simm.s32 $0x16080;
	s29 =	simm.s32 $0x1DE70;
	s30 =	simm.s32 $0x1  }
0x5: {  	s31 =	simm.s32 $0x160D0;
	s1 =	sand.u32 $0x1, s1;
	[smem:$0x7FF] =	sst s5  }
0x6: {  	s7 =	smul.u32 $0x4E200, s10;
	s5 =	sadd.s32 $0xD400, s0;
	s4 =	sshll.u32 s1, $0x4  }
0x7: {  	_ =	strace $0x8000004A;
	s8 =	ssub.s32 $0x2, s1;
	p0 =	seq.s32 s1, $0x1  }
0x8: {  	s1 =	simm.s32 $0x3;
	s4 =	sor.u32 s10, s4;
	s7 =	sshrl.u32 s7, $0x2  }
0x9: {  	s9 =	sshrl.u32 s8, $0x1;
	s10 =	smul.u32 $0x13880, s10;
	s18 =	sadd.s32 s7, s2  }
0xa: {  	s17 =	smul.u32 $0x4E2, s4;
	s4 =	sadd.s32 $0xD1800, s0;
	s19 =	sadd.s32 $0x2800, s18  }
0xb: {  	s8 =	ssub.s32 s8, s9;
	s20 =	sadd.s32 $0x5000, s18;
	[dreg:$0x5] =	wrdreg s19  }
0xc: {  	s7 =	sadd.s32 s10, s2;
	s21 =	sadd.s32 $0x7800, s18;
	[dreg:$0x6] =	wrdreg s20  }
0xd: {  	s22 =	sadd.s32 $0xA000, s18;
	s23 =	sadd.s32 $0xC800, s18;
	[dreg:$0x7] =	wrdreg s21  }
0xe: {  	s24 =	sadd.s32 $0xF000, s18;
	s25 =	sshrl.u32 s10, $0x3;
	[dreg:$0x8] =	wrdreg s22  }
0xf: {  	s26 =	smax.u32 s8, $0x1;
	s8 =	simm.s32 $0x0;
	[dreg:$0x9] =	wrdreg s23  }
0x10: {  	s6 =	sadd.s32 s17, s0;
	s0 =	sadd.s32 $0x35400, s0;
	[dreg:$0xa] =	wrdreg s24  }
0x11: {  	[dreg:$0xc] =	wrdreg s26;
	s19 =	simm.s32 $0x18970;
	s20 =	simm.s32 $0x50  }
0x12: {  	s21 =	simm.s32 $0x15F90;
	s22 =	simm.s32 $0x16170;
	s23 =	simm.s32 $0x16030  }
0x13: {  	s24 =	simm.s32 $0x1D970;
	s26 =	simm.s32 $0x17570;
	s6 =	sadd.s32 $0x3600, s6  }
0x14: {  	s17 =	simm.s32 $0x16120;
	s3 =	smov.u32 @p0 s0;
	[dreg:$0x4] =	wrdreg s6  }
0x15: {  	s6 =	sadd.s32 $0x11080, s18;
	s0 =	sadd.s32 s3, s25;
	s18 =	simm.s32 $0x5  }
0x16: {  	s25 =	simm.s32 $0x15FE0;
	s3 =	simm.s32 $0x1B170;
	[dreg:$0xb] =	wrdreg s6  }
0x17: {  	v0 =	vimm.f32 $0.0e+00;
	[dreg:$0xd] =	wrdreg s0;
	s0 =	simm.s32 $0x2;
	s6 =	simm.s32 $0x4  }
.LBB2_1:
0x18: {  	s9 =	simm.s32 $0x0;
	s10 =	rddreg [dreg:$0x4];
	s11 =	simm.s32 $0x13880  }
0x19: {  	[tilespmem:s11], [sflag:$0x5] =	stream.linear.gather [hbm4b:s10+s9], $0x2710, $0x38;
	[tilespmem:$0x1E370] =	vst v63  }
0x1a: {  	_ =	swait.ge [sflag:s18], $0x2710  }
0x1b: {  	[sflag:s18] =	ssyncset.done $0x0  }
0x1c: {  	s9 =	simm.s32 $0x0;
	s10 =	simm.s32 $0x200;
	[sflag:s18] =	ssyncadd.s32 $0xFFFFD8F0  }
.LBB2_2:
0x1d: {  	p0 =	sne.s32 s10, $0x9E00;
	[tilespmem:s9+$0x189E0] =	vst v0  }
0x1e: {  	[tilespmem:s9+$0x18970] =	vst v0  }
0x1f: {  	[tilespmem:s9+$0x18980] =	vst v0  }
.Ltmp0:
0x20: {  	[tilespmem:s9+$0x18990] =	vst v0;
	(pc) =	sbr.rel @p0 .LBB2_2-.Ltmp0, $4  }
0x21: {  	[tilespmem:s9+$0x189A0] =	vst v0  }
0x22: {  	[tilespmem:s9+$0x189B0] =	vst v0  }
0x23: {  	[tilespmem:s9+$0x189C0] =	vst v0  }
0x24: {  	[tilespmem:s9+$0x189D0] =	vst v0;
	s9 =	sshra.s32 s10, $0x2;
	s10 =	sadd.s32 $0x200, s10  }
0x25: {  	[tilespmem:s9+$0x189E0] =	vst v0  }
0x26: {  	[tilespmem:s9+$0x18970] =	vst v0  }
0x27: {  	[tilespmem:s9+$0x18980] =	vst v0  }
0x28: {  	[tilespmem:s9+$0x18990] =	vst v0  }
0x29: {  	[tilespmem:s9+$0x189A0] =	vst v0  }
0x2a: {  	[tilespmem:s9+$0x189B0] =	vst v0  }
0x2b: {  	[tilespmem:s9+$0x189C0] =	vst v0  }
0x2c: {  	[tilespmem:s9+$0x189D0] =	vst v0  }
0x2d: {  	[spmem:s7] =	stream.linear.scatter [tilespmem:s19], [sflag:$0x5], $0x2800, $0x38;
	[tilespmem:$0x1E370] =	vst v63  }
0x2e: {  	_ =	swait.ge [sflag:s18], $0x2800  }
0x2f: {  	[sflag:s18] =	ssyncset.done $0x0  }
0x30: {  	s10 =	rddreg [dreg:$0x5];
	[sflag:s18] =	ssyncadd.s32 $0xFFFFD800  }
0x31: {  	[spmem:s10] =	stream.linear.scatter [tilespmem:s19], [sflag:$0x5], $0x2800, $0x38;
	[tilespmem:$0x1E370] =	vst v63  }
0x32: {  	_ =	swait.ge [sflag:s18], $0x2800  }
0x33: {  	[sflag:s18] =	ssyncset.done $0x0  }
0x34: {  	s11 =	rddreg [dreg:$0x6];
	[sflag:s18] =	ssyncadd.s32 $0xFFFFD800  }
0x35: {  	[spmem:s11] =	stream.linear.scatter [tilespmem:s19], [sflag:$0x5], $0x2800, $0x38;
	[tilespmem:$0x1E370] =	vst v63  }
0x36: {  	_ =	swait.ge [sflag:s18], $0x2800  }
0x37: {  	[sflag:s18] =	ssyncset.done $0x0  }
0x38: {  	s12 =	rddreg [dreg:$0x7];
	[sflag:s18] =	ssyncadd.s32 $0xFFFFD800  }
0x39: {  	[spmem:s12] =	stream.linear.scatter [tilespmem:s19], [sflag:$0x5], $0x2800, $0x38;
	[tilespmem:$0x1E370] =	vst v63  }
0x3a: {  	_ =	swait.ge [sflag:s18], $0x2800  }
0x3b: {  	[sflag:s18] =	ssyncset.done $0x0  }
0x3c: {  	s13 =	rddreg [dreg:$0x8];
	[sflag:s18] =	ssyncadd.s32 $0xFFFFD800  }
0x3d: {  	[spmem:s13] =	stream.linear.scatter [tilespmem:s19], [sflag:$0x5], $0x2800, $0x38;
	[tilespmem:$0x1E370] =	vst v63  }
0x3e: {  	_ =	swait.ge [sflag:s18], $0x2800  }
0x3f: {  	[sflag:s18] =	ssyncset.done $0x0  }
0x40: {  	s14 =	rddreg [dreg:$0x9];
	[sflag:s18] =	ssyncadd.s32 $0xFFFFD800  }
0x41: {  	[spmem:s14] =	stream.linear.scatter [tilespmem:s19], [sflag:$0x5], $0x2800, $0x38;
	[tilespmem:$0x1E370] =	vst v63  }
0x42: {  	_ =	swait.ge [sflag:s18], $0x2800  }
0x43: {  	[sflag:s18] =	ssyncset.done $0x0  }
0x44: {  	s15 =	rddreg [dreg:$0xa];
	[sflag:s18] =	ssyncadd.s32 $0xFFFFD800  }
0x45: {  	[spmem:s15] =	stream.linear.scatter [tilespmem:s19], [sflag:$0x5], $0x2800, $0x38;
	[tilespmem:$0x1E370] =	vst v63  }
0x46: {  	_ =	swait.ge [sflag:s18], $0x2800  }
0x47: {  	[sflag:s18] =	ssyncset.done $0x0  }
0x48: {  	s16 =	rddreg [dreg:$0xb];
	[sflag:s18] =	ssyncadd.s32 $0xFFFFD800  }
0x49: {  	[spmem:s16] =	stream.linear.scatter [tilespmem:s19], [sflag:$0x5], $0x2800, $0x38;
	[tilespmem:$0x1E370] =	vst v63  }
0x4a: {  	_ =	swait.ge [sflag:s18], $0x2800  }
0x4b: {  	[sflag:s18] =	ssyncset.done $0x0  }
0x4c: {  	[sflag:s18] =	ssyncadd.s32 $0xFFFFD800  }
0x4d: {  	[bflag:$0x0] =	sbarrier.arrive $0xFFFF  }
0x4e: {  	v1 =	vld [tilespmem:$0x13880];
	_ =	sdelay $0x2  }
0x4f: {  	v2 =	vld [tilespmem:$0x13890];
	_ =	sdelay $0x1  }
0x50: {  	v3 =	vshra.s32 v1, $0xE  }
0x51: {  	v5 =	vld [tilespmem:$0x138A0];
	v4 =	vcvt.s32.f32 v3;
	_ =	sdelay $0x1  }
0x52: {  	v6 =	vshra.s32 v2, $0xE;
	v4 =	vadd.f32 $5.000000000e-01, v4  }
0x53: {  	v8 =	vld [tilespmem:$0x138B0];
	v7 =	vcvt.s32.f32 v6  }
0x54: {  	v4 =	vmul.f32 $9.999999740e-05, v4  }
0x55: {  	v9 =	vshra.s32 v5, $0xE;
	v7 =	vadd.f32 $5.000000000e-01, v7  }
0x56: {  	v11 =	vld [tilespmem:$0x138C0];
	v10 =	vcvt.s32.f32 v9;
	v4 =	vtrunc.f32 v4  }
0x57: {  	v7 =	vmul.f32 $9.999999740e-05, v7;
	v4 =	vcvt.f32.s32 v4  }
0x58: {  	v12 =	vshra.s32 v8, $0xE;
	v10 =	vadd.f32 $5.000000000e-01, v10  }
0x59: {  	v13 =	vcvt.s32.f32 v12;
	v7 =	vtrunc.f32 v7;
	v4 =	vmul.u32 $0x2710, v4  }
0x5a: {  	v1 =	vand.u32 $0x3FFF, v1;
	[tilespmem:$0x15F90] =	vst v3;
	v44 =	vmul.f32 $9.999999740e-05, v10;
	v3 =	vcvt.f32.s32 v7  }
0x5b: {  	v46 =	vshra.s32 v11, $0xE;
	[tilespmem:$0x160D0] =	vst v1;
	v45 =	vadd.f32 $5.000000000e-01, v13;
	v1 =	vadd.s32 v1, v4  }
0x5c: {  	v47 =	vcvt.s32.f32 v46;
	[tilespmem:$0x16030] =	vst v1;
	v1 =	vmul.u32 $0x2710, v3;
	v3 =	vtrunc.f32 v44  }
0x5d: {  	v2 =	vand.u32 $0x3FFF, v2;
	[tilespmem:$0x15FA0] =	vst v6;
	v4 =	vmul.f32 $9.999999740e-05, v45;
	v3 =	vcvt.f32.s32 v3  }
0x5e: {  	[tilespmem:$0x160E0] =	vst v2;
	v1 =	vadd.s32 v2, v1;
	v2 =	vadd.f32 $5.000000000e-01, v47  }
0x5f: {  	[tilespmem:$0x16040] =	vst v1;
	v1 =	vmul.u32 $0x2710, v3;
	v3 =	vtrunc.f32 v4  }
0x60: {  	v48 =	vand.u32 $0x3FFF, v5;
	[tilespmem:$0x15FB0] =	vst v9;
	v3 =	vcvt.f32.s32 v3;
	v2 =	vmul.f32 $9.999999740e-05, v2  }
0x61: {  	[tilespmem:$0x160F0] =	vst v48;
	v1 =	vadd.s32 v48, v1  }
0x62: {  	[tilespmem:$0x16050] =	vst v1;
	v1 =	vmul.u32 $0x2710, v3;
	v2 =	vtrunc.f32 v2  }
0x63: {  	[tilespmem:$0x15FC0] =	vst v12;
	v3 =	vand.u32 $0x3FFF, v8;
	v2 =	vcvt.f32.s32 v2  }
0x64: {  	[tilespmem:$0x15FD0] =	vst v46;
	v1 =	vadd.s32 v3, v1  }
0x65: {  	[tilespmem:$0x16060] =	vst v1;
	v1 =	vmul.u32 $0x2710, v2  }
0x66: {  	[tilespmem:$0x16100] =	vst v3;
	v2 =	vand.u32 $0x3FFF, v11  }
0x67: {  	[tilespmem:$0x16110] =	vst v2;
	v1 =	vadd.s32 v2, v1  }
0x68: {  	[tilespmem:$0x16070] =	vst v1  }
0x69: {  	[tilespmem:s22], [sflag:$0x1] =	stream.indirect.gather [hbm4b:s4+s20], $0x40, s21, s20, $0xb8;
	[tilespmem:$0x1E370] =	vst v63  }
0x6a: {  	_ = 	snop  }
0x6b: {  	[tilespmem:s24], [sflag:$0x1] =	stream.indirect.gather [hbm4b:s5+s20], $0x10, s23, s20, $0xb8;
	[tilespmem:$0x1E370] =	vst v63  }
0x6c: {  	v1 =	vld [tilespmem:$0x138D0];
	_ =	sdelay $0x2  }
0x6d: {  	v2 =	vld [tilespmem:$0x138E0];
	_ =	sdelay $0x1  }
0x6e: {  	v3 =	vshra.s32 v1, $0xE  }
0x6f: {  	v50 =	vld [tilespmem:$0x138F0];
	v49 =	vcvt.s32.f32 v3;
	_ =	sdelay $0x1  }
0x70: {  	v51 =	vshra.s32 v2, $0xE;
	v4 =	vadd.f32 $5.000000000e-01, v49  }
0x71: {  	v53 =	vld [tilespmem:$0x13900];
	v52 =	vcvt.s32.f32 v51  }
0x72: {  	v4 =	vmul.f32 $9.999999740e-05, v4  }
0x73: {  	v54 =	vshra.s32 v50, $0xE;
	v7 =	vadd.f32 $5.000000000e-01, v52  }
0x74: {  	v56 =	vld [tilespmem:$0x13910];
	v55 =	vcvt.s32.f32 v54;
	v4 =	vtrunc.f32 v4  }
0x75: {  	v7 =	vmul.f32 $9.999999740e-05, v7;
	v4 =	vcvt.f32.s32 v4  }
0x76: {  	v57 =	vshra.s32 v53, $0xE;
	v10 =	vadd.f32 $5.000000000e-01, v55  }
0x77: {  	v58 =	vcvt.s32.f32 v57;
	v7 =	vtrunc.f32 v7;
	v4 =	vmul.u32 $0x2710, v4  }
0x78: {  	v1 =	vand.u32 $0x3FFF, v1;
	[tilespmem:$0x15FE0] =	vst v3;
	v59 =	vmul.f32 $9.999999740e-05, v10;
	v3 =	vcvt.f32.s32 v7  }
0x79: {  	v61 =	vshra.s32 v56, $0xE;
	[tilespmem:$0x16120] =	vst v1;
	v60 =	vadd.f32 $5.000000000e-01, v58;
	v1 =	vadd.s32 v1, v4  }
0x7a: {  	v62 =	vcvt.s32.f32 v61;
	[tilespmem:$0x16080] =	vst v1;
	v1 =	vmul.u32 $0x2710, v3;
	v3 =	vtrunc.f32 v59  }
0x7b: {  	v2 =	vand.u32 $0x3FFF, v2;
	[tilespmem:$0x15FF0] =	vst v51;
	v4 =	vmul.f32 $9.999999740e-05, v60;
	v3 =	vcvt.f32.s32 v3  }
0x7c: {  	[tilespmem:$0x16130] =	vst v2;
	v1 =	vadd.s32 v2, v1;
	v2 =	vadd.f32 $5.000000000e-01, v62  }
0x7d: {  	[tilespmem:$0x16090] =	vst v1;
	v1 =	vmul.u32 $0x2710, v3;
	v3 =	vtrunc.f32 v4  }
0x7e: {  	v63 =	vand.u32 $0x3FFF, v50;
	[tilespmem:$0x16000] =	vst v54;
	v3 =	vcvt.f32.s32 v3;
	v2 =	vmul.f32 $9.999999740e-05, v2  }
0x7f: {  	[tilespmem:$0x16140] =	vst v63;
	v1 =	vadd.s32 v63, v1  }
0x80: {  	[tilespmem:$0x160A0] =	vst v1;
	v1 =	vmul.u32 $0x2710, v3;
	v2 =	vtrunc.f32 v2  }
0x81: {  	[tilespmem:$0x16010] =	vst v57;
	v3 =	vand.u32 $0x3FFF, v53;
	v2 =	vcvt.f32.s32 v2  }
0x82: {  	[tilespmem:$0x16020] =	vst v61;
	v1 =	vadd.s32 v3, v1  }
0x83: {  	[tilespmem:$0x160B0] =	vst v1;
	v1 =	vmul.u32 $0x2710, v2  }
0x84: {  	[tilespmem:$0x16150] =	vst v3;
	v2 =	vand.u32 $0x3FFF, v56  }
0x85: {  	[tilespmem:$0x16160] =	vst v2;
	v1 =	vadd.s32 v2, v1  }
0x86: {  	[tilespmem:$0x160C0] =	vst v1  }
0x87: {  	[tilespmem:s26], [sflag:$0x2] =	stream.indirect.gather [hbm4b:s4+s20], $0x40, s25, s20, $0xb8;
	[tilespmem:$0x1E370] =	vst v63  }
0x88: {  	s9 =	simm.s32 $0x0  }
0x89: {  	[tilespmem:s29], [sflag:$0x2] =	stream.indirect.gather [hbm4b:s5+s20], $0x10, s28, s20, $0xb8;
	[tilespmem:$0x1E370] =	vst v63  }
.LBB2_4:
0x8a: {  	_ =	swait.ge [sflag:s30], $0x1400  }
0x8b: {  	[sflag:s30] =	ssyncset.done $0x0  }
0x8c: {  	[sflag:s30] =	ssyncadd.s32 $0xFFFFEC00  }
0x8d: {  	_ =	swait.ge [sflag:s30], $0x500  }
0x8e: {  	[sflag:s30] =	ssyncset.done $0x0  }
0x8f: {  	s14 =	simm.s32 $0x161F0;
	[sflag:s30] =	ssyncadd.s32 $0xFFFFFB00  }
0x90: {  	s11 =	simm.s32 $0x1D990;
	v1 =	vld [tilespmem:s14+$0x40]  }
0x91: {  	v3 =	vld [tilespmem:s11+$0x10]  }
0x92: {  	v2 =	vld [tilespmem:s14+$0xFFFFFFC0]  }
0x93: {  	v5 =	vld [tilespmem:s11+$0xFFFFFFF0]  }
0x94: {  	v4 =	vld [tilespmem:s14+$0xFFFFFF80]  }
0x95: {  	v7 =	vld [tilespmem:s11+$0xFFFFFFE0];
	v6 =	vunpack.i.l.bf16.f32 v1  }
0x96: {  	v8 =	vld [tilespmem:s14+$0x0];
	v1 =	vunpack.i.u.bf16.f32 v1;
	v9 =	vmul.f32 v6, v3  }
0x97: {  	s10 =	simm.s32 $0x18A70;
	v10 =	vunpack.i.l.bf16.f32 v2;
	v6 =	vld [tilespmem:s11+$0x0];
	v1 =	vmul.f32 v1, v3  }
0x98: {  	v2 =	vunpack.i.u.bf16.f32 v2;
	[tilespmem:s10+$0x80] =	vst v9;
	v9 =	vmul.f32 v10, v5  }
0x99: {  	v10 =	vunpack.i.l.bf16.f32 v4;
	[tilespmem:s10+$0x90] =	vst v1;
	v1 =	vmul.f32 v2, v5  }
0x9a: {  	v2 =	vunpack.i.u.bf16.f32 v4;
	v4 =	vld [tilespmem:s14+$0x50];
	v10 =	vmul.f32 v10, v7;
	[tilespmem:s10+$0xFFFFFF80] =	vst v9  }
0x9b: {  	v2 =	vmul.f32 v2, v7;
	v9 =	vunpack.i.l.bf16.f32 v8;
	[tilespmem:s10+$0xFFFFFF90] =	vst v1  }
0x9c: {  	v1 =	vunpack.i.u.bf16.f32 v8;
	v8 =	vmul.f32 v9, v6;
	[tilespmem:s10+$0xFFFFFF00] =	vst v10;
	v9 =	vld [tilespmem:s14+$0xFFFFFFD0]  }
0x9d: {  	v1 =	vmul.f32 v1, v6;
	[tilespmem:s10+$0xFFFFFF10] =	vst v2  }
0x9e: {  	v2 =	vld [tilespmem:s14+$0xFFFFFF90];
	[tilespmem:s10+$0x0] =	vst v8  }
0x9f: {  	[tilespmem:s10+$0x10] =	vst v1;
	v8 =	vunpack.i.l.bf16.f32 v4  }
0xa0: {  	v1 =	vunpack.i.u.bf16.f32 v4;
	v4 =	vmul.f32 v8, v3;
	v8 =	vld [tilespmem:s14+$0x10]  }
0xa1: {  	v1 =	vmul.f32 v1, v3;
	v10 =	vunpack.i.l.bf16.f32 v9  }
0xa2: {  	[tilespmem:s10+$0xA0] =	vst v4;
	v4 =	vunpack.i.u.bf16.f32 v9;
	v9 =	vmul.f32 v10, v5  }
0xa3: {  	[tilespmem:s10+$0xB0] =	vst v1;
	v1 =	vmul.f32 v4, v5;
	v4 =	vunpack.i.l.bf16.f32 v2  }
0xa4: {  	v10 =	vld [tilespmem:s14+$0x60];
	v2 =	vunpack.i.u.bf16.f32 v2;
	v4 =	vmul.f32 v4, v7;
	[tilespmem:s10+$0xFFFFFFA0] =	vst v9  }
0xa5: {  	v2 =	vmul.f32 v2, v7;
	[tilespmem:s10+$0xFFFFFFB0] =	vst v1;
	v1 =	vunpack.i.l.bf16.f32 v8  }
0xa6: {  	v8 =	vunpack.i.u.bf16.f32 v8;
	[tilespmem:s10+$0xFFFFFF20] =	vst v4;
	v4 =	vld [tilespmem:s14+$0xFFFFFFE0];
	v1 =	vmul.f32 v1, v6  }
0xa7: {  	v8 =	vmul.f32 v8, v6;
	[tilespmem:s10+$0xFFFFFF30] =	vst v2  }
0xa8: {  	v9 =	vld [tilespmem:s14+$0xFFFFFFA0];
	[tilespmem:s10+$0x20] =	vst v1  }
0xa9: {  	v1 =	vunpack.i.l.bf16.f32 v10;
	[tilespmem:s10+$0x30] =	vst v8  }
0xaa: {  	v2 =	vunpack.i.u.bf16.f32 v10;
	v1 =	vmul.f32 v1, v3;
	v8 =	vld [tilespmem:s14+$0x20]  }
0xab: {  	s11 =	simm.s32 $0x162F0;
	v2 =	vmul.f32 v2, v3;
	v10 =	vunpack.i.l.bf16.f32 v4  }
0xac: {  	s12 =	simm.s32 $0x1D9D0;
	[tilespmem:s10+$0xC0] =	vst v1;
	v1 =	vunpack.i.u.bf16.f32 v4;
	v4 =	vmul.f32 v10, v5;
	v10 =	vld [tilespmem:s11+$0x40]  }
0xad: {  	[tilespmem:s10+$0xD0] =	vst v2;
	v2 =	vld [tilespmem:s12+$0x10];
	v1 =	vmul.f32 v1, v5;
	v11 =	vunpack.i.l.bf16.f32 v9  }
0xae: {  	v12 =	vld [tilespmem:s14+$0x70];
	v9 =	vunpack.i.u.bf16.f32 v9;
	v11 =	vmul.f32 v11, v7;
	[tilespmem:s10+$0xFFFFFFC0] =	vst v4  }
0xaf: {  	v4 =	vmul.f32 v9, v7;
	[tilespmem:s10+$0xFFFFFFD0] =	vst v1;
	v1 =	vunpack.i.l.bf16.f32 v8  }
0xb0: {  	v8 =	vunpack.i.u.bf16.f32 v8;
	[tilespmem:s10+$0xFFFFFF40] =	vst v11;
	v9 =	vmul.f32 v1, v6;
	v11 =	vld [tilespmem:s11+$0xFFFFFFC0]  }
0xb1: {  	v8 =	vmul.f32 v8, v6;
	v1 =	vld [tilespmem:s12+$0xFFFFFFF0];
	[tilespmem:s10+$0xFFFFFF50] =	vst v4;
	v4 =	vunpack.i.l.bf16.f32 v10  }
0xb2: {  	v13 =	vld [tilespmem:s11+$0xFFFFFF80];
	[tilespmem:s10+$0x40] =	vst v9;
	v9 =	vunpack.i.u.bf16.f32 v10;
	v10 =	vmul.f32 v4, v2  }
0xb3: {  	s13 =	simm.s32 $0x18C70;
	v14 =	vunpack.i.u.bf16.f32 v12;
	[tilespmem:s10+$0x50] =	vst v8;
	v4 =	vld [tilespmem:s12+$0xFFFFFFE0];
	v8 =	vmul.f32 v9, v2  }
0xb4: {  	v9 =	vunpack.i.l.bf16.f32 v12;
	v12 =	vld [tilespmem:s11+$0x0];
	v14 =	vmul.f32 v14, v3;
	[tilespmem:s13+$0x80] =	vst v10  }
0xb5: {  	v9 =	vmul.f32 v9, v3;
	v3 =	vld [tilespmem:s12+$0x0];
	v10 =	vunpack.i.l.bf16.f32 v11;
	[tilespmem:s13+$0x90] =	vst v8  }
0xb6: {  	[tilespmem:s10+$0xF0] =	vst v14;
	v8 =	vunpack.i.u.bf16.f32 v11;
	v10 =	vmul.f32 v10, v1;
	v11 =	vld [tilespmem:s11+$0x50]  }
0xb7: {  	v14 =	vunpack.i.l.bf16.f32 v13;
	v8 =	vmul.f32 v8, v1;
	[tilespmem:s10+$0xE0] =	vst v9  }
0xb8: {  	v9 =	vunpack.i.u.bf16.f32 v13;
	v13 =	vld [tilespmem:s14+$0xFFFFFFB0];
	v14 =	vmul.f32 v14, v4;
	[tilespmem:s13+$0xFFFFFF80] =	vst v10  }
0xb9: {  	v10 =	vunpack.i.l.bf16.f32 v12;
	v9 =	vmul.f32 v9, v4;
	[tilespmem:s13+$0xFFFFFF90] =	vst v8  }
0xba: {  	v8 =	vunpack.i.u.bf16.f32 v12;
	v10 =	vmul.f32 v10, v3;
	v12 =	vld [tilespmem:s11+$0xFFFFFFD0];
	[tilespmem:s13+$0xFFFFFF00] =	vst v14  }
0xbb: {  	v8 =	vmul.f32 v8, v3;
	[tilespmem:s13+$0xFFFFFF10] =	vst v9;
	v9 =	vunpack.i.l.bf16.f32 v11  }
0xbc: {  	v14 =	vld [tilespmem:s11+$0xFFFFFF90];
	[tilespmem:s13+$0x0] =	vst v10;
	v10 =	vunpack.i.u.bf16.f32 v11;
	v9 =	vmul.f32 v9, v2  }
0xbd: {  	v11 =	vunpack.i.l.bf16.f32 v13;
	[tilespmem:s13+$0x10] =	vst v8;
	v8 =	vmul.f32 v10, v2  }
0xbe: {  	v10 =	vunpack.i.u.bf16.f32 v13;
	v11 =	vmul.f32 v11, v7;
	v13 =	vld [tilespmem:s11+$0x10];
	[tilespmem:s13+$0xA0] =	vst v9  }
0xbf: {  	v7 =	vmul.f32 v10, v7;
	v9 =	vunpack.i.l.bf16.f32 v12;
	[tilespmem:s13+$0xB0] =	vst v8  }
0xc0: {  	v8 =	vunpack.i.u.bf16.f32 v12;
	[tilespmem:s10+$0xFFFFFF60] =	vst v11;
	v9 =	vmul.f32 v9, v1;
	v10 =	vld [tilespmem:s11+$0x60]  }
0xc1: {  	v8 =	vmul.f32 v8, v1;
	[tilespmem:s10+$0xFFFFFF70] =	vst v7;
	v11 =	vunpack.i.l.bf16.f32 v14  }
0xc2: {  	v7 =	vld [tilespmem:s14+$0xFFFFFFF0];
	v12 =	vunpack.i.u.bf16.f32 v14;
	v11 =	vmul.f32 v11, v4;
	[tilespmem:s13+$0xFFFFFFA0] =	vst v9  }
0xc3: {  	v9 =	vld [tilespmem:s14+$0x30];
	v12 =	vmul.f32 v12, v4;
	[tilespmem:s13+$0xFFFFFFB0] =	vst v8;
	v8 =	vunpack.i.l.bf16.f32 v13  }
0xc4: {  	v8 =	vmul.f32 v8, v3;
	[tilespmem:s13+$0xFFFFFF20] =	vst v11  }
0xc5: {  	v13 =	vunpack.i.u.bf16.f32 v13;
	v11 =	vld [tilespmem:s11+$0xFFFFFFE0];
	[tilespmem:s13+$0xFFFFFF30] =	vst v12;
	v12 =	vunpack.i.l.bf16.f32 v10  }
0xc6: {  	v13 =	vmul.f32 v13, v3;
	[tilespmem:s13+$0x20] =	vst v8;
	v8 =	vunpack.i.u.bf16.f32 v10;
	v10 =	vmul.f32 v12, v2  }
0xc7: {  	v14 =	vld [tilespmem:s11+$0xFFFFFFA0];
	v12 =	vunpack.i.u.bf16.f32 v7;
	v7 =	vunpack.i.l.bf16.f32 v7;
	v8 =	vmul.f32 v8, v2  }
0xc8: {  	[tilespmem:s13+$0x30] =	vst v13;
	v13 =	vmul.f32 v7, v5;
	v7 =	vunpack.i.l.bf16.f32 v9  }
0xc9: {  	v15 =	vunpack.i.u.bf16.f32 v9;
	v16 =	vmul.f32 v12, v5;
	v7 =	vmul.f32 v7, v6;
	[tilespmem:s13+$0xD0] =	vst v8;
	v8 =	vld [tilespmem:s11+$0x20]  }
0xca: {  	[tilespmem:s13+$0xC0] =	vst v10;
	v5 =	vmul.f32 v15, v6;
	v9 =	vunpack.i.l.bf16.f32 v11;
	v6 =	vunpack.i.u.bf16.f32 v11  }
0xcb: {  	[tilespmem:s10+$0xFFFFFFE0] =	vst v13;
	v10 =	vmul.f32 v9, v1;
	v9 =	vmul.f32 v6, v1;
	v6 =	vld [tilespmem:s11+$0x70]  }
0xcc: {  	s15 =	simm.s32 $0x4;
	s16 =	simm.s32 $0x163F0;
	s14 =	simm.s32 $0x18C70;
	[tilespmem:s10+$0xFFFFFFF0] =	vst v16;
	v11 =	vunpack.i.u.bf16.f32 v14;
	v12 =	vunpack.i.l.bf16.f32 v14  }
.LBB2_5:
0xcd: {  	v13 =	vld [tilespmem:s16+$0x40];
	v12 =	vmul.f32 v12, v4;
	v11 =	vmul.f32 v11, v4;
	[tilespmem:s13+$0xFFFFFFC0] =	vst v10;
	s12 =	sadd.s32 $0x40, s12  }
0xce: {  	v10 =	vld [tilespmem:s12+$0x10];
	[tilespmem:s13+$0xFFFFFFD0] =	vst v9;
	v9 =	vunpack.i.u.bf16.f32 v8;
	v8 =	vunpack.i.l.bf16.f32 v8  }
0xcf: {  	v14 =	vld [tilespmem:s16+$0xFFFFFF80];
	[tilespmem:s13+$0xFFFFFF40] =	vst v12;
	v8 =	vmul.f32 v8, v3;
	v9 =	vmul.f32 v9, v3  }
0xd0: {  	s15 =	sadd.s32 $0x4, s15;
	v12 =	vld [tilespmem:s16+$0xFFFFFFC0];
	[tilespmem:s13+$0xFFFFFF50] =	vst v11;
	v11 =	vunpack.i.u.bf16.f32 v6;
	v6 =	vunpack.i.l.bf16.f32 v6  }
0xd1: {  	p0 =	slt.u32 s15, $0x4C;
	v15 =	vld [tilespmem:s16+$0x0];
	[tilespmem:s13+$0x40] =	vst v8;
	v6 =	vmul.f32 v6, v2;
	v16 =	vmul.f32 v11, v2  }
0xd2: {  	v8 =	vld [tilespmem:s12+$0xFFFFFFF0];
	v11 =	vunpack.i.l.bf16.f32 v13;
	[tilespmem:s13+$0x50] =	vst v9  }
0xd3: {  	v13 =	vunpack.i.u.bf16.f32 v13;
	v9 =	vld [tilespmem:s12+$0x0];
	v11 =	vmul.f32 v11, v10;
	[tilespmem:s13+$0xF0] =	vst v16;
	v2 =	vmov v10  }
0xd4: {  	s13 =	sadd.s32 $0x200, s13;
	v10 =	vld [tilespmem:s12+$0xFFFFFFE0];
	v16 =	vunpack.i.u.bf16.f32 v14;
	v14 =	vunpack.i.l.bf16.f32 v14;
	v13 =	vmul.f32 v13, v2;
	[tilespmem:s10+$0x60] =	vst v7  }
0xd5: {  	v7 =	vunpack.i.u.bf16.f32 v12;
	v12 =	vunpack.i.l.bf16.f32 v12;
	[tilespmem:s13+$0x80] =	vst v11;
	v11 =	vld [tilespmem:s11+$0xFFFFFFB0]  }
0xd6: {  	v17 =	vunpack.i.u.bf16.f32 v15;
	v15 =	vunpack.i.l.bf16.f32 v15;
	[tilespmem:s13+$0x90] =	vst v13;
	v13 =	vld [tilespmem:s11+$0xFFFFFFF0]  }
0xd7: {  	v12 =	vmul.f32 v12, v8;
	v7 =	vmul.f32 v7, v8;
	v18 =	vld [tilespmem:s16+$0x50];
	[tilespmem:s10+$0x70] =	vst v5;
	s10 =	smov.u32 s14;
	s14 =	smov.u32 s13  }
0xd8: {  	v5 =	vmul.f32 v15, v9;
	v15 =	vmul.f32 v17, v9;
	v17 =	vld [tilespmem:s11+$0x30];
	[tilespmem:s10+$0xE0] =	vst v6;
	s11 =	smov.u32 s16  }
0xd9: {  	v6 =	vmul.f32 v14, v10;
	v14 =	vmul.f32 v16, v10;
	[tilespmem:s13+$0xFFFFFF80] =	vst v12  }
0xda: {  	[tilespmem:s13+$0xFFFFFF90] =	vst v7;
	v7 =	vunpack.i.u.bf16.f32 v11;
	v11 =	vunpack.i.l.bf16.f32 v11  }
0xdb: {  	[tilespmem:s13+$0xFFFFFF00] =	vst v6;
	v6 =	vld [tilespmem:s16+$0xFFFFFFD0];
	v11 =	vmul.f32 v11, v4;
	v12 =	vunpack.i.u.bf16.f32 v13;
	v13 =	vunpack.i.l.bf16.f32 v13  }
0xdc: {  	v16 =	vmul.f32 v7, v4;
	v4 =	vmovc v10;
	[tilespmem:s13+$0xFFFFFF10] =	vst v14;
	v14 =	vunpack.i.l.bf16.f32 v18;
	v13 =	vmul.f32 v13, v1  }
0xdd: {  	v10 =	vld [tilespmem:s16+$0xFFFFFF90];
	[tilespmem:s13+$0x0] =	vst v5;
	v5 =	vunpack.i.u.bf16.f32 v18;
	v7 =	vmul.f32 v14, v2;
	v14 =	vunpack.i.u.bf16.f32 v17  }
0xde: {  	v18 =	vmul.f32 v12, v1;
	v1 =	vmovc v8;
	[tilespmem:s13+$0x10] =	vst v15;
	v15 =	vmul.f32 v5, v2;
	v5 =	vunpack.i.l.bf16.f32 v17  }
0xdf: {  	v8 =	vld [tilespmem:s16+$0x10];
	[tilespmem:s13+$0xA0] =	vst v7;
	v7 =	vmul.f32 v5, v3;
	v5 =	vmul.f32 v14, v3;
	v3 =	vmov v9  }
0xe0: {  	v9 =	vunpack.i.u.bf16.f32 v6;
	v6 =	vunpack.i.l.bf16.f32 v6;
	[tilespmem:s13+$0xB0] =	vst v15  }
0xe1: {  	v6 =	vmul.f32 v6, v1;
	v9 =	vmul.f32 v9, v1;
	v12 =	vld [tilespmem:s16+$0x60];
	[tilespmem:s10+$0xFFFFFF60] =	vst v11  }
0xe2: {  	v11 =	vunpack.i.u.bf16.f32 v10;
	v10 =	vunpack.i.l.bf16.f32 v10;
	[tilespmem:s10+$0xFFFFFF70] =	vst v16  }
0xe3: {  	v10 =	vmul.f32 v10, v4;
	v11 =	vmul.f32 v11, v4;
	[tilespmem:s13+$0xFFFFFFA0] =	vst v6  }
0xe4: {  	[tilespmem:s13+$0xFFFFFFB0] =	vst v9;
	v6 =	vunpack.i.u.bf16.f32 v8;
	v8 =	vunpack.i.l.bf16.f32 v8  }
0xe5: {  	[tilespmem:s13+$0xFFFFFF20] =	vst v10;
	v9 =	vld [tilespmem:s16+$0xFFFFFFE0];
	v8 =	vmul.f32 v8, v3;
	v6 =	vmul.f32 v6, v3  }
0xe6: {  	[tilespmem:s13+$0xFFFFFF30] =	vst v11;
	v10 =	vunpack.i.l.bf16.f32 v12  }
0xe7: {  	v14 =	vld [tilespmem:s16+$0xFFFFFFA0];
	[tilespmem:s13+$0x20] =	vst v8;
	v8 =	vunpack.i.u.bf16.f32 v12;
	v10 =	vmul.f32 v10, v2  }
.Ltmp1:
0xe8: {  	[tilespmem:s13+$0x30] =	vst v6;
	v6 =	vmul.f32 v8, v2;
	(pc) =	sbr.rel @p0 .LBB2_5-.Ltmp1, $4  }
0xe9: {  	v8 =	vld [tilespmem:s16+$0x20];
	[tilespmem:s13+$0xC0] =	vst v10  }
0xea: {  	v11 =	vunpack.i.u.bf16.f32 v9;
	v9 =	vunpack.i.l.bf16.f32 v9;
	[tilespmem:s13+$0xD0] =	vst v6  }
0xeb: {  	v10 =	vmul.f32 v9, v1;
	v9 =	vmul.f32 v11, v1;
	v6 =	vld [tilespmem:s16+$0x70];
	[tilespmem:s10+$0xFFFFFFE0] =	vst v13  }
0xec: {  	s16 =	sadd.s32 $0x100, s16;
	v11 =	vunpack.i.u.bf16.f32 v14;
	v12 =	vunpack.i.l.bf16.f32 v14;
	[tilespmem:s10+$0xFFFFFFF0] =	vst v18  }
0xed: {  	v12 =	vmul.f32 v12, v4  }
0xee: {  	v11 =	vmul.f32 v11, v4  }
0xef: {  	[tilespmem:s13+$0xFFFFFF40] =	vst v12  }
0xf0: {  	v12 =	vunpack.i.l.bf16.f32 v8;
	[tilespmem:s13+$0xFFFFFF50] =	vst v11  }
0xf1: {  	[tilespmem:s13+$0xFFFFFFC0] =	vst v10;
	v8 =	vunpack.i.u.bf16.f32 v8;
	v10 =	vmul.f32 v12, v3;
	v11 =	vld [tilespmem:s11+$0xFFFFFFB0]  }
0xf2: {  	[tilespmem:s13+$0xFFFFFFD0] =	vst v9;
	v8 =	vmul.f32 v8, v3  }
0xf3: {  	[tilespmem:s13+$0x40] =	vst v10;
	v10 =	vld [tilespmem:s11+$0xFFFFFFF0]  }
0xf4: {  	v9 =	vunpack.i.u.bf16.f32 v6;
	[tilespmem:s13+$0x50] =	vst v8  }
0xf5: {  	[tilespmem:s10+$0x60] =	vst v7;
	v6 =	vunpack.i.l.bf16.f32 v6;
	v9 =	vmul.f32 v9, v2;
	v8 =	vld [tilespmem:s11+$0x30]  }
0xf6: {  	[tilespmem:s10+$0x70] =	vst v5;
	v2 =	vmul.f32 v6, v2;
	v6 =	vunpack.i.l.bf16.f32 v11  }
0xf7: {  	[tilespmem:s13+$0xF0] =	vst v9;
	v5 =	vunpack.i.u.bf16.f32 v11;
	v6 =	vmul.f32 v6, v4  }
0xf8: {  	[tilespmem:s14+$0xE0] =	vst v2;
	v4 =	vmul.f32 v5, v4;
	v2 =	vunpack.i.l.bf16.f32 v10  }
0xf9: {  	v5 =	vunpack.i.u.bf16.f32 v10;
	v2 =	vmul.f32 v2, v1;
	[tilespmem:s14+$0xFFFFFF60] =	vst v6  }
0xfa: {  	v1 =	vmul.f32 v5, v1;
	v5 =	vunpack.i.l.bf16.f32 v8;
	[tilespmem:s14+$0xFFFFFF70] =	vst v4  }
0xfb: {  	v4 =	vunpack.i.u.bf16.f32 v8;
	v5 =	vmul.f32 v5, v3;
	[tilespmem:s14+$0xFFFFFFE0] =	vst v2  }
0xfc: {  	v2 =	vmul.f32 v4, v3;
	[tilespmem:s14+$0xFFFFFFF0] =	vst v1  }
0xfd: {  	[tilespmem:s14+$0x60] =	vst v5  }
0xfe: {  	[tilespmem:s14+$0x70] =	vst v2  }
0xff: {  	[spmem:s2] =	stream.indirect.scatter.add.f32 [tilespmem:s19], [sflag:$0x3], $0x80, s31, s20, $0xb8;
	[tilespmem:$0x1E370] =	vst v63  }
0x100: {  	_ =	swait.ge [sflag:s0], $0x1400  }
0x101: {  	[sflag:s0] =	ssyncset.done $0x0  }
0x102: {  	[sflag:s0] =	ssyncadd.s32 $0xFFFFEC00  }
0x103: {  	_ =	swait.ge [sflag:s0], $0x500  }
0x104: {  	[sflag:s0] =	ssyncset.done $0x0  }
0x105: {  	s15 =	simm.s32 $0x175F0;
	[sflag:s0] =	ssyncadd.s32 $0xFFFFFB00  }
0x106: {  	s16 =	simm.s32 $0x1DE90;
	v1 =	vld [tilespmem:s15+$0x40]  }
0x107: {  	v3 =	vld [tilespmem:s16+$0x10]  }
0x108: {  	v2 =	vld [tilespmem:s15+$0xFFFFFFC0]  }
0x109: {  	v5 =	vld [tilespmem:s16+$0xFFFFFFF0]  }
0x10a: {  	v4 =	vld [tilespmem:s15+$0xFFFFFF80]  }
0x10b: {  	v7 =	vld [tilespmem:s16+$0xFFFFFFE0];
	v6 =	vunpack.i.l.bf16.f32 v1  }
0x10c: {  	v8 =	vld [tilespmem:s15+$0x0];
	v1 =	vunpack.i.u.bf16.f32 v1;
	v9 =	vmul.f32 v6, v3  }
0x10d: {  	s10 =	simm.s32 $0x1B270;
	v10 =	vunpack.i.l.bf16.f32 v2;
	v6 =	vld [tilespmem:s16+$0x0];
	v1 =	vmul.f32 v1, v3  }
0x10e: {  	v2 =	vunpack.i.u.bf16.f32 v2;
	[tilespmem:s10+$0x80] =	vst v9;
	v9 =	vmul.f32 v10, v5  }
0x10f: {  	v10 =	vunpack.i.l.bf16.f32 v4;
	[tilespmem:s10+$0x90] =	vst v1;
	v1 =	vmul.f32 v2, v5  }
0x110: {  	v2 =	vunpack.i.u.bf16.f32 v4;
	v4 =	vld [tilespmem:s15+$0x50];
	v10 =	vmul.f32 v10, v7;
	[tilespmem:s10+$0xFFFFFF80] =	vst v9  }
0x111: {  	v2 =	vmul.f32 v2, v7;
	v9 =	vunpack.i.l.bf16.f32 v8;
	[tilespmem:s10+$0xFFFFFF90] =	vst v1  }
0x112: {  	v1 =	vunpack.i.u.bf16.f32 v8;
	v8 =	vmul.f32 v9, v6;
	[tilespmem:s10+$0xFFFFFF00] =	vst v10;
	v9 =	vld [tilespmem:s15+$0xFFFFFFD0]  }
0x113: {  	v1 =	vmul.f32 v1, v6;
	[tilespmem:s10+$0xFFFFFF10] =	vst v2  }
0x114: {  	v2 =	vld [tilespmem:s15+$0xFFFFFF90];
	[tilespmem:s10+$0x0] =	vst v8  }
0x115: {  	[tilespmem:s10+$0x10] =	vst v1;
	v8 =	vunpack.i.l.bf16.f32 v4  }
0x116: {  	v1 =	vunpack.i.u.bf16.f32 v4;
	v4 =	vmul.f32 v8, v3;
	v8 =	vld [tilespmem:s15+$0x10]  }
0x117: {  	v1 =	vmul.f32 v1, v3;
	v10 =	vunpack.i.l.bf16.f32 v9  }
0x118: {  	[tilespmem:s10+$0xA0] =	vst v4;
	v4 =	vunpack.i.u.bf16.f32 v9;
	v9 =	vmul.f32 v10, v5  }
0x119: {  	[tilespmem:s10+$0xB0] =	vst v1;
	v1 =	vmul.f32 v4, v5;
	v4 =	vunpack.i.l.bf16.f32 v2  }
0x11a: {  	v10 =	vld [tilespmem:s15+$0x60];
	v2 =	vunpack.i.u.bf16.f32 v2;
	v4 =	vmul.f32 v4, v7;
	[tilespmem:s10+$0xFFFFFFA0] =	vst v9  }
0x11b: {  	v2 =	vmul.f32 v2, v7;
	[tilespmem:s10+$0xFFFFFFB0] =	vst v1;
	v1 =	vunpack.i.l.bf16.f32 v8  }
0x11c: {  	v8 =	vunpack.i.u.bf16.f32 v8;
	[tilespmem:s10+$0xFFFFFF20] =	vst v4;
	v4 =	vld [tilespmem:s15+$0xFFFFFFE0];
	v1 =	vmul.f32 v1, v6  }
0x11d: {  	v8 =	vmul.f32 v8, v6;
	[tilespmem:s10+$0xFFFFFF30] =	vst v2  }
0x11e: {  	v9 =	vld [tilespmem:s15+$0xFFFFFFA0];
	[tilespmem:s10+$0x20] =	vst v1  }
0x11f: {  	v1 =	vunpack.i.l.bf16.f32 v10;
	[tilespmem:s10+$0x30] =	vst v8  }
0x120: {  	v2 =	vunpack.i.u.bf16.f32 v10;
	v1 =	vmul.f32 v1, v3;
	v8 =	vld [tilespmem:s15+$0x20]  }
0x121: {  	s11 =	simm.s32 $0x176F0;
	v2 =	vmul.f32 v2, v3;
	v10 =	vunpack.i.l.bf16.f32 v4  }
0x122: {  	s12 =	simm.s32 $0x1DED0;
	[tilespmem:s10+$0xC0] =	vst v1;
	v1 =	vunpack.i.u.bf16.f32 v4;
	v4 =	vmul.f32 v10, v5;
	v10 =	vld [tilespmem:s11+$0x40]  }
0x123: {  	[tilespmem:s10+$0xD0] =	vst v2;
	v2 =	vld [tilespmem:s12+$0x10];
	v1 =	vmul.f32 v1, v5;
	v11 =	vunpack.i.l.bf16.f32 v9  }
0x124: {  	v12 =	vld [tilespmem:s15+$0x70];
	v9 =	vunpack.i.u.bf16.f32 v9;
	v11 =	vmul.f32 v11, v7;
	[tilespmem:s10+$0xFFFFFFC0] =	vst v4  }
0x125: {  	v4 =	vmul.f32 v9, v7;
	[tilespmem:s10+$0xFFFFFFD0] =	vst v1;
	v1 =	vunpack.i.l.bf16.f32 v8  }
0x126: {  	v8 =	vunpack.i.u.bf16.f32 v8;
	[tilespmem:s10+$0xFFFFFF40] =	vst v11;
	v9 =	vmul.f32 v1, v6;
	v11 =	vld [tilespmem:s11+$0xFFFFFFC0]  }
0x127: {  	v8 =	vmul.f32 v8, v6;
	v1 =	vld [tilespmem:s12+$0xFFFFFFF0];
	[tilespmem:s10+$0xFFFFFF50] =	vst v4;
	v4 =	vunpack.i.l.bf16.f32 v10  }
0x128: {  	v13 =	vld [tilespmem:s11+$0xFFFFFF80];
	[tilespmem:s10+$0x40] =	vst v9;
	v9 =	vunpack.i.u.bf16.f32 v10;
	v10 =	vmul.f32 v4, v2  }
0x129: {  	s13 =	simm.s32 $0x1B470;
	v14 =	vunpack.i.u.bf16.f32 v12;
	[tilespmem:s10+$0x50] =	vst v8;
	v4 =	vld [tilespmem:s12+$0xFFFFFFE0];
	v8 =	vmul.f32 v9, v2  }
0x12a: {  	v9 =	vunpack.i.l.bf16.f32 v12;
	v12 =	vld [tilespmem:s11+$0x0];
	v14 =	vmul.f32 v14, v3;
	[tilespmem:s13+$0x80] =	vst v10  }
0x12b: {  	v9 =	vmul.f32 v9, v3;
	v3 =	vld [tilespmem:s12+$0x0];
	v10 =	vunpack.i.l.bf16.f32 v11;
	[tilespmem:s13+$0x90] =	vst v8  }
0x12c: {  	[tilespmem:s10+$0xF0] =	vst v14;
	v8 =	vunpack.i.u.bf16.f32 v11;
	v10 =	vmul.f32 v10, v1;
	v11 =	vld [tilespmem:s11+$0x50]  }
0x12d: {  	v14 =	vunpack.i.l.bf16.f32 v13;
	v8 =	vmul.f32 v8, v1;
	[tilespmem:s10+$0xE0] =	vst v9  }
0x12e: {  	v9 =	vunpack.i.u.bf16.f32 v13;
	v13 =	vld [tilespmem:s15+$0xFFFFFFB0];
	v14 =	vmul.f32 v14, v4;
	[tilespmem:s13+$0xFFFFFF80] =	vst v10  }
0x12f: {  	v10 =	vunpack.i.l.bf16.f32 v12;
	v9 =	vmul.f32 v9, v4;
	[tilespmem:s13+$0xFFFFFF90] =	vst v8  }
0x130: {  	v8 =	vunpack.i.u.bf16.f32 v12;
	v10 =	vmul.f32 v10, v3;
	v12 =	vld [tilespmem:s11+$0xFFFFFFD0];
	[tilespmem:s13+$0xFFFFFF00] =	vst v14  }
0x131: {  	v8 =	vmul.f32 v8, v3;
	[tilespmem:s13+$0xFFFFFF10] =	vst v9;
	v9 =	vunpack.i.l.bf16.f32 v11  }
0x132: {  	v14 =	vld [tilespmem:s11+$0xFFFFFF90];
	[tilespmem:s13+$0x0] =	vst v10;
	v10 =	vunpack.i.u.bf16.f32 v11;
	v9 =	vmul.f32 v9, v2  }
0x133: {  	v11 =	vunpack.i.l.bf16.f32 v13;
	[tilespmem:s13+$0x10] =	vst v8;
	v8 =	vmul.f32 v10, v2  }
0x134: {  	v10 =	vunpack.i.u.bf16.f32 v13;
	v11 =	vmul.f32 v11, v7;
	v13 =	vld [tilespmem:s11+$0x10];
	[tilespmem:s13+$0xA0] =	vst v9  }
0x135: {  	v7 =	vmul.f32 v10, v7;
	v9 =	vunpack.i.l.bf16.f32 v12;
	[tilespmem:s13+$0xB0] =	vst v8  }
0x136: {  	v8 =	vunpack.i.u.bf16.f32 v12;
	[tilespmem:s10+$0xFFFFFF60] =	vst v11;
	v9 =	vmul.f32 v9, v1;
	v10 =	vld [tilespmem:s11+$0x60]  }
0x137: {  	v8 =	vmul.f32 v8, v1;
	[tilespmem:s10+$0xFFFFFF70] =	vst v7;
	v11 =	vunpack.i.l.bf16.f32 v14  }
0x138: {  	v7 =	vld [tilespmem:s15+$0xFFFFFFF0];
	v12 =	vunpack.i.u.bf16.f32 v14;
	v11 =	vmul.f32 v11, v4;
	[tilespmem:s13+$0xFFFFFFA0] =	vst v9  }
0x139: {  	v9 =	vld [tilespmem:s15+$0x30];
	v12 =	vmul.f32 v12, v4;
	[tilespmem:s13+$0xFFFFFFB0] =	vst v8;
	v8 =	vunpack.i.l.bf16.f32 v13  }
0x13a: {  	v8 =	vmul.f32 v8, v3;
	[tilespmem:s13+$0xFFFFFF20] =	vst v11  }
0x13b: {  	v13 =	vunpack.i.u.bf16.f32 v13;
	v11 =	vld [tilespmem:s11+$0xFFFFFFE0];
	[tilespmem:s13+$0xFFFFFF30] =	vst v12;
	v12 =	vunpack.i.l.bf16.f32 v10  }
0x13c: {  	v13 =	vmul.f32 v13, v3;
	[tilespmem:s13+$0x20] =	vst v8;
	v8 =	vunpack.i.u.bf16.f32 v10;
	v10 =	vmul.f32 v12, v2  }
0x13d: {  	v14 =	vld [tilespmem:s11+$0xFFFFFFA0];
	v12 =	vunpack.i.u.bf16.f32 v7;
	v7 =	vunpack.i.l.bf16.f32 v7;
	v8 =	vmul.f32 v8, v2  }
0x13e: {  	[tilespmem:s13+$0x30] =	vst v13;
	v13 =	vmul.f32 v7, v5;
	v7 =	vunpack.i.l.bf16.f32 v9  }
0x13f: {  	v15 =	vunpack.i.u.bf16.f32 v9;
	v16 =	vmul.f32 v12, v5;
	v7 =	vmul.f32 v7, v6;
	[tilespmem:s13+$0xD0] =	vst v8;
	v8 =	vld [tilespmem:s11+$0x20]  }
0x140: {  	[tilespmem:s13+$0xC0] =	vst v10;
	v5 =	vmul.f32 v15, v6;
	v9 =	vunpack.i.l.bf16.f32 v11;
	v6 =	vunpack.i.u.bf16.f32 v11  }
0x141: {  	[tilespmem:s10+$0xFFFFFFE0] =	vst v13;
	v10 =	vmul.f32 v9, v1;
	v9 =	vmul.f32 v6, v1;
	v6 =	vld [tilespmem:s11+$0x70]  }
0x142: {  	s14 =	simm.s32 $0x1B470;
	s16 =	simm.s32 $0x177F0;
	s15 =	simm.s32 $0x4;
	[tilespmem:s10+$0xFFFFFFF0] =	vst v16;
	v11 =	vunpack.i.u.bf16.f32 v14;
	v12 =	vunpack.i.l.bf16.f32 v14  }
.LBB2_7:
0x143: {  	v13 =	vld [tilespmem:s16+$0x40];
	v12 =	vmul.f32 v12, v4;
	v11 =	vmul.f32 v11, v4;
	[tilespmem:s13+$0xFFFFFFC0] =	vst v10;
	s12 =	sadd.s32 $0x40, s12  }
0x144: {  	v10 =	vld [tilespmem:s12+$0x10];
	[tilespmem:s13+$0xFFFFFFD0] =	vst v9;
	v9 =	vunpack.i.u.bf16.f32 v8;
	v8 =	vunpack.i.l.bf16.f32 v8  }
0x145: {  	v14 =	vld [tilespmem:s16+$0xFFFFFF80];
	[tilespmem:s13+$0xFFFFFF40] =	vst v12;
	v8 =	vmul.f32 v8, v3;
	v9 =	vmul.f32 v9, v3  }
0x146: {  	s15 =	sadd.s32 $0x4, s15;
	v12 =	vld [tilespmem:s16+$0xFFFFFFC0];
	[tilespmem:s13+$0xFFFFFF50] =	vst v11;
	v11 =	vunpack.i.u.bf16.f32 v6;
	v6 =	vunpack.i.l.bf16.f32 v6  }
0x147: {  	p0 =	slt.u32 s15, $0x4C;
	v15 =	vld [tilespmem:s16+$0x0];
	[tilespmem:s13+$0x40] =	vst v8;
	v6 =	vmul.f32 v6, v2;
	v16 =	vmul.f32 v11, v2  }
0x148: {  	v8 =	vld [tilespmem:s12+$0xFFFFFFF0];
	v11 =	vunpack.i.l.bf16.f32 v13;
	[tilespmem:s13+$0x50] =	vst v9  }
0x149: {  	v13 =	vunpack.i.u.bf16.f32 v13;
	v9 =	vld [tilespmem:s12+$0x0];
	v11 =	vmul.f32 v11, v10;
	[tilespmem:s13+$0xF0] =	vst v16;
	v2 =	vmov v10  }
0x14a: {  	s13 =	sadd.s32 $0x200, s13;
	v10 =	vld [tilespmem:s12+$0xFFFFFFE0];
	v16 =	vunpack.i.u.bf16.f32 v14;
	v14 =	vunpack.i.l.bf16.f32 v14;
	v13 =	vmul.f32 v13, v2;
	[tilespmem:s10+$0x60] =	vst v7  }
0x14b: {  	v7 =	vunpack.i.u.bf16.f32 v12;
	v12 =	vunpack.i.l.bf16.f32 v12;
	[tilespmem:s13+$0x80] =	vst v11;
	v11 =	vld [tilespmem:s11+$0xFFFFFFB0]  }
0x14c: {  	v17 =	vunpack.i.u.bf16.f32 v15;
	v15 =	vunpack.i.l.bf16.f32 v15;
	[tilespmem:s13+$0x90] =	vst v13;
	v13 =	vld [tilespmem:s11+$0xFFFFFFF0]  }
0x14d: {  	v12 =	vmul.f32 v12, v8;
	v7 =	vmul.f32 v7, v8;
	v18 =	vld [tilespmem:s16+$0x50];
	[tilespmem:s10+$0x70] =	vst v5;
	s10 =	smov.u32 s14;
	s14 =	smov.u32 s13  }
0x14e: {  	v5 =	vmul.f32 v15, v9;
	v15 =	vmul.f32 v17, v9;
	v17 =	vld [tilespmem:s11+$0x30];
	[tilespmem:s10+$0xE0] =	vst v6;
	s11 =	smov.u32 s16  }
0x14f: {  	v6 =	vmul.f32 v14, v10;
	v14 =	vmul.f32 v16, v10;
	[tilespmem:s13+$0xFFFFFF80] =	vst v12  }
0x150: {  	[tilespmem:s13+$0xFFFFFF90] =	vst v7;
	v7 =	vunpack.i.u.bf16.f32 v11;
	v11 =	vunpack.i.l.bf16.f32 v11  }
0x151: {  	[tilespmem:s13+$0xFFFFFF00] =	vst v6;
	v6 =	vld [tilespmem:s16+$0xFFFFFFD0];
	v11 =	vmul.f32 v11, v4;
	v12 =	vunpack.i.u.bf16.f32 v13;
	v13 =	vunpack.i.l.bf16.f32 v13  }
0x152: {  	v16 =	vmul.f32 v7, v4;
	v4 =	vmovc v10;
	[tilespmem:s13+$0xFFFFFF10] =	vst v14;
	v14 =	vunpack.i.l.bf16.f32 v18;
	v13 =	vmul.f32 v13, v1  }
0x153: {  	v10 =	vld [tilespmem:s16+$0xFFFFFF90];
	[tilespmem:s13+$0x0] =	vst v5;
	v5 =	vunpack.i.u.bf16.f32 v18;
	v7 =	vmul.f32 v14, v2;
	v14 =	vunpack.i.u.bf16.f32 v17  }
0x154: {  	v18 =	vmul.f32 v12, v1;
	v1 =	vmovc v8;
	[tilespmem:s13+$0x10] =	vst v15;
	v15 =	vmul.f32 v5, v2;
	v5 =	vunpack.i.l.bf16.f32 v17  }
0x155: {  	v8 =	vld [tilespmem:s16+$0x10];
	[tilespmem:s13+$0xA0] =	vst v7;
	v7 =	vmul.f32 v5, v3;
	v5 =	vmul.f32 v14, v3;
	v3 =	vmov v9  }
0x156: {  	v9 =	vunpack.i.u.bf16.f32 v6;
	v6 =	vunpack.i.l.bf16.f32 v6;
	[tilespmem:s13+$0xB0] =	vst v15  }
0x157: {  	v6 =	vmul.f32 v6, v1;
	v9 =	vmul.f32 v9, v1;
	v12 =	vld [tilespmem:s16+$0x60];
	[tilespmem:s10+$0xFFFFFF60] =	vst v11  }
0x158: {  	v11 =	vunpack.i.u.bf16.f32 v10;
	v10 =	vunpack.i.l.bf16.f32 v10;
	[tilespmem:s10+$0xFFFFFF70] =	vst v16  }
0x159: {  	v10 =	vmul.f32 v10, v4;
	v11 =	vmul.f32 v11, v4;
	[tilespmem:s13+$0xFFFFFFA0] =	vst v6  }
0x15a: {  	[tilespmem:s13+$0xFFFFFFB0] =	vst v9;
	v6 =	vunpack.i.u.bf16.f32 v8;
	v8 =	vunpack.i.l.bf16.f32 v8  }
0x15b: {  	[tilespmem:s13+$0xFFFFFF20] =	vst v10;
	v9 =	vld [tilespmem:s16+$0xFFFFFFE0];
	v8 =	vmul.f32 v8, v3;
	v6 =	vmul.f32 v6, v3  }
0x15c: {  	[tilespmem:s13+$0xFFFFFF30] =	vst v11;
	v10 =	vunpack.i.l.bf16.f32 v12  }
0x15d: {  	v14 =	vld [tilespmem:s16+$0xFFFFFFA0];
	[tilespmem:s13+$0x20] =	vst v8;
	v8 =	vunpack.i.u.bf16.f32 v12;
	v10 =	vmul.f32 v10, v2  }
.Ltmp2:
0x15e: {  	[tilespmem:s13+$0x30] =	vst v6;
	v6 =	vmul.f32 v8, v2;
	(pc) =	sbr.rel @p0 .LBB2_7-.Ltmp2, $4  }
0x15f: {  	v8 =	vld [tilespmem:s16+$0x20];
	[tilespmem:s13+$0xC0] =	vst v10  }
0x160: {  	v11 =	vunpack.i.u.bf16.f32 v9;
	v9 =	vunpack.i.l.bf16.f32 v9;
	[tilespmem:s13+$0xD0] =	vst v6  }
0x161: {  	v10 =	vmul.f32 v9, v1;
	v9 =	vmul.f32 v11, v1;
	v6 =	vld [tilespmem:s16+$0x70];
	[tilespmem:s10+$0xFFFFFFE0] =	vst v13  }
0x162: {  	s16 =	sadd.s32 $0x100, s16;
	v11 =	vunpack.i.u.bf16.f32 v14;
	v12 =	vunpack.i.l.bf16.f32 v14;
	[tilespmem:s10+$0xFFFFFFF0] =	vst v18  }
0x163: {  	v12 =	vmul.f32 v12, v4;
	[tilespmem:s13+$0xFFFFFFC0] =	vst v10  }
0x164: {  	v11 =	vmul.f32 v11, v4;
	[tilespmem:s13+$0xFFFFFFD0] =	vst v9;
	v52 =	vunpack.i.l.bf16.f32 v8  }
0x165: {  	v53 =	vunpack.i.u.bf16.f32 v8;
	v56 =	vld [tilespmem:s11+$0xFFFFFFF0];
	[tilespmem:s13+$0xFFFFFF40] =	vst v12;
	v54 =	vmul.f32 v52, v3  }
0x166: {  	[tilespmem:s13+$0xFFFFFF50] =	vst v11;
	v8 =	vmul.f32 v53, v3;
	v55 =	vunpack.i.u.bf16.f32 v6  }
0x167: {  	v11 =	vld [tilespmem:s11+$0xFFFFFFB0];
	v57 =	vunpack.i.l.bf16.f32 v6;
	[tilespmem:s13+$0x40] =	vst v54;
	v9 =	vmul.f32 v55, v2  }
0x168: {  	[tilespmem:s13+$0x50] =	vst v8;
	v2 =	vmul.f32 v57, v2  }
0x169: {  	v8 =	vld [tilespmem:s11+$0x30];
	[tilespmem:s13+$0xF0] =	vst v9  }
0x16a: {  	[tilespmem:s14+$0xE0] =	vst v2;
	v2 =	vunpack.i.l.bf16.f32 v56  }
0x16b: {  	[tilespmem:s10+$0x60] =	vst v7;
	v61 =	vunpack.i.u.bf16.f32 v56;
	v2 =	vmul.f32 v2, v1  }
0x16c: {  	[tilespmem:s10+$0x70] =	vst v5;
	v58 =	vunpack.i.l.bf16.f32 v11;
	v1 =	vmul.f32 v61, v1  }
0x16d: {  	v59 =	vunpack.i.u.bf16.f32 v11;
	v6 =	vmul.f32 v58, v4;
	[tilespmem:s14+$0xFFFFFFE0] =	vst v2  }
0x16e: {  	v60 =	vmul.f32 v59, v4;
	v62 =	vunpack.i.l.bf16.f32 v8;
	[tilespmem:s14+$0xFFFFFFF0] =	vst v1  }
0x16f: {  	v63 =	vunpack.i.u.bf16.f32 v8;
	[tilespmem:s14+$0xFFFFFF60] =	vst v6;
	v5 =	vmul.f32 v62, v3  }
0x170: {  	[tilespmem:s14+$0xFFFFFF70] =	vst v60;
	v2 =	vmul.f32 v63, v3  }
0x171: {  	[tilespmem:s14+$0x60] =	vst v5  }
0x172: {  	[tilespmem:s14+$0x70] =	vst v2  }
0x173: {  	[spmem:s2] =	stream.indirect.scatter.add.f32 [tilespmem:s3], [sflag:$0x4], $0x80, s17, s20, $0xb8;
	[tilespmem:$0x1E370] =	vst v63  }
0x174: {  	s16 =	smul.u32 $0x280, s9;
	_ =	swait.ge [sflag:s1], $0x2800  }
0x175: {  	[sflag:s1] =	ssyncset.done $0x0  }
0x176: {  	s10 =	sshra.s32 s16, $0x2;
	[sflag:s1] =	ssyncadd.s32 $0xFFFFD800  }
0x177: {  	v1 =	vld [tilespmem:s10+$0x13920];
	_ =	sdelay $0x4  }
0x178: {  	v2 =	vshra.s32 v1, $0xE  }
0x179: {  	v3 =	vcvt.s32.f32 v2;
	_ =	sdelay $0x1  }
0x17a: {  	v3 =	vadd.f32 $5.000000000e-01, v3;
	_ =	sdelay $0x1  }
0x17b: {  	v3 =	vmul.f32 $9.999999740e-05, v3;
	_ =	sdelay $0x1  }
0x17c: {  	v3 =	vtrunc.f32 v3  }
0x17d: {  	v3 =	vcvt.f32.s32 v3;
	_ =	sdelay $0x1  }
0x17e: {  	v3 =	vmul.u32 $0x2710, v3  }
0x17f: {  	v1 =	vand.u32 $0x3FFF, v1;
	[tilespmem:$0x15F90] =	vst v2  }
0x180: {  	[tilespmem:$0x160D0] =	vst v1;
	v1 =	vadd.s32 v1, v3  }
0x181: {  	[tilespmem:$0x16030] =	vst v1  }
0x182: {  	v1 =	vld [tilespmem:s10+$0x13930];
	_ =	sdelay $0x4  }
0x183: {  	v2 =	vshra.s32 v1, $0xE  }
0x184: {  	v3 =	vcvt.s32.f32 v2;
	_ =	sdelay $0x1  }
0x185: {  	v3 =	vadd.f32 $5.000000000e-01, v3;
	_ =	sdelay $0x1  }
0x186: {  	v3 =	vmul.f32 $9.999999740e-05, v3;
	_ =	sdelay $0x1  }
0x187: {  	v3 =	vtrunc.f32 v3  }
0x188: {  	v3 =	vcvt.f32.s32 v3;
	_ =	sdelay $0x1  }
0x189: {  	v3 =	vmul.u32 $0x2710, v3  }
0x18a: {  	v1 =	vand.u32 $0x3FFF, v1;
	[tilespmem:$0x15FA0] =	vst v2  }
0x18b: {  	[tilespmem:$0x160E0] =	vst v1;
	v1 =	vadd.s32 v1, v3  }
0x18c: {  	[tilespmem:$0x16040] =	vst v1  }
0x18d: {  	v1 =	vld [tilespmem:s10+$0x13940];
	_ =	sdelay $0x4  }
0x18e: {  	v2 =	vshra.s32 v1, $0xE  }
0x18f: {  	v3 =	vcvt.s32.f32 v2;
	_ =	sdelay $0x1  }
0x190: {  	v3 =	vadd.f32 $5.000000000e-01, v3;
	_ =	sdelay $0x1  }
0x191: {  	v3 =	vmul.f32 $9.999999740e-05, v3;
	_ =	sdelay $0x1  }
0x192: {  	v3 =	vtrunc.f32 v3  }
0x193: {  	v3 =	vcvt.f32.s32 v3;
	_ =	sdelay $0x1  }
0x194: {  	v3 =	vmul.u32 $0x2710, v3  }
0x195: {  	v1 =	vand.u32 $0x3FFF, v1;
	[tilespmem:$0x15FB0] =	vst v2  }
0x196: {  	[tilespmem:$0x160F0] =	vst v1;
	v1 =	vadd.s32 v1, v3  }
0x197: {  	[tilespmem:$0x16050] =	vst v1  }
0x198: {  	v1 =	vld [tilespmem:s10+$0x13950];
	_ =	sdelay $0x4  }
0x199: {  	v2 =	vshra.s32 v1, $0xE  }
0x19a: {  	v3 =	vcvt.s32.f32 v2;
	_ =	sdelay $0x1  }
0x19b: {  	v3 =	vadd.f32 $5.000000000e-01, v3;
	_ =	sdelay $0x1  }
0x19c: {  	v3 =	vmul.f32 $9.999999740e-05, v3;
	_ =	sdelay $0x1  }
0x19d: {  	v3 =	vtrunc.f32 v3  }
0x19e: {  	v3 =	vcvt.f32.s32 v3;
	_ =	sdelay $0x1  }
0x19f: {  	v3 =	vmul.u32 $0x2710, v3  }
0x1a0: {  	v1 =	vand.u32 $0x3FFF, v1;
	[tilespmem:$0x15FC0] =	vst v2  }
0x1a1: {  	[tilespmem:$0x16100] =	vst v1;
	v1 =	vadd.s32 v1, v3  }
0x1a2: {  	[tilespmem:$0x16060] =	vst v1  }
0x1a3: {  	v1 =	vld [tilespmem:s10+$0x13960];
	_ =	sdelay $0x4  }
0x1a4: {  	v2 =	vshra.s32 v1, $0xE  }
0x1a5: {  	v3 =	vcvt.s32.f32 v2;
	_ =	sdelay $0x1  }
0x1a6: {  	v3 =	vadd.f32 $5.000000000e-01, v3;
	_ =	sdelay $0x1  }
0x1a7: {  	v3 =	vmul.f32 $9.999999740e-05, v3;
	_ =	sdelay $0x1  }
0x1a8: {  	v3 =	vtrunc.f32 v3  }
0x1a9: {  	v3 =	vcvt.f32.s32 v3;
	_ =	sdelay $0x1  }
0x1aa: {  	v3 =	vmul.u32 $0x2710, v3  }
0x1ab: {  	v1 =	vand.u32 $0x3FFF, v1;
	[tilespmem:$0x15FD0] =	vst v2  }
0x1ac: {  	[tilespmem:$0x16110] =	vst v1;
	v1 =	vadd.s32 v1, v3  }
0x1ad: {  	p0 =	seq.s32 s9, $0x3D;
	[tilespmem:$0x16070] =	vst v1  }
0x1ae: {  	[tilespmem:s22], [sflag:$0x1] =	stream.indirect.gather [hbm4b:s4+s20], $0x40, s21, s20, $0xb8;
	[tilespmem:$0x1E370] =	vst v63  }
.Ltmp3:
0x1af: {  	_ = 	snop;
	(pc) =	sbr.rel @p0 .LBB2_10-.Ltmp3, $4  }
0x1b0: {  	[tilespmem:s24], [sflag:$0x1] =	stream.indirect.gather [hbm4b:s5+s20], $0x10, s23, s20, $0xb8;
	[tilespmem:$0x1E370] =	vst v63  }
0x1b1: {  	_ =	swait.ge [sflag:s6], $0x2800  }
0x1b2: {  	[sflag:s6] =	ssyncset.done $0x0  }
0x1b3: {  	[sflag:s6] =	ssyncadd.s32 $0xFFFFD800  }
0x1b4: {  	v1 =	vld [tilespmem:s10+$0x13970];
	_ =	sdelay $0x4  }
0x1b5: {  	v2 =	vshra.s32 v1, $0xE  }
0x1b6: {  	v3 =	vcvt.s32.f32 v2;
	_ =	sdelay $0x1  }
0x1b7: {  	v3 =	vadd.f32 $5.000000000e-01, v3;
	_ =	sdelay $0x1  }
0x1b8: {  	v3 =	vmul.f32 $9.999999740e-05, v3;
	_ =	sdelay $0x1  }
0x1b9: {  	v3 =	vtrunc.f32 v3  }
0x1ba: {  	v3 =	vcvt.f32.s32 v3;
	_ =	sdelay $0x1  }
0x1bb: {  	v3 =	vmul.u32 $0x2710, v3  }
0x1bc: {  	v1 =	vand.u32 $0x3FFF, v1;
	[tilespmem:$0x15FE0] =	vst v2  }
0x1bd: {  	[tilespmem:$0x16120] =	vst v1;
	v1 =	vadd.s32 v1, v3  }
0x1be: {  	[tilespmem:$0x16080] =	vst v1  }
0x1bf: {  	v1 =	vld [tilespmem:s10+$0x13980];
	_ =	sdelay $0x4  }
0x1c0: {  	v2 =	vshra.s32 v1, $0xE  }
0x1c1: {  	v3 =	vcvt.s32.f32 v2;
	_ =	sdelay $0x1  }
0x1c2: {  	v3 =	vadd.f32 $5.000000000e-01, v3;
	_ =	sdelay $0x1  }
0x1c3: {  	v3 =	vmul.f32 $9.999999740e-05, v3;
	_ =	sdelay $0x1  }
0x1c4: {  	v3 =	vtrunc.f32 v3  }
0x1c5: {  	v3 =	vcvt.f32.s32 v3;
	_ =	sdelay $0x1  }
0x1c6: {  	v3 =	vmul.u32 $0x2710, v3  }
0x1c7: {  	v1 =	vand.u32 $0x3FFF, v1;
	[tilespmem:$0x15FF0] =	vst v2  }
0x1c8: {  	[tilespmem:$0x16130] =	vst v1;
	v1 =	vadd.s32 v1, v3  }
0x1c9: {  	[tilespmem:$0x16090] =	vst v1  }
0x1ca: {  	v1 =	vld [tilespmem:s10+$0x13990];
	_ =	sdelay $0x4  }
0x1cb: {  	v2 =	vshra.s32 v1, $0xE  }
0x1cc: {  	v3 =	vcvt.s32.f32 v2;
	_ =	sdelay $0x1  }
0x1cd: {  	v3 =	vadd.f32 $5.000000000e-01, v3;
	_ =	sdelay $0x1  }
0x1ce: {  	v3 =	vmul.f32 $9.999999740e-05, v3;
	_ =	sdelay $0x1  }
0x1cf: {  	v3 =	vtrunc.f32 v3  }
0x1d0: {  	v3 =	vcvt.f32.s32 v3;
	_ =	sdelay $0x1  }
0x1d1: {  	v3 =	vmul.u32 $0x2710, v3  }
0x1d2: {  	v1 =	vand.u32 $0x3FFF, v1;
	[tilespmem:$0x16000] =	vst v2  }
0x1d3: {  	[tilespmem:$0x16140] =	vst v1;
	v1 =	vadd.s32 v1, v3  }
0x1d4: {  	[tilespmem:$0x160A0] =	vst v1  }
0x1d5: {  	v1 =	vld [tilespmem:s10+$0x139A0];
	_ =	sdelay $0x4  }
0x1d6: {  	v2 =	vshra.s32 v1, $0xE  }
0x1d7: {  	v3 =	vcvt.s32.f32 v2;
	_ =	sdelay $0x1  }
0x1d8: {  	v3 =	vadd.f32 $5.000000000e-01, v3;
	_ =	sdelay $0x1  }
0x1d9: {  	v3 =	vmul.f32 $9.999999740e-05, v3;
	_ =	sdelay $0x1  }
0x1da: {  	v3 =	vtrunc.f32 v3  }
0x1db: {  	v3 =	vcvt.f32.s32 v3;
	_ =	sdelay $0x1  }
0x1dc: {  	v3 =	vmul.u32 $0x2710, v3  }
0x1dd: {  	v1 =	vand.u32 $0x3FFF, v1;
	[tilespmem:$0x16010] =	vst v2  }
0x1de: {  	[tilespmem:$0x16150] =	vst v1;
	v1 =	vadd.s32 v1, v3  }
0x1df: {  	[tilespmem:$0x160B0] =	vst v1  }
0x1e0: {  	v1 =	vld [tilespmem:s10+$0x139B0];
	_ =	sdelay $0x4  }
0x1e1: {  	v2 =	vshra.s32 v1, $0xE  }
0x1e2: {  	v3 =	vcvt.s32.f32 v2;
	_ =	sdelay $0x1  }
0x1e3: {  	v3 =	vadd.f32 $5.000000000e-01, v3;
	_ =	sdelay $0x1  }
0x1e4: {  	v3 =	vmul.f32 $9.999999740e-05, v3;
	_ =	sdelay $0x1  }
0x1e5: {  	v3 =	vtrunc.f32 v3  }
0x1e6: {  	v3 =	vcvt.f32.s32 v3;
	_ =	sdelay $0x1  }
0x1e7: {  	v3 =	vmul.u32 $0x2710, v3  }
0x1e8: {  	v1 =	vand.u32 $0x3FFF, v1;
	[tilespmem:$0x16020] =	vst v2  }
.Ltmp4:
0x1e9: {  	[tilespmem:$0x16160] =	vst v1;
	v1 =	vadd.s32 v1, v3;
	(pc) =	sbr.rel .LBB2_4-.Ltmp4, $4  }
0x1ea: {  	[tilespmem:$0x160C0] =	vst v1  }
0x1eb: {  	[tilespmem:s26], [sflag:$0x2] =	stream.indirect.gather [hbm4b:s4+s20], $0x40, s25, s20, $0xb8;
	[tilespmem:$0x1E370] =	vst v63  }
0x1ec: {  	s9 =	sadd.s32 $0x1, s9  }
0x1ed: {  	[tilespmem:s29], [sflag:$0x2] =	stream.indirect.gather [hbm4b:s5+s20], $0x10, s28, s20, $0xb8;
	[tilespmem:$0x1E370] =	vst v63  }
.LBB2_10:
0x1ee: {  	_ =	swait.ge [sflag:s30], $0x1400  }
0x1ef: {  	[sflag:s30] =	ssyncset.done $0x0  }
0x1f0: {  	[sflag:s30] =	ssyncadd.s32 $0xFFFFEC00  }
0x1f1: {  	_ =	swait.ge [sflag:s30], $0x500  }
0x1f2: {  	[sflag:s30] =	ssyncset.done $0x0  }
0x1f3: {  	s13 =	simm.s32 $0x161F0;
	[sflag:s30] =	ssyncadd.s32 $0xFFFFFB00  }
0x1f4: {  	s10 =	simm.s32 $0x1D990;
	v1 =	vld [tilespmem:s13+$0x40]  }
0x1f5: {  	v3 =	vld [tilespmem:s10+$0x10]  }
0x1f6: {  	v2 =	vld [tilespmem:s13+$0xFFFFFFC0]  }
0x1f7: {  	v5 =	vld [tilespmem:s10+$0xFFFFFFF0]  }
0x1f8: {  	v4 =	vld [tilespmem:s13+$0xFFFFFF80]  }
0x1f9: {  	v7 =	vld [tilespmem:s10+$0xFFFFFFE0];
	v6 =	vunpack.i.l.bf16.f32 v1  }
0x1fa: {  	v8 =	vld [tilespmem:s13+$0x0];
	v1 =	vunpack.i.u.bf16.f32 v1;
	v9 =	vmul.f32 v6, v3  }
0x1fb: {  	s9 =	simm.s32 $0x18A70;
	v10 =	vunpack.i.l.bf16.f32 v2;
	v6 =	vld [tilespmem:s10+$0x0];
	v1 =	vmul.f32 v1, v3  }
0x1fc: {  	v2 =	vunpack.i.u.bf16.f32 v2;
	[tilespmem:s9+$0x80] =	vst v9;
	v9 =	vmul.f32 v10, v5  }
0x1fd: {  	v10 =	vunpack.i.l.bf16.f32 v4;
	[tilespmem:s9+$0x90] =	vst v1;
	v1 =	vmul.f32 v2, v5  }
0x1fe: {  	v2 =	vunpack.i.u.bf16.f32 v4;
	v4 =	vld [tilespmem:s13+$0x50];
	v10 =	vmul.f32 v10, v7;
	[tilespmem:s9+$0xFFFFFF80] =	vst v9  }
0x1ff: {  	v2 =	vmul.f32 v2, v7;
	v9 =	vunpack.i.l.bf16.f32 v8;
	[tilespmem:s9+$0xFFFFFF90] =	vst v1  }
0x200: {  	v1 =	vunpack.i.u.bf16.f32 v8;
	v8 =	vmul.f32 v9, v6;
	[tilespmem:s9+$0xFFFFFF00] =	vst v10;
	v9 =	vld [tilespmem:s13+$0xFFFFFFD0]  }
0x201: {  	v1 =	vmul.f32 v1, v6;
	[tilespmem:s9+$0xFFFFFF10] =	vst v2  }
0x202: {  	v2 =	vld [tilespmem:s13+$0xFFFFFF90];
	[tilespmem:s9+$0x0] =	vst v8  }
0x203: {  	[tilespmem:s9+$0x10] =	vst v1;
	v8 =	vunpack.i.l.bf16.f32 v4  }
0x204: {  	v1 =	vunpack.i.u.bf16.f32 v4;
	v4 =	vmul.f32 v8, v3;
	v8 =	vld [tilespmem:s13+$0x10]  }
0x205: {  	v1 =	vmul.f32 v1, v3;
	v10 =	vunpack.i.l.bf16.f32 v9  }
0x206: {  	[tilespmem:s9+$0xA0] =	vst v4;
	v4 =	vunpack.i.u.bf16.f32 v9;
	v9 =	vmul.f32 v10, v5  }
0x207: {  	[tilespmem:s9+$0xB0] =	vst v1;
	v1 =	vmul.f32 v4, v5;
	v4 =	vunpack.i.l.bf16.f32 v2  }
0x208: {  	v10 =	vld [tilespmem:s13+$0x60];
	v2 =	vunpack.i.u.bf16.f32 v2;
	v4 =	vmul.f32 v4, v7;
	[tilespmem:s9+$0xFFFFFFA0] =	vst v9  }
0x209: {  	v2 =	vmul.f32 v2, v7;
	[tilespmem:s9+$0xFFFFFFB0] =	vst v1;
	v1 =	vunpack.i.l.bf16.f32 v8  }
0x20a: {  	v8 =	vunpack.i.u.bf16.f32 v8;
	[tilespmem:s9+$0xFFFFFF20] =	vst v4;
	v4 =	vld [tilespmem:s13+$0xFFFFFFE0];
	v1 =	vmul.f32 v1, v6  }
0x20b: {  	v8 =	vmul.f32 v8, v6;
	[tilespmem:s9+$0xFFFFFF30] =	vst v2  }
0x20c: {  	v9 =	vld [tilespmem:s13+$0xFFFFFFA0];
	[tilespmem:s9+$0x20] =	vst v1  }
0x20d: {  	v1 =	vunpack.i.l.bf16.f32 v10;
	[tilespmem:s9+$0x30] =	vst v8  }
0x20e: {  	v2 =	vunpack.i.u.bf16.f32 v10;
	v1 =	vmul.f32 v1, v3;
	v8 =	vld [tilespmem:s13+$0x20]  }
0x20f: {  	s10 =	simm.s32 $0x162F0;
	v2 =	vmul.f32 v2, v3;
	v10 =	vunpack.i.l.bf16.f32 v4  }
0x210: {  	s11 =	simm.s32 $0x1D9D0;
	[tilespmem:s9+$0xC0] =	vst v1;
	v1 =	vunpack.i.u.bf16.f32 v4;
	v4 =	vmul.f32 v10, v5;
	v10 =	vld [tilespmem:s10+$0x40]  }
0x211: {  	[tilespmem:s9+$0xD0] =	vst v2;
	v2 =	vld [tilespmem:s11+$0x10];
	v1 =	vmul.f32 v1, v5;
	v11 =	vunpack.i.l.bf16.f32 v9  }
0x212: {  	v12 =	vld [tilespmem:s13+$0x70];
	v9 =	vunpack.i.u.bf16.f32 v9;
	v11 =	vmul.f32 v11, v7;
	[tilespmem:s9+$0xFFFFFFC0] =	vst v4  }
0x213: {  	v4 =	vmul.f32 v9, v7;
	[tilespmem:s9+$0xFFFFFFD0] =	vst v1;
	v1 =	vunpack.i.l.bf16.f32 v8  }
0x214: {  	v8 =	vunpack.i.u.bf16.f32 v8;
	[tilespmem:s9+$0xFFFFFF40] =	vst v11;
	v9 =	vmul.f32 v1, v6;
	v11 =	vld [tilespmem:s10+$0xFFFFFFC0]  }
0x215: {  	v8 =	vmul.f32 v8, v6;
	v1 =	vld [tilespmem:s11+$0xFFFFFFF0];
	[tilespmem:s9+$0xFFFFFF50] =	vst v4;
	v4 =	vunpack.i.l.bf16.f32 v10  }
0x216: {  	v13 =	vld [tilespmem:s10+$0xFFFFFF80];
	[tilespmem:s9+$0x40] =	vst v9;
	v9 =	vunpack.i.u.bf16.f32 v10;
	v10 =	vmul.f32 v4, v2  }
0x217: {  	s12 =	simm.s32 $0x18C70;
	v14 =	vunpack.i.u.bf16.f32 v12;
	[tilespmem:s9+$0x50] =	vst v8;
	v4 =	vld [tilespmem:s11+$0xFFFFFFE0];
	v8 =	vmul.f32 v9, v2  }
0x218: {  	v9 =	vunpack.i.l.bf16.f32 v12;
	v12 =	vld [tilespmem:s10+$0x0];
	v14 =	vmul.f32 v14, v3;
	[tilespmem:s12+$0x80] =	vst v10  }
0x219: {  	v9 =	vmul.f32 v9, v3;
	v3 =	vld [tilespmem:s11+$0x0];
	v10 =	vunpack.i.l.bf16.f32 v11;
	[tilespmem:s12+$0x90] =	vst v8  }
0x21a: {  	[tilespmem:s9+$0xF0] =	vst v14;
	v8 =	vunpack.i.u.bf16.f32 v11;
	v10 =	vmul.f32 v10, v1;
	v11 =	vld [tilespmem:s10+$0x50]  }
0x21b: {  	v14 =	vunpack.i.l.bf16.f32 v13;
	v8 =	vmul.f32 v8, v1;
	[tilespmem:s9+$0xE0] =	vst v9  }
0x21c: {  	v9 =	vunpack.i.u.bf16.f32 v13;
	v13 =	vld [tilespmem:s13+$0xFFFFFFB0];
	v14 =	vmul.f32 v14, v4;
	[tilespmem:s12+$0xFFFFFF80] =	vst v10  }
0x21d: {  	v10 =	vunpack.i.l.bf16.f32 v12;
	v9 =	vmul.f32 v9, v4;
	[tilespmem:s12+$0xFFFFFF90] =	vst v8  }
0x21e: {  	v8 =	vunpack.i.u.bf16.f32 v12;
	v10 =	vmul.f32 v10, v3;
	v12 =	vld [tilespmem:s10+$0xFFFFFFD0];
	[tilespmem:s12+$0xFFFFFF00] =	vst v14  }
0x21f: {  	v8 =	vmul.f32 v8, v3;
	[tilespmem:s12+$0xFFFFFF10] =	vst v9;
	v9 =	vunpack.i.l.bf16.f32 v11  }
0x220: {  	v14 =	vld [tilespmem:s10+$0xFFFFFF90];
	[tilespmem:s12+$0x0] =	vst v10;
	v10 =	vunpack.i.u.bf16.f32 v11;
	v9 =	vmul.f32 v9, v2  }
0x221: {  	v11 =	vunpack.i.l.bf16.f32 v13;
	[tilespmem:s12+$0x10] =	vst v8;
	v8 =	vmul.f32 v10, v2  }
0x222: {  	v10 =	vunpack.i.u.bf16.f32 v13;
	v11 =	vmul.f32 v11, v7;
	v13 =	vld [tilespmem:s10+$0x10];
	[tilespmem:s12+$0xA0] =	vst v9  }
0x223: {  	v7 =	vmul.f32 v10, v7;
	v9 =	vunpack.i.l.bf16.f32 v12;
	[tilespmem:s12+$0xB0] =	vst v8  }
0x224: {  	v8 =	vunpack.i.u.bf16.f32 v12;
	[tilespmem:s9+$0xFFFFFF60] =	vst v11;
	v9 =	vmul.f32 v9, v1;
	v10 =	vld [tilespmem:s10+$0x60]  }
0x225: {  	v8 =	vmul.f32 v8, v1;
	[tilespmem:s9+$0xFFFFFF70] =	vst v7;
	v11 =	vunpack.i.l.bf16.f32 v14  }
0x226: {  	v7 =	vld [tilespmem:s13+$0xFFFFFFF0];
	v12 =	vunpack.i.u.bf16.f32 v14;
	v11 =	vmul.f32 v11, v4;
	[tilespmem:s12+$0xFFFFFFA0] =	vst v9  }
0x227: {  	v9 =	vld [tilespmem:s13+$0x30];
	v12 =	vmul.f32 v12, v4;
	[tilespmem:s12+$0xFFFFFFB0] =	vst v8;
	v8 =	vunpack.i.l.bf16.f32 v13  }
0x228: {  	v8 =	vmul.f32 v8, v3;
	[tilespmem:s12+$0xFFFFFF20] =	vst v11  }
0x229: {  	v13 =	vunpack.i.u.bf16.f32 v13;
	v11 =	vld [tilespmem:s10+$0xFFFFFFE0];
	[tilespmem:s12+$0xFFFFFF30] =	vst v12;
	v12 =	vunpack.i.l.bf16.f32 v10  }
0x22a: {  	v13 =	vmul.f32 v13, v3;
	[tilespmem:s12+$0x20] =	vst v8;
	v8 =	vunpack.i.u.bf16.f32 v10;
	v10 =	vmul.f32 v12, v2  }
0x22b: {  	v14 =	vld [tilespmem:s10+$0xFFFFFFA0];
	v12 =	vunpack.i.u.bf16.f32 v7;
	v7 =	vunpack.i.l.bf16.f32 v7;
	v8 =	vmul.f32 v8, v2  }
0x22c: {  	[tilespmem:s12+$0x30] =	vst v13;
	v13 =	vmul.f32 v7, v5;
	v7 =	vunpack.i.l.bf16.f32 v9  }
0x22d: {  	v15 =	vunpack.i.u.bf16.f32 v9;
	v16 =	vmul.f32 v12, v5;
	v7 =	vmul.f32 v7, v6;
	[tilespmem:s12+$0xD0] =	vst v8;
	v8 =	vld [tilespmem:s10+$0x20]  }
0x22e: {  	[tilespmem:s12+$0xC0] =	vst v10;
	v5 =	vmul.f32 v15, v6;
	v9 =	vunpack.i.l.bf16.f32 v11;
	v6 =	vunpack.i.u.bf16.f32 v11  }
0x22f: {  	[tilespmem:s9+$0xFFFFFFE0] =	vst v13;
	v10 =	vmul.f32 v9, v1;
	v9 =	vmul.f32 v6, v1;
	v6 =	vld [tilespmem:s10+$0x70]  }
0x230: {  	s14 =	simm.s32 $0x4;
	s15 =	simm.s32 $0x163F0;
	s13 =	simm.s32 $0x18C70;
	[tilespmem:s9+$0xFFFFFFF0] =	vst v16;
	v11 =	vunpack.i.u.bf16.f32 v14;
	v12 =	vunpack.i.l.bf16.f32 v14  }
.LBB2_11:
0x231: {  	v13 =	vld [tilespmem:s15+$0x40];
	v12 =	vmul.f32 v12, v4;
	v11 =	vmul.f32 v11, v4;
	[tilespmem:s12+$0xFFFFFFC0] =	vst v10;
	s11 =	sadd.s32 $0x40, s11  }
0x232: {  	v10 =	vld [tilespmem:s11+$0x10];
	[tilespmem:s12+$0xFFFFFFD0] =	vst v9;
	v9 =	vunpack.i.u.bf16.f32 v8;
	v8 =	vunpack.i.l.bf16.f32 v8  }
0x233: {  	v14 =	vld [tilespmem:s15+$0xFFFFFF80];
	[tilespmem:s12+$0xFFFFFF40] =	vst v12;
	v8 =	vmul.f32 v8, v3;
	v9 =	vmul.f32 v9, v3  }
0x234: {  	s14 =	sadd.s32 $0x4, s14;
	v12 =	vld [tilespmem:s15+$0xFFFFFFC0];
	[tilespmem:s12+$0xFFFFFF50] =	vst v11;
	v11 =	vunpack.i.u.bf16.f32 v6;
	v6 =	vunpack.i.l.bf16.f32 v6  }
0x235: {  	p0 =	slt.u32 s14, $0x4C;
	v15 =	vld [tilespmem:s15+$0x0];
	[tilespmem:s12+$0x40] =	vst v8;
	v6 =	vmul.f32 v6, v2;
	v16 =	vmul.f32 v11, v2  }
0x236: {  	v8 =	vld [tilespmem:s11+$0xFFFFFFF0];
	v11 =	vunpack.i.l.bf16.f32 v13;
	[tilespmem:s12+$0x50] =	vst v9  }
0x237: {  	v13 =	vunpack.i.u.bf16.f32 v13;
	v9 =	vld [tilespmem:s11+$0x0];
	v11 =	vmul.f32 v11, v10;
	[tilespmem:s12+$0xF0] =	vst v16;
	v2 =	vmov v10  }
0x238: {  	s12 =	sadd.s32 $0x200, s12;
	v10 =	vld [tilespmem:s11+$0xFFFFFFE0];
	v16 =	vunpack.i.u.bf16.f32 v14;
	v14 =	vunpack.i.l.bf16.f32 v14;
	v13 =	vmul.f32 v13, v2;
	[tilespmem:s9+$0x60] =	vst v7  }
0x239: {  	v7 =	vunpack.i.u.bf16.f32 v12;
	v12 =	vunpack.i.l.bf16.f32 v12;
	[tilespmem:s12+$0x80] =	vst v11;
	v11 =	vld [tilespmem:s10+$0xFFFFFFB0]  }
0x23a: {  	v17 =	vunpack.i.u.bf16.f32 v15;
	v15 =	vunpack.i.l.bf16.f32 v15;
	[tilespmem:s12+$0x90] =	vst v13;
	v13 =	vld [tilespmem:s10+$0xFFFFFFF0]  }
0x23b: {  	v12 =	vmul.f32 v12, v8;
	v7 =	vmul.f32 v7, v8;
	v18 =	vld [tilespmem:s15+$0x50];
	[tilespmem:s9+$0x70] =	vst v5;
	s9 =	smov.u32 s13;
	s13 =	smov.u32 s12  }
0x23c: {  	v5 =	vmul.f32 v15, v9;
	v15 =	vmul.f32 v17, v9;
	v17 =	vld [tilespmem:s10+$0x30];
	[tilespmem:s9+$0xE0] =	vst v6;
	s10 =	smov.u32 s15  }
0x23d: {  	v6 =	vmul.f32 v14, v10;
	v14 =	vmul.f32 v16, v10;
	[tilespmem:s12+$0xFFFFFF80] =	vst v12  }
0x23e: {  	[tilespmem:s12+$0xFFFFFF90] =	vst v7;
	v7 =	vunpack.i.u.bf16.f32 v11;
	v11 =	vunpack.i.l.bf16.f32 v11  }
0x23f: {  	[tilespmem:s12+$0xFFFFFF00] =	vst v6;
	v6 =	vld [tilespmem:s15+$0xFFFFFFD0];
	v11 =	vmul.f32 v11, v4;
	v12 =	vunpack.i.u.bf16.f32 v13;
	v13 =	vunpack.i.l.bf16.f32 v13  }
0x240: {  	v16 =	vmul.f32 v7, v4;
	v4 =	vmovc v10;
	[tilespmem:s12+$0xFFFFFF10] =	vst v14;
	v14 =	vunpack.i.l.bf16.f32 v18;
	v13 =	vmul.f32 v13, v1  }
0x241: {  	v10 =	vld [tilespmem:s15+$0xFFFFFF90];
	[tilespmem:s12+$0x0] =	vst v5;
	v5 =	vunpack.i.u.bf16.f32 v18;
	v7 =	vmul.f32 v14, v2;
	v14 =	vunpack.i.u.bf16.f32 v17  }
0x242: {  	v18 =	vmul.f32 v12, v1;
	v1 =	vmovc v8;
	[tilespmem:s12+$0x10] =	vst v15;
	v15 =	vmul.f32 v5, v2;
	v5 =	vunpack.i.l.bf16.f32 v17  }
0x243: {  	v8 =	vld [tilespmem:s15+$0x10];
	[tilespmem:s12+$0xA0] =	vst v7;
	v7 =	vmul.f32 v5, v3;
	v5 =	vmul.f32 v14, v3;
	v3 =	vmov v9  }
0x244: {  	v9 =	vunpack.i.u.bf16.f32 v6;
	v6 =	vunpack.i.l.bf16.f32 v6;
	[tilespmem:s12+$0xB0] =	vst v15  }
0x245: {  	v6 =	vmul.f32 v6, v1;
	v9 =	vmul.f32 v9, v1;
	v12 =	vld [tilespmem:s15+$0x60];
	[tilespmem:s9+$0xFFFFFF60] =	vst v11  }
0x246: {  	v11 =	vunpack.i.u.bf16.f32 v10;
	v10 =	vunpack.i.l.bf16.f32 v10;
	[tilespmem:s9+$0xFFFFFF70] =	vst v16  }
0x247: {  	v10 =	vmul.f32 v10, v4;
	v11 =	vmul.f32 v11, v4;
	[tilespmem:s12+$0xFFFFFFA0] =	vst v6  }
0x248: {  	[tilespmem:s12+$0xFFFFFFB0] =	vst v9;
	v6 =	vunpack.i.u.bf16.f32 v8;
	v8 =	vunpack.i.l.bf16.f32 v8  }
0x249: {  	[tilespmem:s12+$0xFFFFFF20] =	vst v10;
	v9 =	vld [tilespmem:s15+$0xFFFFFFE0];
	v8 =	vmul.f32 v8, v3;
	v6 =	vmul.f32 v6, v3  }
0x24a: {  	[tilespmem:s12+$0xFFFFFF30] =	vst v11;
	v10 =	vunpack.i.l.bf16.f32 v12  }
0x24b: {  	v14 =	vld [tilespmem:s15+$0xFFFFFFA0];
	[tilespmem:s12+$0x20] =	vst v8;
	v8 =	vunpack.i.u.bf16.f32 v12;
	v10 =	vmul.f32 v10, v2  }
.Ltmp5:
0x24c: {  	[tilespmem:s12+$0x30] =	vst v6;
	v6 =	vmul.f32 v8, v2;
	(pc) =	sbr.rel @p0 .LBB2_11-.Ltmp5, $4  }
0x24d: {  	v8 =	vld [tilespmem:s15+$0x20];
	[tilespmem:s12+$0xC0] =	vst v10  }
0x24e: {  	v11 =	vunpack.i.u.bf16.f32 v9;
	v9 =	vunpack.i.l.bf16.f32 v9;
	[tilespmem:s12+$0xD0] =	vst v6  }
0x24f: {  	v10 =	vmul.f32 v9, v1;
	v9 =	vmul.f32 v11, v1;
	v6 =	vld [tilespmem:s15+$0x70];
	[tilespmem:s9+$0xFFFFFFE0] =	vst v13  }
0x250: {  	s15 =	sadd.s32 $0x100, s15;
	v11 =	vunpack.i.u.bf16.f32 v14;
	v12 =	vunpack.i.l.bf16.f32 v14;
	[tilespmem:s9+$0xFFFFFFF0] =	vst v18  }
0x251: {  	v12 =	vmul.f32 v12, v4;
	[tilespmem:s12+$0xFFFFFFC0] =	vst v10  }
0x252: {  	v11 =	vmul.f32 v11, v4;
	[tilespmem:s12+$0xFFFFFFD0] =	vst v9;
	v52 =	vunpack.i.l.bf16.f32 v8  }
0x253: {  	v53 =	vunpack.i.u.bf16.f32 v8;
	v56 =	vld [tilespmem:s10+$0xFFFFFFF0];
	[tilespmem:s12+$0xFFFFFF40] =	vst v12;
	v54 =	vmul.f32 v52, v3  }
0x254: {  	[tilespmem:s12+$0xFFFFFF50] =	vst v11;
	v8 =	vmul.f32 v53, v3;
	v55 =	vunpack.i.u.bf16.f32 v6  }
0x255: {  	v11 =	vld [tilespmem:s10+$0xFFFFFFB0];
	v57 =	vunpack.i.l.bf16.f32 v6;
	[tilespmem:s12+$0x40] =	vst v54;
	v9 =	vmul.f32 v55, v2  }
0x256: {  	[tilespmem:s12+$0x50] =	vst v8;
	v2 =	vmul.f32 v57, v2  }
0x257: {  	v8 =	vld [tilespmem:s10+$0x30];
	[tilespmem:s12+$0xF0] =	vst v9  }
0x258: {  	[tilespmem:s13+$0xE0] =	vst v2;
	v2 =	vunpack.i.l.bf16.f32 v56  }
0x259: {  	[tilespmem:s9+$0x60] =	vst v7;
	v61 =	vunpack.i.u.bf16.f32 v56;
	v2 =	vmul.f32 v2, v1  }
0x25a: {  	[tilespmem:s9+$0x70] =	vst v5;
	v58 =	vunpack.i.l.bf16.f32 v11;
	v1 =	vmul.f32 v61, v1  }
0x25b: {  	v59 =	vunpack.i.u.bf16.f32 v11;
	v6 =	vmul.f32 v58, v4;
	[tilespmem:s13+$0xFFFFFFE0] =	vst v2  }
0x25c: {  	v60 =	vmul.f32 v59, v4;
	v62 =	vunpack.i.l.bf16.f32 v8;
	[tilespmem:s13+$0xFFFFFFF0] =	vst v1  }
0x25d: {  	v63 =	vunpack.i.u.bf16.f32 v8;
	[tilespmem:s13+$0xFFFFFF60] =	vst v6;
	v5 =	vmul.f32 v62, v3  }
0x25e: {  	[tilespmem:s13+$0xFFFFFF70] =	vst v60;
	v2 =	vmul.f32 v63, v3  }
0x25f: {  	[tilespmem:s13+$0x60] =	vst v5  }
0x260: {  	[tilespmem:s13+$0x70] =	vst v2  }
0x261: {  	[spmem:s2] =	stream.indirect.scatter.add.f32 [tilespmem:s19], [sflag:$0x5], $0x80, s31, s20, $0xb8;
	[tilespmem:$0x1E370] =	vst v63  }
0x262: {  	_ =	swait.ge [sflag:s18], $0x2800  }
0x263: {  	[sflag:s18] =	ssyncset.done $0x0  }
0x264: {  	s14 =	stileid.u32;
	[sflag:s18] =	ssyncadd.s32 $0xFFFFD800  }
0x265: {  	s9 =	sshll.u32 s14, $0x6;
	[bflag:$0x0] =	sbarrier.arrive $0xFFFF  }
0x266: {  	s15 =	sshrl.u32 s7, $0x3;
	s9 =	sor.u32 $0x1C05, s9;
	s11 =	rddreg [dreg:$0xd]  }
0x267: {  	[hbm:s11], [sflag:s9] =	dma.local [spmem:s15], $0x2710  }
0x268: {  	_ =	swait.ge [sflag:s18], $0x2710  }
0x269: {  	s8 =	sadd.s32 $0x1, s8;
	s16 =	rddreg [dreg:$0xc]  }
0x26a: {  	p0 =	sne.s32 s8, s16  }
.Ltmp6:
0x26b: {  	_ = 	snop;
	(pc) =	sbr.rel @p0 .LBB2_1-.Ltmp6, $3  }
0x26c: {  	_ =	sdelay $0x1  }
0x26d: {  	[sflag:s18] =	ssyncset.done $0x0  }
0x26e: {  	[sflag:s18] =	ssyncadd.s32 $0xFFFFD8F0  }
0x26f: {  	_ =	sfence.sel $0x180000  }
0x270: {  	[bflag:$0x0] =	sbarrier.arrive $0xFFFF  }
0x271: {  	_ =	strace $0x9000004A  }
0x272: {  	s0 =	stileid.u32;
	[bflag:$0x2] =	sbarrier.arrive $0xFFFF  }
0x273: {  	p0 =	sne.s32 s0, $0x0;
	s0 =	rddreg [dreg:$0x3]  }
0x274: {  	s0 =	sadd.s32 @!p0 $0x100000, s0  }
0x275: {  	[sflag:s0] =	ssyncadd.tile.s32 @!p0 $0x1;
	_ =	shalt  }
.Lfunc_end2:
_tile_overlayer_lowered:
.L_overlay_start_2:
0x276: {  	(tag) =	ssettag $0x2  }
0x277: {  	s0 =	rddreg [dreg:$0x0];
	s2 =	stileid.u32  }
0x278: {  	s1 =	rddreg [dreg:$0x1];
	p0 =	sne.s32 s2, $0x0  }
0x279: {  	s3 =	rddreg [dreg:$0x2];
	[bflag:$0x3] =	sbarrier.arrive $0xFFFF;
	s2 =	simm.s32 @!p0 $0x1C05  }
0x27a: {  	[timem:s3], [sflag:s2] =	dma.local @!p0 [hbm:s0], s1  }
0x27b: {  	s0 =	simm.s32 @!p0 $0x5  }
0x27c: {  	_ =	swait.ge @!p0 [sflag:s0], s1  }
0x27d: {  	s1 =	ssub.s32 @!p0 $0x0, s1;
	[sflag:s0] =	ssyncset.done @!p0 $0x0  }
0x27e: {  	[sflag:s0] =	ssyncadd.s32 @!p0 s1  }
0x27f: {  	[bflag:$0x3] =	sbarrier.arrive $0xFFFF  }
0x280: {  	_ =	shalt  }

// kernel: kernel.14.cloned.1.call-start
scs
__scs_entry_jumppad:
0x0: {  	(pc) =	sbr.rel $0x88, $3  }
0x1: {  	(tag) =	ssettag $0x0;
	lr =	simm.s32 $0x1  }
0x2: {  	[smem:$0x3F96] =	sst lr;
	_ =	strace $0xD0000000  }
0x3: {  	_ = 	snop  }
0x4: {  	_ = 	snop  }
0x5: {  	_ = 	snop  }
0x6: {  	_ = 	snop  }
0x7: {  	_ = 	snop  }
__scs_overlays_trampoline_lowered:
0x8: {  	[smem:$0x3FA5] =	sst s0  }
0x9: {  	[smem:$0x3FA6] =	sst s1  }
0xa: {  	[smem:$0x3FA7] =	sst s2  }
0xb: {  	[smem:$0x3FA8] =	sst s3  }
0xc: {  	[smem:$0x3FA9] =	sst s4  }
0xd: {  	[smem:$0x3FAA] =	sst s5  }
0xe: {  	[smem:$0x3FAB] =	sst s6  }
0xf: {  	[smem:$0x3FAC] =	sst s7  }
0x10: {  	[smem:$0x3FAD] =	sst s8  }
0x11: {  	[smem:$0x3FAE] =	sst s9;
	s0 =	simm.s32 @!p0 $0x0  }
0x12: {  	s1 =	sld [smem:$0x3F94];
	s0 =	simm.s32 @p0 $0x1  }
0x13: {  	[smem:$0x3FAF] =	sst s0;
	s0 =	simm.s32 @!p1 $0x0  }
0x14: {  	s2 =	sld [smem:$0x3F93];
	s0 =	simm.s32 @p1 $0x1  }
0x15: {  	[smem:$0x3FB0] =	sst s0;
	s0 =	simm.s32 @!p2 $0x0  }
0x16: {  	s3 =	sld [smem:$0x3FDB];
	s0 =	simm.s32 @p2 $0x1  }
0x17: {  	s4 =	simm.s32 $0x1BF5;
	[smem:$0x3FB2] =	sst s0  }
0x18: {  	s0 =	sld [smem:$0x3F95];
	_ =	swait.ge [sflag:s4], $0x0  }
0x19: {  	s7 =	sld [smem:$0x3F96]  }
0x1a: {  	s8 =	sadd.s32 $0xFFFFE003, lr  }
0x1b: {  	s9 =	sadd.s32 $0xFFFFFEF7, lr;
	s5 =	simm.s32 $0xFFFFFFFF;
	p2 =	slt.u32 s8, $0xFFFFF086  }
0x1c: {  	p1 =	slt.u32 s9, $0xF7A;
	s5 =	simm.s32 @!p2 $0x0  }
0x1d: {  	s5 =	simm.s32 @p1 $0x1;
	p0 =	seq.s32 s7, s2  }
0x1e: {  	s7 =	smul.u32 @!p0 $0xF7A, s2;
	p2 =	seq.s32 @!p0 s5, $0x0  }
0x1f: {  	s9 =	smul.u32 $0xF7A, s1;
	s8 =	simm.s32 @!p0 $0x1BF5;
	p2 =	por !p2, p0  }
0x20: {  	[sflag:s8] =	ssyncset.s32 @!p0 $0xFFFFF086;
	s6 =	sadd.s32 @!p0 s3, s7;
	s7 =	simm.s32 @!p0 $0x108  }
0x21: {  	s3 =	sadd.s32 s3, s9;
	s6 =	sadd.s32 @!p0 $0x88, s6;
	s7 =	simm.s32 @p2 $0x1082  }
0x22: {  	[simem:s7], [sflag:s8] =	dma.local @!p0 [hbm:s6], $0xF7A  }
0x23: {  	s9 =	sor.u32 $0xD0000000, s2;
	s6 =	simm.s32 $0x108;
	_ =	swait.ge @!p0 [sflag:s8], $0x0  }
0x24: {  	s3 =	sadd.s32 $0x88, s3;
	s6 =	simm.s32 @!p1 $0x1082;
	[sflag:s4] =	ssyncset.s32 $0xFFFFF086  }
0x25: {  	[simem:s6], [sflag:s4] =	dma.local [hbm:s3], $0xF7A  }
0x26: {  	[smem:$0x3F96] =	sst s1;
	(tag) =	ssettag s2;
	_ =	strace s9  }
0x27: {  	s1 =	sld [smem:$0x3FA6]  }
0x28: {  	s2 =	sld [smem:$0x3FA7]  }
0x29: {  	s4 =	sld [smem:$0x3FA9]  }
0x2a: {  	p0 =	seq.s32 s5, $0x0;
	s5 =	sld [smem:$0x3FAA]  }
0x2b: {  	s6 =	sld [smem:$0x3FAB]  }
0x2c: {  	s7 =	sld [smem:$0x3FAC]  }
0x2d: {  	s3 =	simm.s32 $0x108;
	s8 =	sld [smem:$0x3FAD]  }
0x2e: {  	s3 =	simm.s32 @!p0 $0x1082;
	s9 =	sld [smem:$0x3FAE]  }
0x2f: {  	lr =	sadd.s32 s0, s3;
	s0 =	sld [smem:$0x3FA5]  }
0x30: {  	s3 =	sld [smem:$0x3FA8]  }
0x31: {  	[smem:$0x3FB1] =	sst s10  }
0x32: {  	s10 =	sld [smem:$0x3FAF];
	_ =	sdelay $0x3  }
0x33: {  	p0 =	seq.s32 s10, $0x1;
	s10 =	sld [smem:$0x3FB1];
	_ =	sdelay $0x3  }
0x34: {  	[smem:$0x3FB1] =	sst s10  }
0x35: {  	s10 =	sld [smem:$0x3FB0];
	_ =	sdelay $0x3  }
0x36: {  	p1 =	seq.s32 s10, $0x1;
	s10 =	sld [smem:$0x3FB1];
	_ =	sdelay $0x3  }
0x37: {  	[smem:$0x3FB1] =	sst s10  }
0x38: {  	s10 =	sld [smem:$0x3FB2]  }
0x39: {  	_ = 	snop;
	(pc) =	sbr.ind lr, $3  }
0x3a: {  	_ = 	snop  }
0x3b: {  	_ = 	snop  }
0x3c: {  	p2 =	seq.s32 s10, $0x1;
	s10 =	sld [smem:$0x3FB1]  }
0x3d: {  	_ =	shalt  }
0x3e: {  	_ =	shalt  }
0x3f: {  	_ =	shalt  }
0x40: {  	_ =	shalt  }
0x41: {  	_ =	shalt  }
0x42: {  	_ =	shalt  }
0x43: {  	_ =	shalt  }
0x44: {  	_ =	shalt  }
0x45: {  	_ =	shalt  }
0x46: {  	_ =	shalt  }
0x47: {  	_ =	shalt  }
0x48: {  	_ =	shalt  }
0x49: {  	_ =	shalt  }
0x4a: {  	_ =	shalt  }
0x4b: {  	_ =	shalt  }
0x4c: {  	_ =	shalt  }
0x4d: {  	_ =	shalt  }
0x4e: {  	_ =	shalt  }
0x4f: {  	_ =	shalt  }
0x50: {  	_ =	shalt  }
0x51: {  	_ =	shalt  }
0x52: {  	_ =	shalt  }
0x53: {  	_ =	shalt  }
0x54: {  	_ =	shalt  }
0x55: {  	_ =	shalt  }
0x56: {  	_ =	shalt  }
0x57: {  	_ =	shalt  }
0x58: {  	_ =	shalt  }
0x59: {  	_ =	shalt  }
0x5a: {  	_ =	shalt  }
0x5b: {  	_ =	shalt  }
0x5c: {  	_ =	shalt  }
0x5d: {  	_ =	shalt  }
0x5e: {  	_ =	shalt  }
0x5f: {  	_ =	shalt  }
0x60: {  	_ =	shalt  }
0x61: {  	_ =	shalt  }
0x62: {  	_ =	shalt  }
0x63: {  	_ =	shalt  }
0x64: {  	_ =	shalt  }
0x65: {  	_ =	shalt  }
0x66: {  	_ =	shalt  }
0x67: {  	_ =	shalt  }
0x68: {  	_ =	shalt  }
0x69: {  	_ =	shalt  }
0x6a: {  	_ =	shalt  }
0x6b: {  	_ =	shalt  }
0x6c: {  	_ =	shalt  }
0x6d: {  	_ =	shalt  }
0x6e: {  	_ =	shalt  }
0x6f: {  	_ =	shalt  }
0x70: {  	_ =	shalt  }
0x71: {  	_ =	shalt  }
0x72: {  	_ =	shalt  }
0x73: {  	_ =	shalt  }
0x74: {  	_ =	shalt  }
0x75: {  	_ =	shalt  }
0x76: {  	_ =	shalt  }
0x77: {  	_ =	shalt  }
0x78: {  	_ =	shalt  }
0x79: {  	_ =	shalt  }
0x7a: {  	_ =	shalt  }
0x7b: {  	_ =	shalt  }
0x7c: {  	_ =	shalt  }
0x7d: {  	_ =	shalt  }
0x7e: {  	_ =	shalt  }
0x7f: {  	_ =	shalt  }
0x80: {  	_ =	shalt  }
0x81: {  	_ =	shalt  }
0x82: {  	_ =	shalt  }
0x83: {  	_ =	shalt  }
0x84: {  	_ =	shalt  }
0x85: {  	_ =	shalt  }
0x86: {  	_ =	shalt  }
0x87: {  	_ =	shalt  }
.Lfunc_end0:
.L_simem_size_0:
called_computation.2_lowered:
.L_overlay_start_0:
0x88: {  	s2 =	sld [smem:$0x3FD9]  }
0x89: {  	s3 =	sld [smem:$0x3FFE];
	_ =	sdelay $0x1  }
0x8a: {  	s1 =	srdreg.scid  }
0x8b: {  	s0 =	sand.u32 $0x1, s1  }
0x8c: {  	s17 =	sshll.u32 s0, $0xA;
	s2 =	sadd.s32 s3, s2  }
0x8d: {  	s2 =	sadd.s32 s2, s17  }
0x8e: {  	[smem:$0x3FBD] =	sst s2  }
0x8f: {  	_ = 	snop  }
0x90: {  	s2 =	sld [smem:$0x3FD0];
	(tm) =	ssettm $0x1  }
0x91: {  	s18 =	sld [smem:$0x3FFB];
	_ =	sdelay $0x3  }
0x92: {  	_ =	strace s18  }
0x93: {  	s3 =	sld [smem:$0x3FFC];
	_ =	sdelay $0x3  }
0x94: {  	_ =	strace s3  }
0x95: {  	s3 =	sld [smem:$0x3FFD];
	_ =	sdelay $0x3  }
0x96: {  	_ =	strace s3  }
0x97: {  	_ =	strace $0x8FFFFFFF  }
0x98: {  	s19 =	sld [smem:$0x3FDB];
	_ =	sdelay $0x1  }
0x99: {  	s4 =	simm.s32 $_scs_section_size  }
0x9a: {  	s5 =	simm.s32 $_size__tile_overlayer_lowered;
	s6 =	simm.s32 $_tile_overlayer_lowered  }
0x9b: {  	s22 =	simm.s32 $0x1BFF;
	s21 =	sshll.u32 s6, $0x1;
	s3 =	sadd.s32 s4, s19  }
0x9c: {  	s7 =	simm.s32 $0x0;
	s20 =	sshll.u32 s5, $0x1;
	s5 =	sadd.s32 s21, s3  }
0x9d: {  	[timem:s7], [sflag:s22] =	dma.local [hbm:s5], s20  }
0x9e: {  	_ =	swait.ge [sflag:s22], s20  }
0x9f: {  	s4 =	ssub.s32 $0x0, s20;
	[sflag:s22] =	ssyncset.done $0x0  }
0xa0: {  	[sflag:s22] =	ssyncadd.s32 s4;
	_ =	sdelay $0x1  }
0xa1: {  	s23 =	simm.s32 $0x1B8B  }
0xa2: {  	_ =	swait.ge [sflag:s23], $0x1  }
0xa3: {  	[sflag:s23] =	ssyncset.done $0x0  }
0xa4: {  	s25 =	simm.s32 $0x1B8E;
	s24 =	sld [smem:$0x3FFE];
	[sflag:s23] =	ssyncadd.s32 $0xFFFFFFFF  }
0xa5: {  	s26 =	simm.s32 $execute0_lowered;
	[smem:$0x3FD2] =	sst s25  }
0xa6: {  	s5 =	sshll.u32 s26, $0x1;
	_ =	strace $0x8000004C;
	[dreg:$0x1] =	wrdreg $0xFFFFFFFF  }
0xa7: {  	s28 =	simm.s32 $_size_execute0_lowered;
	s3 =	sadd.s32 s3, s5;
	[dreg:$0x0] =	wrdreg $0x0  }
0xa8: {  	s5 =	sshll.u32 s28, $0x1;
	[dreg:$0x2] =	wrdreg s3  }
0xa9: {  	[dreg:$0x3] =	wrdreg s5  }
0xaa: {  	[dreg:$0x4] =	wrdreg $0xC0  }
0xab: {  	_ =	task [dreg:s7], $0x5FFFF  }
0xac: {  	[dreg:$0x1] =	wrdreg $0xFFFFFFFF  }
0xad: {  	[dreg:$0x0] =	wrdreg $0x60  }
0xae: {  	[dreg:$0x2] =	wrdreg s24  }
0xaf: {  	[dreg:$0x3] =	wrdreg s2  }
0xb0: {  	[dreg:$0x4] =	wrdreg $0x0  }
0xb1: {  	[dreg:$0x5] =	wrdreg $0x9  }
0xb2: {  	_ =	task.clear_ibuf [dreg:s7], $0x6FFFF;
	_ =	strace $0x9000004C  }
0xb3: {  	s29 =	simm.s32 $0x9;
	_ =	strace $0x8000004E  }
0xb4: {  	_ =	swait.ge [sflag:s29], $0x1  }
0xb5: {  	[sflag:s29] =	ssyncadd.s32 $0xFFFFFFFF  }
0xb6: {  	_ =	strace $0x9000004E  }
0xb7: {  	_ =	sfence  }
0xb8: {  	s30 =	sld [smem:$0x0];
	_ =	sdelay $0x2  }
0xb9: {  	s31 =	sshll.u32 s1, $0xD;
	s1 =	sshrl.u32 s1, $0x2  }
0xba: {  	s3 =	sand.u32 $0x4000, s31;
	s1 =	sadd.s32 s1, s30  }
0xbb: {  	s0 =	sor.u32 s3, s0;
	s1 =	sshll.u32 s1, $0x11  }
0xbc: {  	s0 =	sor.u32 s1, s0  }
0xbd: {  	s0 =	sadd.s32 $0x8F2B, s0  }
0xbe: {  	[sflag:s0] =	ssyncadd.remote.s32 $0x1  }
0xbf: {  	_ =	sfence.sel $0xFFFF  }
0xc0: {  	[dreg:$0x0] =	wrdreg $0xFFFFFFFF;
	(pc) =	sbr.abs _section_cstart, $3  }
0xc1: {  	[dreg:$0x1] =	wrdreg $0xFFFFFFFF  }
0xc2: {  	_ =	task.clear_ibuf [dreg:s7], $0x2FFFF;
	_ =	strace $0x9FFFFFFF  }
0xc3: {  	(tm) =	ssettm $0x7FFFFFFF  }
tec
execute0_lowered:
.L_overlay_start_1:
0x0: {  	(tag) =	ssettag $0x1  }
0x1: {  	s0 =	rddreg [dreg:$0x0]  }
0x2: {  	s1 =	srdreg.scid;
	s3 =	rddreg [dreg:$0x1]  }
0x3: {  	s2 =	rddreg [dreg:$0x2];
	s10 =	stileid.u32;
	s5 =	simm.s32 $0x0  }
0x4: {  	s28 =	simm.s32 $0x16080;
	s29 =	simm.s32 $0x1DE70;
	s30 =	simm.s32 $0x1  }
0x5: {  	s31 =	simm.s32 $0x160D0;
	s1 =	sand.u32 $0x1, s1;
	[smem:$0x7FF] =	sst s5  }
0x6: {  	s7 =	smul.u32 $0x4E200, s10;
	s5 =	sadd.s32 $0xD400, s0;
	s4 =	sshll.u32 s1, $0x4  }
0x7: {  	_ =	strace $0x8000004D;
	s8 =	ssub.s32 $0x2, s1;
	p0 =	seq.s32 s1, $0x1  }
0x8: {  	s1 =	simm.s32 $0x3;
	s4 =	sor.u32 s10, s4;
	s7 =	sshrl.u32 s7, $0x2  }
0x9: {  	s9 =	sshrl.u32 s8, $0x1;
	s10 =	smul.u32 $0x13880, s10;
	s18 =	sadd.s32 s7, s2  }
0xa: {  	s17 =	smul.u32 $0x4E2, s4;
	s4 =	sadd.s32 $0xD1800, s0;
	s19 =	sadd.s32 $0x2800, s18  }
0xb: {  	s8 =	ssub.s32 s8, s9;
	s20 =	sadd.s32 $0x5000, s18;
	[dreg:$0x5] =	wrdreg s19  }
0xc: {  	s7 =	sadd.s32 s10, s2;
	s21 =	sadd.s32 $0x7800, s18;
	[dreg:$0x6] =	wrdreg s20  }
0xd: {  	s22 =	sadd.s32 $0xA000, s18;
	s23 =	sadd.s32 $0xC800, s18;
	[dreg:$0x7] =	wrdreg s21  }
0xe: {  	s24 =	sadd.s32 $0xF000, s18;
	s25 =	sshrl.u32 s10, $0x3;
	[dreg:$0x8] =	wrdreg s22  }
0xf: {  	s26 =	smax.u32 s8, $0x1;
	s8 =	simm.s32 $0x0;
	[dreg:$0x9] =	wrdreg s23  }
0x10: {  	s6 =	sadd.s32 s17, s0;
	s0 =	sadd.s32 $0x35400, s0;
	[dreg:$0xa] =	wrdreg s24  }
0x11: {  	[dreg:$0xc] =	wrdreg s26;
	s19 =	simm.s32 $0x18970;
	s20 =	simm.s32 $0x50  }
0x12: {  	s21 =	simm.s32 $0x15F90;
	s22 =	simm.s32 $0x16170;
	s23 =	simm.s32 $0x16030  }
0x13: {  	s24 =	simm.s32 $0x1D970;
	s26 =	simm.s32 $0x17570;
	s6 =	sadd.s32 $0x3600, s6  }
0x14: {  	s17 =	simm.s32 $0x16120;
	s3 =	smov.u32 @p0 s0;
	[dreg:$0x4] =	wrdreg s6  }
0x15: {  	s6 =	sadd.s32 $0x11080, s18;
	s0 =	sadd.s32 s3, s25;
	s18 =	simm.s32 $0x5  }
0x16: {  	s25 =	simm.s32 $0x15FE0;
	s3 =	simm.s32 $0x1B170;
	[dreg:$0xb] =	wrdreg s6  }
0x17: {  	v0 =	vimm.f32 $0.0e+00;
	[dreg:$0xd] =	wrdreg s0;
	s0 =	simm.s32 $0x2;
	s6 =	simm.s32 $0x4  }
.LBB2_1:
0x18: {  	s9 =	simm.s32 $0x0;
	s10 =	rddreg [dreg:$0x4];
	s11 =	simm.s32 $0x13880  }
0x19: {  	[tilespmem:s11], [sflag:$0x5] =	stream.linear.gather [hbm4b:s10+s9], $0x2710, $0x38;
	[tilespmem:$0x1E370] =	vst v63  }
0x1a: {  	_ =	swait.ge [sflag:s18], $0x2710  }
0x1b: {  	[sflag:s18] =	ssyncset.done $0x0  }
0x1c: {  	s9 =	simm.s32 $0x0;
	s10 =	simm.s32 $0x200;
	[sflag:s18] =	ssyncadd.s32 $0xFFFFD8F0  }
.LBB2_2:
0x1d: {  	p0 =	sne.s32 s10, $0x9E00;
	[tilespmem:s9+$0x189E0] =	vst v0  }
0x1e: {  	[tilespmem:s9+$0x18970] =	vst v0  }
0x1f: {  	[tilespmem:s9+$0x18980] =	vst v0  }
.Ltmp0:
0x20: {  	[tilespmem:s9+$0x18990] =	vst v0;
	(pc) =	sbr.rel @p0 .LBB2_2-.Ltmp0, $4  }
0x21: {  	[tilespmem:s9+$0x189A0] =	vst v0  }
0x22: {  	[tilespmem:s9+$0x189B0] =	vst v0  }
0x23: {  	[tilespmem:s9+$0x189C0] =	vst v0  }
0x24: {  	[tilespmem:s9+$0x189D0] =	vst v0;
	s9 =	sshra.s32 s10, $0x2;
	s10 =	sadd.s32 $0x200, s10  }
0x25: {  	[tilespmem:s9+$0x189E0] =	vst v0  }
0x26: {  	[tilespmem:s9+$0x18970] =	vst v0  }
0x27: {  	[tilespmem:s9+$0x18980] =	vst v0  }
0x28: {  	[tilespmem:s9+$0x18990] =	vst v0  }
0x29: {  	[tilespmem:s9+$0x189A0] =	vst v0  }
0x2a: {  	[tilespmem:s9+$0x189B0] =	vst v0  }
0x2b: {  	[tilespmem:s9+$0x189C0] =	vst v0  }
0x2c: {  	[tilespmem:s9+$0x189D0] =	vst v0  }
0x2d: {  	[spmem:s7] =	stream.linear.scatter [tilespmem:s19], [sflag:$0x5], $0x2800, $0x38;
	[tilespmem:$0x1E370] =	vst v63  }
0x2e: {  	_ =	swait.ge [sflag:s18], $0x2800  }
0x2f: {  	[sflag:s18] =	ssyncset.done $0x0  }
0x30: {  	s10 =	rddreg [dreg:$0x5];
	[sflag:s18] =	ssyncadd.s32 $0xFFFFD800  }
0x31: {  	[spmem:s10] =	stream.linear.scatter [tilespmem:s19], [sflag:$0x5], $0x2800, $0x38;
	[tilespmem:$0x1E370] =	vst v63  }
0x32: {  	_ =	swait.ge [sflag:s18], $0x2800  }
0x33: {  	[sflag:s18] =	ssyncset.done $0x0  }
0x34: {  	s11 =	rddreg [dreg:$0x6];
	[sflag:s18] =	ssyncadd.s32 $0xFFFFD800  }
0x35: {  	[spmem:s11] =	stream.linear.scatter [tilespmem:s19], [sflag:$0x5], $0x2800, $0x38;
	[tilespmem:$0x1E370] =	vst v63  }
0x36: {  	_ =	swait.ge [sflag:s18], $0x2800  }
0x37: {  	[sflag:s18] =	ssyncset.done $0x0  }
0x38: {  	s12 =	rddreg [dreg:$0x7];
	[sflag:s18] =	ssyncadd.s32 $0xFFFFD800  }
0x39: {  	[spmem:s12] =	stream.linear.scatter [tilespmem:s19], [sflag:$0x5], $0x2800, $0x38;
	[tilespmem:$0x1E370] =	vst v63  }
0x3a: {  	_ =	swait.ge [sflag:s18], $0x2800  }
0x3b: {  	[sflag:s18] =	ssyncset.done $0x0  }
0x3c: {  	s13 =	rddreg [dreg:$0x8];
	[sflag:s18] =	ssyncadd.s32 $0xFFFFD800  }
0x3d: {  	[spmem:s13] =	stream.linear.scatter [tilespmem:s19], [sflag:$0x5], $0x2800, $0x38;
	[tilespmem:$0x1E370] =	vst v63  }
0x3e: {  	_ =	swait.ge [sflag:s18], $0x2800  }
0x3f: {  	[sflag:s18] =	ssyncset.done $0x0  }
0x40: {  	s14 =	rddreg [dreg:$0x9];
	[sflag:s18] =	ssyncadd.s32 $0xFFFFD800  }
0x41: {  	[spmem:s14] =	stream.linear.scatter [tilespmem:s19], [sflag:$0x5], $0x2800, $0x38;
	[tilespmem:$0x1E370] =	vst v63  }
0x42: {  	_ =	swait.ge [sflag:s18], $0x2800  }
0x43: {  	[sflag:s18] =	ssyncset.done $0x0  }
0x44: {  	s15 =	rddreg [dreg:$0xa];
	[sflag:s18] =	ssyncadd.s32 $0xFFFFD800  }
0x45: {  	[spmem:s15] =	stream.linear.scatter [tilespmem:s19], [sflag:$0x5], $0x2800, $0x38;
	[tilespmem:$0x1E370] =	vst v63  }
0x46: {  	_ =	swait.ge [sflag:s18], $0x2800  }
0x47: {  	[sflag:s18] =	ssyncset.done $0x0  }
0x48: {  	s16 =	rddreg [dreg:$0xb];
	[sflag:s18] =	ssyncadd.s32 $0xFFFFD800  }
0x49: {  	[spmem:s16] =	stream.linear.scatter [tilespmem:s19], [sflag:$0x5], $0x2800, $0x38;
	[tilespmem:$0x1E370] =	vst v63  }
0x4a: {  	_ =	swait.ge [sflag:s18], $0x2800  }
0x4b: {  	[sflag:s18] =	ssyncset.done $0x0  }
0x4c: {  	[sflag:s18] =	ssyncadd.s32 $0xFFFFD800  }
0x4d: {  	[bflag:$0x0] =	sbarrier.arrive $0xFFFF  }
0x4e: {  	v1 =	vld [tilespmem:$0x13880];
	_ =	sdelay $0x2  }
0x4f: {  	v2 =	vld [tilespmem:$0x13890];
	_ =	sdelay $0x1  }
0x50: {  	v3 =	vshra.s32 v1, $0xE  }
0x51: {  	v5 =	vld [tilespmem:$0x138A0];
	v4 =	vcvt.s32.f32 v3;
	_ =	sdelay $0x1  }
0x52: {  	v6 =	vshra.s32 v2, $0xE;
	v4 =	vadd.f32 $5.000000000e-01, v4  }
0x53: {  	v8 =	vld [tilespmem:$0x138B0];
	v7 =	vcvt.s32.f32 v6  }
0x54: {  	v4 =	vmul.f32 $9.999999740e-05, v4  }
0x55: {  	v9 =	vshra.s32 v5, $0xE;
	v7 =	vadd.f32 $5.000000000e-01, v7  }
0x56: {  	v11 =	vld [tilespmem:$0x138C0];
	v10 =	vcvt.s32.f32 v9;
	v4 =	vtrunc.f32 v4  }
0x57: {  	v7 =	vmul.f32 $9.999999740e-05, v7;
	v4 =	vcvt.f32.s32 v4  }
0x58: {  	v12 =	vshra.s32 v8, $0xE;
	v10 =	vadd.f32 $5.000000000e-01, v10  }
0x59: {  	v13 =	vcvt.s32.f32 v12;
	v7 =	vtrunc.f32 v7;
	v4 =	vmul.u32 $0x2710, v4  }
0x5a: {  	v1 =	vand.u32 $0x3FFF, v1;
	[tilespmem:$0x15F90] =	vst v3;
	v44 =	vmul.f32 $9.999999740e-05, v10;
	v3 =	vcvt.f32.s32 v7  }
0x5b: {  	v46 =	vshra.s32 v11, $0xE;
	[tilespmem:$0x160D0] =	vst v1;
	v45 =	vadd.f32 $5.000000000e-01, v13;
	v1 =	vadd.s32 v1, v4  }
0x5c: {  	v47 =	vcvt.s32.f32 v46;
	[tilespmem:$0x16030] =	vst v1;
	v1 =	vmul.u32 $0x2710, v3;
	v3 =	vtrunc.f32 v44  }
0x5d: {  	v2 =	vand.u32 $0x3FFF, v2;
	[tilespmem:$0x15FA0] =	vst v6;
	v4 =	vmul.f32 $9.999999740e-05, v45;
	v3 =	vcvt.f32.s32 v3  }
0x5e: {  	[tilespmem:$0x160E0] =	vst v2;
	v1 =	vadd.s32 v2, v1;
	v2 =	vadd.f32 $5.000000000e-01, v47  }
0x5f: {  	[tilespmem:$0x16040] =	vst v1;
	v1 =	vmul.u32 $0x2710, v3;
	v3 =	vtrunc.f32 v4  }
0x60: {  	v48 =	vand.u32 $0x3FFF, v5;
	[tilespmem:$0x15FB0] =	vst v9;
	v3 =	vcvt.f32.s32 v3;
	v2 =	vmul.f32 $9.999999740e-05, v2  }
0x61: {  	[tilespmem:$0x160F0] =	vst v48;
	v1 =	vadd.s32 v48, v1  }
0x62: {  	[tilespmem:$0x16050] =	vst v1;
	v1 =	vmul.u32 $0x2710, v3;
	v2 =	vtrunc.f32 v2  }
0x63: {  	[tilespmem:$0x15FC0] =	vst v12;
	v3 =	vand.u32 $0x3FFF, v8;
	v2 =	vcvt.f32.s32 v2  }
0x64: {  	[tilespmem:$0x15FD0] =	vst v46;
	v1 =	vadd.s32 v3, v1  }
0x65: {  	[tilespmem:$0x16060] =	vst v1;
	v1 =	vmul.u32 $0x2710, v2  }
0x66: {  	[tilespmem:$0x16100] =	vst v3;
	v2 =	vand.u32 $0x3FFF, v11  }
0x67: {  	[tilespmem:$0x16110] =	vst v2;
	v1 =	vadd.s32 v2, v1  }
0x68: {  	[tilespmem:$0x16070] =	vst v1  }
0x69: {  	[tilespmem:s22], [sflag:$0x1] =	stream.indirect.gather [hbm4b:s4+s20], $0x40, s21, s20, $0xb8;
	[tilespmem:$0x1E370] =	vst v63  }
0x6a: {  	_ = 	snop  }
0x6b: {  	[tilespmem:s24], [sflag:$0x1] =	stream.indirect.gather [hbm4b:s5+s20], $0x10, s23, s20, $0xb8;
	[tilespmem:$0x1E370] =	vst v63  }
0x6c: {  	v1 =	vld [tilespmem:$0x138D0];
	_ =	sdelay $0x2  }
0x6d: {  	v2 =	vld [tilespmem:$0x138E0];
	_ =	sdelay $0x1  }
0x6e: {  	v3 =	vshra.s32 v1, $0xE  }
0x6f: {  	v50 =	vld [tilespmem:$0x138F0];
	v49 =	vcvt.s32.f32 v3;
	_ =	sdelay $0x1  }
0x70: {  	v51 =	vshra.s32 v2, $0xE;
	v4 =	vadd.f32 $5.000000000e-01, v49  }
0x71: {  	v53 =	vld [tilespmem:$0x13900];
	v52 =	vcvt.s32.f32 v51  }
0x72: {  	v4 =	vmul.f32 $9.999999740e-05, v4  }
0x73: {  	v54 =	vshra.s32 v50, $0xE;
	v7 =	vadd.f32 $5.000000000e-01, v52  }
0x74: {  	v56 =	vld [tilespmem:$0x13910];
	v55 =	vcvt.s32.f32 v54;
	v4 =	vtrunc.f32 v4  }
0x75: {  	v7 =	vmul.f32 $9.999999740e-05, v7;
	v4 =	vcvt.f32.s32 v4  }
0x76: {  	v57 =	vshra.s32 v53, $0xE;
	v10 =	vadd.f32 $5.000000000e-01, v55  }
0x77: {  	v58 =	vcvt.s32.f32 v57;
	v7 =	vtrunc.f32 v7;
	v4 =	vmul.u32 $0x2710, v4  }
0x78: {  	v1 =	vand.u32 $0x3FFF, v1;
	[tilespmem:$0x15FE0] =	vst v3;
	v59 =	vmul.f32 $9.999999740e-05, v10;
	v3 =	vcvt.f32.s32 v7  }
0x79: {  	v61 =	vshra.s32 v56, $0xE;
	[tilespmem:$0x16120] =	vst v1;
	v60 =	vadd.f32 $5.000000000e-01, v58;
	v1 =	vadd.s32 v1, v4  }
0x7a: {  	v62 =	vcvt.s32.f32 v61;
	[tilespmem:$0x16080] =	vst v1;
	v1 =	vmul.u32 $0x2710, v3;
	v3 =	vtrunc.f32 v59  }
0x7b: {  	v2 =	vand.u32 $0x3FFF, v2;
	[tilespmem:$0x15FF0] =	vst v51;
	v4 =	vmul.f32 $9.999999740e-05, v60;
	v3 =	vcvt.f32.s32 v3  }
0x7c: {  	[tilespmem:$0x16130] =	vst v2;
	v1 =	vadd.s32 v2, v1;
	v2 =	vadd.f32 $5.000000000e-01, v62  }
0x7d: {  	[tilespmem:$0x16090] =	vst v1;
	v1 =	vmul.u32 $0x2710, v3;
	v3 =	vtrunc.f32 v4  }
0x7e: {  	v63 =	vand.u32 $0x3FFF, v50;
	[tilespmem:$0x16000] =	vst v54;
	v3 =	vcvt.f32.s32 v3;
	v2 =	vmul.f32 $9.999999740e-05, v2  }
0x7f: {  	[tilespmem:$0x16140] =	vst v63;
	v1 =	vadd.s32 v63, v1  }
0x80: {  	[tilespmem:$0x160A0] =	vst v1;
	v1 =	vmul.u32 $0x2710, v3;
	v2 =	vtrunc.f32 v2  }
0x81: {  	[tilespmem:$0x16010] =	vst v57;
	v3 =	vand.u32 $0x3FFF, v53;
	v2 =	vcvt.f32.s32 v2  }
0x82: {  	[tilespmem:$0x16020] =	vst v61;
	v1 =	vadd.s32 v3, v1  }
0x83: {  	[tilespmem:$0x160B0] =	vst v1;
	v1 =	vmul.u32 $0x2710, v2  }
0x84: {  	[tilespmem:$0x16150] =	vst v3;
	v2 =	vand.u32 $0x3FFF, v56  }
0x85: {  	[tilespmem:$0x16160] =	vst v2;
	v1 =	vadd.s32 v2, v1  }
0x86: {  	[tilespmem:$0x160C0] =	vst v1  }
0x87: {  	[tilespmem:s26], [sflag:$0x2] =	stream.indirect.gather [hbm4b:s4+s20], $0x40, s25, s20, $0xb8;
	[tilespmem:$0x1E370] =	vst v63  }
0x88: {  	s9 =	simm.s32 $0x0  }
0x89: {  	[tilespmem:s29], [sflag:$0x2] =	stream.indirect.gather [hbm4b:s5+s20], $0x10, s28, s20, $0xb8;
	[tilespmem:$0x1E370] =	vst v63  }
.LBB2_4:
0x8a: {  	_ =	swait.ge [sflag:s30], $0x1400  }
0x8b: {  	[sflag:s30] =	ssyncset.done $0x0  }
0x8c: {  	[sflag:s30] =	ssyncadd.s32 $0xFFFFEC00  }
0x8d: {  	_ =	swait.ge [sflag:s30], $0x500  }
0x8e: {  	[sflag:s30] =	ssyncset.done $0x0  }
0x8f: {  	s14 =	simm.s32 $0x161F0;
	[sflag:s30] =	ssyncadd.s32 $0xFFFFFB00  }
0x90: {  	s11 =	simm.s32 $0x1D990;
	v1 =	vld [tilespmem:s14+$0x40]  }
0x91: {  	v3 =	vld [tilespmem:s11+$0x10]  }
0x92: {  	v2 =	vld [tilespmem:s14+$0xFFFFFFC0]  }
0x93: {  	v5 =	vld [tilespmem:s11+$0xFFFFFFF0]  }
0x94: {  	v4 =	vld [tilespmem:s14+$0xFFFFFF80]  }
0x95: {  	v7 =	vld [tilespmem:s11+$0xFFFFFFE0];
	v6 =	vunpack.i.l.bf16.f32 v1  }
0x96: {  	v8 =	vld [tilespmem:s14+$0x0];
	v1 =	vunpack.i.u.bf16.f32 v1;
	v9 =	vmul.f32 v6, v3  }
0x97: {  	s10 =	simm.s32 $0x18A70;
	v10 =	vunpack.i.l.bf16.f32 v2;
	v6 =	vld [tilespmem:s11+$0x0];
	v1 =	vmul.f32 v1, v3  }
0x98: {  	v2 =	vunpack.i.u.bf16.f32 v2;
	[tilespmem:s10+$0x80] =	vst v9;
	v9 =	vmul.f32 v10, v5  }
0x99: {  	v10 =	vunpack.i.l.bf16.f32 v4;
	[tilespmem:s10+$0x90] =	vst v1;
	v1 =	vmul.f32 v2, v5  }
0x9a: {  	v2 =	vunpack.i.u.bf16.f32 v4;
	v4 =	vld [tilespmem:s14+$0x50];
	v10 =	vmul.f32 v10, v7;
	[tilespmem:s10+$0xFFFFFF80] =	vst v9  }
0x9b: {  	v2 =	vmul.f32 v2, v7;
	v9 =	vunpack.i.l.bf16.f32 v8;
	[tilespmem:s10+$0xFFFFFF90] =	vst v1  }
0x9c: {  	v1 =	vunpack.i.u.bf16.f32 v8;
	v8 =	vmul.f32 v9, v6;
	[tilespmem:s10+$0xFFFFFF00] =	vst v10;
	v9 =	vld [tilespmem:s14+$0xFFFFFFD0]  }
0x9d: {  	v1 =	vmul.f32 v1, v6;
	[tilespmem:s10+$0xFFFFFF10] =	vst v2  }
0x9e: {  	v2 =	vld [tilespmem:s14+$0xFFFFFF90];
	[tilespmem:s10+$0x0] =	vst v8  }
0x9f: {  	[tilespmem:s10+$0x10] =	vst v1;
	v8 =	vunpack.i.l.bf16.f32 v4  }
0xa0: {  	v1 =	vunpack.i.u.bf16.f32 v4;
	v4 =	vmul.f32 v8, v3;
	v8 =	vld [tilespmem:s14+$0x10]  }
0xa1: {  	v1 =	vmul.f32 v1, v3;
	v10 =	vunpack.i.l.bf16.f32 v9  }
0xa2: {  	[tilespmem:s10+$0xA0] =	vst v4;
	v4 =	vunpack.i.u.bf16.f32 v9;
	v9 =	vmul.f32 v10, v5  }
0xa3: {  	[tilespmem:s10+$0xB0] =	vst v1;
	v1 =	vmul.f32 v4, v5;
	v4 =	vunpack.i.l.bf16.f32 v2  }
0xa4: {  	v10 =	vld [tilespmem:s14+$0x60];
	v2 =	vunpack.i.u.bf16.f32 v2;
	v4 =	vmul.f32 v4, v7;
	[tilespmem:s10+$0xFFFFFFA0] =	vst v9  }
0xa5: {  	v2 =	vmul.f32 v2, v7;
	[tilespmem:s10+$0xFFFFFFB0] =	vst v1;
	v1 =	vunpack.i.l.bf16.f32 v8  }
0xa6: {  	v8 =	vunpack.i.u.bf16.f32 v8;
	[tilespmem:s10+$0xFFFFFF20] =	vst v4;
	v4 =	vld [tilespmem:s14+$0xFFFFFFE0];
	v1 =	vmul.f32 v1, v6  }
0xa7: {  	v8 =	vmul.f32 v8, v6;
	[tilespmem:s10+$0xFFFFFF30] =	vst v2  }
0xa8: {  	v9 =	vld [tilespmem:s14+$0xFFFFFFA0];
	[tilespmem:s10+$0x20] =	vst v1  }
0xa9: {  	v1 =	vunpack.i.l.bf16.f32 v10;
	[tilespmem:s10+$0x30] =	vst v8  }
0xaa: {  	v2 =	vunpack.i.u.bf16.f32 v10;
	v1 =	vmul.f32 v1, v3;
	v8 =	vld [tilespmem:s14+$0x20]  }
0xab: {  	s11 =	simm.s32 $0x162F0;
	v2 =	vmul.f32 v2, v3;
	v10 =	vunpack.i.l.bf16.f32 v4  }
0xac: {  	s12 =	simm.s32 $0x1D9D0;
	[tilespmem:s10+$0xC0] =	vst v1;
	v1 =	vunpack.i.u.bf16.f32 v4;
	v4 =	vmul.f32 v10, v5;
	v10 =	vld [tilespmem:s11+$0x40]  }
0xad: {  	[tilespmem:s10+$0xD0] =	vst v2;
	v2 =	vld [tilespmem:s12+$0x10];
	v1 =	vmul.f32 v1, v5;
	v11 =	vunpack.i.l.bf16.f32 v9  }
0xae: {  	v12 =	vld [tilespmem:s14+$0x70];
	v9 =	vunpack.i.u.bf16.f32 v9;
	v11 =	vmul.f32 v11, v7;
	[tilespmem:s10+$0xFFFFFFC0] =	vst v4  }
0xaf: {  	v4 =	vmul.f32 v9, v7;
	[tilespmem:s10+$0xFFFFFFD0] =	vst v1;
	v1 =	vunpack.i.l.bf16.f32 v8  }
0xb0: {  	v8 =	vunpack.i.u.bf16.f32 v8;
	[tilespmem:s10+$0xFFFFFF40] =	vst v11;
	v9 =	vmul.f32 v1, v6;
	v11 =	vld [tilespmem:s11+$0xFFFFFFC0]  }
0xb1: {  	v8 =	vmul.f32 v8, v6;
	v1 =	vld [tilespmem:s12+$0xFFFFFFF0];
	[tilespmem:s10+$0xFFFFFF50] =	vst v4;
	v4 =	vunpack.i.l.bf16.f32 v10  }
0xb2: {  	v13 =	vld [tilespmem:s11+$0xFFFFFF80];
	[tilespmem:s10+$0x40] =	vst v9;
	v9 =	vunpack.i.u.bf16.f32 v10;
	v10 =	vmul.f32 v4, v2  }
0xb3: {  	s13 =	simm.s32 $0x18C70;
	v14 =	vunpack.i.u.bf16.f32 v12;
	[tilespmem:s10+$0x50] =	vst v8;
	v4 =	vld [tilespmem:s12+$0xFFFFFFE0];
	v8 =	vmul.f32 v9, v2  }
0xb4: {  	v9 =	vunpack.i.l.bf16.f32 v12;
	v12 =	vld [tilespmem:s11+$0x0];
	v14 =	vmul.f32 v14, v3;
	[tilespmem:s13+$0x80] =	vst v10  }
0xb5: {  	v9 =	vmul.f32 v9, v3;
	v3 =	vld [tilespmem:s12+$0x0];
	v10 =	vunpack.i.l.bf16.f32 v11;
	[tilespmem:s13+$0x90] =	vst v8  }
0xb6: {  	[tilespmem:s10+$0xF0] =	vst v14;
	v8 =	vunpack.i.u.bf16.f32 v11;
	v10 =	vmul.f32 v10, v1;
	v11 =	vld [tilespmem:s11+$0x50]  }
0xb7: {  	v14 =	vunpack.i.l.bf16.f32 v13;
	v8 =	vmul.f32 v8, v1;
	[tilespmem:s10+$0xE0] =	vst v9  }
0xb8: {  	v9 =	vunpack.i.u.bf16.f32 v13;
	v13 =	vld [tilespmem:s14+$0xFFFFFFB0];
	v14 =	vmul.f32 v14, v4;
	[tilespmem:s13+$0xFFFFFF80] =	vst v10  }
0xb9: {  	v10 =	vunpack.i.l.bf16.f32 v12;
	v9 =	vmul.f32 v9, v4;
	[tilespmem:s13+$0xFFFFFF90] =	vst v8  }
0xba: {  	v8 =	vunpack.i.u.bf16.f32 v12;
	v10 =	vmul.f32 v10, v3;
	v12 =	vld [tilespmem:s11+$0xFFFFFFD0];
	[tilespmem:s13+$0xFFFFFF00] =	vst v14  }
0xbb: {  	v8 =	vmul.f32 v8, v3;
	[tilespmem:s13+$0xFFFFFF10] =	vst v9;
	v9 =	vunpack.i.l.bf16.f32 v11  }
0xbc: {  	v14 =	vld [tilespmem:s11+$0xFFFFFF90];
	[tilespmem:s13+$0x0] =	vst v10;
	v10 =	vunpack.i.u.bf16.f32 v11;
	v9 =	vmul.f32 v9, v2  }
0xbd: {  	v11 =	vunpack.i.l.bf16.f32 v13;
	[tilespmem:s13+$0x10] =	vst v8;
	v8 =	vmul.f32 v10, v2  }
0xbe: {  	v10 =	vunpack.i.u.bf16.f32 v13;
	v11 =	vmul.f32 v11, v7;
	v13 =	vld [tilespmem:s11+$0x10];
	[tilespmem:s13+$0xA0] =	vst v9  }
0xbf: {  	v7 =	vmul.f32 v10, v7;
	v9 =	vunpack.i.l.bf16.f32 v12;
	[tilespmem:s13+$0xB0] =	vst v8  }
0xc0: {  	v8 =	vunpack.i.u.bf16.f32 v12;
	[tilespmem:s10+$0xFFFFFF60] =	vst v11;
	v9 =	vmul.f32 v9, v1;
	v10 =	vld [tilespmem:s11+$0x60]  }
0xc1: {  	v8 =	vmul.f32 v8, v1;
	[tilespmem:s10+$0xFFFFFF70] =	vst v7;
	v11 =	vunpack.i.l.bf16.f32 v14  }
0xc2: {  	v7 =	vld [tilespmem:s14+$0xFFFFFFF0];
	v12 =	vunpack.i.u.bf16.f32 v14;
	v11 =	vmul.f32 v11, v4;
	[tilespmem:s13+$0xFFFFFFA0] =	vst v9  }
0xc3: {  	v9 =	vld [tilespmem:s14+$0x30];
	v12 =	vmul.f32 v12, v4;
	[tilespmem:s13+$0xFFFFFFB0] =	vst v8;
	v8 =	vunpack.i.l.bf16.f32 v13  }
0xc4: {  	v8 =	vmul.f32 v8, v3;
	[tilespmem:s13+$0xFFFFFF20] =	vst v11  }
0xc5: {  	v13 =	vunpack.i.u.bf16.f32 v13;
	v11 =	vld [tilespmem:s11+$0xFFFFFFE0];
	[tilespmem:s13+$0xFFFFFF30] =	vst v12;
	v12 =	vunpack.i.l.bf16.f32 v10  }
0xc6: {  	v13 =	vmul.f32 v13, v3;
	[tilespmem:s13+$0x20] =	vst v8;
	v8 =	vunpack.i.u.bf16.f32 v10;
	v10 =	vmul.f32 v12, v2  }
0xc7: {  	v14 =	vld [tilespmem:s11+$0xFFFFFFA0];
	v12 =	vunpack.i.u.bf16.f32 v7;
	v7 =	vunpack.i.l.bf16.f32 v7;
	v8 =	vmul.f32 v8, v2  }
0xc8: {  	[tilespmem:s13+$0x30] =	vst v13;
	v13 =	vmul.f32 v7, v5;
	v7 =	vunpack.i.l.bf16.f32 v9  }
0xc9: {  	v15 =	vunpack.i.u.bf16.f32 v9;
	v16 =	vmul.f32 v12, v5;
	v7 =	vmul.f32 v7, v6;
	[tilespmem:s13+$0xD0] =	vst v8;
	v8 =	vld [tilespmem:s11+$0x20]  }
0xca: {  	[tilespmem:s13+$0xC0] =	vst v10;
	v5 =	vmul.f32 v15, v6;
	v9 =	vunpack.i.l.bf16.f32 v11;
	v6 =	vunpack.i.u.bf16.f32 v11  }
0xcb: {  	[tilespmem:s10+$0xFFFFFFE0] =	vst v13;
	v10 =	vmul.f32 v9, v1;
	v9 =	vmul.f32 v6, v1;
	v6 =	vld [tilespmem:s11+$0x70]  }
0xcc: {  	s15 =	simm.s32 $0x4;
	s16 =	simm.s32 $0x163F0;
	s14 =	simm.s32 $0x18C70;
	[tilespmem:s10+$0xFFFFFFF0] =	vst v16;
	v11 =	vunpack.i.u.bf16.f32 v14;
	v12 =	vunpack.i.l.bf16.f32 v14  }
.LBB2_5:
0xcd: {  	v13 =	vld [tilespmem:s16+$0x40];
	v12 =	vmul.f32 v12, v4;
	v11 =	vmul.f32 v11, v4;
	[tilespmem:s13+$0xFFFFFFC0] =	vst v10;
	s12 =	sadd.s32 $0x40, s12  }
0xce: {  	v10 =	vld [tilespmem:s12+$0x10];
	[tilespmem:s13+$0xFFFFFFD0] =	vst v9;
	v9 =	vunpack.i.u.bf16.f32 v8;
	v8 =	vunpack.i.l.bf16.f32 v8  }
0xcf: {  	v14 =	vld [tilespmem:s16+$0xFFFFFF80];
	[tilespmem:s13+$0xFFFFFF40] =	vst v12;
	v8 =	vmul.f32 v8, v3;
	v9 =	vmul.f32 v9, v3  }
0xd0: {  	s15 =	sadd.s32 $0x4, s15;
	v12 =	vld [tilespmem:s16+$0xFFFFFFC0];
	[tilespmem:s13+$0xFFFFFF50] =	vst v11;
	v11 =	vunpack.i.u.bf16.f32 v6;
	v6 =	vunpack.i.l.bf16.f32 v6  }
0xd1: {  	p0 =	slt.u32 s15, $0x4C;
	v15 =	vld [tilespmem:s16+$0x0];
	[tilespmem:s13+$0x40] =	vst v8;
	v6 =	vmul.f32 v6, v2;
	v16 =	vmul.f32 v11, v2  }
0xd2: {  	v8 =	vld [tilespmem:s12+$0xFFFFFFF0];
	v11 =	vunpack.i.l.bf16.f32 v13;
	[tilespmem:s13+$0x50] =	vst v9  }
0xd3: {  	v13 =	vunpack.i.u.bf16.f32 v13;
	v9 =	vld [tilespmem:s12+$0x0];
	v11 =	vmul.f32 v11, v10;
	[tilespmem:s13+$0xF0] =	vst v16;
	v2 =	vmov v10  }
0xd4: {  	s13 =	sadd.s32 $0x200, s13;
	v10 =	vld [tilespmem:s12+$0xFFFFFFE0];
	v16 =	vunpack.i.u.bf16.f32 v14;
	v14 =	vunpack.i.l.bf16.f32 v14;
	v13 =	vmul.f32 v13, v2;
	[tilespmem:s10+$0x60] =	vst v7  }
0xd5: {  	v7 =	vunpack.i.u.bf16.f32 v12;
	v12 =	vunpack.i.l.bf16.f32 v12;
	[tilespmem:s13+$0x80] =	vst v11;
	v11 =	vld [tilespmem:s11+$0xFFFFFFB0]  }
0xd6: {  	v17 =	vunpack.i.u.bf16.f32 v15;
	v15 =	vunpack.i.l.bf16.f32 v15;
	[tilespmem:s13+$0x90] =	vst v13;
	v13 =	vld [tilespmem:s11+$0xFFFFFFF0]  }
0xd7: {  	v12 =	vmul.f32 v12, v8;
	v7 =	vmul.f32 v7, v8;
	v18 =	vld [tilespmem:s16+$0x50];
	[tilespmem:s10+$0x70] =	vst v5;
	s10 =	smov.u32 s14;
	s14 =	smov.u32 s13  }
0xd8: {  	v5 =	vmul.f32 v15, v9;
	v15 =	vmul.f32 v17, v9;
	v17 =	vld [tilespmem:s11+$0x30];
	[tilespmem:s10+$0xE0] =	vst v6;
	s11 =	smov.u32 s16  }
0xd9: {  	v6 =	vmul.f32 v14, v10;
	v14 =	vmul.f32 v16, v10;
	[tilespmem:s13+$0xFFFFFF80] =	vst v12  }
0xda: {  	[tilespmem:s13+$0xFFFFFF90] =	vst v7;
	v7 =	vunpack.i.u.bf16.f32 v11;
	v11 =	vunpack.i.l.bf16.f32 v11  }
0xdb: {  	[tilespmem:s13+$0xFFFFFF00] =	vst v6;
	v6 =	vld [tilespmem:s16+$0xFFFFFFD0];
	v11 =	vmul.f32 v11, v4;
	v12 =	vunpack.i.u.bf16.f32 v13;
	v13 =	vunpack.i.l.bf16.f32 v13  }
0xdc: {  	v16 =	vmul.f32 v7, v4;
	v4 =	vmovc v10;
	[tilespmem:s13+$0xFFFFFF10] =	vst v14;
	v14 =	vunpack.i.l.bf16.f32 v18;
	v13 =	vmul.f32 v13, v1  }
0xdd: {  	v10 =	vld [tilespmem:s16+$0xFFFFFF90];
	[tilespmem:s13+$0x0] =	vst v5;
	v5 =	vunpack.i.u.bf16.f32 v18;
	v7 =	vmul.f32 v14, v2;
	v14 =	vunpack.i.u.bf16.f32 v17  }
0xde: {  	v18 =	vmul.f32 v12, v1;
	v1 =	vmovc v8;
	[tilespmem:s13+$0x10] =	vst v15;
	v15 =	vmul.f32 v5, v2;
	v5 =	vunpack.i.l.bf16.f32 v17  }
0xdf: {  	v8 =	vld [tilespmem:s16+$0x10];
	[tilespmem:s13+$0xA0] =	vst v7;
	v7 =	vmul.f32 v5, v3;
	v5 =	vmul.f32 v14, v3;
	v3 =	vmov v9  }
0xe0: {  	v9 =	vunpack.i.u.bf16.f32 v6;
	v6 =	vunpack.i.l.bf16.f32 v6;
	[tilespmem:s13+$0xB0] =	vst v15  }
0xe1: {  	v6 =	vmul.f32 v6, v1;
	v9 =	vmul.f32 v9, v1;
	v12 =	vld [tilespmem:s16+$0x60];
	[tilespmem:s10+$0xFFFFFF60] =	vst v11  }
0xe2: {  	v11 =	vunpack.i.u.bf16.f32 v10;
	v10 =	vunpack.i.l.bf16.f32 v10;
	[tilespmem:s10+$0xFFFFFF70] =	vst v16  }
0xe3: {  	v10 =	vmul.f32 v10, v4;
	v11 =	vmul.f32 v11, v4;
	[tilespmem:s13+$0xFFFFFFA0] =	vst v6  }
0xe4: {  	[tilespmem:s13+$0xFFFFFFB0] =	vst v9;
	v6 =	vunpack.i.u.bf16.f32 v8;
	v8 =	vunpack.i.l.bf16.f32 v8  }
0xe5: {  	[tilespmem:s13+$0xFFFFFF20] =	vst v10;
	v9 =	vld [tilespmem:s16+$0xFFFFFFE0];
	v8 =	vmul.f32 v8, v3;
	v6 =	vmul.f32 v6, v3  }
0xe6: {  	[tilespmem:s13+$0xFFFFFF30] =	vst v11;
	v10 =	vunpack.i.l.bf16.f32 v12  }
0xe7: {  	v14 =	vld [tilespmem:s16+$0xFFFFFFA0];
	[tilespmem:s13+$0x20] =	vst v8;
	v8 =	vunpack.i.u.bf16.f32 v12;
	v10 =	vmul.f32 v10, v2  }
.Ltmp1:
0xe8: {  	[tilespmem:s13+$0x30] =	vst v6;
	v6 =	vmul.f32 v8, v2;
	(pc) =	sbr.rel @p0 .LBB2_5-.Ltmp1, $4  }
0xe9: {  	v8 =	vld [tilespmem:s16+$0x20];
	[tilespmem:s13+$0xC0] =	vst v10  }
0xea: {  	v11 =	vunpack.i.u.bf16.f32 v9;
	v9 =	vunpack.i.l.bf16.f32 v9;
	[tilespmem:s13+$0xD0] =	vst v6  }
0xeb: {  	v10 =	vmul.f32 v9, v1;
	v9 =	vmul.f32 v11, v1;
	v6 =	vld [tilespmem:s16+$0x70];
	[tilespmem:s10+$0xFFFFFFE0] =	vst v13  }
0xec: {  	s16 =	sadd.s32 $0x100, s16;
	v11 =	vunpack.i.u.bf16.f32 v14;
	v12 =	vunpack.i.l.bf16.f32 v14;
	[tilespmem:s10+$0xFFFFFFF0] =	vst v18  }
0xed: {  	v12 =	vmul.f32 v12, v4  }
0xee: {  	v11 =	vmul.f32 v11, v4  }
0xef: {  	[tilespmem:s13+$0xFFFFFF40] =	vst v12  }
0xf0: {  	v12 =	vunpack.i.l.bf16.f32 v8;
	[tilespmem:s13+$0xFFFFFF50] =	vst v11  }
0xf1: {  	[tilespmem:s13+$0xFFFFFFC0] =	vst v10;
	v8 =	vunpack.i.u.bf16.f32 v8;
	v10 =	vmul.f32 v12, v3;
	v11 =	vld [tilespmem:s11+$0xFFFFFFB0]  }
0xf2: {  	[tilespmem:s13+$0xFFFFFFD0] =	vst v9;
	v8 =	vmul.f32 v8, v3  }
0xf3: {  	[tilespmem:s13+$0x40] =	vst v10;
	v10 =	vld [tilespmem:s11+$0xFFFFFFF0]  }
0xf4: {  	v9 =	vunpack.i.u.bf16.f32 v6;
	[tilespmem:s13+$0x50] =	vst v8  }
0xf5: {  	[tilespmem:s10+$0x60] =	vst v7;
	v6 =	vunpack.i.l.bf16.f32 v6;
	v9 =	vmul.f32 v9, v2;
	v8 =	vld [tilespmem:s11+$0x30]  }
0xf6: {  	[tilespmem:s10+$0x70] =	vst v5;
	v2 =	vmul.f32 v6, v2;
	v6 =	vunpack.i.l.bf16.f32 v11  }
0xf7: {  	[tilespmem:s13+$0xF0] =	vst v9;
	v5 =	vunpack.i.u.bf16.f32 v11;
	v6 =	vmul.f32 v6, v4  }
0xf8: {  	[tilespmem:s14+$0xE0] =	vst v2;
	v4 =	vmul.f32 v5, v4;
	v2 =	vunpack.i.l.bf16.f32 v10  }
0xf9: {  	v5 =	vunpack.i.u.bf16.f32 v10;
	v2 =	vmul.f32 v2, v1;
	[tilespmem:s14+$0xFFFFFF60] =	vst v6  }
0xfa: {  	v1 =	vmul.f32 v5, v1;
	v5 =	vunpack.i.l.bf16.f32 v8;
	[tilespmem:s14+$0xFFFFFF70] =	vst v4  }
0xfb: {  	v4 =	vunpack.i.u.bf16.f32 v8;
	v5 =	vmul.f32 v5, v3;
	[tilespmem:s14+$0xFFFFFFE0] =	vst v2  }
0xfc: {  	v2 =	vmul.f32 v4, v3;
	[tilespmem:s14+$0xFFFFFFF0] =	vst v1  }
0xfd: {  	[tilespmem:s14+$0x60] =	vst v5  }
0xfe: {  	[tilespmem:s14+$0x70] =	vst v2  }
0xff: {  	[spmem:s2] =	stream.indirect.scatter.add.f32 [tilespmem:s19], [sflag:$0x3], $0x80, s31, s20, $0xb8;
	[tilespmem:$0x1E370] =	vst v63  }
0x100: {  	_ =	swait.ge [sflag:s0], $0x1400  }
0x101: {  	[sflag:s0] =	ssyncset.done $0x0  }
0x102: {  	[sflag:s0] =	ssyncadd.s32 $0xFFFFEC00  }
0x103: {  	_ =	swait.ge [sflag:s0], $0x500  }
0x104: {  	[sflag:s0] =	ssyncset.done $0x0  }
0x105: {  	s15 =	simm.s32 $0x175F0;
	[sflag:s0] =	ssyncadd.s32 $0xFFFFFB00  }
0x106: {  	s16 =	simm.s32 $0x1DE90;
	v1 =	vld [tilespmem:s15+$0x40]  }
0x107: {  	v3 =	vld [tilespmem:s16+$0x10]  }
0x108: {  	v2 =	vld [tilespmem:s15+$0xFFFFFFC0]  }
0x109: {  	v5 =	vld [tilespmem:s16+$0xFFFFFFF0]  }
0x10a: {  	v4 =	vld [tilespmem:s15+$0xFFFFFF80]  }
0x10b: {  	v7 =	vld [tilespmem:s16+$0xFFFFFFE0];
	v6 =	vunpack.i.l.bf16.f32 v1  }
0x10c: {  	v8 =	vld [tilespmem:s15+$0x0];
	v1 =	vunpack.i.u.bf16.f32 v1;
	v9 =	vmul.f32 v6, v3  }
0x10d: {  	s10 =	simm.s32 $0x1B270;
	v10 =	vunpack.i.l.bf16.f32 v2;
	v6 =	vld [tilespmem:s16+$0x0];
	v1 =	vmul.f32 v1, v3  }
0x10e: {  	v2 =	vunpack.i.u.bf16.f32 v2;
	[tilespmem:s10+$0x80] =	vst v9;
	v9 =	vmul.f32 v10, v5  }
0x10f: {  	v10 =	vunpack.i.l.bf16.f32 v4;
	[tilespmem:s10+$0x90] =	vst v1;
	v1 =	vmul.f32 v2, v5  }
0x110: {  	v2 =	vunpack.i.u.bf16.f32 v4;
	v4 =	vld [tilespmem:s15+$0x50];
	v10 =	vmul.f32 v10, v7;
	[tilespmem:s10+$0xFFFFFF80] =	vst v9  }
0x111: {  	v2 =	vmul.f32 v2, v7;
	v9 =	vunpack.i.l.bf16.f32 v8;
	[tilespmem:s10+$0xFFFFFF90] =	vst v1  }
0x112: {  	v1 =	vunpack.i.u.bf16.f32 v8;
	v8 =	vmul.f32 v9, v6;
	[tilespmem:s10+$0xFFFFFF00] =	vst v10;
	v9 =	vld [tilespmem:s15+$0xFFFFFFD0]  }
0x113: {  	v1 =	vmul.f32 v1, v6;
	[tilespmem:s10+$0xFFFFFF10] =	vst v2  }
0x114: {  	v2 =	vld [tilespmem:s15+$0xFFFFFF90];
	[tilespmem:s10+$0x0] =	vst v8  }
0x115: {  	[tilespmem:s10+$0x10] =	vst v1;
	v8 =	vunpack.i.l.bf16.f32 v4  }
0x116: {  	v1 =	vunpack.i.u.bf16.f32 v4;
	v4 =	vmul.f32 v8, v3;
	v8 =	vld [tilespmem:s15+$0x10]  }
0x117: {  	v1 =	vmul.f32 v1, v3;
	v10 =	vunpack.i.l.bf16.f32 v9  }
0x118: {  	[tilespmem:s10+$0xA0] =	vst v4;
	v4 =	vunpack.i.u.bf16.f32 v9;
	v9 =	vmul.f32 v10, v5  }
0x119: {  	[tilespmem:s10+$0xB0] =	vst v1;
	v1 =	vmul.f32 v4, v5;
	v4 =	vunpack.i.l.bf16.f32 v2  }
0x11a: {  	v10 =	vld [tilespmem:s15+$0x60];
	v2 =	vunpack.i.u.bf16.f32 v2;
	v4 =	vmul.f32 v4, v7;
	[tilespmem:s10+$0xFFFFFFA0] =	vst v9  }
0x11b: {  	v2 =	vmul.f32 v2, v7;
	[tilespmem:s10+$0xFFFFFFB0] =	vst v1;
	v1 =	vunpack.i.l.bf16.f32 v8  }
0x11c: {  	v8 =	vunpack.i.u.bf16.f32 v8;
	[tilespmem:s10+$0xFFFFFF20] =	vst v4;
	v4 =	vld [tilespmem:s15+$0xFFFFFFE0];
	v1 =	vmul.f32 v1, v6  }
0x11d: {  	v8 =	vmul.f32 v8, v6;
	[tilespmem:s10+$0xFFFFFF30] =	vst v2  }
0x11e: {  	v9 =	vld [tilespmem:s15+$0xFFFFFFA0];
	[tilespmem:s10+$0x20] =	vst v1  }
0x11f: {  	v1 =	vunpack.i.l.bf16.f32 v10;
	[tilespmem:s10+$0x30] =	vst v8  }
0x120: {  	v2 =	vunpack.i.u.bf16.f32 v10;
	v1 =	vmul.f32 v1, v3;
	v8 =	vld [tilespmem:s15+$0x20]  }
0x121: {  	s11 =	simm.s32 $0x176F0;
	v2 =	vmul.f32 v2, v3;
	v10 =	vunpack.i.l.bf16.f32 v4  }
0x122: {  	s12 =	simm.s32 $0x1DED0;
	[tilespmem:s10+$0xC0] =	vst v1;
	v1 =	vunpack.i.u.bf16.f32 v4;
	v4 =	vmul.f32 v10, v5;
	v10 =	vld [tilespmem:s11+$0x40]  }
0x123: {  	[tilespmem:s10+$0xD0] =	vst v2;
	v2 =	vld [tilespmem:s12+$0x10];
	v1 =	vmul.f32 v1, v5;
	v11 =	vunpack.i.l.bf16.f32 v9  }
0x124: {  	v12 =	vld [tilespmem:s15+$0x70];
	v9 =	vunpack.i.u.bf16.f32 v9;
	v11 =	vmul.f32 v11, v7;
	[tilespmem:s10+$0xFFFFFFC0] =	vst v4  }
0x125: {  	v4 =	vmul.f32 v9, v7;
	[tilespmem:s10+$0xFFFFFFD0] =	vst v1;
	v1 =	vunpack.i.l.bf16.f32 v8  }
0x126: {  	v8 =	vunpack.i.u.bf16.f32 v8;
	[tilespmem:s10+$0xFFFFFF40] =	vst v11;
	v9 =	vmul.f32 v1, v6;
	v11 =	vld [tilespmem:s11+$0xFFFFFFC0]  }
0x127: {  	v8 =	vmul.f32 v8, v6;
	v1 =	vld [tilespmem:s12+$0xFFFFFFF0];
	[tilespmem:s10+$0xFFFFFF50] =	vst v4;
	v4 =	vunpack.i.l.bf16.f32 v10  }
0x128: {  	v13 =	vld [tilespmem:s11+$0xFFFFFF80];
	[tilespmem:s10+$0x40] =	vst v9;
	v9 =	vunpack.i.u.bf16.f32 v10;
	v10 =	vmul.f32 v4, v2  }
0x129: {  	s13 =	simm.s32 $0x1B470;
	v14 =	vunpack.i.u.bf16.f32 v12;
	[tilespmem:s10+$0x50] =	vst v8;
	v4 =	vld [tilespmem:s12+$0xFFFFFFE0];
	v8 =	vmul.f32 v9, v2  }
0x12a: {  	v9 =	vunpack.i.l.bf16.f32 v12;
	v12 =	vld [tilespmem:s11+$0x0];
	v14 =	vmul.f32 v14, v3;
	[tilespmem:s13+$0x80] =	vst v10  }
0x12b: {  	v9 =	vmul.f32 v9, v3;
	v3 =	vld [tilespmem:s12+$0x0];
	v10 =	vunpack.i.l.bf16.f32 v11;
	[tilespmem:s13+$0x90] =	vst v8  }
0x12c: {  	[tilespmem:s10+$0xF0] =	vst v14;
	v8 =	vunpack.i.u.bf16.f32 v11;
	v10 =	vmul.f32 v10, v1;
	v11 =	vld [tilespmem:s11+$0x50]  }
0x12d: {  	v14 =	vunpack.i.l.bf16.f32 v13;
	v8 =	vmul.f32 v8, v1;
	[tilespmem:s10+$0xE0] =	vst v9  }
0x12e: {  	v9 =	vunpack.i.u.bf16.f32 v13;
	v13 =	vld [tilespmem:s15+$0xFFFFFFB0];
	v14 =	vmul.f32 v14, v4;
	[tilespmem:s13+$0xFFFFFF80] =	vst v10  }
0x12f: {  	v10 =	vunpack.i.l.bf16.f32 v12;
	v9 =	vmul.f32 v9, v4;
	[tilespmem:s13+$0xFFFFFF90] =	vst v8  }
0x130: {  	v8 =	vunpack.i.u.bf16.f32 v12;
	v10 =	vmul.f32 v10, v3;
	v12 =	vld [tilespmem:s11+$0xFFFFFFD0];
	[tilespmem:s13+$0xFFFFFF00] =	vst v14  }
0x131: {  	v8 =	vmul.f32 v8, v3;
	[tilespmem:s13+$0xFFFFFF10] =	vst v9;
	v9 =	vunpack.i.l.bf16.f32 v11  }
0x132: {  	v14 =	vld [tilespmem:s11+$0xFFFFFF90];
	[tilespmem:s13+$0x0] =	vst v10;
	v10 =	vunpack.i.u.bf16.f32 v11;
	v9 =	vmul.f32 v9, v2  }
0x133: {  	v11 =	vunpack.i.l.bf16.f32 v13;
	[tilespmem:s13+$0x10] =	vst v8;
	v8 =	vmul.f32 v10, v2  }
0x134: {  	v10 =	vunpack.i.u.bf16.f32 v13;
	v11 =	vmul.f32 v11, v7;
	v13 =	vld [tilespmem:s11+$0x10];
	[tilespmem:s13+$0xA0] =	vst v9  }
0x135: {  	v7 =	vmul.f32 v10, v7;
	v9 =	vunpack.i.l.bf16.f32 v12;
	[tilespmem:s13+$0xB0] =	vst v8  }
0x136: {  	v8 =	vunpack.i.u.bf16.f32 v12;
	[tilespmem:s10+$0xFFFFFF60] =	vst v11;
	v9 =	vmul.f32 v9, v1;
	v10 =	vld [tilespmem:s11+$0x60]  }
0x137: {  	v8 =	vmul.f32 v8, v1;
	[tilespmem:s10+$0xFFFFFF70] =	vst v7;
	v11 =	vunpack.i.l.bf16.f32 v14  }
0x138: {  	v7 =	vld [tilespmem:s15+$0xFFFFFFF0];
	v12 =	vunpack.i.u.bf16.f32 v14;
	v11 =	vmul.f32 v11, v4;
	[tilespmem:s13+$0xFFFFFFA0] =	vst v9  }
0x139: {  	v9 =	vld [tilespmem:s15+$0x30];
	v12 =	vmul.f32 v12, v4;
	[tilespmem:s13+$0xFFFFFFB0] =	vst v8;
	v8 =	vunpack.i.l.bf16.f32 v13  }
0x13a: {  	v8 =	vmul.f32 v8, v3;
	[tilespmem:s13+$0xFFFFFF20] =	vst v11  }
0x13b: {  	v13 =	vunpack.i.u.bf16.f32 v13;
	v11 =	vld [tilespmem:s11+$0xFFFFFFE0];
	[tilespmem:s13+$0xFFFFFF30] =	vst v12;
	v12 =	vunpack.i.l.bf16.f32 v10  }
0x13c: {  	v13 =	vmul.f32 v13, v3;
	[tilespmem:s13+$0x20] =	vst v8;
	v8 =	vunpack.i.u.bf16.f32 v10;
	v10 =	vmul.f32 v12, v2  }
0x13d: {  	v14 =	vld [tilespmem:s11+$0xFFFFFFA0];
	v12 =	vunpack.i.u.bf16.f32 v7;
	v7 =	vunpack.i.l.bf16.f32 v7;
	v8 =	vmul.f32 v8, v2  }
0x13e: {  	[tilespmem:s13+$0x30] =	vst v13;
	v13 =	vmul.f32 v7, v5;
	v7 =	vunpack.i.l.bf16.f32 v9  }
0x13f: {  	v15 =	vunpack.i.u.bf16.f32 v9;
	v16 =	vmul.f32 v12, v5;
	v7 =	vmul.f32 v7, v6;
	[tilespmem:s13+$0xD0] =	vst v8;
	v8 =	vld [tilespmem:s11+$0x20]  }
0x140: {  	[tilespmem:s13+$0xC0] =	vst v10;
	v5 =	vmul.f32 v15, v6;
	v9 =	vunpack.i.l.bf16.f32 v11;
	v6 =	vunpack.i.u.bf16.f32 v11  }
0x141: {  	[tilespmem:s10+$0xFFFFFFE0] =	vst v13;
	v10 =	vmul.f32 v9, v1;
	v9 =	vmul.f32 v6, v1;
	v6 =	vld [tilespmem:s11+$0x70]  }
0x142: {  	s14 =	simm.s32 $0x1B470;
	s16 =	simm.s32 $0x177F0;
	s15 =	simm.s32 $0x4;
	[tilespmem:s10+$0xFFFFFFF0] =	vst v16;
	v11 =	vunpack.i.u.bf16.f32 v14;
	v12 =	vunpack.i.l.bf16.f32 v14  }
.LBB2_7:
0x143: {  	v13 =	vld [tilespmem:s16+$0x40];
	v12 =	vmul.f32 v12, v4;
	v11 =	vmul.f32 v11, v4;
	[tilespmem:s13+$0xFFFFFFC0] =	vst v10;
	s12 =	sadd.s32 $0x40, s12  }
0x144: {  	v10 =	vld [tilespmem:s12+$0x10];
	[tilespmem:s13+$0xFFFFFFD0] =	vst v9;
	v9 =	vunpack.i.u.bf16.f32 v8;
	v8 =	vunpack.i.l.bf16.f32 v8  }
0x145: {  	v14 =	vld [tilespmem:s16+$0xFFFFFF80];
	[tilespmem:s13+$0xFFFFFF40] =	vst v12;
	v8 =	vmul.f32 v8, v3;
	v9 =	vmul.f32 v9, v3  }
0x146: {  	s15 =	sadd.s32 $0x4, s15;
	v12 =	vld [tilespmem:s16+$0xFFFFFFC0];
	[tilespmem:s13+$0xFFFFFF50] =	vst v11;
	v11 =	vunpack.i.u.bf16.f32 v6;
	v6 =	vunpack.i.l.bf16.f32 v6  }
0x147: {  	p0 =	slt.u32 s15, $0x4C;
	v15 =	vld [tilespmem:s16+$0x0];
	[tilespmem:s13+$0x40] =	vst v8;
	v6 =	vmul.f32 v6, v2;
	v16 =	vmul.f32 v11, v2  }
0x148: {  	v8 =	vld [tilespmem:s12+$0xFFFFFFF0];
	v11 =	vunpack.i.l.bf16.f32 v13;
	[tilespmem:s13+$0x50] =	vst v9  }
0x149: {  	v13 =	vunpack.i.u.bf16.f32 v13;
	v9 =	vld [tilespmem:s12+$0x0];
	v11 =	vmul.f32 v11, v10;
	[tilespmem:s13+$0xF0] =	vst v16;
	v2 =	vmov v10  }
0x14a: {  	s13 =	sadd.s32 $0x200, s13;
	v10 =	vld [tilespmem:s12+$0xFFFFFFE0];
	v16 =	vunpack.i.u.bf16.f32 v14;
	v14 =	vunpack.i.l.bf16.f32 v14;
	v13 =	vmul.f32 v13, v2;
	[tilespmem:s10+$0x60] =	vst v7  }
0x14b: {  	v7 =	vunpack.i.u.bf16.f32 v12;
	v12 =	vunpack.i.l.bf16.f32 v12;
	[tilespmem:s13+$0x80] =	vst v11;
	v11 =	vld [tilespmem:s11+$0xFFFFFFB0]  }
0x14c: {  	v17 =	vunpack.i.u.bf16.f32 v15;
	v15 =	vunpack.i.l.bf16.f32 v15;
	[tilespmem:s13+$0x90] =	vst v13;
	v13 =	vld [tilespmem:s11+$0xFFFFFFF0]  }
0x14d: {  	v12 =	vmul.f32 v12, v8;
	v7 =	vmul.f32 v7, v8;
	v18 =	vld [tilespmem:s16+$0x50];
	[tilespmem:s10+$0x70] =	vst v5;
	s10 =	smov.u32 s14;
	s14 =	smov.u32 s13  }
0x14e: {  	v5 =	vmul.f32 v15, v9;
	v15 =	vmul.f32 v17, v9;
	v17 =	vld [tilespmem:s11+$0x30];
	[tilespmem:s10+$0xE0] =	vst v6;
	s11 =	smov.u32 s16  }
0x14f: {  	v6 =	vmul.f32 v14, v10;
	v14 =	vmul.f32 v16, v10;
	[tilespmem:s13+$0xFFFFFF80] =	vst v12  }
0x150: {  	[tilespmem:s13+$0xFFFFFF90] =	vst v7;
	v7 =	vunpack.i.u.bf16.f32 v11;
	v11 =	vunpack.i.l.bf16.f32 v11  }
0x151: {  	[tilespmem:s13+$0xFFFFFF00] =	vst v6;
	v6 =	vld [tilespmem:s16+$0xFFFFFFD0];
	v11 =	vmul.f32 v11, v4;
	v12 =	vunpack.i.u.bf16.f32 v13;
	v13 =	vunpack.i.l.bf16.f32 v13  }
0x152: {  	v16 =	vmul.f32 v7, v4;
	v4 =	vmovc v10;
	[tilespmem:s13+$0xFFFFFF10] =	vst v14;
	v14 =	vunpack.i.l.bf16.f32 v18;
	v13 =	vmul.f32 v13, v1  }
0x153: {  	v10 =	vld [tilespmem:s16+$0xFFFFFF90];
	[tilespmem:s13+$0x0] =	vst v5;
	v5 =	vunpack.i.u.bf16.f32 v18;
	v7 =	vmul.f32 v14, v2;
	v14 =	vunpack.i.u.bf16.f32 v17  }
0x154: {  	v18 =	vmul.f32 v12, v1;
	v1 =	vmovc v8;
	[tilespmem:s13+$0x10] =	vst v15;
	v15 =	vmul.f32 v5, v2;
	v5 =	vunpack.i.l.bf16.f32 v17  }
0x155: {  	v8 =	vld [tilespmem:s16+$0x10];
	[tilespmem:s13+$0xA0] =	vst v7;
	v7 =	vmul.f32 v5, v3;
	v5 =	vmul.f32 v14, v3;
	v3 =	vmov v9  }
0x156: {  	v9 =	vunpack.i.u.bf16.f32 v6;
	v6 =	vunpack.i.l.bf16.f32 v6;
	[tilespmem:s13+$0xB0] =	vst v15  }
0x157: {  	v6 =	vmul.f32 v6, v1;
	v9 =	vmul.f32 v9, v1;
	v12 =	vld [tilespmem:s16+$0x60];
	[tilespmem:s10+$0xFFFFFF60] =	vst v11  }
0x158: {  	v11 =	vunpack.i.u.bf16.f32 v10;
	v10 =	vunpack.i.l.bf16.f32 v10;
	[tilespmem:s10+$0xFFFFFF70] =	vst v16  }
0x159: {  	v10 =	vmul.f32 v10, v4;
	v11 =	vmul.f32 v11, v4;
	[tilespmem:s13+$0xFFFFFFA0] =	vst v6  }
0x15a: {  	[tilespmem:s13+$0xFFFFFFB0] =	vst v9;
	v6 =	vunpack.i.u.bf16.f32 v8;
	v8 =	vunpack.i.l.bf16.f32 v8  }
0x15b: {  	[tilespmem:s13+$0xFFFFFF20] =	vst v10;
	v9 =	vld [tilespmem:s16+$0xFFFFFFE0];
	v8 =	vmul.f32 v8, v3;
	v6 =	vmul.f32 v6, v3  }
0x15c: {  	[tilespmem:s13+$0xFFFFFF30] =	vst v11;
	v10 =	vunpack.i.l.bf16.f32 v12  }
0x15d: {  	v14 =	vld [tilespmem:s16+$0xFFFFFFA0];
	[tilespmem:s13+$0x20] =	vst v8;
	v8 =	vunpack.i.u.bf16.f32 v12;
	v10 =	vmul.f32 v10, v2  }
.Ltmp2:
0x15e: {  	[tilespmem:s13+$0x30] =	vst v6;
	v6 =	vmul.f32 v8, v2;
	(pc) =	sbr.rel @p0 .LBB2_7-.Ltmp2, $4  }
0x15f: {  	v8 =	vld [tilespmem:s16+$0x20];
	[tilespmem:s13+$0xC0] =	vst v10  }
0x160: {  	v11 =	vunpack.i.u.bf16.f32 v9;
	v9 =	vunpack.i.l.bf16.f32 v9;
	[tilespmem:s13+$0xD0] =	vst v6  }
0x161: {  	v10 =	vmul.f32 v9, v1;
	v9 =	vmul.f32 v11, v1;
	v6 =	vld [tilespmem:s16+$0x70];
	[tilespmem:s10+$0xFFFFFFE0] =	vst v13  }
0x162: {  	s16 =	sadd.s32 $0x100, s16;
	v11 =	vunpack.i.u.bf16.f32 v14;
	v12 =	vunpack.i.l.bf16.f32 v14;
	[tilespmem:s10+$0xFFFFFFF0] =	vst v18  }
0x163: {  	v12 =	vmul.f32 v12, v4;
	[tilespmem:s13+$0xFFFFFFC0] =	vst v10  }
0x164: {  	v11 =	vmul.f32 v11, v4;
	[tilespmem:s13+$0xFFFFFFD0] =	vst v9;
	v52 =	vunpack.i.l.bf16.f32 v8  }
0x165: {  	v53 =	vunpack.i.u.bf16.f32 v8;
	v56 =	vld [tilespmem:s11+$0xFFFFFFF0];
	[tilespmem:s13+$0xFFFFFF40] =	vst v12;
	v54 =	vmul.f32 v52, v3  }
0x166: {  	[tilespmem:s13+$0xFFFFFF50] =	vst v11;
	v8 =	vmul.f32 v53, v3;
	v55 =	vunpack.i.u.bf16.f32 v6  }
0x167: {  	v11 =	vld [tilespmem:s11+$0xFFFFFFB0];
	v57 =	vunpack.i.l.bf16.f32 v6;
	[tilespmem:s13+$0x40] =	vst v54;
	v9 =	vmul.f32 v55, v2  }
0x168: {  	[tilespmem:s13+$0x50] =	vst v8;
	v2 =	vmul.f32 v57, v2  }
0x169: {  	v8 =	vld [tilespmem:s11+$0x30];
	[tilespmem:s13+$0xF0] =	vst v9  }
0x16a: {  	[tilespmem:s14+$0xE0] =	vst v2;
	v2 =	vunpack.i.l.bf16.f32 v56  }
0x16b: {  	[tilespmem:s10+$0x60] =	vst v7;
	v61 =	vunpack.i.u.bf16.f32 v56;
	v2 =	vmul.f32 v2, v1  }
0x16c: {  	[tilespmem:s10+$0x70] =	vst v5;
	v58 =	vunpack.i.l.bf16.f32 v11;
	v1 =	vmul.f32 v61, v1  }
0x16d: {  	v59 =	vunpack.i.u.bf16.f32 v11;
	v6 =	vmul.f32 v58, v4;
	[tilespmem:s14+$0xFFFFFFE0] =	vst v2  }
0x16e: {  	v60 =	vmul.f32 v59, v4;
	v62 =	vunpack.i.l.bf16.f32 v8;
	[tilespmem:s14+$0xFFFFFFF0] =	vst v1  }
0x16f: {  	v63 =	vunpack.i.u.bf16.f32 v8;
	[tilespmem:s14+$0xFFFFFF60] =	vst v6;
	v5 =	vmul.f32 v62, v3  }
0x170: {  	[tilespmem:s14+$0xFFFFFF70] =	vst v60;
	v2 =	vmul.f32 v63, v3  }
0x171: {  	[tilespmem:s14+$0x60] =	vst v5  }
0x172: {  	[tilespmem:s14+$0x70] =	vst v2  }
0x173: {  	[spmem:s2] =	stream.indirect.scatter.add.f32 [tilespmem:s3], [sflag:$0x4], $0x80, s17, s20, $0xb8;
	[tilespmem:$0x1E370] =	vst v63  }
0x174: {  	s16 =	smul.u32 $0x280, s9;
	_ =	swait.ge [sflag:s1], $0x2800  }
0x175: {  	[sflag:s1] =	ssyncset.done $0x0  }
0x176: {  	s10 =	sshra.s32 s16, $0x2;
	[sflag:s1] =	ssyncadd.s32 $0xFFFFD800  }
0x177: {  	v1 =	vld [tilespmem:s10+$0x13920];
	_ =	sdelay $0x4  }
0x178: {  	v2 =	vshra.s32 v1, $0xE  }
0x179: {  	v3 =	vcvt.s32.f32 v2;
	_ =	sdelay $0x1  }
0x17a: {  	v3 =	vadd.f32 $5.000000000e-01, v3;
	_ =	sdelay $0x1  }
0x17b: {  	v3 =	vmul.f32 $9.999999740e-05, v3;
	_ =	sdelay $0x1  }
0x17c: {  	v3 =	vtrunc.f32 v3  }
0x17d: {  	v3 =	vcvt.f32.s32 v3;
	_ =	sdelay $0x1  }
0x17e: {  	v3 =	vmul.u32 $0x2710, v3  }
0x17f: {  	v1 =	vand.u32 $0x3FFF, v1;
	[tilespmem:$0x15F90] =	vst v2  }
0x180: {  	[tilespmem:$0x160D0] =	vst v1;
	v1 =	vadd.s32 v1, v3  }
0x181: {  	[tilespmem:$0x16030] =	vst v1  }
0x182: {  	v1 =	vld [tilespmem:s10+$0x13930];
	_ =	sdelay $0x4  }
0x183: {  	v2 =	vshra.s32 v1, $0xE  }
0x184: {  	v3 =	vcvt.s32.f32 v2;
	_ =	sdelay $0x1  }
0x185: {  	v3 =	vadd.f32 $5.000000000e-01, v3;
	_ =	sdelay $0x1  }
0x186: {  	v3 =	vmul.f32 $9.999999740e-05, v3;
	_ =	sdelay $0x1  }
0x187: {  	v3 =	vtrunc.f32 v3  }
0x188: {  	v3 =	vcvt.f32.s32 v3;
	_ =	sdelay $0x1  }
0x189: {  	v3 =	vmul.u32 $0x2710, v3  }
0x18a: {  	v1 =	vand.u32 $0x3FFF, v1;
	[tilespmem:$0x15FA0] =	vst v2  }
0x18b: {  	[tilespmem:$0x160E0] =	vst v1;
	v1 =	vadd.s32 v1, v3  }
0x18c: {  	[tilespmem:$0x16040] =	vst v1  }
0x18d: {  	v1 =	vld [tilespmem:s10+$0x13940];
	_ =	sdelay $0x4  }
0x18e: {  	v2 =	vshra.s32 v1, $0xE  }
0x18f: {  	v3 =	vcvt.s32.f32 v2;
	_ =	sdelay $0x1  }
0x190: {  	v3 =	vadd.f32 $5.000000000e-01, v3;
	_ =	sdelay $0x1  }
0x191: {  	v3 =	vmul.f32 $9.999999740e-05, v3;
	_ =	sdelay $0x1  }
0x192: {  	v3 =	vtrunc.f32 v3  }
0x193: {  	v3 =	vcvt.f32.s32 v3;
	_ =	sdelay $0x1  }
0x194: {  	v3 =	vmul.u32 $0x2710, v3  }
0x195: {  	v1 =	vand.u32 $0x3FFF, v1;
	[tilespmem:$0x15FB0] =	vst v2  }
0x196: {  	[tilespmem:$0x160F0] =	vst v1;
	v1 =	vadd.s32 v1, v3  }
0x197: {  	[tilespmem:$0x16050] =	vst v1  }
0x198: {  	v1 =	vld [tilespmem:s10+$0x13950];
	_ =	sdelay $0x4  }
0x199: {  	v2 =	vshra.s32 v1, $0xE  }
0x19a: {  	v3 =	vcvt.s32.f32 v2;
	_ =	sdelay $0x1  }
0x19b: {  	v3 =	vadd.f32 $5.000000000e-01, v3;
	_ =	sdelay $0x1  }
0x19c: {  	v3 =	vmul.f32 $9.999999740e-05, v3;
	_ =	sdelay $0x1  }
0x19d: {  	v3 =	vtrunc.f32 v3  }
0x19e: {  	v3 =	vcvt.f32.s32 v3;
	_ =	sdelay $0x1  }
0x19f: {  	v3 =	vmul.u32 $0x2710, v3  }
0x1a0: {  	v1 =	vand.u32 $0x3FFF, v1;
	[tilespmem:$0x15FC0] =	vst v2  }
0x1a1: {  	[tilespmem:$0x16100] =	vst v1;
	v1 =	vadd.s32 v1, v3  }
0x1a2: {  	[tilespmem:$0x16060] =	vst v1  }
0x1a3: {  	v1 =	vld [tilespmem:s10+$0x13960];
	_ =	sdelay $0x4  }
0x1a4: {  	v2 =	vshra.s32 v1, $0xE  }
0x1a5: {  	v3 =	vcvt.s32.f32 v2;
	_ =	sdelay $0x1  }
0x1a6: {  	v3 =	vadd.f32 $5.000000000e-01, v3;
	_ =	sdelay $0x1  }
0x1a7: {  	v3 =	vmul.f32 $9.999999740e-05, v3;
	_ =	sdelay $0x1  }
0x1a8: {  	v3 =	vtrunc.f32 v3  }
0x1a9: {  	v3 =	vcvt.f32.s32 v3;
	_ =	sdelay $0x1  }
0x1aa: {  	v3 =	vmul.u32 $0x2710, v3  }
0x1ab: {  	v1 =	vand.u32 $0x3FFF, v1;
	[tilespmem:$0x15FD0] =	vst v2  }
0x1ac: {  	[tilespmem:$0x16110] =	vst v1;
	v1 =	vadd.s32 v1, v3  }
0x1ad: {  	p0 =	seq.s32 s9, $0x3D;
	[tilespmem:$0x16070] =	vst v1  }
0x1ae: {  	[tilespmem:s22], [sflag:$0x1] =	stream.indirect.gather [hbm4b:s4+s20], $0x40, s21, s20, $0xb8;
	[tilespmem:$0x1E370] =	vst v63  }
.Ltmp3:
0x1af: {  	_ = 	snop;
	(pc) =	sbr.rel @p0 .LBB2_10-.Ltmp3, $4  }
0x1b0: {  	[tilespmem:s24], [sflag:$0x1] =	stream.indirect.gather [hbm4b:s5+s20], $0x10, s23, s20, $0xb8;
	[tilespmem:$0x1E370] =	vst v63  }
0x1b1: {  	_ =	swait.ge [sflag:s6], $0x2800  }
0x1b2: {  	[sflag:s6] =	ssyncset.done $0x0  }
0x1b3: {  	[sflag:s6] =	ssyncadd.s32 $0xFFFFD800  }
0x1b4: {  	v1 =	vld [tilespmem:s10+$0x13970];
	_ =	sdelay $0x4  }
0x1b5: {  	v2 =	vshra.s32 v1, $0xE  }
0x1b6: {  	v3 =	vcvt.s32.f32 v2;
	_ =	sdelay $0x1  }
0x1b7: {  	v3 =	vadd.f32 $5.000000000e-01, v3;
	_ =	sdelay $0x1  }
0x1b8: {  	v3 =	vmul.f32 $9.999999740e-05, v3;
	_ =	sdelay $0x1  }
0x1b9: {  	v3 =	vtrunc.f32 v3  }
0x1ba: {  	v3 =	vcvt.f32.s32 v3;
	_ =	sdelay $0x1  }
0x1bb: {  	v3 =	vmul.u32 $0x2710, v3  }
0x1bc: {  	v1 =	vand.u32 $0x3FFF, v1;
	[tilespmem:$0x15FE0] =	vst v2  }
0x1bd: {  	[tilespmem:$0x16120] =	vst v1;
	v1 =	vadd.s32 v1, v3  }
0x1be: {  	[tilespmem:$0x16080] =	vst v1  }
0x1bf: {  	v1 =	vld [tilespmem:s10+$0x13980];
	_ =	sdelay $0x4  }
0x1c0: {  	v2 =	vshra.s32 v1, $0xE  }
0x1c1: {  	v3 =	vcvt.s32.f32 v2;
	_ =	sdelay $0x1  }
0x1c2: {  	v3 =	vadd.f32 $5.000000000e-01, v3;
	_ =	sdelay $0x1  }
0x1c3: {  	v3 =	vmul.f32 $9.999999740e-05, v3;
	_ =	sdelay $0x1  }
0x1c4: {  	v3 =	vtrunc.f32 v3  }
0x1c5: {  	v3 =	vcvt.f32.s32 v3;
	_ =	sdelay $0x1  }
0x1c6: {  	v3 =	vmul.u32 $0x2710, v3  }
0x1c7: {  	v1 =	vand.u32 $0x3FFF, v1;
	[tilespmem:$0x15FF0] =	vst v2  }
0x1c8: {  	[tilespmem:$0x16130] =	vst v1;
	v1 =	vadd.s32 v1, v3  }
0x1c9: {  	[tilespmem:$0x16090] =	vst v1  }
0x1ca: {  	v1 =	vld [tilespmem:s10+$0x13990];
	_ =	sdelay $0x4  }
0x1cb: {  	v2 =	vshra.s32 v1, $0xE  }
0x1cc: {  	v3 =	vcvt.s32.f32 v2;
	_ =	sdelay $0x1  }
0x1cd: {  	v3 =	vadd.f32 $5.000000000e-01, v3;
	_ =	sdelay $0x1  }
0x1ce: {  	v3 =	vmul.f32 $9.999999740e-05, v3;
	_ =	sdelay $0x1  }
0x1cf: {  	v3 =	vtrunc.f32 v3  }
0x1d0: {  	v3 =	vcvt.f32.s32 v3;
	_ =	sdelay $0x1  }
0x1d1: {  	v3 =	vmul.u32 $0x2710, v3  }
0x1d2: {  	v1 =	vand.u32 $0x3FFF, v1;
	[tilespmem:$0x16000] =	vst v2  }
0x1d3: {  	[tilespmem:$0x16140] =	vst v1;
	v1 =	vadd.s32 v1, v3  }
0x1d4: {  	[tilespmem:$0x160A0] =	vst v1  }
0x1d5: {  	v1 =	vld [tilespmem:s10+$0x139A0];
	_ =	sdelay $0x4  }
0x1d6: {  	v2 =	vshra.s32 v1, $0xE  }
0x1d7: {  	v3 =	vcvt.s32.f32 v2;
	_ =	sdelay $0x1  }
0x1d8: {  	v3 =	vadd.f32 $5.000000000e-01, v3;
	_ =	sdelay $0x1  }
0x1d9: {  	v3 =	vmul.f32 $9.999999740e-05, v3;
	_ =	sdelay $0x1  }
0x1da: {  	v3 =	vtrunc.f32 v3  }
0x1db: {  	v3 =	vcvt.f32.s32 v3;
	_ =	sdelay $0x1  }
0x1dc: {  	v3 =	vmul.u32 $0x2710, v3  }
0x1dd: {  	v1 =	vand.u32 $0x3FFF, v1;
	[tilespmem:$0x16010] =	vst v2  }
0x1de: {  	[tilespmem:$0x16150] =	vst v1;
	v1 =	vadd.s32 v1, v3  }
0x1df: {  	[tilespmem:$0x160B0] =	vst v1  }
0x1e0: {  	v1 =	vld [tilespmem:s10+$0x139B0];
	_ =	sdelay $0x4  }
0x1e1: {  	v2 =	vshra.s32 v1, $0xE  }
0x1e2: {  	v3 =	vcvt.s32.f32 v2;
	_ =	sdelay $0x1  }
0x1e3: {  	v3 =	vadd.f32 $5.000000000e-01, v3;
	_ =	sdelay $0x1  }
0x1e4: {  	v3 =	vmul.f32 $9.999999740e-05, v3;
	_ =	sdelay $0x1  }
0x1e5: {  	v3 =	vtrunc.f32 v3  }
0x1e6: {  	v3 =	vcvt.f32.s32 v3;
	_ =	sdelay $0x1  }
0x1e7: {  	v3 =	vmul.u32 $0x2710, v3  }
0x1e8: {  	v1 =	vand.u32 $0x3FFF, v1;
	[tilespmem:$0x16020] =	vst v2  }
.Ltmp4:
0x1e9: {  	[tilespmem:$0x16160] =	vst v1;
	v1 =	vadd.s32 v1, v3;
	(pc) =	sbr.rel .LBB2_4-.Ltmp4, $4  }
0x1ea: {  	[tilespmem:$0x160C0] =	vst v1  }
0x1eb: {  	[tilespmem:s26], [sflag:$0x2] =	stream.indirect.gather [hbm4b:s4+s20], $0x40, s25, s20, $0xb8;
	[tilespmem:$0x1E370] =	vst v63  }
0x1ec: {  	s9 =	sadd.s32 $0x1, s9  }
0x1ed: {  	[tilespmem:s29], [sflag:$0x2] =	stream.indirect.gather [hbm4b:s5+s20], $0x10, s28, s20, $0xb8;
	[tilespmem:$0x1E370] =	vst v63  }
.LBB2_10:
0x1ee: {  	_ =	swait.ge [sflag:s30], $0x1400  }
0x1ef: {  	[sflag:s30] =	ssyncset.done $0x0  }
0x1f0: {  	[sflag:s30] =	ssyncadd.s32 $0xFFFFEC00  }
0x1f1: {  	_ =	swait.ge [sflag:s30], $0x500  }
0x1f2: {  	[sflag:s30] =	ssyncset.done $0x0  }
0x1f3: {  	s13 =	simm.s32 $0x161F0;
	[sflag:s30] =	ssyncadd.s32 $0xFFFFFB00  }
0x1f4: {  	s10 =	simm.s32 $0x1D990;
	v1 =	vld [tilespmem:s13+$0x40]  }
0x1f5: {  	v3 =	vld [tilespmem:s10+$0x10]  }
0x1f6: {  	v2 =	vld [tilespmem:s13+$0xFFFFFFC0]  }
0x1f7: {  	v5 =	vld [tilespmem:s10+$0xFFFFFFF0]  }
0x1f8: {  	v4 =	vld [tilespmem:s13+$0xFFFFFF80]  }
0x1f9: {  	v7 =	vld [tilespmem:s10+$0xFFFFFFE0];
	v6 =	vunpack.i.l.bf16.f32 v1  }
0x1fa: {  	v8 =	vld [tilespmem:s13+$0x0];
	v1 =	vunpack.i.u.bf16.f32 v1;
	v9 =	vmul.f32 v6, v3  }
0x1fb: {  	s9 =	simm.s32 $0x18A70;
	v10 =	vunpack.i.l.bf16.f32 v2;
	v6 =	vld [tilespmem:s10+$0x0];
	v1 =	vmul.f32 v1, v3  }
0x1fc: {  	v2 =	vunpack.i.u.bf16.f32 v2;
	[tilespmem:s9+$0x80] =	vst v9;
	v9 =	vmul.f32 v10, v5  }
0x1fd: {  	v10 =	vunpack.i.l.bf16.f32 v4;
	[tilespmem:s9+$0x90] =	vst v1;
	v1 =	vmul.f32 v2, v5  }
0x1fe: {  	v2 =	vunpack.i.u.bf16.f32 v4;
	v4 =	vld [tilespmem:s13+$0x50];
	v10 =	vmul.f32 v10, v7;
	[tilespmem:s9+$0xFFFFFF80] =	vst v9  }
0x1ff: {  	v2 =	vmul.f32 v2, v7;
	v9 =	vunpack.i.l.bf16.f32 v8;
	[tilespmem:s9+$0xFFFFFF90] =	vst v1  }
0x200: {  	v1 =	vunpack.i.u.bf16.f32 v8;
	v8 =	vmul.f32 v9, v6;
	[tilespmem:s9+$0xFFFFFF00] =	vst v10;
	v9 =	vld [tilespmem:s13+$0xFFFFFFD0]  }
0x201: {  	v1 =	vmul.f32 v1, v6;
	[tilespmem:s9+$0xFFFFFF10] =	vst v2  }
0x202: {  	v2 =	vld [tilespmem:s13+$0xFFFFFF90];
	[tilespmem:s9+$0x0] =	vst v8  }
0x203: {  	[tilespmem:s9+$0x10] =	vst v1;
	v8 =	vunpack.i.l.bf16.f32 v4  }
0x204: {  	v1 =	vunpack.i.u.bf16.f32 v4;
	v4 =	vmul.f32 v8, v3;
	v8 =	vld [tilespmem:s13+$0x10]  }
0x205: {  	v1 =	vmul.f32 v1, v3;
	v10 =	vunpack.i.l.bf16.f32 v9  }
0x206: {  	[tilespmem:s9+$0xA0] =	vst v4;
	v4 =	vunpack.i.u.bf16.f32 v9;
	v9 =	vmul.f32 v10, v5  }
0x207: {  	[tilespmem:s9+$0xB0] =	vst v1;
	v1 =	vmul.f32 v4, v5;
	v4 =	vunpack.i.l.bf16.f32 v2  }
0x208: {  	v10 =	vld [tilespmem:s13+$0x60];
	v2 =	vunpack.i.u.bf16.f32 v2;
	v4 =	vmul.f32 v4, v7;
	[tilespmem:s9+$0xFFFFFFA0] =	vst v9  }
0x209: {  	v2 =	vmul.f32 v2, v7;
	[tilespmem:s9+$0xFFFFFFB0] =	vst v1;
	v1 =	vunpack.i.l.bf16.f32 v8  }
0x20a: {  	v8 =	vunpack.i.u.bf16.f32 v8;
	[tilespmem:s9+$0xFFFFFF20] =	vst v4;
	v4 =	vld [tilespmem:s13+$0xFFFFFFE0];
	v1 =	vmul.f32 v1, v6  }
0x20b: {  	v8 =	vmul.f32 v8, v6;
	[tilespmem:s9+$0xFFFFFF30] =	vst v2  }
0x20c: {  	v9 =	vld [tilespmem:s13+$0xFFFFFFA0];
	[tilespmem:s9+$0x20] =	vst v1  }
0x20d: {  	v1 =	vunpack.i.l.bf16.f32 v10;
	[tilespmem:s9+$0x30] =	vst v8  }
0x20e: {  	v2 =	vunpack.i.u.bf16.f32 v10;
	v1 =	vmul.f32 v1, v3;
	v8 =	vld [tilespmem:s13+$0x20]  }
0x20f: {  	s10 =	simm.s32 $0x162F0;
	v2 =	vmul.f32 v2, v3;
	v10 =	vunpack.i.l.bf16.f32 v4  }
0x210: {  	s11 =	simm.s32 $0x1D9D0;
	[tilespmem:s9+$0xC0] =	vst v1;
	v1 =	vunpack.i.u.bf16.f32 v4;
	v4 =	vmul.f32 v10, v5;
	v10 =	vld [tilespmem:s10+$0x40]  }
0x211: {  	[tilespmem:s9+$0xD0] =	vst v2;
	v2 =	vld [tilespmem:s11+$0x10];
	v1 =	vmul.f32 v1, v5;
	v11 =	vunpack.i.l.bf16.f32 v9  }
0x212: {  	v12 =	vld [tilespmem:s13+$0x70];
	v9 =	vunpack.i.u.bf16.f32 v9;
	v11 =	vmul.f32 v11, v7;
	[tilespmem:s9+$0xFFFFFFC0] =	vst v4  }
0x213: {  	v4 =	vmul.f32 v9, v7;
	[tilespmem:s9+$0xFFFFFFD0] =	vst v1;
	v1 =	vunpack.i.l.bf16.f32 v8  }
0x214: {  	v8 =	vunpack.i.u.bf16.f32 v8;
	[tilespmem:s9+$0xFFFFFF40] =	vst v11;
	v9 =	vmul.f32 v1, v6;
	v11 =	vld [tilespmem:s10+$0xFFFFFFC0]  }
0x215: {  	v8 =	vmul.f32 v8, v6;
	v1 =	vld [tilespmem:s11+$0xFFFFFFF0];
	[tilespmem:s9+$0xFFFFFF50] =	vst v4;
	v4 =	vunpack.i.l.bf16.f32 v10  }
0x216: {  	v13 =	vld [tilespmem:s10+$0xFFFFFF80];
	[tilespmem:s9+$0x40] =	vst v9;
	v9 =	vunpack.i.u.bf16.f32 v10;
	v10 =	vmul.f32 v4, v2  }
0x217: {  	s12 =	simm.s32 $0x18C70;
	v14 =	vunpack.i.u.bf16.f32 v12;
	[tilespmem:s9+$0x50] =	vst v8;
	v4 =	vld [tilespmem:s11+$0xFFFFFFE0];
	v8 =	vmul.f32 v9, v2  }
0x218: {  	v9 =	vunpack.i.l.bf16.f32 v12;
	v12 =	vld [tilespmem:s10+$0x0];
	v14 =	vmul.f32 v14, v3;
	[tilespmem:s12+$0x80] =	vst v10  }
0x219: {  	v9 =	vmul.f32 v9, v3;
	v3 =	vld [tilespmem:s11+$0x0];
	v10 =	vunpack.i.l.bf16.f32 v11;
	[tilespmem:s12+$0x90] =	vst v8  }
0x21a: {  	[tilespmem:s9+$0xF0] =	vst v14;
	v8 =	vunpack.i.u.bf16.f32 v11;
	v10 =	vmul.f32 v10, v1;
	v11 =	vld [tilespmem:s10+$0x50]  }
0x21b: {  	v14 =	vunpack.i.l.bf16.f32 v13;
	v8 =	vmul.f32 v8, v1;
	[tilespmem:s9+$0xE0] =	vst v9  }
0x21c: {  	v9 =	vunpack.i.u.bf16.f32 v13;
	v13 =	vld [tilespmem:s13+$0xFFFFFFB0];
	v14 =	vmul.f32 v14, v4;
	[tilespmem:s12+$0xFFFFFF80] =	vst v10  }
0x21d: {  	v10 =	vunpack.i.l.bf16.f32 v12;
	v9 =	vmul.f32 v9, v4;
	[tilespmem:s12+$0xFFFFFF90] =	vst v8  }
0x21e: {  	v8 =	vunpack.i.u.bf16.f32 v12;
	v10 =	vmul.f32 v10, v3;
	v12 =	vld [tilespmem:s10+$0xFFFFFFD0];
	[tilespmem:s12+$0xFFFFFF00] =	vst v14  }
0x21f: {  	v8 =	vmul.f32 v8, v3;
	[tilespmem:s12+$0xFFFFFF10] =	vst v9;
	v9 =	vunpack.i.l.bf16.f32 v11  }
0x220: {  	v14 =	vld [tilespmem:s10+$0xFFFFFF90];
	[tilespmem:s12+$0x0] =	vst v10;
	v10 =	vunpack.i.u.bf16.f32 v11;
	v9 =	vmul.f32 v9, v2  }
0x221: {  	v11 =	vunpack.i.l.bf16.f32 v13;
	[tilespmem:s12+$0x10] =	vst v8;
	v8 =	vmul.f32 v10, v2  }
0x222: {  	v10 =	vunpack.i.u.bf16.f32 v13;
	v11 =	vmul.f32 v11, v7;
	v13 =	vld [tilespmem:s10+$0x10];
	[tilespmem:s12+$0xA0] =	vst v9  }
0x223: {  	v7 =	vmul.f32 v10, v7;
	v9 =	vunpack.i.l.bf16.f32 v12;
	[tilespmem:s12+$0xB0] =	vst v8  }
0x224: {  	v8 =	vunpack.i.u.bf16.f32 v12;
	[tilespmem:s9+$0xFFFFFF60] =	vst v11;
	v9 =	vmul.f32 v9, v1;
	v10 =	vld [tilespmem:s10+$0x60]  }
0x225: {  	v8 =	vmul.f32 v8, v1;
	[tilespmem:s9+$0xFFFFFF70] =	vst v7;
	v11 =	vunpack.i.l.bf16.f32 v14  }
0x226: {  	v7 =	vld [tilespmem:s13+$0xFFFFFFF0];
	v12 =	vunpack.i.u.bf16.f32 v14;
	v11 =	vmul.f32 v11, v4;
	[tilespmem:s12+$0xFFFFFFA0] =	vst v9  }
0x227: {  	v9 =	vld [tilespmem:s13+$0x30];
	v12 =	vmul.f32 v12, v4;
	[tilespmem:s12+$0xFFFFFFB0] =	vst v8;
	v8 =	vunpack.i.l.bf16.f32 v13  }
0x228: {  	v8 =	vmul.f32 v8, v3;
	[tilespmem:s12+$0xFFFFFF20] =	vst v11  }
0x229: {  	v13 =	vunpack.i.u.bf16.f32 v13;
	v11 =	vld [tilespmem:s10+$0xFFFFFFE0];
	[tilespmem:s12+$0xFFFFFF30] =	vst v12;
	v12 =	vunpack.i.l.bf16.f32 v10  }
0x22a: {  	v13 =	vmul.f32 v13, v3;
	[tilespmem:s12+$0x20] =	vst v8;
	v8 =	vunpack.i.u.bf16.f32 v10;
	v10 =	vmul.f32 v12, v2  }
0x22b: {  	v14 =	vld [tilespmem:s10+$0xFFFFFFA0];
	v12 =	vunpack.i.u.bf16.f32 v7;
	v7 =	vunpack.i.l.bf16.f32 v7;
	v8 =	vmul.f32 v8, v2  }
0x22c: {  	[tilespmem:s12+$0x30] =	vst v13;
	v13 =	vmul.f32 v7, v5;
	v7 =	vunpack.i.l.bf16.f32 v9  }
0x22d: {  	v15 =	vunpack.i.u.bf16.f32 v9;
	v16 =	vmul.f32 v12, v5;
	v7 =	vmul.f32 v7, v6;
	[tilespmem:s12+$0xD0] =	vst v8;
	v8 =	vld [tilespmem:s10+$0x20]  }
0x22e: {  	[tilespmem:s12+$0xC0] =	vst v10;
	v5 =	vmul.f32 v15, v6;
	v9 =	vunpack.i.l.bf16.f32 v11;
	v6 =	vunpack.i.u.bf16.f32 v11  }
0x22f: {  	[tilespmem:s9+$0xFFFFFFE0] =	vst v13;
	v10 =	vmul.f32 v9, v1;
	v9 =	vmul.f32 v6, v1;
	v6 =	vld [tilespmem:s10+$0x70]  }
0x230: {  	s14 =	simm.s32 $0x4;
	s15 =	simm.s32 $0x163F0;
	s13 =	simm.s32 $0x18C70;
	[tilespmem:s9+$0xFFFFFFF0] =	vst v16;
	v11 =	vunpack.i.u.bf16.f32 v14;
	v12 =	vunpack.i.l.bf16.f32 v14  }
.LBB2_11:
0x231: {  	v13 =	vld [tilespmem:s15+$0x40];
	v12 =	vmul.f32 v12, v4;
	v11 =	vmul.f32 v11, v4;
	[tilespmem:s12+$0xFFFFFFC0] =	vst v10;
	s11 =	sadd.s32 $0x40, s11  }
0x232: {  	v10 =	vld [tilespmem:s11+$0x10];
	[tilespmem:s12+$0xFFFFFFD0] =	vst v9;
	v9 =	vunpack.i.u.bf16.f32 v8;
	v8 =	vunpack.i.l.bf16.f32 v8  }
0x233: {  	v14 =	vld [tilespmem:s15+$0xFFFFFF80];
	[tilespmem:s12+$0xFFFFFF40] =	vst v12;
	v8 =	vmul.f32 v8, v3;
	v9 =	vmul.f32 v9, v3  }
0x234: {  	s14 =	sadd.s32 $0x4, s14;
	v12 =	vld [tilespmem:s15+$0xFFFFFFC0];
	[tilespmem:s12+$0xFFFFFF50] =	vst v11;
	v11 =	vunpack.i.u.bf16.f32 v6;
	v6 =	vunpack.i.l.bf16.f32 v6  }
0x235: {  	p0 =	slt.u32 s14, $0x4C;
	v15 =	vld [tilespmem:s15+$0x0];
	[tilespmem:s12+$0x40] =	vst v8;
	v6 =	vmul.f32 v6, v2;
	v16 =	vmul.f32 v11, v2  }
0x236: {  	v8 =	vld [tilespmem:s11+$0xFFFFFFF0];
	v11 =	vunpack.i.l.bf16.f32 v13;
	[tilespmem:s12+$0x50] =	vst v9  }
0x237: {  	v13 =	vunpack.i.u.bf16.f32 v13;
	v9 =	vld [tilespmem:s11+$0x0];
	v11 =	vmul.f32 v11, v10;
	[tilespmem:s12+$0xF0] =	vst v16;
	v2 =	vmov v10  }
0x238: {  	s12 =	sadd.s32 $0x200, s12;
	v10 =	vld [tilespmem:s11+$0xFFFFFFE0];
	v16 =	vunpack.i.u.bf16.f32 v14;
	v14 =	vunpack.i.l.bf16.f32 v14;
	v13 =	vmul.f32 v13, v2;
	[tilespmem:s9+$0x60] =	vst v7  }
0x239: {  	v7 =	vunpack.i.u.bf16.f32 v12;
	v12 =	vunpack.i.l.bf16.f32 v12;
	[tilespmem:s12+$0x80] =	vst v11;
	v11 =	vld [tilespmem:s10+$0xFFFFFFB0]  }
0x23a: {  	v17 =	vunpack.i.u.bf16.f32 v15;
	v15 =	vunpack.i.l.bf16.f32 v15;
	[tilespmem:s12+$0x90] =	vst v13;
	v13 =	vld [tilespmem:s10+$0xFFFFFFF0]  }
0x23b: {  	v12 =	vmul.f32 v12, v8;
	v7 =	vmul.f32 v7, v8;
	v18 =	vld [tilespmem:s15+$0x50];
	[tilespmem:s9+$0x70] =	vst v5;
	s9 =	smov.u32 s13;
	s13 =	smov.u32 s12  }
0x23c: {  	v5 =	vmul.f32 v15, v9;
	v15 =	vmul.f32 v17, v9;
	v17 =	vld [tilespmem:s10+$0x30];
	[tilespmem:s9+$0xE0] =	vst v6;
	s10 =	smov.u32 s15  }
0x23d: {  	v6 =	vmul.f32 v14, v10;
	v14 =	vmul.f32 v16, v10;
	[tilespmem:s12+$0xFFFFFF80] =	vst v12  }
0x23e: {  	[tilespmem:s12+$0xFFFFFF90] =	vst v7;
	v7 =	vunpack.i.u.bf16.f32 v11;
	v11 =	vunpack.i.l.bf16.f32 v11  }
0x23f: {  	[tilespmem:s12+$0xFFFFFF00] =	vst v6;
	v6 =	vld [tilespmem:s15+$0xFFFFFFD0];
	v11 =	vmul.f32 v11, v4;
	v12 =	vunpack.i.u.bf16.f32 v13;
	v13 =	vunpack.i.l.bf16.f32 v13  }
0x240: {  	v16 =	vmul.f32 v7, v4;
	v4 =	vmovc v10;
	[tilespmem:s12+$0xFFFFFF10] =	vst v14;
	v14 =	vunpack.i.l.bf16.f32 v18;
	v13 =	vmul.f32 v13, v1  }
0x241: {  	v10 =	vld [tilespmem:s15+$0xFFFFFF90];
	[tilespmem:s12+$0x0] =	vst v5;
	v5 =	vunpack.i.u.bf16.f32 v18;
	v7 =	vmul.f32 v14, v2;
	v14 =	vunpack.i.u.bf16.f32 v17  }
0x242: {  	v18 =	vmul.f32 v12, v1;
	v1 =	vmovc v8;
	[tilespmem:s12+$0x10] =	vst v15;
	v15 =	vmul.f32 v5, v2;
	v5 =	vunpack.i.l.bf16.f32 v17  }
0x243: {  	v8 =	vld [tilespmem:s15+$0x10];
	[tilespmem:s12+$0xA0] =	vst v7;
	v7 =	vmul.f32 v5, v3;
	v5 =	vmul.f32 v14, v3;
	v3 =	vmov v9  }
0x244: {  	v9 =	vunpack.i.u.bf16.f32 v6;
	v6 =	vunpack.i.l.bf16.f32 v6;
	[tilespmem:s12+$0xB0] =	vst v15  }
0x245: {  	v6 =	vmul.f32 v6, v1;
	v9 =	vmul.f32 v9, v1;
	v12 =	vld [tilespmem:s15+$0x60];
	[tilespmem:s9+$0xFFFFFF60] =	vst v11  }
0x246: {  	v11 =	vunpack.i.u.bf16.f32 v10;
	v10 =	vunpack.i.l.bf16.f32 v10;
	[tilespmem:s9+$0xFFFFFF70] =	vst v16  }
0x247: {  	v10 =	vmul.f32 v10, v4;
	v11 =	vmul.f32 v11, v4;
	[tilespmem:s12+$0xFFFFFFA0] =	vst v6  }
0x248: {  	[tilespmem:s12+$0xFFFFFFB0] =	vst v9;
	v6 =	vunpack.i.u.bf16.f32 v8;
	v8 =	vunpack.i.l.bf16.f32 v8  }
0x249: {  	[tilespmem:s12+$0xFFFFFF20] =	vst v10;
	v9 =	vld [tilespmem:s15+$0xFFFFFFE0];
	v8 =	vmul.f32 v8, v3;
	v6 =	vmul.f32 v6, v3  }
0x24a: {  	[tilespmem:s12+$0xFFFFFF30] =	vst v11;
	v10 =	vunpack.i.l.bf16.f32 v12  }
0x24b: {  	v14 =	vld [tilespmem:s15+$0xFFFFFFA0];
	[tilespmem:s12+$0x20] =	vst v8;
	v8 =	vunpack.i.u.bf16.f32 v12;
	v10 =	vmul.f32 v10, v2  }
.Ltmp5:
0x24c: {  	[tilespmem:s12+$0x30] =	vst v6;
	v6 =	vmul.f32 v8, v2;
	(pc) =	sbr.rel @p0 .LBB2_11-.Ltmp5, $4  }
0x24d: {  	v8 =	vld [tilespmem:s15+$0x20];
	[tilespmem:s12+$0xC0] =	vst v10  }
0x24e: {  	v11 =	vunpack.i.u.bf16.f32 v9;
	v9 =	vunpack.i.l.bf16.f32 v9;
	[tilespmem:s12+$0xD0] =	vst v6  }
0x24f: {  	v10 =	vmul.f32 v9, v1;
	v9 =	vmul.f32 v11, v1;
	v6 =	vld [tilespmem:s15+$0x70];
	[tilespmem:s9+$0xFFFFFFE0] =	vst v13  }
0x250: {  	s15 =	sadd.s32 $0x100, s15;
	v11 =	vunpack.i.u.bf16.f32 v14;
	v12 =	vunpack.i.l.bf16.f32 v14;
	[tilespmem:s9+$0xFFFFFFF0] =	vst v18  }
0x251: {  	v12 =	vmul.f32 v12, v4;
	[tilespmem:s12+$0xFFFFFFC0] =	vst v10  }
0x252: {  	v11 =	vmul.f32 v11, v4;
	[tilespmem:s12+$0xFFFFFFD0] =	vst v9;
	v52 =	vunpack.i.l.bf16.f32 v8  }
0x253: {  	v53 =	vunpack.i.u.bf16.f32 v8;
	v56 =	vld [tilespmem:s10+$0xFFFFFFF0];
	[tilespmem:s12+$0xFFFFFF40] =	vst v12;
	v54 =	vmul.f32 v52, v3  }
0x254: {  	[tilespmem:s12+$0xFFFFFF50] =	vst v11;
	v8 =	vmul.f32 v53, v3;
	v55 =	vunpack.i.u.bf16.f32 v6  }
0x255: {  	v11 =	vld [tilespmem:s10+$0xFFFFFFB0];
	v57 =	vunpack.i.l.bf16.f32 v6;
	[tilespmem:s12+$0x40] =	vst v54;
	v9 =	vmul.f32 v55, v2  }
0x256: {  	[tilespmem:s12+$0x50] =	vst v8;
	v2 =	vmul.f32 v57, v2  }
0x257: {  	v8 =	vld [tilespmem:s10+$0x30];
	[tilespmem:s12+$0xF0] =	vst v9  }
0x258: {  	[tilespmem:s13+$0xE0] =	vst v2;
	v2 =	vunpack.i.l.bf16.f32 v56  }
0x259: {  	[tilespmem:s9+$0x60] =	vst v7;
	v61 =	vunpack.i.u.bf16.f32 v56;
	v2 =	vmul.f32 v2, v1  }
0x25a: {  	[tilespmem:s9+$0x70] =	vst v5;
	v58 =	vunpack.i.l.bf16.f32 v11;
	v1 =	vmul.f32 v61, v1  }
0x25b: {  	v59 =	vunpack.i.u.bf16.f32 v11;
	v6 =	vmul.f32 v58, v4;
	[tilespmem:s13+$0xFFFFFFE0] =	vst v2  }
0x25c: {  	v60 =	vmul.f32 v59, v4;
	v62 =	vunpack.i.l.bf16.f32 v8;
	[tilespmem:s13+$0xFFFFFFF0] =	vst v1  }
0x25d: {  	v63 =	vunpack.i.u.bf16.f32 v8;
	[tilespmem:s13+$0xFFFFFF60] =	vst v6;
	v5 =	vmul.f32 v62, v3  }
0x25e: {  	[tilespmem:s13+$0xFFFFFF70] =	vst v60;
	v2 =	vmul.f32 v63, v3  }
0x25f: {  	[tilespmem:s13+$0x60] =	vst v5  }
0x260: {  	[tilespmem:s13+$0x70] =	vst v2  }
0x261: {  	[spmem:s2] =	stream.indirect.scatter.add.f32 [tilespmem:s19], [sflag:$0x5], $0x80, s31, s20, $0xb8;
	[tilespmem:$0x1E370] =	vst v63  }
0x262: {  	_ =	swait.ge [sflag:s18], $0x2800  }
0x263: {  	[sflag:s18] =	ssyncset.done $0x0  }
0x264: {  	s14 =	stileid.u32;
	[sflag:s18] =	ssyncadd.s32 $0xFFFFD800  }
0x265: {  	s9 =	sshll.u32 s14, $0x6;
	[bflag:$0x0] =	sbarrier.arrive $0xFFFF  }
0x266: {  	s15 =	sshrl.u32 s7, $0x3;
	s9 =	sor.u32 $0x1C05, s9;
	s11 =	rddreg [dreg:$0xd]  }
0x267: {  	[hbm:s11], [sflag:s9] =	dma.local [spmem:s15], $0x2710  }
0x268: {  	_ =	swait.ge [sflag:s18], $0x2710  }
0x269: {  	s8 =	sadd.s32 $0x1, s8;
	s16 =	rddreg [dreg:$0xc]  }
0x26a: {  	p0 =	sne.s32 s8, s16  }
.Ltmp6:
0x26b: {  	_ = 	snop;
	(pc) =	sbr.rel @p0 .LBB2_1-.Ltmp6, $3  }
0x26c: {  	_ =	sdelay $0x1  }
0x26d: {  	[sflag:s18] =	ssyncset.done $0x0  }
0x26e: {  	[sflag:s18] =	ssyncadd.s32 $0xFFFFD8F0  }
0x26f: {  	_ =	sfence.sel $0x180000  }
0x270: {  	[bflag:$0x0] =	sbarrier.arrive $0xFFFF  }
0x271: {  	_ =	strace $0x9000004D  }
0x272: {  	s0 =	stileid.u32;
	[bflag:$0x2] =	sbarrier.arrive $0xFFFF  }
0x273: {  	p0 =	sne.s32 s0, $0x0;
	s0 =	rddreg [dreg:$0x3]  }
0x274: {  	s0 =	sadd.s32 @!p0 $0x100000, s0  }
0x275: {  	[sflag:s0] =	ssyncadd.tile.s32 @!p0 $0x1;
	_ =	shalt  }
.Lfunc_end2:
_tile_overlayer_lowered:
.L_overlay_start_2:
0x276: {  	(tag) =	ssettag $0x2  }
0x277: {  	s0 =	rddreg [dreg:$0x0];
	s2 =	stileid.u32  }
0x278: {  	s1 =	rddreg [dreg:$0x1];
	p0 =	sne.s32 s2, $0x0  }
0x279: {  	s3 =	rddreg [dreg:$0x2];
	[bflag:$0x3] =	sbarrier.arrive $0xFFFF;
	s2 =	simm.s32 @!p0 $0x1C05  }
0x27a: {  	[timem:s3], [sflag:s2] =	dma.local @!p0 [hbm:s0], s1  }
0x27b: {  	s0 =	simm.s32 @!p0 $0x5  }
0x27c: {  	_ =	swait.ge @!p0 [sflag:s0], s1  }
0x27d: {  	s1 =	ssub.s32 @!p0 $0x0, s1;
	[sflag:s0] =	ssyncset.done @!p0 $0x0  }
0x27e: {  	[sflag:s0] =	ssyncadd.s32 @!p0 s1  }
0x27f: {  	[bflag:$0x3] =	sbarrier.arrive $0xFFFF  }
0x280: {  	_ =	shalt  }

// kernel: kernel.8.cloned.1.call-start
scs
__scs_entry_jumppad:
0x0: {  	(pc) =	sbr.rel $0x88, $3  }
0x1: {  	(tag) =	ssettag $0x0;
	lr =	simm.s32 $0x1  }
0x2: {  	[smem:$0x3F96] =	sst lr;
	_ =	strace $0xD0000000  }
0x3: {  	_ = 	snop  }
0x4: {  	_ = 	snop  }
0x5: {  	_ = 	snop  }
0x6: {  	_ = 	snop  }
0x7: {  	_ = 	snop  }
__scs_overlays_trampoline_lowered:
0x8: {  	[smem:$0x3FA5] =	sst s0  }
0x9: {  	[smem:$0x3FA6] =	sst s1  }
0xa: {  	[smem:$0x3FA7] =	sst s2  }
0xb: {  	[smem:$0x3FA8] =	sst s3  }
0xc: {  	[smem:$0x3FA9] =	sst s4  }
0xd: {  	[smem:$0x3FAA] =	sst s5  }
0xe: {  	[smem:$0x3FAB] =	sst s6  }
0xf: {  	[smem:$0x3FAC] =	sst s7  }
0x10: {  	[smem:$0x3FAD] =	sst s8  }
0x11: {  	[smem:$0x3FAE] =	sst s9;
	s0 =	simm.s32 @!p0 $0x0  }
0x12: {  	s1 =	sld [smem:$0x3F94];
	s0 =	simm.s32 @p0 $0x1  }
0x13: {  	[smem:$0x3FAF] =	sst s0;
	s0 =	simm.s32 @!p1 $0x0  }
0x14: {  	s2 =	sld [smem:$0x3F93];
	s0 =	simm.s32 @p1 $0x1  }
0x15: {  	[smem:$0x3FB0] =	sst s0;
	s0 =	simm.s32 @!p2 $0x0  }
0x16: {  	s3 =	sld [smem:$0x3FDB];
	s0 =	simm.s32 @p2 $0x1  }
0x17: {  	s4 =	simm.s32 $0x1BF5;
	[smem:$0x3FB2] =	sst s0  }
0x18: {  	s0 =	sld [smem:$0x3F95];
	_ =	swait.ge [sflag:s4], $0x0  }
0x19: {  	s7 =	sld [smem:$0x3F96]  }
0x1a: {  	s8 =	sadd.s32 $0xFFFFE003, lr  }
0x1b: {  	s9 =	sadd.s32 $0xFFFFFEF7, lr;
	s5 =	simm.s32 $0xFFFFFFFF;
	p2 =	slt.u32 s8, $0xFFFFF086  }
0x1c: {  	p1 =	slt.u32 s9, $0xF7A;
	s5 =	simm.s32 @!p2 $0x0  }
0x1d: {  	s5 =	simm.s32 @p1 $0x1;
	p0 =	seq.s32 s7, s2  }
0x1e: {  	s7 =	smul.u32 @!p0 $0xF7A, s2;
	p2 =	seq.s32 @!p0 s5, $0x0  }
0x1f: {  	s9 =	smul.u32 $0xF7A, s1;
	s8 =	simm.s32 @!p0 $0x1BF5;
	p2 =	por !p2, p0  }
0x20: {  	[sflag:s8] =	ssyncset.s32 @!p0 $0xFFFFF086;
	s6 =	sadd.s32 @!p0 s3, s7;
	s7 =	simm.s32 @!p0 $0x108  }
0x21: {  	s3 =	sadd.s32 s3, s9;
	s6 =	sadd.s32 @!p0 $0x88, s6;
	s7 =	simm.s32 @p2 $0x1082  }
0x22: {  	[simem:s7], [sflag:s8] =	dma.local @!p0 [hbm:s6], $0xF7A  }
0x23: {  	s9 =	sor.u32 $0xD0000000, s2;
	s6 =	simm.s32 $0x108;
	_ =	swait.ge @!p0 [sflag:s8], $0x0  }
0x24: {  	s3 =	sadd.s32 $0x88, s3;
	s6 =	simm.s32 @!p1 $0x1082;
	[sflag:s4] =	ssyncset.s32 $0xFFFFF086  }
0x25: {  	[simem:s6], [sflag:s4] =	dma.local [hbm:s3], $0xF7A  }
0x26: {  	[smem:$0x3F96] =	sst s1;
	(tag) =	ssettag s2;
	_ =	strace s9  }
0x27: {  	s1 =	sld [smem:$0x3FA6]  }
0x28: {  	s2 =	sld [smem:$0x3FA7]  }
0x29: {  	s4 =	sld [smem:$0x3FA9]  }
0x2a: {  	p0 =	seq.s32 s5, $0x0;
	s5 =	sld [smem:$0x3FAA]  }
0x2b: {  	s6 =	sld [smem:$0x3FAB]  }
0x2c: {  	s7 =	sld [smem:$0x3FAC]  }
0x2d: {  	s3 =	simm.s32 $0x108;
	s8 =	sld [smem:$0x3FAD]  }
0x2e: {  	s3 =	simm.s32 @!p0 $0x1082;
	s9 =	sld [smem:$0x3FAE]  }
0x2f: {  	lr =	sadd.s32 s0, s3;
	s0 =	sld [smem:$0x3FA5]  }
0x30: {  	s3 =	sld [smem:$0x3FA8]  }
0x31: {  	[smem:$0x3FB1] =	sst s10  }
0x32: {  	s10 =	sld [smem:$0x3FAF];
	_ =	sdelay $0x3  }
0x33: {  	p0 =	seq.s32 s10, $0x1;
	s10 =	sld [smem:$0x3FB1];
	_ =	sdelay $0x3  }
0x34: {  	[smem:$0x3FB1] =	sst s10  }
0x35: {  	s10 =	sld [smem:$0x3FB0];
	_ =	sdelay $0x3  }
0x36: {  	p1 =	seq.s32 s10, $0x1;
	s10 =	sld [smem:$0x3FB1];
	_ =	sdelay $0x3  }
0x37: {  	[smem:$0x3FB1] =	sst s10  }
0x38: {  	s10 =	sld [smem:$0x3FB2]  }
0x39: {  	_ = 	snop;
	(pc) =	sbr.ind lr, $3  }
0x3a: {  	_ = 	snop  }
0x3b: {  	_ = 	snop  }
0x3c: {  	p2 =	seq.s32 s10, $0x1;
	s10 =	sld [smem:$0x3FB1]  }
0x3d: {  	_ =	shalt  }
0x3e: {  	_ =	shalt  }
0x3f: {  	_ =	shalt  }
0x40: {  	_ =	shalt  }
0x41: {  	_ =	shalt  }
0x42: {  	_ =	shalt  }
0x43: {  	_ =	shalt  }
0x44: {  	_ =	shalt  }
0x45: {  	_ =	shalt  }
0x46: {  	_ =	shalt  }
0x47: {  	_ =	shalt  }
0x48: {  	_ =	shalt  }
0x49: {  	_ =	shalt  }
0x4a: {  	_ =	shalt  }
0x4b: {  	_ =	shalt  }
0x4c: {  	_ =	shalt  }
0x4d: {  	_ =	shalt  }
0x4e: {  	_ =	shalt  }
0x4f: {  	_ =	shalt  }
0x50: {  	_ =	shalt  }
0x51: {  	_ =	shalt  }
0x52: {  	_ =	shalt  }
0x53: {  	_ =	shalt  }
0x54: {  	_ =	shalt  }
0x55: {  	_ =	shalt  }
0x56: {  	_ =	shalt  }
0x57: {  	_ =	shalt  }
0x58: {  	_ =	shalt  }
0x59: {  	_ =	shalt  }
0x5a: {  	_ =	shalt  }
0x5b: {  	_ =	shalt  }
0x5c: {  	_ =	shalt  }
0x5d: {  	_ =	shalt  }
0x5e: {  	_ =	shalt  }
0x5f: {  	_ =	shalt  }
0x60: {  	_ =	shalt  }
0x61: {  	_ =	shalt  }
0x62: {  	_ =	shalt  }
0x63: {  	_ =	shalt  }
0x64: {  	_ =	shalt  }
0x65: {  	_ =	shalt  }
0x66: {  	_ =	shalt  }
0x67: {  	_ =	shalt  }
0x68: {  	_ =	shalt  }
0x69: {  	_ =	shalt  }
0x6a: {  	_ =	shalt  }
0x6b: {  	_ =	shalt  }
0x6c: {  	_ =	shalt  }
0x6d: {  	_ =	shalt  }
0x6e: {  	_ =	shalt  }
0x6f: {  	_ =	shalt  }
0x70: {  	_ =	shalt  }
0x71: {  	_ =	shalt  }
0x72: {  	_ =	shalt  }
0x73: {  	_ =	shalt  }
0x74: {  	_ =	shalt  }
0x75: {  	_ =	shalt  }
0x76: {  	_ =	shalt  }
0x77: {  	_ =	shalt  }
0x78: {  	_ =	shalt  }
0x79: {  	_ =	shalt  }
0x7a: {  	_ =	shalt  }
0x7b: {  	_ =	shalt  }
0x7c: {  	_ =	shalt  }
0x7d: {  	_ =	shalt  }
0x7e: {  	_ =	shalt  }
0x7f: {  	_ =	shalt  }
0x80: {  	_ =	shalt  }
0x81: {  	_ =	shalt  }
0x82: {  	_ =	shalt  }
0x83: {  	_ =	shalt  }
0x84: {  	_ =	shalt  }
0x85: {  	_ =	shalt  }
0x86: {  	_ =	shalt  }
0x87: {  	_ =	shalt  }
.Lfunc_end0:
.L_simem_size_0:
called_computation_lowered:
.L_overlay_start_0:
0x88: {  	s2 =	sld [smem:$0x3FD9]  }
0x89: {  	s3 =	sld [smem:$0x3FFE];
	_ =	sdelay $0x1  }
0x8a: {  	s1 =	srdreg.scid  }
0x8b: {  	s0 =	sand.u32 $0x1, s1  }
0x8c: {  	s17 =	sshll.u32 s0, $0xA;
	s2 =	sadd.s32 s3, s2  }
0x8d: {  	s2 =	sadd.s32 s2, s17  }
0x8e: {  	[smem:$0x3FBD] =	sst s2  }
0x8f: {  	_ = 	snop  }
0x90: {  	s2 =	sld [smem:$0x3FD0];
	(tm) =	ssettm $0x1  }
0x91: {  	s18 =	sld [smem:$0x3FFB];
	_ =	sdelay $0x3  }
0x92: {  	_ =	strace s18  }
0x93: {  	s3 =	sld [smem:$0x3FFC];
	_ =	sdelay $0x3  }
0x94: {  	_ =	strace s3  }
0x95: {  	s3 =	sld [smem:$0x3FFD];
	_ =	sdelay $0x3  }
0x96: {  	_ =	strace s3  }
0x97: {  	_ =	strace $0x8FFFFFFF  }
0x98: {  	s19 =	sld [smem:$0x3FDB];
	_ =	sdelay $0x1  }
0x99: {  	s4 =	simm.s32 $_scs_section_size  }
0x9a: {  	s5 =	simm.s32 $_size__tile_overlayer_lowered;
	s6 =	simm.s32 $_tile_overlayer_lowered  }
0x9b: {  	s22 =	simm.s32 $0x1BFF;
	s21 =	sshll.u32 s6, $0x1;
	s3 =	sadd.s32 s4, s19  }
0x9c: {  	s7 =	simm.s32 $0x0;
	s20 =	sshll.u32 s5, $0x1;
	s5 =	sadd.s32 s21, s3  }
0x9d: {  	[timem:s7], [sflag:s22] =	dma.local [hbm:s5], s20  }
0x9e: {  	_ =	swait.ge [sflag:s22], s20  }
0x9f: {  	s4 =	ssub.s32 $0x0, s20;
	[sflag:s22] =	ssyncset.done $0x0  }
0xa0: {  	[sflag:s22] =	ssyncadd.s32 s4;
	_ =	sdelay $0x1  }
0xa1: {  	s23 =	simm.s32 $0x1B8B  }
0xa2: {  	_ =	swait.ge [sflag:s23], $0x1  }
0xa3: {  	[sflag:s23] =	ssyncset.done $0x0  }
0xa4: {  	s25 =	simm.s32 $0x1B8E;
	s24 =	sld [smem:$0x3FFE];
	[sflag:s23] =	ssyncadd.s32 $0xFFFFFFFF  }
0xa5: {  	s26 =	simm.s32 $execute0_lowered;
	[smem:$0x3FD2] =	sst s25  }
0xa6: {  	s5 =	sshll.u32 s26, $0x1;
	_ =	strace $0x80000046;
	[dreg:$0x1] =	wrdreg $0xFFFFFFFF  }
0xa7: {  	s28 =	simm.s32 $_size_execute0_lowered;
	s3 =	sadd.s32 s3, s5;
	[dreg:$0x0] =	wrdreg $0x0  }
0xa8: {  	s5 =	sshll.u32 s28, $0x1;
	[dreg:$0x2] =	wrdreg s3  }
0xa9: {  	[dreg:$0x3] =	wrdreg s5  }
0xaa: {  	[dreg:$0x4] =	wrdreg $0xC0  }
0xab: {  	_ =	task [dreg:s7], $0x5FFFF  }
0xac: {  	[dreg:$0x1] =	wrdreg $0xFFFFFFFF  }
0xad: {  	[dreg:$0x0] =	wrdreg $0x60  }
0xae: {  	[dreg:$0x2] =	wrdreg s2  }
0xaf: {  	[dreg:$0x3] =	wrdreg s24  }
0xb0: {  	[dreg:$0x4] =	wrdreg $0x0  }
0xb1: {  	[dreg:$0x5] =	wrdreg $0x9  }
0xb2: {  	_ =	task.clear_ibuf [dreg:s7], $0x6FFFF;
	_ =	strace $0x90000046  }
0xb3: {  	s29 =	simm.s32 $0x9;
	_ =	strace $0x80000048  }
0xb4: {  	_ =	swait.ge [sflag:s29], $0x1  }
0xb5: {  	[sflag:s29] =	ssyncadd.s32 $0xFFFFFFFF  }
0xb6: {  	_ =	strace $0x90000048  }
0xb7: {  	_ =	sfence  }
0xb8: {  	s30 =	sld [smem:$0x0];
	_ =	sdelay $0x2  }
0xb9: {  	s31 =	sshll.u32 s1, $0xD;
	s1 =	sshrl.u32 s1, $0x2  }
0xba: {  	s3 =	sand.u32 $0x4000, s31;
	s1 =	sadd.s32 s1, s30  }
0xbb: {  	s0 =	sor.u32 s3, s0;
	s1 =	sshll.u32 s1, $0x11  }
0xbc: {  	s0 =	sor.u32 s1, s0  }
0xbd: {  	s0 =	sadd.s32 $0x8F2B, s0  }
0xbe: {  	[sflag:s0] =	ssyncadd.remote.s32 $0x1  }
0xbf: {  	_ =	sfence.sel $0xFFFF  }
0xc0: {  	[dreg:$0x0] =	wrdreg $0xFFFFFFFF;
	(pc) =	sbr.abs _section_cstart, $3  }
0xc1: {  	[dreg:$0x1] =	wrdreg $0xFFFFFFFF  }
0xc2: {  	_ =	task.clear_ibuf [dreg:s7], $0x2FFFF;
	_ =	strace $0x9FFFFFFF  }
0xc3: {  	(tm) =	ssettm $0x7FFFFFFF  }
tec
execute0_lowered:
.L_overlay_start_1:
0x0: {  	(tag) =	ssettag $0x1  }
0x1: {  	s1 =	srdreg.scid  }
0x2: {  	s1 =	sand.u32 $0x1, s1  }
0x3: {  	p0 =	seq.s32 s1, $0x1  }
.Ltmp0:
0x4: {  	s2 =	rddreg [dreg:$0x0];
	(pc) =	sbr.rel @p0 .LBB2_18-.Ltmp0, $4  }
0x5: {  	s4 =	rddreg [dreg:$0x1]  }
0x6: {  	s8 =	rddreg [dreg:$0x2];
	s3 =	simm.s32 $0x0  }
0x7: {  	[smem:$0x7FF] =	sst s3  }
0x8: {  	s0 =	rddreg [dreg:$0x3];
	_ =	strace $0x80000047;
	s1 =	stileid.u32  }
0x9: {  	s5 =	smul.u32 $0x5000, s1  }
0xa: {  	s6 =	smul.u32 $0x14000, s1  }
0xb: {  	s9 =	smul.u32 $0x9C4, s1;
	s4 =	sadd.s32 $0xD400, s4  }
0xc: {  	s28 =	smul.u32 $0x2800, s1;
	s29 =	simm.s32 $0x1400;
	s31 =	simm.s32 $0x2  }
0xd: {  	s5 =	sshrl.u32 s5, $0x2;
	s10 =	sshrl.u32 s6, $0x3;
	s2 =	sadd.s32 s2, s9  }
0xe: {  	s6 =	sadd.s32 s4, s28;
	s9 =	simm.s32 $0x40;
	s7 =	sadd.s32 s5, s8  }
0xf: {  	[tilespmem:s29], [sflag:$0x2] =	stream.linear.gather [hbm4b:s2+s3], $0x4E20, $0x38;
	[tilespmem:$0xB670] =	vst v63  }
0x10: {  	s30 =	sadd.s32 s4, s10;
	s10 =	simm.s32 $0x0;
	_ =	swait.ge [sflag:s31], $0x4E20  }
0x11: {  	s5 =	sadd.s32 $0x800, s30;
	s4 =	sadd.s32 $0x1000, s30;
	[sflag:s31] =	ssyncset.done $0x0  }
0x12: {  	v0 =	vimm.f32 $0.0e+00;
	s3 =	sadd.s32 $0x1800, s30;
	s2 =	sadd.s32 $0x2000, s30;
	[sflag:s31] =	ssyncadd.s32 $0xFFFFB1E0  }
.LBB2_2:
0x13: {  	p0 =	sne.s32 s9, $0x4FC0;
	[tilespmem:s10+$0x6270] =	vst v0;
	s10 =	smov.u32 s9;
	s9 =	sadd.s32 $0x40, s9  }
.Ltmp1:
0x14: {  	(pc) =	sbr.rel @p0 .LBB2_2-.Ltmp1, $2  }
0x15: {  	_ =	sdelay $0x2  }
0x16: {  	s10 =	sshra.s32 s10, $0x2  }
0x17: {  	[tilespmem:s10+$0x6270] =	vst v0;
	s9 =	simm.s32 $0x6270;
	s21 =	simm.s32 $0x2  }
0x18: {  	[spmem:s7] =	stream.linear.scatter [tilespmem:s9], [sflag:$0x2], $0x1400, $0x38;
	[tilespmem:$0xB670] =	vst v63  }
0x19: {  	_ =	swait.ge [sflag:s21], $0x1400  }
0x1a: {  	[sflag:s21] =	ssyncset.done $0x0  }
0x1b: {  	v63 =	vimm.f32 $1.000000000e+00;
	[sflag:s21] =	ssyncadd.s32 $0xFFFFEC00  }
0x1c: {  	[tilespmem:$0x6220] =	vst v63  }
0x1d: {  	[tilespmem:$0x6230] =	vst v63  }
0x1e: {  	[tilespmem:$0x6240] =	vst v63  }
0x1f: {  	[tilespmem:$0x6250] =	vst v63  }
0x20: {  	s10 =	simm.s32 $0x50;
	[tilespmem:$0x6260] =	vst v63  }
0x21: {  	s11 =	simm.s32 $0x6220;
	s22 =	simm.s32 $0x1400;
	[bflag:$0x0] =	sbarrier.arrive $0xFFFF  }
0x22: {  	[spmem:s8] =	stream.indirect.scatter.add.f32 [tilespmem:s11], [sflag:$0x1], $0x1, s22, s10, $0xb8;
	[tilespmem:$0xB670] =	vst v63  }
0x23: {  	s23 =	simm.s32 $0x1450  }
0x24: {  	[spmem:s8] =	stream.indirect.scatter.add.f32 [tilespmem:s11], [sflag:$0x1], $0x1, s23, s10, $0xb8;
	[tilespmem:$0xB670] =	vst v63  }
0x25: {  	s24 =	simm.s32 $0x14A0  }
0x26: {  	[spmem:s8] =	stream.indirect.scatter.add.f32 [tilespmem:s11], [sflag:$0x1], $0x1, s24, s10, $0xb8;
	[tilespmem:$0xB670] =	vst v63  }
0x27: {  	s25 =	simm.s32 $0x14F0  }
0x28: {  	[spmem:s8] =	stream.indirect.scatter.add.f32 [tilespmem:s11], [sflag:$0x1], $0x1, s25, s10, $0xb8;
	[tilespmem:$0xB670] =	vst v63  }
0x29: {  	s26 =	simm.s32 $0x1540  }
0x2a: {  	[spmem:s8] =	stream.indirect.scatter.add.f32 [tilespmem:s11], [sflag:$0x1], $0x1, s26, s10, $0xb8;
	[tilespmem:$0xB670] =	vst v63  }
0x2b: {  	s28 =	simm.s32 $0x1590  }
0x2c: {  	[spmem:s8] =	stream.indirect.scatter.add.f32 [tilespmem:s11], [sflag:$0x1], $0x1, s28, s10, $0xb8;
	[tilespmem:$0xB670] =	vst v63  }
0x2d: {  	s29 =	simm.s32 $0x15E0  }
0x2e: {  	[spmem:s8] =	stream.indirect.scatter.add.f32 [tilespmem:s11], [sflag:$0x1], $0x1, s29, s10, $0xb8;
	[tilespmem:$0xB670] =	vst v63  }
0x2f: {  	s30 =	simm.s32 $0x1630  }
0x30: {  	[spmem:s8] =	stream.indirect.scatter.add.f32 [tilespmem:s11], [sflag:$0x1], $0x1, s30, s10, $0xb8;
	[tilespmem:$0xB670] =	vst v63  }
0x31: {  	s31 =	simm.s32 $0x1680  }
0x32: {  	[spmem:s8] =	stream.indirect.scatter.add.f32 [tilespmem:s11], [sflag:$0x1], $0x1, s31, s10, $0xb8;
	[tilespmem:$0xB670] =	vst v63  }
0x33: {  	s12 =	simm.s32 $0x16D0;
	s9 =	simm.s32 $0x1  }
0x34: {  	[spmem:s8] =	stream.indirect.scatter.add.f32 [tilespmem:s11], [sflag:$0x1], $0x1, s12, s10, $0xb8;
	[tilespmem:$0xB670] =	vst v63  }
0x35: {  	_ =	swait.ge [sflag:s9], $0x50  }
0x36: {  	[sflag:s9] =	ssyncset.done $0x0  }
0x37: {  	[sflag:s9] =	ssyncadd.s32 $0xFFFFFFB0  }
0x38: {  	_ =	swait.ge [sflag:s9], $0x50  }
0x39: {  	[sflag:s9] =	ssyncset.done $0x0  }
0x3a: {  	[sflag:s9] =	ssyncadd.s32 $0xFFFFFFB0  }
0x3b: {  	_ =	swait.ge [sflag:s9], $0x50  }
0x3c: {  	[sflag:s9] =	ssyncset.done $0x0  }
0x3d: {  	[sflag:s9] =	ssyncadd.s32 $0xFFFFFFB0  }
0x3e: {  	_ =	swait.ge [sflag:s9], $0x50  }
0x3f: {  	[sflag:s9] =	ssyncset.done $0x0  }
0x40: {  	[sflag:s9] =	ssyncadd.s32 $0xFFFFFFB0  }
0x41: {  	_ =	swait.ge [sflag:s9], $0x50  }
0x42: {  	[sflag:s9] =	ssyncset.done $0x0  }
0x43: {  	[sflag:s9] =	ssyncadd.s32 $0xFFFFFFB0  }
0x44: {  	_ =	swait.ge [sflag:s9], $0x50  }
0x45: {  	[sflag:s9] =	ssyncset.done $0x0  }
0x46: {  	[sflag:s9] =	ssyncadd.s32 $0xFFFFFFB0  }
0x47: {  	_ =	swait.ge [sflag:s9], $0x50  }
0x48: {  	[sflag:s9] =	ssyncset.done $0x0  }
0x49: {  	[sflag:s9] =	ssyncadd.s32 $0xFFFFFFB0  }
0x4a: {  	_ =	swait.ge [sflag:s9], $0x50  }
0x4b: {  	[sflag:s9] =	ssyncset.done $0x0  }
0x4c: {  	[sflag:s9] =	ssyncadd.s32 $0xFFFFFFB0  }
0x4d: {  	_ =	swait.ge [sflag:s9], $0x50  }
0x4e: {  	[sflag:s9] =	ssyncset.done $0x0  }
0x4f: {  	[sflag:s9] =	ssyncadd.s32 $0xFFFFFFB0  }
0x50: {  	_ =	swait.ge [sflag:s9], $0x50  }
0x51: {  	s15 =	simm.s32 $0x1900;
	s14 =	simm.s32 $0x320;
	[sflag:s9] =	ssyncset.done $0x0  }
.LBB2_4:
0x52: {  	s16 =	sadd.s32 $0x1400, s14  }
0x53: {  	[sflag:s9] =	ssyncadd.s32 $0xFFFFFFB0;
	s13 =	smov.u32 s15;
	s12 =	sadd.s32 $0xC80, s15  }
0x54: {  	[spmem:s8] =	stream.indirect.scatter.add.f32 [tilespmem:s11], [sflag:$0x1], $0x1, s16, s10, $0xb8;
	[tilespmem:$0xB670] =	vst v63  }
0x55: {  	p0 =	sne.s32 s15, $0x12C00;
	s15 =	sadd.s32 $0x1450, s14  }
0x56: {  	[spmem:s8] =	stream.indirect.scatter.add.f32 [tilespmem:s11], [sflag:$0x1], $0x1, s15, s10, $0xb8;
	[tilespmem:$0xB670] =	vst v63  }
0x57: {  	s15 =	sadd.s32 $0x14A0, s14  }
0x58: {  	[spmem:s8] =	stream.indirect.scatter.add.f32 [tilespmem:s11], [sflag:$0x1], $0x1, s15, s10, $0xb8;
	[tilespmem:$0xB670] =	vst v63  }
0x59: {  	s15 =	sadd.s32 $0x14F0, s14  }
0x5a: {  	[spmem:s8] =	stream.indirect.scatter.add.f32 [tilespmem:s11], [sflag:$0x1], $0x1, s15, s10, $0xb8;
	[tilespmem:$0xB670] =	vst v63  }
0x5b: {  	s15 =	sadd.s32 $0x1540, s14  }
0x5c: {  	[spmem:s8] =	stream.indirect.scatter.add.f32 [tilespmem:s11], [sflag:$0x1], $0x1, s15, s10, $0xb8;
	[tilespmem:$0xB670] =	vst v63  }
0x5d: {  	s15 =	sadd.s32 $0x1590, s14  }
0x5e: {  	[spmem:s8] =	stream.indirect.scatter.add.f32 [tilespmem:s11], [sflag:$0x1], $0x1, s15, s10, $0xb8;
	[tilespmem:$0xB670] =	vst v63  }
0x5f: {  	s15 =	sadd.s32 $0x15E0, s14  }
0x60: {  	[spmem:s8] =	stream.indirect.scatter.add.f32 [tilespmem:s11], [sflag:$0x1], $0x1, s15, s10, $0xb8;
	[tilespmem:$0xB670] =	vst v63  }
0x61: {  	s15 =	sadd.s32 $0x1630, s14  }
0x62: {  	[spmem:s8] =	stream.indirect.scatter.add.f32 [tilespmem:s11], [sflag:$0x1], $0x1, s15, s10, $0xb8;
	[tilespmem:$0xB670] =	vst v63  }
0x63: {  	s15 =	sadd.s32 $0x1680, s14  }
0x64: {  	[spmem:s8] =	stream.indirect.scatter.add.f32 [tilespmem:s11], [sflag:$0x1], $0x1, s15, s10, $0xb8;
	[tilespmem:$0xB670] =	vst v63  }
0x65: {  	s14 =	sadd.s32 $0x16D0, s14  }
0x66: {  	[spmem:s8] =	stream.indirect.scatter.add.f32 [tilespmem:s11], [sflag:$0x1], $0x1, s14, s10, $0xb8;
	[tilespmem:$0xB670] =	vst v63  }
0x67: {  	_ =	swait.ge [sflag:s9], $0x50  }
0x68: {  	[sflag:s9] =	ssyncset.done $0x0  }
0x69: {  	[sflag:s9] =	ssyncadd.s32 $0xFFFFFFB0  }
0x6a: {  	_ =	swait.ge [sflag:s9], $0x50  }
0x6b: {  	[sflag:s9] =	ssyncset.done $0x0  }
0x6c: {  	[sflag:s9] =	ssyncadd.s32 $0xFFFFFFB0  }
0x6d: {  	_ =	swait.ge [sflag:s9], $0x50  }
0x6e: {  	[sflag:s9] =	ssyncset.done $0x0  }
0x6f: {  	[sflag:s9] =	ssyncadd.s32 $0xFFFFFFB0  }
0x70: {  	_ =	swait.ge [sflag:s9], $0x50  }
0x71: {  	[sflag:s9] =	ssyncset.done $0x0  }
0x72: {  	[sflag:s9] =	ssyncadd.s32 $0xFFFFFFB0  }
0x73: {  	_ =	swait.ge [sflag:s9], $0x50  }
0x74: {  	[sflag:s9] =	ssyncset.done $0x0  }
0x75: {  	[sflag:s9] =	ssyncadd.s32 $0xFFFFFFB0  }
0x76: {  	_ =	swait.ge [sflag:s9], $0x50  }
0x77: {  	[sflag:s9] =	ssyncset.done $0x0  }
0x78: {  	[sflag:s9] =	ssyncadd.s32 $0xFFFFFFB0  }
0x79: {  	_ =	swait.ge [sflag:s9], $0x50  }
0x7a: {  	[sflag:s9] =	ssyncset.done $0x0  }
0x7b: {  	[sflag:s9] =	ssyncadd.s32 $0xFFFFFFB0  }
0x7c: {  	_ =	swait.ge [sflag:s9], $0x50  }
0x7d: {  	[sflag:s9] =	ssyncset.done $0x0  }
0x7e: {  	[sflag:s9] =	ssyncadd.s32 $0xFFFFFFB0  }
.Ltmp2:
0x7f: {  	_ =	swait.ge [sflag:s9], $0x50;
	(pc) =	sbr.rel @p0 .LBB2_4-.Ltmp2, $4  }
0x80: {  	[sflag:s9] =	ssyncset.done $0x0  }
0x81: {  	[sflag:s9] =	ssyncadd.s32 $0xFFFFFFB0  }
0x82: {  	_ =	swait.ge [sflag:s9], $0x50  }
0x83: {  	s15 =	smov.u32 s12;
	s14 =	sshra.s32 s13, $0x2;
	[sflag:s9] =	ssyncset.done $0x0  }
0x84: {  	s12 =	sadd.s32 $0x1400, s14;
	[sflag:s9] =	ssyncadd.s32 $0xFFFFFFB0  }
0x85: {  	[spmem:s8] =	stream.indirect.scatter.add.f32 [tilespmem:s11], [sflag:$0x1], $0x1, s12, s10, $0xb8;
	[tilespmem:$0xB670] =	vst v63  }
0x86: {  	s20 =	sadd.s32 $0x1450, s14  }
0x87: {  	[spmem:s8] =	stream.indirect.scatter.add.f32 [tilespmem:s11], [sflag:$0x1], $0x1, s20, s10, $0xb8;
	[tilespmem:$0xB670] =	vst v63  }
0x88: {  	s21 =	sadd.s32 $0x14A0, s14  }
0x89: {  	[spmem:s8] =	stream.indirect.scatter.add.f32 [tilespmem:s11], [sflag:$0x1], $0x1, s21, s10, $0xb8;
	[tilespmem:$0xB670] =	vst v63  }
0x8a: {  	s22 =	sadd.s32 $0x14F0, s14  }
0x8b: {  	[spmem:s8] =	stream.indirect.scatter.add.f32 [tilespmem:s11], [sflag:$0x1], $0x1, s22, s10, $0xb8;
	[tilespmem:$0xB670] =	vst v63  }
0x8c: {  	s23 =	sadd.s32 $0x1540, s14  }
0x8d: {  	[spmem:s8] =	stream.indirect.scatter.add.f32 [tilespmem:s11], [sflag:$0x1], $0x1, s23, s10, $0xb8;
	[tilespmem:$0xB670] =	vst v63  }
0x8e: {  	s24 =	sadd.s32 $0x1590, s14  }
0x8f: {  	[spmem:s8] =	stream.indirect.scatter.add.f32 [tilespmem:s11], [sflag:$0x1], $0x1, s24, s10, $0xb8;
	[tilespmem:$0xB670] =	vst v63  }
0x90: {  	s25 =	sadd.s32 $0x15E0, s14  }
0x91: {  	[spmem:s8] =	stream.indirect.scatter.add.f32 [tilespmem:s11], [sflag:$0x1], $0x1, s25, s10, $0xb8;
	[tilespmem:$0xB670] =	vst v63  }
0x92: {  	s26 =	sadd.s32 $0x1630, s14  }
0x93: {  	[spmem:s8] =	stream.indirect.scatter.add.f32 [tilespmem:s11], [sflag:$0x1], $0x1, s26, s10, $0xb8;
	[tilespmem:$0xB670] =	vst v63  }
0x94: {  	s28 =	sadd.s32 $0x1680, s14  }
0x95: {  	[spmem:s8] =	stream.indirect.scatter.add.f32 [tilespmem:s11], [sflag:$0x1], $0x1, s28, s10, $0xb8;
	[tilespmem:$0xB670] =	vst v63  }
0x96: {  	s29 =	sadd.s32 $0x16D0, s14  }
0x97: {  	[spmem:s8] =	stream.indirect.scatter.add.f32 [tilespmem:s11], [sflag:$0x1], $0x1, s29, s10, $0xb8;
	[tilespmem:$0xB670] =	vst v63  }
0x98: {  	_ =	swait.ge [sflag:s9], $0x50  }
0x99: {  	[sflag:s9] =	ssyncset.done $0x0  }
0x9a: {  	[sflag:s9] =	ssyncadd.s32 $0xFFFFFFB0  }
0x9b: {  	_ =	swait.ge [sflag:s9], $0x50  }
0x9c: {  	[sflag:s9] =	ssyncset.done $0x0  }
0x9d: {  	[sflag:s9] =	ssyncadd.s32 $0xFFFFFFB0  }
0x9e: {  	_ =	swait.ge [sflag:s9], $0x50  }
0x9f: {  	[sflag:s9] =	ssyncset.done $0x0  }
0xa0: {  	[sflag:s9] =	ssyncadd.s32 $0xFFFFFFB0  }
0xa1: {  	_ =	swait.ge [sflag:s9], $0x50  }
0xa2: {  	[sflag:s9] =	ssyncset.done $0x0  }
0xa3: {  	[sflag:s9] =	ssyncadd.s32 $0xFFFFFFB0  }
0xa4: {  	_ =	swait.ge [sflag:s9], $0x50  }
0xa5: {  	[sflag:s9] =	ssyncset.done $0x0  }
0xa6: {  	[sflag:s9] =	ssyncadd.s32 $0xFFFFFFB0  }
0xa7: {  	_ =	swait.ge [sflag:s9], $0x50  }
0xa8: {  	[sflag:s9] =	ssyncset.done $0x0  }
0xa9: {  	[sflag:s9] =	ssyncadd.s32 $0xFFFFFFB0  }
0xaa: {  	_ =	swait.ge [sflag:s9], $0x50  }
0xab: {  	[sflag:s9] =	ssyncset.done $0x0  }
0xac: {  	[sflag:s9] =	ssyncadd.s32 $0xFFFFFFB0  }
0xad: {  	_ =	swait.ge [sflag:s9], $0x50  }
0xae: {  	[sflag:s9] =	ssyncset.done $0x0  }
0xaf: {  	[sflag:s9] =	ssyncadd.s32 $0xFFFFFFB0  }
0xb0: {  	_ =	swait.ge [sflag:s9], $0x50  }
0xb1: {  	[sflag:s9] =	ssyncset.done $0x0  }
0xb2: {  	[sflag:s9] =	ssyncadd.s32 $0xFFFFFFB0  }
0xb3: {  	_ =	swait.ge [sflag:s9], $0x50  }
0xb4: {  	[sflag:s9] =	ssyncset.done $0x0  }
0xb5: {  	[sflag:s9] =	ssyncadd.s32 $0xFFFFFFB0  }
0xb6: {  	s30 =	simm.s32 $0x6270;
	s31 =	simm.s32 $0x2;
	[bflag:$0x0] =	sbarrier.arrive $0xFFFF  }
0xb7: {  	[tilespmem:s30], [sflag:$0x2] =	stream.linear.gather [spmem:s7], $0x1400, $0x38;
	[tilespmem:$0xB670] =	vst v63  }
0xb8: {  	_ =	swait.ge [sflag:s31], $0x1400  }
0xb9: {  	[sflag:s31] =	ssyncset.done $0x0  }
0xba: {  	s8 =	simm.s32 $0x40;
	s7 =	simm.s32 $0x0;
	[sflag:s31] =	ssyncadd.s32 $0xFFFFEC00  }
.LBB2_6:
0xbb: {  	p0 =	sne.s32 s8, $0x4FC0;
	v0 =	vld [tilespmem:s7+$0x6270];
	_ =	sdelay $0x4  }
0xbc: {  	v0 =	vmax.f32 v0, $1.000000000e+00  }
0xbd: {  	(erf) = vrcp.f32 v0;
	_ =	sdelay $0x5  }
.Ltmp3:
0xbe: {  	(pc) =	sbr.rel @p0 .LBB2_6-.Ltmp3, $3  }
0xbf: {  	_ =	sdelay $0x1  }
0xc0: {  	v0 =	vpop (erf)  }
0xc1: {  	[tilespmem:s7+$0x6270] =	vst v0;
	s7 =	sshra.s32 s8, $0x2;
	s8 =	sadd.s32 $0x40, s8  }
0xc2: {  	v0 =	vld [tilespmem:s7+$0x6270];
	_ =	sdelay $0x4  }
0xc3: {  	v0 =	vmax.f32 v0, $1.000000000e+00  }
0xc4: {  	(erf) = vrcp.f32 v0;
	_ =	sdelay $0x1  }
0xc5: {  	s8 =	simm.s32 $0x2  }
0xc6: {  	v0 =	vmov s8  }
0xc7: {  	s9 =	simm.s32 $0x1;
	v0 =	vand.u32 $0xFFFFFFFE, v0  }
0xc8: {  	s24 =	simm.s32 $0x0;
	v1 =	vmov s9;
	v0 =	vbroadcast v0, $0x0  }
0xc9: {  	v2 =	vmov s24;
	v1 =	vand.u32 $0xFFFFFFFD, v1  }
0xca: {  	v2 =	vand.u32 $0xFFFFFFFC, v2;
	v1 =	vbroadcast v1, $0x0  }
0xcb: {  	s25 =	simm.s32 $0x6;
	v2 =	vbroadcast v2, $0x0  }
0xcc: {  	s26 =	simm.s32 $0x3;
	s10 =	simm.s32 $0x5;
	v3 =	vmov s25;
	v4 =	vpop (erf)  }
0xcd: {  	s28 =	simm.s32 $0x4;
	v5 =	vmov s26;
	v6 =	vmov s10;
	v3 =	vand.u32 $0xFFFFFFFE, v3;
	[tilespmem:s7+$0x6270] =	vst v4;
	s7 =	simm.s32 $0x6270  }
0xce: {  	v6 =	vand.u32 $0xFFFFFFFD, v6;
	v3 =	vbroadcast v3, $0x0;
	v4 =	vmov s28;
	v7 =	vld.idx.msk [tilespmem:v0+s7+$0x0], $0xffff  }
0xcf: {  	v0 =	vand.u32 $0xFFFFFFFC, v4;
	v4 =	vbroadcast v6, $0x0  }
0xd0: {  	v6 =	vld.idx.msk [tilespmem:v1+s7+$0x0], $0xffff;
	v8 =	vbroadcast v0, $0x0  }
0xd1: {  	v9 =	vld.idx.msk [tilespmem:v2+s7+$0x0], $0xffff  }
0xd2: {  	s29 =	simm.s32 $0xA;
	s31 =	simm.s32 $0x7;
	s8 =	simm.s32 $0x7690  }
0xd3: {  	s30 =	simm.s32 $0x8;
	s11 =	simm.s32 $0x9;
	v1 =	vmov s29;
	v0 =	vld.idx.msk [tilespmem:v5+s7+$0x0], $0xffff;
	[tilespmem:s8+$0x0] =	vst v7;
	v7 =	vmov s31  }
0xd4: {  	v10 =	vmov s30;
	v2 =	vmov s11;
	v5 =	vand.u32 $0xFFFFFFFE, v1;
	v1 =	vld.idx.msk [tilespmem:v3+s7+$0x0], $0xffff  }
0xd5: {  	v10 =	vand.u32 $0xFFFFFFFC, v10;
	v11 =	vand.u32 $0xFFFFFFFD, v2;
	v3 =	vbroadcast v5, $0x0;
	[tilespmem:s8+$0xFFFFFFF0] =	vst v6;
	v2 =	vld.idx.msk [tilespmem:v4+s7+$0x0], $0xffff  }
0xd6: {  	s9 =	simm.s32 $0xC;
	s10 =	simm.s32 $0xB;
	v5 =	vbroadcast v11, $0x0;
	[tilespmem:s8+$0xFFFFFFE0] =	vst v9;
	v4 =	vbroadcast v10, $0x0;
	v6 =	vld.idx.msk [tilespmem:v8+s7+$0x0], $0xffff  }
.LBB2_8:
0xd7: {  	s11 =	sadd.s32 $0x2, s9  }
0xd8: {  	p0 =	slt.u32 s9, $0x3FC;
	[tilespmem:s8+$0x10] =	vst v0;
	v0 =	vld.idx.msk [tilespmem:v7+s7+$0x0], $0xffff;
	s12 =	smov.u32 s9;
	s9 =	sadd.s32 $0x4, s9  }
.Ltmp4:
0xd9: {  	v7 =	vmov s10;
	s13 =	sadd.s32 $0x1, s12;
	v8 =	vmov s11;
	(pc) =	sbr.rel @p0 .LBB2_8-.Ltmp4, $4  }
0xda: {  	s8 =	sadd.s32 $0x40, s8;
	v9 =	vmov s13;
	v8 =	vand.u32 $0xFFFFFFFE, v8  }
0xdb: {  	v10 =	vmov s12;
	v9 =	vand.u32 $0xFFFFFFFD, v9;
	[tilespmem:s8+$0x0] =	vst v1;
	v1 =	vld.idx.msk [tilespmem:v3+s7+$0x0], $0xffff;
	v3 =	vbroadcast v8, $0x0  }
0xdc: {  	v8 =	vand.u32 $0xFFFFFFFC, v10;
	[tilespmem:s8+$0xFFFFFFF0] =	vst v2;
	v2 =	vld.idx.msk [tilespmem:v5+s7+$0x0], $0xffff;
	v5 =	vbroadcast v9, $0x0  }
0xdd: {  	s10 =	sadd.s32 $0x3, s12;
	[tilespmem:s8+$0xFFFFFFE0] =	vst v6;
	v6 =	vld.idx.msk [tilespmem:v4+s7+$0x0], $0xffff;
	v4 =	vbroadcast v8, $0x0  }
0xde: {  	_ =	sdelay $0x2  }
0xdf: {  	v8 =	vmov s10  }
0xe0: {  	v7 =	vld.idx.msk [tilespmem:v7+s7+$0x0], $0xffff  }
0xe1: {  	[tilespmem:s8+$0x10] =	vst v0;
	s16 =	sadd.s32 $0x40, s8;
	v0 =	vld.idx.msk [tilespmem:v3+s7+$0x0], $0xffff  }
0xe2: {  	[tilespmem:s16+$0x0] =	vst v1;
	v1 =	vld.idx.msk [tilespmem:v5+s7+$0x0], $0xffff  }
0xe3: {  	[tilespmem:s16+$0xFFFFFFF0] =	vst v2;
	v2 =	vld.idx.msk [tilespmem:v4+s7+$0x0], $0xffff  }
0xe4: {  	[tilespmem:s16+$0xFFFFFFE0] =	vst v6;
	v3 =	vld.idx.msk [tilespmem:v8+s7+$0x0], $0xffff  }
0xe5: {  	s17 =	sadd.s32 $0x40, s16;
	[tilespmem:s16+$0x10] =	vst v7  }
0xe6: {  	s18 =	simm.s32 $0x400;
	[tilespmem:s17+$0x0] =	vst v0  }
0xe7: {  	s9 =	simm.s32 $0x401;
	s19 =	simm.s32 $0x402;
	v0 =	vmov s18;
	[tilespmem:s17+$0xFFFFFFF0] =	vst v1  }
0xe8: {  	s20 =	simm.s32 $0x0;
	s22 =	simm.s32 $0x403;
	v0 =	vand.u32 $0xFFFFFFFC, v0;
	v1 =	vmov s9;
	[tilespmem:s17+$0xFFFFFFE0] =	vst v2;
	v2 =	vmov s19  }
0xe9: {  	s21 =	simm.s32 $0x7670;
	s23 =	simm.s32 $0x2;
	s24 =	simm.s32 $0x404;
	v2 =	vand.u32 $0xFFFFFFFE, v2;
	[tilespmem:s17+$0x10] =	vst v3;
	v3 =	vbroadcast v0, $0x0;
	v0 =	vmov s22  }
0xea: {  	v1 =	vand.u32 $0xFFFFFFFD, v1;
	v4 =	vbroadcast v2, $0x0;
	[hbm4b:s6+s20] =	stream.linear.scatter [tilespmem:s21], [sflag:$0x2], $0x4000, $0x38;
	[tilespmem:$0xB670] =	vst v63  }
0xeb: {  	s25 =	simm.s32 $0x405;
	s26 =	simm.s32 $0x406;
	v6 =	vbroadcast v1, $0x0;
	_ =	swait.ge [sflag:s23], $0x4000  }
0xec: {  	v5 =	vmov s26;
	v1 =	vmov s24;
	v2 =	vmov s25;
	[sflag:s23] =	ssyncset.done $0x0  }
0xed: {  	s28 =	simm.s32 $0x407;
	v5 =	vand.u32 $0xFFFFFFFE, v5;
	v1 =	vand.u32 $0xFFFFFFFC, v1;
	s6 =	simm.s32 $0x6270;
	v7 =	vand.u32 $0xFFFFFFFD, v2;
	[sflag:s23] =	ssyncadd.s32 $0xFFFFC000  }
0xee: {  	v1 =	vbroadcast v1, $0x0;
	v2 =	vld.idx.msk [tilespmem:v0+s6+$0x0], $0xffff;
	v0 =	vbroadcast v7, $0x0;
	v7 =	vmov s28  }
0xef: {  	s29 =	simm.s32 $0x408;
	s30 =	simm.s32 $0x409;
	s31 =	simm.s32 $0x40A;
	v5 =	vbroadcast v5, $0x0;
	v3 =	vld.idx.msk [tilespmem:v3+s6+$0x0], $0xffff  }
0xf0: {  	s10 =	simm.s32 $0x4;
	v9 =	vmov s30;
	v11 =	vmov s31;
	v8 =	vmov s29;
	v4 =	vld.idx.msk [tilespmem:v4+s6+$0x0], $0xffff  }
0xf1: {  	s8 =	simm.s32 $0x7690;
	v9 =	vand.u32 $0xFFFFFFFD, v9;
	s7 =	simm.s32 $0x7690;
	v10 =	vand.u32 $0xFFFFFFFC, v8;
	v8 =	vand.u32 $0xFFFFFFFE, v11;
	s9 =	simm.s32 $0x8;
	v6 =	vld.idx.msk [tilespmem:v6+s6+$0x0], $0xffff  }
.LBB2_10:
0xf2: {  	s11 =	sadd.s32 $0x407, s10;
	s10 =	smov.u32 s9;
	s9 =	sadd.s32 $0x4, s9  }
0xf3: {  	v10 =	vbroadcast v10, $0x0;
	v9 =	vbroadcast v9, $0x0;
	[tilespmem:s7+$0x10] =	vst v2;
	v2 =	vld.idx.msk [tilespmem:v7+s6+$0x0], $0xffff;
	s8 =	sadd.s32 $0x40, s8;
	p0 =	slt.u32 s9, $0x3FC  }
.Ltmp5:
0xf4: {  	v8 =	vbroadcast v8, $0x0;
	v7 =	vmov s11;
	[tilespmem:s7+$0xFFFFFFE0] =	vst v3;
	v3 =	vld.idx.msk [tilespmem:v1+s6+$0x0], $0xffff;
	(pc) =	sbr.rel @p0 .LBB2_10-.Ltmp5, $4  }
0xf5: {  	[tilespmem:s7+$0x0] =	vst v4;
	v4 =	vld.idx.msk [tilespmem:v5+s6+$0x0], $0xffff;
	v1 =	vmov v10  }
0xf6: {  	s11 =	sadd.s32 $0x404, s10;
	s12 =	sadd.s32 $0x405, s10;
	s13 =	sadd.s32 $0x406, s10;
	v5 =	vmov v8;
	[tilespmem:s7+$0xFFFFFFF0] =	vst v6;
	v6 =	vld.idx.msk [tilespmem:v0+s6+$0x0], $0xffff;
	v0 =	vmov v9  }
0xf7: {  	v8 =	vmov s11;
	v11 =	vmov s13;
	v9 =	vmov s12;
	s7 =	smov.u32 s8  }
0xf8: {  	v10 =	vand.u32 $0xFFFFFFFC, v8;
	v8 =	vand.u32 $0xFFFFFFFE, v11;
	v9 =	vand.u32 $0xFFFFFFFD, v9  }
0xf9: {  	_ =	sdelay $0x1  }
0xfa: {  	s9 =	sadd.s32 $0x407, s10  }
0xfb: {  	v10 =	vbroadcast v10, $0x0;
	v11 =	vmov s9  }
0xfc: {  	v7 =	vld.idx.msk [tilespmem:v7+s6+$0x0], $0xffff;
	[tilespmem:s7+$0x10] =	vst v2;
	v2 =	vbroadcast v9, $0x0  }
0xfd: {  	v8 =	vbroadcast v8, $0x0;
	v1 =	vld.idx.msk [tilespmem:v1+s6+$0x0], $0xffff  }
0xfe: {  	[tilespmem:s7+$0xFFFFFFE0] =	vst v3;
	v3 =	vld.idx.msk [tilespmem:v5+s6+$0x0], $0xffff  }
0xff: {  	v0 =	vld.idx.msk [tilespmem:v0+s6+$0x0], $0xffff;
	[tilespmem:s7+$0x0] =	vst v4  }
0x100: {  	s8 =	sadd.s32 $0x40, s8;
	[tilespmem:s7+$0xFFFFFFF0] =	vst v6;
	v4 =	vld.idx.msk [tilespmem:v11+s6+$0x0], $0xffff  }
0x101: {  	[tilespmem:s8+$0x10] =	vst v7;
	v5 =	vld.idx.msk [tilespmem:v10+s6+$0x0], $0xffff  }
0x102: {  	[tilespmem:s8+$0xFFFFFFE0] =	vst v1;
	v2 =	vld.idx.msk [tilespmem:v2+s6+$0x0], $0xffff  }
0x103: {  	[tilespmem:s8+$0x0] =	vst v3;
	v1 =	vld.idx.msk [tilespmem:v8+s6+$0x0], $0xffff  }
0x104: {  	s17 =	simm.s32 $0x800;
	s16 =	sadd.s32 $0x40, s8;
	[tilespmem:s8+$0xFFFFFFF0] =	vst v0  }
0x105: {  	v0 =	vmov s17;
	[tilespmem:s16+$0x10] =	vst v4  }
0x106: {  	s19 =	simm.s32 $0x802;
	v0 =	vand.u32 $0xFFFFFFFC, v0;
	[tilespmem:s16+$0xFFFFFFE0] =	vst v5  }
0x107: {  	s18 =	simm.s32 $0x801;
	s20 =	simm.s32 $0x0;
	s22 =	simm.s32 $0x803;
	v3 =	vbroadcast v0, $0x0;
	[tilespmem:s16+$0xFFFFFFF0] =	vst v2;
	v2 =	vmov s19  }
0x108: {  	s21 =	simm.s32 $0x7670;
	s23 =	simm.s32 $0x2;
	s24 =	simm.s32 $0x804;
	v0 =	vmov s22;
	[tilespmem:s16+$0x0] =	vst v1;
	v1 =	vmov s18;
	v2 =	vand.u32 $0xFFFFFFFE, v2  }
0x109: {  	[hbm4b:s5+s20] =	stream.linear.scatter [tilespmem:s21], [sflag:$0x2], $0x4000, $0x38;
	v1 =	vand.u32 $0xFFFFFFFD, v1;
	v4 =	vbroadcast v2, $0x0;
	[tilespmem:$0xB670] =	vst v63  }
0x10a: {  	s25 =	simm.s32 $0x805;
	s26 =	simm.s32 $0x806;
	_ =	swait.ge [sflag:s23], $0x4000;
	v6 =	vbroadcast v1, $0x0  }
0x10b: {  	v5 =	vmov s26;
	v1 =	vmov s24;
	v2 =	vmov s25;
	[sflag:s23] =	ssyncset.done $0x0  }
0x10c: {  	s28 =	simm.s32 $0x807;
	s5 =	simm.s32 $0x6270;
	v5 =	vand.u32 $0xFFFFFFFE, v5;
	v1 =	vand.u32 $0xFFFFFFFC, v1;
	v7 =	vand.u32 $0xFFFFFFFD, v2;
	[sflag:s23] =	ssyncadd.s32 $0xFFFFC000  }
0x10d: {  	v1 =	vbroadcast v1, $0x0;
	v2 =	vld.idx.msk [tilespmem:v0+s5+$0x0], $0xffff;
	v0 =	vbroadcast v7, $0x0;
	v7 =	vmov s28  }
0x10e: {  	s29 =	simm.s32 $0x808;
	s30 =	simm.s32 $0x809;
	s31 =	simm.s32 $0x80A;
	v5 =	vbroadcast v5, $0x0;
	v3 =	vld.idx.msk [tilespmem:v3+s5+$0x0], $0xffff  }
0x10f: {  	v9 =	vmov s30;
	s9 =	simm.s32 $0x4;
	v8 =	vmov s29;
	v11 =	vmov s31;
	v4 =	vld.idx.msk [tilespmem:v4+s5+$0x0], $0xffff  }
0x110: {  	v9 =	vand.u32 $0xFFFFFFFD, v9;
	s7 =	simm.s32 $0x7690;
	s8 =	simm.s32 $0x8;
	s6 =	simm.s32 $0x7690;
	v10 =	vand.u32 $0xFFFFFFFC, v8;
	v8 =	vand.u32 $0xFFFFFFFE, v11;
	v6 =	vld.idx.msk [tilespmem:v6+s5+$0x0], $0xffff  }
.LBB2_12:
0x111: {  	s10 =	sadd.s32 $0x807, s9;
	s9 =	smov.u32 s8;
	s8 =	sadd.s32 $0x4, s8  }
0x112: {  	v10 =	vbroadcast v10, $0x0;
	v9 =	vbroadcast v9, $0x0;
	[tilespmem:s6+$0x10] =	vst v2;
	v2 =	vld.idx.msk [tilespmem:v7+s5+$0x0], $0xffff;
	s7 =	sadd.s32 $0x40, s7;
	p0 =	slt.u32 s8, $0x3FC  }
.Ltmp6:
0x113: {  	v8 =	vbroadcast v8, $0x0;
	v7 =	vmov s10;
	[tilespmem:s6+$0xFFFFFFE0] =	vst v3;
	v3 =	vld.idx.msk [tilespmem:v1+s5+$0x0], $0xffff;
	(pc) =	sbr.rel @p0 .LBB2_12-.Ltmp6, $4  }
0x114: {  	[tilespmem:s6+$0x0] =	vst v4;
	v4 =	vld.idx.msk [tilespmem:v5+s5+$0x0], $0xffff;
	v1 =	vmov v10  }
0x115: {  	s10 =	sadd.s32 $0x804, s9;
	s11 =	sadd.s32 $0x805, s9;
	s12 =	sadd.s32 $0x806, s9;
	v5 =	vmov v8;
	[tilespmem:s6+$0xFFFFFFF0] =	vst v6;
	v6 =	vld.idx.msk [tilespmem:v0+s5+$0x0], $0xffff;
	v0 =	vmov v9  }
0x116: {  	v8 =	vmov s10;
	v11 =	vmov s12;
	v9 =	vmov s11;
	s6 =	smov.u32 s7  }
0x117: {  	v10 =	vand.u32 $0xFFFFFFFC, v8;
	v8 =	vand.u32 $0xFFFFFFFE, v11;
	v9 =	vand.u32 $0xFFFFFFFD, v9  }
0x118: {  	_ =	sdelay $0x1  }
0x119: {  	s8 =	sadd.s32 $0x807, s9  }
0x11a: {  	v10 =	vbroadcast v10, $0x0;
	v11 =	vmov s8  }
0x11b: {  	v7 =	vld.idx.msk [tilespmem:v7+s5+$0x0], $0xffff;
	[tilespmem:s6+$0x10] =	vst v2;
	v2 =	vbroadcast v9, $0x0  }
0x11c: {  	v8 =	vbroadcast v8, $0x0;
	v1 =	vld.idx.msk [tilespmem:v1+s5+$0x0], $0xffff  }
0x11d: {  	[tilespmem:s6+$0xFFFFFFE0] =	vst v3;
	v3 =	vld.idx.msk [tilespmem:v5+s5+$0x0], $0xffff  }
0x11e: {  	v0 =	vld.idx.msk [tilespmem:v0+s5+$0x0], $0xffff;
	[tilespmem:s6+$0x0] =	vst v4  }
0x11f: {  	s7 =	sadd.s32 $0x40, s7;
	[tilespmem:s6+$0xFFFFFFF0] =	vst v6;
	v4 =	vld.idx.msk [tilespmem:v11+s5+$0x0], $0xffff  }
0x120: {  	[tilespmem:s7+$0x10] =	vst v7;
	v5 =	vld.idx.msk [tilespmem:v10+s5+$0x0], $0xffff  }
0x121: {  	[tilespmem:s7+$0xFFFFFFE0] =	vst v1;
	v2 =	vld.idx.msk [tilespmem:v2+s5+$0x0], $0xffff  }
0x122: {  	[tilespmem:s7+$0x0] =	vst v3;
	v1 =	vld.idx.msk [tilespmem:v8+s5+$0x0], $0xffff  }
0x123: {  	s17 =	simm.s32 $0xC00;
	s16 =	sadd.s32 $0x40, s7;
	[tilespmem:s7+$0xFFFFFFF0] =	vst v0  }
0x124: {  	v0 =	vmov s17;
	[tilespmem:s16+$0x10] =	vst v4  }
0x125: {  	s19 =	simm.s32 $0xC02;
	v0 =	vand.u32 $0xFFFFFFFC, v0;
	[tilespmem:s16+$0xFFFFFFE0] =	vst v5  }
0x126: {  	s18 =	simm.s32 $0xC01;
	s20 =	simm.s32 $0x0;
	s22 =	simm.s32 $0xC03;
	v3 =	vbroadcast v0, $0x0;
	[tilespmem:s16+$0xFFFFFFF0] =	vst v2;
	v2 =	vmov s19  }
0x127: {  	s21 =	simm.s32 $0x7670;
	s23 =	simm.s32 $0x2;
	s24 =	simm.s32 $0xC04;
	v0 =	vmov s22;
	[tilespmem:s16+$0x0] =	vst v1;
	v1 =	vmov s18;
	v2 =	vand.u32 $0xFFFFFFFE, v2  }
0x128: {  	[hbm4b:s4+s20] =	stream.linear.scatter [tilespmem:s21], [sflag:$0x2], $0x4000, $0x38;
	v1 =	vand.u32 $0xFFFFFFFD, v1;
	v4 =	vbroadcast v2, $0x0;
	[tilespmem:$0xB670] =	vst v63  }
0x129: {  	s25 =	simm.s32 $0xC05;
	s26 =	simm.s32 $0xC06;
	_ =	swait.ge [sflag:s23], $0x4000;
	v6 =	vbroadcast v1, $0x0  }
0x12a: {  	v5 =	vmov s26;
	v1 =	vmov s24;
	v2 =	vmov s25;
	[sflag:s23] =	ssyncset.done $0x0  }
0x12b: {  	s28 =	simm.s32 $0xC07;
	s4 =	simm.s32 $0x6270;
	v5 =	vand.u32 $0xFFFFFFFE, v5;
	v1 =	vand.u32 $0xFFFFFFFC, v1;
	v7 =	vand.u32 $0xFFFFFFFD, v2;
	[sflag:s23] =	ssyncadd.s32 $0xFFFFC000  }
0x12c: {  	v1 =	vbroadcast v1, $0x0;
	v2 =	vld.idx.msk [tilespmem:v0+s4+$0x0], $0xffff;
	v0 =	vbroadcast v7, $0x0;
	v7 =	vmov s28  }
0x12d: {  	s29 =	simm.s32 $0xC08;
	s30 =	simm.s32 $0xC09;
	s31 =	simm.s32 $0xC0A;
	v5 =	vbroadcast v5, $0x0;
	v3 =	vld.idx.msk [tilespmem:v3+s4+$0x0], $0xffff  }
0x12e: {  	v9 =	vmov s30;
	s8 =	simm.s32 $0x4;
	v8 =	vmov s29;
	v11 =	vmov s31;
	v4 =	vld.idx.msk [tilespmem:v4+s4+$0x0], $0xffff  }
0x12f: {  	v9 =	vand.u32 $0xFFFFFFFD, v9;
	s6 =	simm.s32 $0x7690;
	s7 =	simm.s32 $0x8;
	s5 =	simm.s32 $0x7690;
	v10 =	vand.u32 $0xFFFFFFFC, v8;
	v8 =	vand.u32 $0xFFFFFFFE, v11;
	v6 =	vld.idx.msk [tilespmem:v6+s4+$0x0], $0xffff  }
.LBB2_14:
0x130: {  	s9 =	sadd.s32 $0xC07, s8;
	s8 =	smov.u32 s7;
	s7 =	sadd.s32 $0x4, s7  }
0x131: {  	v10 =	vbroadcast v10, $0x0;
	v9 =	vbroadcast v9, $0x0;
	[tilespmem:s5+$0x10] =	vst v2;
	v2 =	vld.idx.msk [tilespmem:v7+s4+$0x0], $0xffff;
	s6 =	sadd.s32 $0x40, s6;
	p0 =	slt.u32 s7, $0x3FC  }
.Ltmp7:
0x132: {  	v8 =	vbroadcast v8, $0x0;
	v7 =	vmov s9;
	[tilespmem:s5+$0xFFFFFFE0] =	vst v3;
	v3 =	vld.idx.msk [tilespmem:v1+s4+$0x0], $0xffff;
	(pc) =	sbr.rel @p0 .LBB2_14-.Ltmp7, $4  }
0x133: {  	[tilespmem:s5+$0x0] =	vst v4;
	v4 =	vld.idx.msk [tilespmem:v5+s4+$0x0], $0xffff;
	v1 =	vmov v10  }
0x134: {  	s9 =	sadd.s32 $0xC04, s8;
	s10 =	sadd.s32 $0xC05, s8;
	s11 =	sadd.s32 $0xC06, s8;
	v5 =	vmov v8;
	[tilespmem:s5+$0xFFFFFFF0] =	vst v6;
	v6 =	vld.idx.msk [tilespmem:v0+s4+$0x0], $0xffff;
	v0 =	vmov v9  }
0x135: {  	v8 =	vmov s9;
	v11 =	vmov s11;
	v9 =	vmov s10;
	s5 =	smov.u32 s6  }
0x136: {  	v10 =	vand.u32 $0xFFFFFFFC, v8;
	v8 =	vand.u32 $0xFFFFFFFE, v11;
	v9 =	vand.u32 $0xFFFFFFFD, v9  }
0x137: {  	_ =	sdelay $0x1  }
0x138: {  	s7 =	sadd.s32 $0xC07, s8  }
0x139: {  	v10 =	vbroadcast v10, $0x0;
	v11 =	vmov s7  }
0x13a: {  	v7 =	vld.idx.msk [tilespmem:v7+s4+$0x0], $0xffff;
	[tilespmem:s5+$0x10] =	vst v2;
	v2 =	vbroadcast v9, $0x0  }
0x13b: {  	v8 =	vbroadcast v8, $0x0;
	v1 =	vld.idx.msk [tilespmem:v1+s4+$0x0], $0xffff  }
0x13c: {  	[tilespmem:s5+$0xFFFFFFE0] =	vst v3;
	v3 =	vld.idx.msk [tilespmem:v5+s4+$0x0], $0xffff  }
0x13d: {  	v0 =	vld.idx.msk [tilespmem:v0+s4+$0x0], $0xffff;
	[tilespmem:s5+$0x0] =	vst v4  }
0x13e: {  	s6 =	sadd.s32 $0x40, s6;
	[tilespmem:s5+$0xFFFFFFF0] =	vst v6;
	v4 =	vld.idx.msk [tilespmem:v11+s4+$0x0], $0xffff  }
0x13f: {  	[tilespmem:s6+$0x10] =	vst v7;
	v5 =	vld.idx.msk [tilespmem:v10+s4+$0x0], $0xffff  }
0x140: {  	[tilespmem:s6+$0xFFFFFFE0] =	vst v1;
	v2 =	vld.idx.msk [tilespmem:v2+s4+$0x0], $0xffff  }
0x141: {  	[tilespmem:s6+$0x0] =	vst v3;
	v1 =	vld.idx.msk [tilespmem:v8+s4+$0x0], $0xffff  }
0x142: {  	s17 =	simm.s32 $0x1000;
	s16 =	sadd.s32 $0x40, s6;
	[tilespmem:s6+$0xFFFFFFF0] =	vst v0  }
0x143: {  	v0 =	vmov s17;
	[tilespmem:s16+$0x10] =	vst v4  }
0x144: {  	s19 =	simm.s32 $0x1002;
	v0 =	vand.u32 $0xFFFFFFFC, v0;
	[tilespmem:s16+$0xFFFFFFE0] =	vst v5  }
0x145: {  	s18 =	simm.s32 $0x1001;
	s20 =	simm.s32 $0x0;
	s22 =	simm.s32 $0x1003;
	v3 =	vbroadcast v0, $0x0;
	[tilespmem:s16+$0xFFFFFFF0] =	vst v2;
	v2 =	vmov s19  }
0x146: {  	s21 =	simm.s32 $0x7670;
	s23 =	simm.s32 $0x2;
	s24 =	simm.s32 $0x1004;
	v0 =	vmov s22;
	[tilespmem:s16+$0x0] =	vst v1;
	v1 =	vmov s18;
	v2 =	vand.u32 $0xFFFFFFFE, v2  }
0x147: {  	[hbm4b:s3+s20] =	stream.linear.scatter [tilespmem:s21], [sflag:$0x2], $0x4000, $0x38;
	v1 =	vand.u32 $0xFFFFFFFD, v1;
	v4 =	vbroadcast v2, $0x0;
	[tilespmem:$0xB670] =	vst v63  }
0x148: {  	s25 =	simm.s32 $0x1005;
	s26 =	simm.s32 $0x1006;
	_ =	swait.ge [sflag:s23], $0x4000;
	v6 =	vbroadcast v1, $0x0  }
0x149: {  	v5 =	vmov s26;
	v1 =	vmov s24;
	v2 =	vmov s25;
	[sflag:s23] =	ssyncset.done $0x0  }
0x14a: {  	s28 =	simm.s32 $0x1007;
	s3 =	simm.s32 $0x6270;
	v5 =	vand.u32 $0xFFFFFFFE, v5;
	v1 =	vand.u32 $0xFFFFFFFC, v1;
	v7 =	vand.u32 $0xFFFFFFFD, v2;
	[sflag:s23] =	ssyncadd.s32 $0xFFFFC000  }
0x14b: {  	v1 =	vbroadcast v1, $0x0;
	v2 =	vld.idx.msk [tilespmem:v0+s3+$0x0], $0xffff;
	v0 =	vbroadcast v7, $0x0;
	v7 =	vmov s28  }
0x14c: {  	s29 =	simm.s32 $0x1008;
	s30 =	simm.s32 $0x1009;
	s31 =	simm.s32 $0x100A;
	v5 =	vbroadcast v5, $0x0;
	v3 =	vld.idx.msk [tilespmem:v3+s3+$0x0], $0xffff  }
0x14d: {  	v9 =	vmov s30;
	s7 =	simm.s32 $0x4;
	v8 =	vmov s29;
	v11 =	vmov s31;
	v4 =	vld.idx.msk [tilespmem:v4+s3+$0x0], $0xffff  }
0x14e: {  	v9 =	vand.u32 $0xFFFFFFFD, v9;
	s5 =	simm.s32 $0x7690;
	s6 =	simm.s32 $0x8;
	s4 =	simm.s32 $0x7690;
	v10 =	vand.u32 $0xFFFFFFFC, v8;
	v8 =	vand.u32 $0xFFFFFFFE, v11;
	v6 =	vld.idx.msk [tilespmem:v6+s3+$0x0], $0xffff  }
.LBB2_16:
0x14f: {  	s8 =	sadd.s32 $0x1007, s7;
	s7 =	smov.u32 s6;
	s6 =	sadd.s32 $0x4, s6  }
0x150: {  	v10 =	vbroadcast v10, $0x0;
	v9 =	vbroadcast v9, $0x0;
	[tilespmem:s4+$0x10] =	vst v2;
	v2 =	vld.idx.msk [tilespmem:v7+s3+$0x0], $0xffff;
	s5 =	sadd.s32 $0x40, s5;
	p0 =	slt.u32 s6, $0x3FC  }
.Ltmp8:
0x151: {  	v8 =	vbroadcast v8, $0x0;
	v7 =	vmov s8;
	[tilespmem:s4+$0xFFFFFFE0] =	vst v3;
	v3 =	vld.idx.msk [tilespmem:v1+s3+$0x0], $0xffff;
	(pc) =	sbr.rel @p0 .LBB2_16-.Ltmp8, $4  }
0x152: {  	[tilespmem:s4+$0x0] =	vst v4;
	v4 =	vld.idx.msk [tilespmem:v5+s3+$0x0], $0xffff;
	v1 =	vmov v10  }
0x153: {  	s8 =	sadd.s32 $0x1004, s7;
	s9 =	sadd.s32 $0x1005, s7;
	s10 =	sadd.s32 $0x1006, s7;
	v5 =	vmov v8;
	[tilespmem:s4+$0xFFFFFFF0] =	vst v6;
	v6 =	vld.idx.msk [tilespmem:v0+s3+$0x0], $0xffff;
	v0 =	vmov v9  }
0x154: {  	v8 =	vmov s8;
	v11 =	vmov s10;
	v9 =	vmov s9;
	s4 =	smov.u32 s5  }
0x155: {  	v10 =	vand.u32 $0xFFFFFFFC, v8;
	v8 =	vand.u32 $0xFFFFFFFE, v11;
	v9 =	vand.u32 $0xFFFFFFFD, v9  }
0x156: {  	_ =	sdelay $0x1  }
0x157: {  	s6 =	sadd.s32 $0x1007, s7  }
0x158: {  	v10 =	vbroadcast v10, $0x0;
	v11 =	vmov s6  }
0x159: {  	v7 =	vld.idx.msk [tilespmem:v7+s3+$0x0], $0xffff;
	v8 =	vbroadcast v8, $0x0  }
0x15a: {  	[tilespmem:s4+$0x10] =	vst v2;
	v59 =	vbroadcast v9, $0x0;
	v1 =	vld.idx.msk [tilespmem:v1+s3+$0x0], $0xffff  }
0x15b: {  	[tilespmem:s4+$0xFFFFFFE0] =	vst v3;
	v60 =	vld.idx.msk [tilespmem:v5+s3+$0x0], $0xffff  }
0x15c: {  	v0 =	vld.idx.msk [tilespmem:v0+s3+$0x0], $0xffff;
	[tilespmem:s4+$0x0] =	vst v4  }
0x15d: {  	s5 =	sadd.s32 $0x40, s5;
	[tilespmem:s4+$0xFFFFFFF0] =	vst v6;
	v61 =	vld.idx.msk [tilespmem:v11+s3+$0x0], $0xffff  }
0x15e: {  	[tilespmem:s5+$0x10] =	vst v7;
	v62 =	vld.idx.msk [tilespmem:v10+s3+$0x0], $0xffff  }
0x15f: {  	[tilespmem:s5+$0xFFFFFFE0] =	vst v1;
	v63 =	vld.idx.msk [tilespmem:v8+s3+$0x0], $0xffff  }
0x160: {  	[tilespmem:s5+$0x0] =	vst v60;
	v2 =	vld.idx.msk [tilespmem:v59+s3+$0x0], $0xffff  }
0x161: {  	s28 =	sadd.s32 $0x40, s5;
	[tilespmem:s5+$0xFFFFFFF0] =	vst v0  }
0x162: {  	[tilespmem:s28+$0x10] =	vst v61  }
0x163: {  	[tilespmem:s28+$0xFFFFFFE0] =	vst v62  }
0x164: {  	[tilespmem:s28+$0x0] =	vst v63  }
0x165: {  	s29 =	simm.s32 $0x0;
	s30 =	simm.s32 $0x7670;
	s31 =	simm.s32 $0x2;
	[tilespmem:s28+$0xFFFFFFF0] =	vst v2  }
0x166: {  	[hbm4b:s2+s29] =	stream.linear.scatter [tilespmem:s30], [sflag:$0x2], $0x4000, $0x38;
	[tilespmem:$0xB670] =	vst v63  }
0x167: {  	_ =	swait.ge [sflag:s31], $0x4000  }
0x168: {  	[sflag:s31] =	ssyncset.done $0x0  }
0x169: {  	[sflag:s31] =	ssyncadd.s32 $0xFFFFC000  }
.LBB2_18:
0x16a: {  	_ =	sfence.sel $0x180000  }
0x16b: {  	[bflag:$0x0] =	sbarrier.arrive $0xFFFF  }
0x16c: {  	p0 =	sne.s32 s1, $0x0;
	_ =	strace $0x90000047  }
0x16d: {  	s0 =	sadd.s32 @!p0 $0x100000, s0;
	[bflag:$0x2] =	sbarrier.arrive $0xFFFF  }
0x16e: {  	[sflag:s0] =	ssyncadd.tile.s32 @!p0 $0x1;
	_ =	shalt  }
.Lfunc_end2:
_tile_overlayer_lowered:
.L_overlay_start_2:
0x16f: {  	(tag) =	ssettag $0x2  }
0x170: {  	s0 =	rddreg [dreg:$0x0];
	s2 =	stileid.u32  }
0x171: {  	s1 =	rddreg [dreg:$0x1];
	p0 =	sne.s32 s2, $0x0  }
0x172: {  	s3 =	rddreg [dreg:$0x2];
	[bflag:$0x3] =	sbarrier.arrive $0xFFFF;
	s2 =	simm.s32 @!p0 $0x1C02  }
0x173: {  	[timem:s3], [sflag:s2] =	dma.local @!p0 [hbm:s0], s1  }
0x174: {  	s0 =	simm.s32 @!p0 $0x2  }
0x175: {  	_ =	swait.ge @!p0 [sflag:s0], s1  }
0x176: {  	s1 =	ssub.s32 @!p0 $0x0, s1;
	[sflag:s0] =	ssyncset.done @!p0 $0x0  }
0x177: {  	[sflag:s0] =	ssyncadd.s32 @!p0 s1  }
0x178: {  	[bflag:$0x3] =	sbarrier.arrive $0xFFFF  }
0x179: {  	_ =	shalt  }

</sc_bundles>
